<compile_context>
chip_gen: v7x
topology: tpu7x:2x2x1
jax: 0.10.2.dev20260603
libtpu: 0.0.44.dev20260713+nightly
codegen_flags: <defaults>
</compile_context>

<pallas_src>
import functools

import jax
import jax.numpy as jnp
from jax import lax
from jax.experimental import pallas as pl
from jax.experimental.pallas import tpu as pltpu
from jax.experimental.pallas import tpu_sc as plsc

NC = 2
NS = 16
NW = NC * NS
LANES = 16
CHUNK = 96
CP = 128
NBUF = 2


@functools.cache
def _build_sc_call(B, C, H, W, N):
    NPIX = H * W
    WPB = NW // B
    SPAN = ((N + WPB - 1) // WPB + CHUNK - 1) // CHUNK * CHUNK
    NFULL = SPAN // CHUNK
    LAST = N - (WPB - 1) * SPAN
    NFULL_LAST = LAST // CHUNK
    TAIL = LAST - NFULL_LAST * CHUNK
    NCH_LAST = NFULL_LAST + (1 if TAIL else 0)
    assert TAIL % LANES == 0 and LAST > 0

    mesh = plsc.VectorSubcoreMesh(core_axis_name="c", subcore_axis_name="s")

    def vmem(shape, dtype):
        return [pltpu.VMEM(shape, dtype) for _ in range(NBUF)]

    @functools.partial(
        pl.kernel,
        out_type=jax.ShapeDtypeStruct((B, N, C), jnp.float32),
        mesh=mesh,
        scratch_types=[
            vmem((CHUNK,), jnp.float32),
            vmem((CHUNK,), jnp.float32),
            vmem((CHUNK,), jnp.int32),
            vmem((CHUNK,), jnp.int32),
            vmem((CHUNK,), jnp.int32),
            vmem((CHUNK,), jnp.int32),
            vmem((CHUNK,), jnp.float32),
            vmem((CHUNK,), jnp.float32),
            vmem((CHUNK,), jnp.float32),
            vmem((CHUNK,), jnp.float32),
            vmem((CHUNK, CP), jnp.float32),
            vmem((CHUNK, CP), jnp.float32),
            vmem((CHUNK, CP), jnp.float32),
            vmem((CHUNK, CP), jnp.float32),
            vmem((CHUNK, C), jnp.float32),
            [pltpu.SemaphoreType.DMA for _ in range(NBUF)],
            [pltpu.SemaphoreType.DMA for _ in range(NBUF)],
            [pltpu.SemaphoreType.DMA for _ in range(NBUF)],
        ],
        compiler_params=pltpu.CompilerParams(needs_layout_passes=False,
                                             use_tc_tiling_on_sc=True),
    )
    def sc_sample(table, xs, ys, out, xbuf, ybuf, i00, i01, i10, i11,
                  w00, w01, w10, w11, v00, v01, v10, v11, outb,
                  vsem, gsem, osem):
        cid = lax.axis_index("c")
        sid = lax.axis_index("s")
        wid = sid * NC + cid
        wloc = lax.rem(wid, WPB)
        bidx = lax.div(wid, WPB)
        tab_off = bidx * NPIX
        vbase = bidx * N + wloc * SPAN
        obase = wloc * SPAN
        is_last = wloc == WPB - 1
        nch = jnp.where(is_last, NCH_LAST, NFULL)

        iota = lax.broadcasted_iota(jnp.int32, (LANES,), 0)
        zeros16 = jnp.zeros((LANES,), jnp.int32)
        ones16 = zeros16 + 1

        def fetch_verts(ci, s):
            pltpu.async_copy(xs.at[pl.ds(vbase + ci * CHUNK, CHUNK)],
                             xbuf[s], vsem[s])
            pltpu.async_copy(ys.at[pl.ds(vbase + ci * CHUNK, CHUNK)],
                             ybuf[s], vsem[s])

        def stage(ci, s):
            pltpu.make_async_copy(xs.at[pl.ds(0, CHUNK)], xbuf[s],
                                  vsem[s]).wait()
            pltpu.make_async_copy(ys.at[pl.ds(0, CHUNK)], ybuf[s],
                                  vsem[s]).wait()
            for g in range(CHUNK // LANES):
                sl = pl.ds(g * LANES, LANES)
                x = xbuf[s][sl]
                y = ybuf[s][sl]
                fx = jnp.minimum(jnp.maximum((x + 1.0) * 0.5 * (W - 1.0), 0.0),
                                 W - 1.0)
                fy = jnp.minimum(jnp.maximum((y + 1.0) * 0.5 * (H - 1.0), 0.0),
                                 H - 1.0)
                ix0 = fx.astype(jnp.int32)
                iy0 = fy.astype(jnp.int32)
                wx1 = fx - ix0.astype(jnp.float32)
                wy1 = fy - iy0.astype(jnp.float32)
                wx0 = 1.0 - wx1
                wy0 = 1.0 - wy1
                dx = jnp.where(ix0 < W - 1, 1, 0)
                dy = jnp.where(iy0 < H - 1, W, 0)
                p00 = tab_off + iy0 * W + ix0
                i00[s][sl] = p00
                i01[s][sl] = p00 + dx
                i10[s][sl] = p00 + dy
                i11[s][sl] = p00 + dy + dx
                w00[s][sl] = wy0 * wx0
                w01[s][sl] = wy0 * wx1
                w10[s][sl] = wy1 * wx0
                w11[s][sl] = wy1 * wx1

            @pl.when(ci + NBUF < nch)
            def _():
                fetch_verts(ci + NBUF, s)
            pltpu.async_copy(table.at[i00[s]], v00[s], gsem[s])
            pltpu.async_copy(table.at[i01[s]], v01[s], gsem[s])
            pltpu.async_copy(table.at[i10[s]], v10[s], gsem[s])
            pltpu.async_copy(table.at[i11[s]], v11[s], gsem[s])

        def compute_write(ci, s):
            for buf in (v00, v01, v10, v11):
                pltpu.make_async_copy(table.at[i00[s]], buf[s], gsem[s]).wait()

            @pl.when(ci >= NBUF)
            def _():
                pltpu.make_async_copy(out.at[0, pl.ds(0, CHUNK)], outb[s],
                                      osem[s]).wait()

            def row_body(r2, carry2):
                for u in range(4):
                    r = r2 * 4 + u
                    bidx = zeros16 + r
                    b00 = plsc.load_gather(w00[s], [bidx])
                    b01 = plsc.load_gather(w01[s], [bidx])
                    b10 = plsc.load_gather(w10[s], [bidx])
                    b11 = plsc.load_gather(w11[s], [bidx])
                    for j in range(C // LANES):
                        sl = pl.ds(j * LANES, LANES)
                        outb[s][r, sl] = (v00[s][r, sl] * b00
                                          + v01[s][r, sl] * b01
                                          + v10[s][r, sl] * b10
                                          + v11[s][r, sl] * b11)
                return carry2

            lax.fori_loop(0, CHUNK // 4, row_body, 0)
            full = jnp.logical_or(jnp.logical_not(is_last), ci < NFULL_LAST)

            @pl.when(full)
            def _():
                pltpu.async_copy(outb[s],
                                 out.at[bidx, pl.ds(obase + ci * CHUNK, CHUNK)],
                                 osem[s])

            if TAIL:
                @pl.when(jnp.logical_not(full))
                def _():
                    pltpu.sync_copy(
                        outb[s].at[pl.ds(0, TAIL)],
                        out.at[bidx, pl.ds(obase + NFULL_LAST * CHUNK, TAIL)])

        fetch_verts(0, 0)
        fetch_verts(1, 1)
        stage(0, 0)

        def pair_body(k, carry):
            i0 = 2 * k
            i1 = i0 + 1

            @pl.when(i1 < nch)
            def _():
                stage(i1, 1)

            @pl.when(i0 < nch)
            def _():
                compute_write(i0, 0)

            @pl.when(i1 < nch)
            def _():
                @pl.when(i1 + 1 < nch)
                def _():
                    stage(i1 + 1, 0)
                compute_write(i1, 1)
            return carry

        lax.fori_loop(0, (max(NFULL, NCH_LAST) + 1) // 2, pair_body, 0)

        for s in range(NBUF):
            def drain(s=s):
                pltpu.make_async_copy(out.at[0, pl.ds(0, CHUNK)], outb[s],
                                      osem[s]).wait()
            if TAIL and (NCH_LAST - 1) % NBUF == s:
                pl.when(jnp.logical_not(is_last))(drain)
            else:
                drain()

    return sc_sample


def kernel(image_features, vertices):
    B, C, H, W = image_features.shape
    N = vertices.shape[1]
    table = jnp.pad(jnp.transpose(image_features, (0, 2, 3, 1)),
                    ((0, 0), (0, 0), (0, 0), (0, CP - C)))
    table = table.reshape(B * H * W, CP)
    pad = jnp.zeros((CHUNK,), vertices.dtype)
    xs = jnp.concatenate([vertices[..., 0].reshape(-1), pad])
    ys = jnp.concatenate([vertices[..., 1].reshape(-1), pad])
    sc_sample = _build_sc_call(B, C, H, W, N)
    return sc_sample(table, xs, ys)

# --- scband reference (transcript-rebuilt; emitter-appended) ---
"""Pipeline reference for scband-learnt-neighbourhood-sampling-v3-19198503813330 (READ-ONLY COPY).

The authoritative reference and input builder live on the scoring server;
editing this copy changes nothing except your own understanding.
"""

import jax, jax.numpy as jnp
import numpy as np


def setup_inputs(seed: int = 0) -> dict:
    key = jax.random.key(seed)
    k1, k2 = jax.random.split(key)
    image_features = jax.random.normal(k1, (4, 96, 384, 384), dtype=jnp.float32)
    # vertices are normalized grid coordinates; uniform [0,1) is a valid subset of [-1,1]
    vertices = jax.random.uniform(k2, (4, 50000, 2), dtype=jnp.float32)
    return {"image_features": image_features, "vertices": vertices}


def _grid_sample_border_align_corners(img, grid):
    # img: (B, C, H, W); grid: (B, N, 1, 2) with (x, y) in [-1, 1]
    # Replicates torch.nn.functional.grid_sample(mode='bilinear',
    # padding_mode='border', align_corners=True). Returns (B, C, N, 1).
    B, C, H, W = img.shape
    x = grid[..., 0]  # (B, N, 1)
    y = grid[..., 1]  # (B, N, 1)
    # align_corners=True mapping, then border clamp of the unnormalized coords
    ix = jnp.clip((x + 1.0) * 0.5 * (W - 1), 0.0, float(W - 1))
    iy = jnp.clip((y + 1.0) * 0.5 * (H - 1), 0.0, float(H - 1))
    ix0f = jnp.floor(ix)
    iy0f = jnp.floor(iy)
    wx1 = ix - ix0f  # (B, N, 1)
    wy1 = iy - iy0f
    wx0 = 1.0 - wx1
    wy0 = 1.0 - wy1
    ix0 = jnp.clip(ix0f.astype(jnp.int32), 0, W - 1)
    iy0 = jnp.clip(iy0f.astype(jnp.int32), 0, H - 1)
    ix1 = jnp.clip(ix0 + 1, 0, W - 1)
    iy1 = jnp.clip(iy0 + 1, 0, H - 1)

    def gather_one(imb, yy, xx):
        # imb: (C, H, W); yy, xx: (N, 1) -> (C, N, 1)
        return imb[:, yy, xx]

    g = jax.vmap(gather_one)
    v00 = g(img, iy0, ix0)  # (B, C, N, 1)
    v01 = g(img, iy0, ix1)
    v10 = g(img, iy1, ix0)
    v11 = g(img, iy1, ix1)
    w00 = (wy0 * wx0)[:, None, :, :]  # (B, 1, N, 1)
    w01 = (wy0 * wx1)[:, None, :, :]
    w10 = (wy1 * wx0)[:, None, :, :]
    w11 = (wy1 * wx1)[:, None, :, :]
    return v00 * w00 + v01 * w01 + v10 * w10 + v11 * w11


def reference(image_features, vertices):
    # center: (B, N, 1, 2)
    center = vertices[:, :, None, :]
    features = _grid_sample_border_align_corners(image_features, center)  # (B, C, N, 1)
    features = features[:, :, :, 0]  # (B, C, N)
    features = jnp.transpose(features, (0, 2, 1))  # (B, N, C)
    return features

if __name__ == "__main__":
    import jax
    _d = setup_inputs()
    print(jax.jit(kernel)(*tuple(_d.values())))

</pallas_src>

<mosaic_0001>
#map = affine_map<(d0, d1) -> (0, 0)>
#map1 = affine_map<(d0, d1) -> (0)>
#map2 = affine_map<(d0, d1) -> (0, 0, 0)>
module attributes {stable_mosaic.version = 14 : i64} {
  func.func @sc_sample(%arg0: i32, %arg1: i32, %arg2: memref<589824x128xf32, #tpu.memory_space<hbm>>, %arg3: memref<200096xf32, #tpu.memory_space<hbm>>, %arg4: memref<200096xf32, #tpu.memory_space<hbm>>, %arg5: memref<4x50000x96xf32, #tpu.memory_space<hbm>>, %arg6: memref<96xf32, #tpu.memory_space<vmem>>, %arg7: memref<96xf32, #tpu.memory_space<vmem>>, %arg8: memref<96xf32, #tpu.memory_space<vmem>>, %arg9: memref<96xf32, #tpu.memory_space<vmem>>, %arg10: memref<96xi32, #tpu.memory_space<vmem>>, %arg11: memref<96xi32, #tpu.memory_space<vmem>>, %arg12: memref<96xi32, #tpu.memory_space<vmem>>, %arg13: memref<96xi32, #tpu.memory_space<vmem>>, %arg14: memref<96xi32, #tpu.memory_space<vmem>>, %arg15: memref<96xi32, #tpu.memory_space<vmem>>, %arg16: memref<96xi32, #tpu.memory_space<vmem>>, %arg17: memref<96xi32, #tpu.memory_space<vmem>>, %arg18: memref<96xf32, #tpu.memory_space<vmem>>, %arg19: memref<96xf32, #tpu.memory_space<vmem>>, %arg20: memref<96xf32, #tpu.memory_space<vmem>>, %arg21: memref<96xf32, #tpu.memory_space<vmem>>, %arg22: memref<96xf32, #tpu.memory_space<vmem>>, %arg23: memref<96xf32, #tpu.memory_space<vmem>>, %arg24: memref<96xf32, #tpu.memory_space<vmem>>, %arg25: memref<96xf32, #tpu.memory_space<vmem>>, %arg26: memref<96x128xf32, #tpu.memory_space<vmem>>, %arg27: memref<96x128xf32, #tpu.memory_space<vmem>>, %arg28: memref<96x128xf32, #tpu.memory_space<vmem>>, %arg29: memref<96x128xf32, #tpu.memory_space<vmem>>, %arg30: memref<96x128xf32, #tpu.memory_space<vmem>>, %arg31: memref<96x128xf32, #tpu.memory_space<vmem>>, %arg32: memref<96x128xf32, #tpu.memory_space<vmem>>, %arg33: memref<96x128xf32, #tpu.memory_space<vmem>>, %arg34: memref<96x96xf32, #tpu.memory_space<vmem>>, %arg35: memref<96x96xf32, #tpu.memory_space<vmem>>, %arg36: memref<!tpu.dma_semaphore, #tpu.memory_space<semaphore_mem>>, %arg37: memref<!tpu.dma_semaphore, #tpu.memory_space<semaphore_mem>>, %arg38: memref<!tpu.dma_semaphore, #tpu.memory_space<semaphore_mem>>, %arg39: memref<!tpu.dma_semaphore, #tpu.memory_space<semaphore_mem>>, %arg40: memref<!tpu.dma_semaphore, #tpu.memory_space<semaphore_mem>>, %arg41: memref<!tpu.dma_semaphore, #tpu.memory_space<semaphore_mem>>) attributes {dimension_semantics = [#tpu.dimension_semantics<core_parallel>, #tpu.dimension_semantics<subcore_parallel>], iteration_bounds = array<i64: 2, 16>, scalar_prefetch = 0 : i64, scratch_operands = 36 : i64, tpu.core_type = #tpu.core_type<sc_vector_subcore>, window_params = [{transform_indices = #map}, {transform_indices = #map1}, {transform_indices = #map1}, {transform_indices = #map2}]} {
    %mul3A = arith.constant 2 : i32
    %mul3A_0 = arith.muli %arg1, %mul3A : i32
    %add3A = arith.addi %mul3A_0, %arg0 : i32
    %rem3A = arith.constant 8 : i32
    %rem3A_1 = arith.remsi %add3A, %rem3A : i32
    %div3A = arith.constant 8 : i32
    %div3A_2 = arith.divsi %add3A, %div3A : i32
    %mul3A_3 = arith.constant 147456 : i32
    %mul3A_4 = arith.muli %div3A_2, %mul3A_3 : i32
    %mul3A_5 = arith.constant 50000 : i32
    %mul3A_6 = arith.muli %div3A_2, %mul3A_5 : i32
    %mul3A_7 = arith.constant 6336 : i32
    %mul3A_8 = arith.muli %rem3A_1, %mul3A_7 : i32
    %add3A_9 = arith.addi %mul3A_6, %mul3A_8 : i32
    %mul3A_10 = arith.constant 6336 : i32
    %mul3A_11 = arith.muli %rem3A_1, %mul3A_10 : i32
    %eq3A = arith.constant 7 : i32
    %eq3A_12 = arith.cmpi eq, %rem3A_1, %eq3A : i32
    %jit3A = arith.constant 59 : i32
    %jit3A_13 = arith.constant 66 : i32
    %select_n3A = arith.select %eq3A_12, %jit3A, %jit3A_13 : i32
    %iota3A = tpu.iota {dimensions = array<i32: 0>} : vector<16xi32>
    %broadcast_in_dim3A = arith.constant 0 : i32
    %broadcast_in_dim3A_14 = vector.broadcast %broadcast_in_dim3A : i32 to vector<16xi32>
    %add3A_15 = arith.constant 1 : i32
    %add3A_16 = vector.broadcast %add3A_15 : i32 to vector<16xi32>
    %add3A_17 = arith.addi %broadcast_in_dim3A_14, %add3A_16 : vector<16xi32>
    %add3A_18 = arith.constant 0 : i32
    %add3A_19 = arith.addi %add3A_9, %add3A_18 : i32
    %dma_start3A = tpu.memref_slice %arg3[%add3A_19] : memref<200096xf32, #tpu.memory_space<hbm>> -> memref<96xf32, #tpu.memory_space<hbm>>
    %dma_start3A_20 = tpu.memref_slice %arg3[%add3A_19] : memref<200096xf32, #tpu.memory_space<hbm>> -> memref<96xf32, #tpu.memory_space<hbm>>
    tpu.enqueue_dma source(%dma_start3A_20 : memref<96xf32, #tpu.memory_space<hbm>>) target(%arg6 : memref<96xf32, #tpu.memory_space<vmem>>) target_semaphore(%arg36 : memref<!tpu.dma_semaphore, #tpu.memory_space<semaphore_mem>>)
    %add3A_21 = arith.constant 0 : i32
    %add3A_22 = arith.addi %add3A_9, %add3A_21 : i32
    %dma_start3A_23 = tpu.memref_slice %arg4[%add3A_22] : memref<200096xf32, #tpu.memory_space<hbm>> -> memref<96xf32, #tpu.memory_space<hbm>>
    %dma_start3A_24 = tpu.memref_slice %arg4[%add3A_22] : memref<200096xf32, #tpu.memory_space<hbm>> -> memref<96xf32, #tpu.memory_space<hbm>>
    tpu.enqueue_dma source(%dma_start3A_24 : memref<96xf32, #tpu.memory_space<hbm>>) target(%arg8 : memref<96xf32, #tpu.memory_space<vmem>>) target_semaphore(%arg36 : memref<!tpu.dma_semaphore, #tpu.memory_space<semaphore_mem>>)
    %add3A_25 = arith.constant 96 : i32
    %add3A_26 = arith.addi %add3A_9, %add3A_25 : i32
    %dma_start3A_27 = tpu.memref_slice %arg3[%add3A_26] : memref<200096xf32, #tpu.memory_space<hbm>> -> memref<96xf32, #tpu.memory_space<hbm>>
    %dma_start3A_28 = tpu.memref_slice %arg3[%add3A_26] : memref<200096xf32, #tpu.memory_space<hbm>> -> memref<96xf32, #tpu.memory_space<hbm>>
    tpu.enqueue_dma source(%dma_start3A_28 : memref<96xf32, #tpu.memory_space<hbm>>) target(%arg7 : memref<96xf32, #tpu.memory_space<vmem>>) target_semaphore(%arg37 : memref<!tpu.dma_semaphore, #tpu.memory_space<semaphore_mem>>)
    %add3A_29 = arith.constant 96 : i32
    %add3A_30 = arith.addi %add3A_9, %add3A_29 : i32
    %dma_start3A_31 = tpu.memref_slice %arg4[%add3A_30] : memref<200096xf32, #tpu.memory_space<hbm>> -> memref<96xf32, #tpu.memory_space<hbm>>
    %dma_start3A_32 = tpu.memref_slice %arg4[%add3A_30] : memref<200096xf32, #tpu.memory_space<hbm>> -> memref<96xf32, #tpu.memory_space<hbm>>
    tpu.enqueue_dma source(%dma_start3A_32 : memref<96xf32, #tpu.memory_space<hbm>>) target(%arg9 : memref<96xf32, #tpu.memory_space<vmem>>) target_semaphore(%arg37 : memref<!tpu.dma_semaphore, #tpu.memory_space<semaphore_mem>>)
    %dma_wait3A = arith.constant 0 : i32
    %dma_wait3A_33 = tpu.memref_slice %arg3[%dma_wait3A] : memref<200096xf32, #tpu.memory_space<hbm>> -> memref<96xf32, #tpu.memory_space<hbm>>
    %dma_wait3A_34 = arith.constant 0 : i32
    %dma_wait3A_35 = tpu.memref_slice %arg3[%dma_wait3A_34] : memref<200096xf32, #tpu.memory_space<hbm>> -> memref<96xf32, #tpu.memory_space<hbm>>
    tpu.wait_dma2 semaphore(%arg36 : memref<!tpu.dma_semaphore, #tpu.memory_space<semaphore_mem>>) src(%dma_wait3A_35 : memref<96xf32, #tpu.memory_space<hbm>>) dst(%arg6 : memref<96xf32, #tpu.memory_space<vmem>>)
    %dma_wait3A_36 = arith.constant 0 : i32
    %dma_wait3A_37 = tpu.memref_slice %arg4[%dma_wait3A_36] : memref<200096xf32, #tpu.memory_space<hbm>> -> memref<96xf32, #tpu.memory_space<hbm>>
    %dma_wait3A_38 = arith.constant 0 : i32
    %dma_wait3A_39 = tpu.memref_slice %arg4[%dma_wait3A_38] : memref<200096xf32, #tpu.memory_space<hbm>> -> memref<96xf32, #tpu.memory_space<hbm>>
    tpu.wait_dma2 semaphore(%arg36 : memref<!tpu.dma_semaphore, #tpu.memory_space<semaphore_mem>>) src(%dma_wait3A_39 : memref<96xf32, #tpu.memory_space<hbm>>) dst(%arg8 : memref<96xf32, #tpu.memory_space<vmem>>)
    %get3A = arith.constant 0 : index
    %get3A_40 = tpu.vector_load %arg6[%get3A] {strides = array<i32>} : memref<96xf32, #tpu.memory_space<vmem>>, vector<16xf32>,
    %get3A_41 = arith.constant 0 : index
    %get3A_42 = tpu.vector_load %arg8[%get3A_41] {strides = array<i32>} : memref<96xf32, #tpu.memory_space<vmem>>, vector<16xf32>,
    %add3A_43 = arith.constant 1.000000e+00 : f32
    %add3A_44 = vector.broadcast %add3A_43 : f32 to vector<16xf32>
    %add3A_45 = arith.addf %get3A_40, %add3A_44 : vector<16xf32>
    %mul3A_46 = arith.constant 5.000000e-01 : f32
    %mul3A_47 = vector.broadcast %mul3A_46 : f32 to vector<16xf32>
    %mul3A_48 = arith.mulf %add3A_45, %mul3A_47 : vector<16xf32>
    %mul3A_49 = arith.constant 3.830000e+02 : f32
    %mul3A_50 = vector.broadcast %mul3A_49 : f32 to vector<16xf32>
    %mul3A_51 = arith.mulf %mul3A_48, %mul3A_50 : vector<16xf32>
    %max3A = arith.constant 0.000000e+00 : f32
    %max3A_52 = vector.broadcast %max3A : f32 to vector<16xf32>
    %max3A_53 = arith.maximumf %mul3A_51, %max3A_52 : vector<16xf32>
    %min3A = arith.constant 3.830000e+02 : f32
    %min3A_54 = vector.broadcast %min3A : f32 to vector<16xf32>
    %min3A_55 = arith.minimumf %max3A_53, %min3A_54 : vector<16xf32>
    %add3A_56 = arith.constant 1.000000e+00 : f32
    %add3A_57 = vector.broadcast %add3A_56 : f32 to vector<16xf32>
    %add3A_58 = arith.addf %get3A_42, %add3A_57 : vector<16xf32>
    %mul3A_59 = arith.constant 5.000000e-01 : f32
    %mul3A_60 = vector.broadcast %mul3A_59 : f32 to vector<16xf32>
    %mul3A_61 = arith.mulf %add3A_58, %mul3A_60 : vector<16xf32>
    %mul3A_62 = arith.constant 3.830000e+02 : f32
    %mul3A_63 = vector.broadcast %mul3A_62 : f32 to vector<16xf32>
    %mul3A_64 = arith.mulf %mul3A_61, %mul3A_63 : vector<16xf32>
    %max3A_65 = arith.constant 0.000000e+00 : f32
    %max3A_66 = vector.broadcast %max3A_65 : f32 to vector<16xf32>
    %max3A_67 = arith.maximumf %mul3A_64, %max3A_66 : vector<16xf32>
    %min3A_68 = arith.constant 3.830000e+02 : f32
    %min3A_69 = vector.broadcast %min3A_68 : f32 to vector<16xf32>
    %min3A_70 = arith.minimumf %max3A_67, %min3A_69 : vector<16xf32>
    %convert_element_type3A = arith.fptosi %min3A_55 : vector<16xf32> to vector<16xi32>
    %convert_element_type3A_71 = arith.fptosi %min3A_70 : vector<16xf32> to vector<16xi32>
    %convert_element_type3A_72 = arith.sitofp %convert_element_type3A : vector<16xi32> to vector<16xf32>
    %sub3A = arith.subf %min3A_55, %convert_element_type3A_72 : vector<16xf32>
    %convert_element_type3A_73 = arith.sitofp %convert_element_type3A_71 : vector<16xi32> to vector<16xf32>
    %sub3A_74 = arith.subf %min3A_70, %convert_element_type3A_73 : vector<16xf32>
    %sub3A_75 = arith.constant 1.000000e+00 : f32
    %sub3A_76 = vector.broadcast %sub3A_75 : f32 to vector<16xf32>
    %sub3A_77 = arith.subf %sub3A_76, %sub3A : vector<16xf32>
    %sub3A_78 = arith.constant 1.000000e+00 : f32
    %sub3A_79 = vector.broadcast %sub3A_78 : f32 to vector<16xf32>
    %sub3A_80 = arith.subf %sub3A_79, %sub3A_74 : vector<16xf32>
    %lt3A = arith.constant 383 : i32
    %lt3A_81 = vector.broadcast %lt3A : i32 to vector<16xi32>
    %lt3A_82 = arith.cmpi slt, %convert_element_type3A, %lt3A_81 : vector<16xi32>
    %jit3A_83 = arith.constant 1 : i32
    %jit3A_84 = arith.constant 0 : i32
    %broadcast_in_dim3A_85 = vector.broadcast %jit3A_83 : i32 to vector<16xi32>
    %broadcast_in_dim3A_86 = vector.broadcast %jit3A_84 : i32 to vector<16xi32>
    %select_n3A_87 = arith.select %lt3A_82, %broadcast_in_dim3A_85, %broadcast_in_dim3A_86 : vector<16xi1>, vector<16xi32>
    %lt3A_88 = arith.constant 383 : i32
    %lt3A_89 = vector.broadcast %lt3A_88 : i32 to vector<16xi32>
    %lt3A_90 = arith.cmpi slt, %convert_element_type3A_71, %lt3A_89 : vector<16xi32>
    %jit3A_91 = arith.constant 384 : i32
    %jit3A_92 = arith.constant 0 : i32
    %broadcast_in_dim3A_93 = vector.broadcast %jit3A_91 : i32 to vector<16xi32>
    %broadcast_in_dim3A_94 = vector.broadcast %jit3A_92 : i32 to vector<16xi32>
    %select_n3A_95 = arith.select %lt3A_90, %broadcast_in_dim3A_93, %broadcast_in_dim3A_94 : vector<16xi1>, vector<16xi32>
    %mul3A_96 = arith.constant 384 : i32
    %mul3A_97 = vector.broadcast %mul3A_96 : i32 to vector<16xi32>
    %mul3A_98 = arith.muli %convert_element_type3A_71, %mul3A_97 : vector<16xi32>
    %add3A_99 = vector.broadcast %mul3A_4 : i32 to vector<16xi32>
    %add3A_100 = arith.addi %add3A_99, %mul3A_98 : vector<16xi32>
    %add3A_101 = arith.addi %add3A_100, %convert_element_type3A : vector<16xi32>
    %swap3A = arith.constant 0 : index
    %swap3A_102 = tpu.vector_load %arg10[%swap3A] {strides = array<i32>} : memref<96xi32, #tpu.memory_space<vmem>>, vector<16xi32>,
    tpu.vector_store %arg10[%swap3A], %add3A_101 {strides = array<i32>} : memref<96xi32, #tpu.memory_space<vmem>>, vector<16xi32>,
    %add3A_103 = arith.addi %add3A_101, %select_n3A_87 : vector<16xi32>
    %swap3A_104 = arith.constant 0 : index
    %swap3A_105 = tpu.vector_load %arg12[%swap3A_104] {strides = array<i32>} : memref<96xi32, #tpu.memory_space<vmem>>, vector<16xi32>,
    tpu.vector_store %arg12[%swap3A_104], %add3A_103 {strides = array<i32>} : memref<96xi32, #tpu.memory_space<vmem>>, vector<16xi32>,
    %add3A_106 = arith.addi %add3A_101, %select_n3A_95 : vector<16xi32>
    %swap3A_107 = arith.constant 0 : index
    %swap3A_108 = tpu.vector_load %arg14[%swap3A_107] {strides = array<i32>} : memref<96xi32, #tpu.memory_space<vmem>>, vector<16xi32>,
    tpu.vector_store %arg14[%swap3A_107], %add3A_106 {strides = array<i32>} : memref<96xi32, #tpu.memory_space<vmem>>, vector<16xi32>,
    %add3A_109 = arith.addi %add3A_101, %select_n3A_95 : vector<16xi32>
    %add3A_110 = arith.addi %add3A_109, %select_n3A_87 : vector<16xi32>
    %swap3A_111 = arith.constant 0 : index
    %swap3A_112 = tpu.vector_load %arg16[%swap3A_111] {strides = array<i32>} : memref<96xi32, #tpu.memory_space<vmem>>, vector<16xi32>,
    tpu.vector_store %arg16[%swap3A_111], %add3A_110 {strides = array<i32>} : memref<96xi32, #tpu.memory_space<vmem>>, vector<16xi32>,
    %mul3A_113 = arith.mulf %sub3A_80, %sub3A_77 : vector<16xf32>
    %swap3A_114 = arith.constant 0 : index
    %swap3A_115 = tpu.vector_load %arg18[%swap3A_114] {strides = array<i32>} : memref<96xf32, #tpu.memory_space<vmem>>, vector<16xf32>,
    tpu.vector_store %arg18[%swap3A_114], %mul3A_113 {strides = array<i32>} : memref<96xf32, #tpu.memory_space<vmem>>, vector<16xf32>,
    %mul3A_116 = arith.mulf %sub3A_80, %sub3A : vector<16xf32>
    %swap3A_117 = arith.constant 0 : index
    %swap3A_118 = tpu.vector_load %arg20[%swap3A_117] {strides = array<i32>} : memref<96xf32, #tpu.memory_space<vmem>>, vector<16xf32>,
    tpu.vector_store %arg20[%swap3A_117], %mul3A_116 {strides = array<i32>} : memref<96xf32, #tpu.memory_space<vmem>>, vector<16xf32>,
    %mul3A_119 = arith.mulf %sub3A_74, %sub3A_77 : vector<16xf32>
    %swap3A_120 = arith.constant 0 : index
    %swap3A_121 = tpu.vector_load %arg22[%swap3A_120] {strides = array<i32>} : memref<96xf32, #tpu.memory_space<vmem>>, vector<16xf32>,
    tpu.vector_store %arg22[%swap3A_120], %mul3A_119 {strides = array<i32>} : memref<96xf32, #tpu.memory_space<vmem>>, vector<16xf32>,
    %mul3A_122 = arith.mulf %sub3A_74, %sub3A : vector<16xf32>
    %swap3A_123 = arith.constant 0 : index
    %swap3A_124 = tpu.vector_load %arg24[%swap3A_123] {strides = array<i32>} : memref<96xf32, #tpu.memory_space<vmem>>, vector<16xf32>,
    tpu.vector_store %arg24[%swap3A_123], %mul3A_122 {strides = array<i32>} : memref<96xf32, #tpu.memory_space<vmem>>, vector<16xf32>,
    %get3A_125 = arith.constant 16 : index
    %get3A_126 = tpu.vector_load %arg6[%get3A_125] {strides = array<i32>} : memref<96xf32, #tpu.memory_space<vmem>>, vector<16xf32>,
    %get3A_127 = arith.constant 16 : index
    %get3A_128 = tpu.vector_load %arg8[%get3A_127] {strides = array<i32>} : memref<96xf32, #tpu.memory_space<vmem>>, vector<16xf32>,
    %add3A_129 = arith.constant 1.000000e+00 : f32
    %add3A_130 = vector.broadcast %add3A_129 : f32 to vector<16xf32>
    %add3A_131 = arith.addf %get3A_126, %add3A_130 : vector<16xf32>
    %mul3A_132 = arith.constant 5.000000e-01 : f32
    %mul3A_133 = vector.broadcast %mul3A_132 : f32 to vector<16xf32>
    %mul3A_134 = arith.mulf %add3A_131, %mul3A_133 : vector<16xf32>
    %mul3A_135 = arith.constant 3.830000e+02 : f32
    %mul3A_136 = vector.broadcast %mul3A_135 : f32 to vector<16xf32>
    %mul3A_137 = arith.mulf %mul3A_134, %mul3A_136 : vector<16xf32>
    %max3A_138 = arith.constant 0.000000e+00 : f32
    %max3A_139 = vector.broadcast %max3A_138 : f32 to vector<16xf32>
    %max3A_140 = arith.maximumf %mul3A_137, %max3A_139 : vector<16xf32>
    %min3A_141 = arith.constant 3.830000e+02 : f32
    %min3A_142 = vector.broadcast %min3A_141 : f32 to vector<16xf32>
    %min3A_143 = arith.minimumf %max3A_140, %min3A_142 : vector<16xf32>
    %add3A_144 = arith.constant 1.000000e+00 : f32
    %add3A_145 = vector.broadcast %add3A_144 : f32 to vector<16xf32>
    %add3A_146 = arith.addf %get3A_128, %add3A_145 : vector<16xf32>
    %mul3A_147 = arith.constant 5.000000e-01 : f32
    %mul3A_148 = vector.broadcast %mul3A_147 : f32 to vector<16xf32>
    %mul3A_149 = arith.mulf %add3A_146, %mul3A_148 : vector<16xf32>
    %mul3A_150 = arith.constant 3.830000e+02 : f32
    %mul3A_151 = vector.broadcast %mul3A_150 : f32 to vector<16xf32>
    %mul3A_152 = arith.mulf %mul3A_149, %mul3A_151 : vector<16xf32>
    %max3A_153 = arith.constant 0.000000e+00 : f32
    %max3A_154 = vector.broadcast %max3A_153 : f32 to vector<16xf32>
    %max3A_155 = arith.maximumf %mul3A_152, %max3A_154 : vector<16xf32>
    %min3A_156 = arith.constant 3.830000e+02 : f32
    %min3A_157 = vector.broadcast %min3A_156 : f32 to vector<16xf32>
    %min3A_158 = arith.minimumf %max3A_155, %min3A_157 : vector<16xf32>
    %convert_element_type3A_159 = arith.fptosi %min3A_143 : vector<16xf32> to vector<16xi32>
    %convert_element_type3A_160 = arith.fptosi %min3A_158 : vector<16xf32> to vector<16xi32>
    %convert_element_type3A_161 = arith.sitofp %convert_element_type3A_159 : vector<16xi32> to vector<16xf32>
    %sub3A_162 = arith.subf %min3A_143, %convert_element_type3A_161 : vector<16xf32>
    %convert_element_type3A_163 = arith.sitofp %convert_element_type3A_160 : vector<16xi32> to vector<16xf32>
    %sub3A_164 = arith.subf %min3A_158, %convert_element_type3A_163 : vector<16xf32>
    %sub3A_165 = arith.constant 1.000000e+00 : f32
    %sub3A_166 = vector.broadcast %sub3A_165 : f32 to vector<16xf32>
    %sub3A_167 = arith.subf %sub3A_166, %sub3A_162 : vector<16xf32>
    %sub3A_168 = arith.constant 1.000000e+00 : f32
    %sub3A_169 = vector.broadcast %sub3A_168 : f32 to vector<16xf32>
    %sub3A_170 = arith.subf %sub3A_169, %sub3A_164 : vector<16xf32>
    %lt3A_171 = arith.constant 383 : i32
    %lt3A_172 = vector.broadcast %lt3A_171 : i32 to vector<16xi32>
    %lt3A_173 = arith.cmpi slt, %convert_element_type3A_159, %lt3A_172 : vector<16xi32>
    %jit3A_174 = arith.constant 1 : i32
    %jit3A_175 = arith.constant 0 : i32
    %broadcast_in_dim3A_176 = vector.broadcast %jit3A_174 : i32 to vector<16xi32>
    %broadcast_in_dim3A_177 = vector.broadcast %jit3A_175 : i32 to vector<16xi32>
    %select_n3A_178 = arith.select %lt3A_173, %broadcast_in_dim3A_176, %broadcast_in_dim3A_177 : vector<16xi1>, vector<16xi32>
    %lt3A_179 = arith.constant 383 : i32
    %lt3A_180 = vector.broadcast %lt3A_179 : i32 to vector<16xi32>
    %lt3A_181 = arith.cmpi slt, %convert_element_type3A_160, %lt3A_180 : vector<16xi32>
    %jit3A_182 = arith.constant 384 : i32
    %jit3A_183 = arith.constant 0 : i32
    %broadcast_in_dim3A_184 = vector.broadcast %jit3A_182 : i32 to vector<16xi32>
    %broadcast_in_dim3A_185 = vector.broadcast %jit3A_183 : i32 to vector<16xi32>
    %select_n3A_186 = arith.select %lt3A_181, %broadcast_in_dim3A_184, %broadcast_in_dim3A_185 : vector<16xi1>, vector<16xi32>
    %mul3A_187 = arith.constant 384 : i32
    %mul3A_188 = vector.broadcast %mul3A_187 : i32 to vector<16xi32>
    %mul3A_189 = arith.muli %convert_element_type3A_160, %mul3A_188 : vector<16xi32>
    %add3A_190 = vector.broadcast %mul3A_4 : i32 to vector<16xi32>
    %add3A_191 = arith.addi %add3A_190, %mul3A_189 : vector<16xi32>
    %add3A_192 = arith.addi %add3A_191, %convert_element_type3A_159 : vector<16xi32>
    %swap3A_193 = arith.constant 16 : index
    %swap3A_194 = tpu.vector_load %arg10[%swap3A_193] {strides = array<i32>} : memref<96xi32, #tpu.memory_space<vmem>>, vector<16xi32>,
    tpu.vector_store %arg10[%swap3A_193], %add3A_192 {strides = array<i32>} : memref<96xi32, #tpu.memory_space<vmem>>, vector<16xi32>,
    %add3A_195 = arith.addi %add3A_192, %select_n3A_178 : vector<16xi32>
    %swap3A_196 = arith.constant 16 : index
    %swap3A_197 = tpu.vector_load %arg12[%swap3A_196] {strides = array<i32>} : memref<96xi32, #tpu.memory_space<vmem>>, vector<16xi32>,
    tpu.vector_store %arg12[%swap3A_196], %add3A_195 {strides = array<i32>} : memref<96xi32, #tpu.memory_space<vmem>>, vector<16xi32>,
    %add3A_198 = arith.addi %add3A_192, %select_n3A_186 : vector<16xi32>
    %swap3A_199 = arith.constant 16 : index
    %swap3A_200 = tpu.vector_load %arg14[%swap3A_199] {strides = array<i32>} : memref<96xi32, #tpu.memory_space<vmem>>, vector<16xi32>,
    tpu.vector_store %arg14[%swap3A_199], %add3A_198 {strides = array<i32>} : memref<96xi32, #tpu.memory_space<vmem>>, vector<16xi32>,
    %add3A_201 = arith.addi %add3A_192, %select_n3A_186 : vector<16xi32>
    %add3A_202 = arith.addi %add3A_201, %select_n3A_178 : vector<16xi32>
    %swap3A_203 = arith.constant 16 : index
    %swap3A_204 = tpu.vector_load %arg16[%swap3A_203] {strides = array<i32>} : memref<96xi32, #tpu.memory_space<vmem>>, vector<16xi32>,
    tpu.vector_store %arg16[%swap3A_203], %add3A_202 {strides = array<i32>} : memref<96xi32, #tpu.memory_space<vmem>>, vector<16xi32>,
    %mul3A_205 = arith.mulf %sub3A_170, %sub3A_167 : vector<16xf32>
    %swap3A_206 = arith.constant 16 : index
    %swap3A_207 = tpu.vector_load %arg18[%swap3A_206] {strides = array<i32>} : memref<96xf32, #tpu.memory_space<vmem>>, vector<16xf32>,
    tpu.vector_store %arg18[%swap3A_206], %mul3A_205 {strides = array<i32>} : memref<96xf32, #tpu.memory_space<vmem>>, vector<16xf32>,
    %mul3A_208 = arith.mulf %sub3A_170, %sub3A_162 : vector<16xf32>
    %swap3A_209 = arith.constant 16 : index
    %swap3A_210 = tpu.vector_load %arg20[%swap3A_209] {strides = array<i32>} : memref<96xf32, #tpu.memory_space<vmem>>, vector<16xf32>,
    tpu.vector_store %arg20[%swap3A_209], %mul3A_208 {strides = array<i32>} : memref<96xf32, #tpu.memory_space<vmem>>, vector<16xf32>,
    %mul3A_211 = arith.mulf %sub3A_164, %sub3A_167 : vector<16xf32>
    %swap3A_212 = arith.constant 16 : index
    %swap3A_213 = tpu.vector_load %arg22[%swap3A_212] {strides = array<i32>} : memref<96xf32, #tpu.memory_space<vmem>>, vector<16xf32>,
    tpu.vector_store %arg22[%swap3A_212], %mul3A_211 {strides = array<i32>} : memref<96xf32, #tpu.memory_space<vmem>>, vector<16xf32>,
    %mul3A_214 = arith.mulf %sub3A_164, %sub3A_162 : vector<16xf32>
    %swap3A_215 = arith.constant 16 : index
    %swap3A_216 = tpu.vector_load %arg24[%swap3A_215] {strides = array<i32>} : memref<96xf32, #tpu.memory_space<vmem>>, vector<16xf32>,
    tpu.vector_store %arg24[%swap3A_215], %mul3A_214 {strides = array<i32>} : memref<96xf32, #tpu.memory_space<vmem>>, vector<16xf32>,
    %get3A_217 = arith.constant 32 : index
    %get3A_218 = tpu.vector_load %arg6[%get3A_217] {strides = array<i32>} : memref<96xf32, #tpu.memory_space<vmem>>, vector<16xf32>,
    %get3A_219 = arith.constant 32 : index
    %get3A_220 = tpu.vector_load %arg8[%get3A_219] {strides = array<i32>} : memref<96xf32, #tpu.memory_space<vmem>>, vector<16xf32>,
    %add3A_221 = arith.constant 1.000000e+00 : f32
    %add3A_222 = vector.broadcast %add3A_221 : f32 to vector<16xf32>
    %add3A_223 = arith.addf %get3A_218, %add3A_222 : vector<16xf32>
    %mul3A_224 = arith.constant 5.000000e-01 : f32
    %mul3A_225 = vector.broadcast %mul3A_224 : f32 to vector<16xf32>
    %mul3A_226 = arith.mulf %add3A_223, %mul3A_225 : vector<16xf32>
    %mul3A_227 = arith.constant 3.830000e+02 : f32
    %mul3A_228 = vector.broadcast %mul3A_227 : f32 to vector<16xf32>
    %mul3A_229 = arith.mulf %mul3A_226, %mul3A_228 : vector<16xf32>
    %max3A_230 = arith.constant 0.000000e+00 : f32
    %max3A_231 = vector.broadcast %max3A_230 : f32 to vector<16xf32>
    %max3A_232 = arith.maximumf %mul3A_229, %max3A_231 : vector<16xf32>
    %min3A_233 = arith.constant 3.830000e+02 : f32
    %min3A_234 = vector.broadcast %min3A_233 : f32 to vector<16xf32>
    %min3A_235 = arith.minimumf %max3A_232, %min3A_234 : vector<16xf32>
    %add3A_236 = arith.constant 1.000000e+00 : f32
    %add3A_237 = vector.broadcast %add3A_236 : f32 to vector<16xf32>
    %add3A_238 = arith.addf %get3A_220, %add3A_237 : vector<16xf32>
    %mul3A_239 = arith.constant 5.000000e-01 : f32
    %mul3A_240 = vector.broadcast %mul3A_239 : f32 to vector<16xf32>
    %mul3A_241 = arith.mulf %add3A_238, %mul3A_240 : vector<16xf32>
    %mul3A_242 = arith.constant 3.830000e+02 : f32
    %mul3A_243 = vector.broadcast %mul3A_242 : f32 to vector<16xf32>
    %mul3A_244 = arith.mulf %mul3A_241, %mul3A_243 : vector<16xf32>
    %max3A_245 = arith.constant 0.000000e+00 : f32
    %max3A_246 = vector.broadcast %max3A_245 : f32 to vector<16xf32>
    %max3A_247 = arith.maximumf %mul3A_244, %max3A_246 : vector<16xf32>
    %min3A_248 = arith.constant 3.830000e+02 : f32
    %min3A_249 = vector.broadcast %min3A_248 : f32 to vector<16xf32>
    %min3A_250 = arith.minimumf %max3A_247, %min3A_249 : vector<16xf32>
    %convert_element_type3A_251 = arith.fptosi %min3A_235 : vector<16xf32> to vector<16xi32>
    %convert_element_type3A_252 = arith.fptosi %min3A_250 : vector<16xf32> to vector<16xi32>
    %convert_element_type3A_253 = arith.sitofp %convert_element_type3A_251 : vector<16xi32> to vector<16xf32>
    %sub3A_254 = arith.subf %min3A_235, %convert_element_type3A_253 : vector<16xf32>
    %convert_element_type3A_255 = arith.sitofp %convert_element_type3A_252 : vector<16xi32> to vector<16xf32>
    %sub3A_256 = arith.subf %min3A_250, %convert_element_type3A_255 : vector<16xf32>
    %sub3A_257 = arith.constant 1.000000e+00 : f32
    %sub3A_258 = vector.broadcast %sub3A_257 : f32 to vector<16xf32>
    %sub3A_259 = arith.subf %sub3A_258, %sub3A_254 : vector<16xf32>
    %sub3A_260 = arith.constant 1.000000e+00 : f32
    %sub3A_261 = vector.broadcast %sub3A_260 : f32 to vector<16xf32>
    %sub3A_262 = arith.subf %sub3A_261, %sub3A_256 : vector<16xf32>
    %lt3A_263 = arith.constant 383 : i32
    %lt3A_264 = vector.broadcast %lt3A_263 : i32 to vector<16xi32>
    %lt3A_265 = arith.cmpi slt, %convert_element_type3A_251, %lt3A_264 : vector<16xi32>
    %jit3A_266 = arith.constant 1 : i32
    %jit3A_267 = arith.constant 0 : i32
    %broadcast_in_dim3A_268 = vector.broadcast %jit3A_266 : i32 to vector<16xi32>
    %broadcast_in_dim3A_269 = vector.broadcast %jit3A_267 : i32 to vector<16xi32>
    %select_n3A_270 = arith.select %lt3A_265, %broadcast_in_dim3A_268, %broadcast_in_dim3A_269 : vector<16xi1>, vector<16xi32>
    %lt3A_271 = arith.constant 383 : i32
    %lt3A_272 = vector.broadcast %lt3A_271 : i32 to vector<16xi32>
    %lt3A_273 = arith.cmpi slt, %convert_element_type3A_252, %lt3A_272 : vector<16xi32>
    %jit3A_274 = arith.constant 384 : i32
    %jit3A_275 = arith.constant 0 : i32
    %broadcast_in_dim3A_276 = vector.broadcast %jit3A_274 : i32 to vector<16xi32>
    %broadcast_in_dim3A_277 = vector.broadcast %jit3A_275 : i32 to vector<16xi32>
    %select_n3A_278 = arith.select %lt3A_273, %broadcast_in_dim3A_276, %broadcast_in_dim3A_277 : vector<16xi1>, vector<16xi32>
    %mul3A_279 = arith.constant 384 : i32
    %mul3A_280 = vector.broadcast %mul3A_279 : i32 to vector<16xi32>
    %mul3A_281 = arith.muli %convert_element_type3A_252, %mul3A_280 : vector<16xi32>
    %add3A_282 = vector.broadcast %mul3A_4 : i32 to vector<16xi32>
    %add3A_283 = arith.addi %add3A_282, %mul3A_281 : vector<16xi32>
    %add3A_284 = arith.addi %add3A_283, %convert_element_type3A_251 : vector<16xi32>
    %swap3A_285 = arith.constant 32 : index
    %swap3A_286 = tpu.vector_load %arg10[%swap3A_285] {strides = array<i32>} : memref<96xi32, #tpu.memory_space<vmem>>, vector<16xi32>,
    tpu.vector_store %arg10[%swap3A_285], %add3A_284 {strides = array<i32>} : memref<96xi32, #tpu.memory_space<vmem>>, vector<16xi32>,
    %add3A_287 = arith.addi %add3A_284, %select_n3A_270 : vector<16xi32>
    %swap3A_288 = arith.constant 32 : index
    %swap3A_289 = tpu.vector_load %arg12[%swap3A_288] {strides = array<i32>} : memref<96xi32, #tpu.memory_space<vmem>>, vector<16xi32>,
    tpu.vector_store %arg12[%swap3A_288], %add3A_287 {strides = array<i32>} : memref<96xi32, #tpu.memory_space<vmem>>, vector<16xi32>,
    %add3A_290 = arith.addi %add3A_284, %select_n3A_278 : vector<16xi32>
    %swap3A_291 = arith.constant 32 : index
    %swap3A_292 = tpu.vector_load %arg14[%swap3A_291] {strides = array<i32>} : memref<96xi32, #tpu.memory_space<vmem>>, vector<16xi32>,
    tpu.vector_store %arg14[%swap3A_291], %add3A_290 {strides = array<i32>} : memref<96xi32, #tpu.memory_space<vmem>>, vector<16xi32>,
    %add3A_293 = arith.addi %add3A_284, %select_n3A_278 : vector<16xi32>
    %add3A_294 = arith.addi %add3A_293, %select_n3A_270 : vector<16xi32>
    %swap3A_295 = arith.constant 32 : index
    %swap3A_296 = tpu.vector_load %arg16[%swap3A_295] {strides = array<i32>} : memref<96xi32, #tpu.memory_space<vmem>>, vector<16xi32>,
    tpu.vector_store %arg16[%swap3A_295], %add3A_294 {strides = array<i32>} : memref<96xi32, #tpu.memory_space<vmem>>, vector<16xi32>,
    %mul3A_297 = arith.mulf %sub3A_262, %sub3A_259 : vector<16xf32>
    %swap3A_298 = arith.constant 32 : index
    %swap3A_299 = tpu.vector_load %arg18[%swap3A_298] {strides = array<i32>} : memref<96xf32, #tpu.memory_space<vmem>>, vector<16xf32>,
    tpu.vector_store %arg18[%swap3A_298], %mul3A_297 {strides = array<i32>} : memref<96xf32, #tpu.memory_space<vmem>>, vector<16xf32>,
    %mul3A_300 = arith.mulf %sub3A_262, %sub3A_254 : vector<16xf32>
    %swap3A_301 = arith.constant 32 : index
    %swap3A_302 = tpu.vector_load %arg20[%swap3A_301] {strides = array<i32>} : memref<96xf32, #tpu.memory_space<vmem>>, vector<16xf32>,
    tpu.vector_store %arg20[%swap3A_301], %mul3A_300 {strides = array<i32>} : memref<96xf32, #tpu.memory_space<vmem>>, vector<16xf32>,
    %mul3A_303 = arith.mulf %sub3A_256, %sub3A_259 : vector<16xf32>
    %swap3A_304 = arith.constant 32 : index
    %swap3A_305 = tpu.vector_load %arg22[%swap3A_304] {strides = array<i32>} : memref<96xf32, #tpu.memory_space<vmem>>, vector<16xf32>,
    tpu.vector_store %arg22[%swap3A_304], %mul3A_303 {strides = array<i32>} : memref<96xf32, #tpu.memory_space<vmem>>, vector<16xf32>,
    %mul3A_306 = arith.mulf %sub3A_256, %sub3A_254 : vector<16xf32>
    %swap3A_307 = arith.constant 32 : index
    %swap3A_308 = tpu.vector_load %arg24[%swap3A_307] {strides = array<i32>} : memref<96xf32, #tpu.memory_space<vmem>>, vector<16xf32>,
    tpu.vector_store %arg24[%swap3A_307], %mul3A_306 {strides = array<i32>} : memref<96xf32, #tpu.memory_space<vmem>>, vector<16xf32>,
    %get3A_309 = arith.constant 48 : index
    %get3A_310 = tpu.vector_load %arg6[%get3A_309] {strides = array<i32>} : memref<96xf32, #tpu.memory_space<vmem>>, vector<16xf32>,
    %get3A_311 = arith.constant 48 : index
    %get3A_312 = tpu.vector_load %arg8[%get3A_311] {strides = array<i32>} : memref<96xf32, #tpu.memory_space<vmem>>, vector<16xf32>,
    %add3A_313 = arith.constant 1.000000e+00 : f32
    %add3A_314 = vector.broadcast %add3A_313 : f32 to vector<16xf32>
    %add3A_315 = arith.addf %get3A_310, %add3A_314 : vector<16xf32>
    %mul3A_316 = arith.constant 5.000000e-01 : f32
    %mul3A_317 = vector.broadcast %mul3A_316 : f32 to vector<16xf32>
    %mul3A_318 = arith.mulf %add3A_315, %mul3A_317 : vector<16xf32>
    %mul3A_319 = arith.constant 3.830000e+02 : f32
    %mul3A_320 = vector.broadcast %mul3A_319 : f32 to vector<16xf32>
    %mul3A_321 = arith.mulf %mul3A_318, %mul3A_320 : vector<16xf32>
    %max3A_322 = arith.constant 0.000000e+00 : f32
    %max3A_323 = vector.broadcast %max3A_322 : f32 to vector<16xf32>
    %max3A_324 = arith.maximumf %mul3A_321, %max3A_323 : vector<16xf32>
    %min3A_325 = arith.constant 3.830000e+02 : f32
    %min3A_326 = vector.broadcast %min3A_325 : f32 to vector<16xf32>
    %min3A_327 = arith.minimumf %max3A_324, %min3A_326 : vector<16xf32>
    %add3A_328 = arith.constant 1.000000e+00 : f32
    %add3A_329 = vector.broadcast %add3A_328 : f32 to vector<16xf32>
    %add3A_330 = arith.addf %get3A_312, %add3A_329 : vector<16xf32>
    %mul3A_331 = arith.constant 5.000000e-01 : f32
    %mul3A_332 = vector.broadcast %mul3A_331 : f32 to vector<16xf32>
    %mul3A_333 = arith.mulf %add3A_330, %mul3A_332 : vector<16xf32>
    %mul3A_334 = arith.constant 3.830000e+02 : f32
    %mul3A_335 = vector.broadcast %mul3A_334 : f32 to vector<16xf32>
    %mul3A_336 = arith.mulf %mul3A_333, %mul3A_335 : vector<16xf32>
    %max3A_337 = arith.constant 0.000000e+00 : f32
    %max3A_338 = vector.broadcast %max3A_337 : f32 to vector<16xf32>
    %max3A_339 = arith.maximumf %mul3A_336, %max3A_338 : vector<16xf32>
    %min3A_340 = arith.constant 3.830000e+02 : f32
    %min3A_341 = vector.broadcast %min3A_340 : f32 to vector<16xf32>
    %min3A_342 = arith.minimumf %max3A_339, %min3A_341 : vector<16xf32>
    %convert_element_type3A_343 = arith.fptosi %min3A_327 : vector<16xf32> to vector<16xi32>
    %convert_element_type3A_344 = arith.fptosi %min3A_342 : vector<16xf32> to vector<16xi32>
    %convert_element_type3A_345 = arith.sitofp %convert_element_type3A_343 : vector<16xi32> to vector<16xf32>
    %sub3A_346 = arith.subf %min3A_327, %convert_element_type3A_345 : vector<16xf32>
    %convert_element_type3A_347 = arith.sitofp %convert_element_type3A_344 : vector<16xi32> to vector<16xf32>
    %sub3A_348 = arith.subf %min3A_342, %convert_element_type3A_347 : vector<16xf32>
    %sub3A_349 = arith.constant 1.000000e+00 : f32
    %sub3A_350 = vector.broadcast %sub3A_349 : f32 to vector<16xf32>
    %sub3A_351 = arith.subf %sub3A_350, %sub3A_346 : vector<16xf32>
    %sub3A_352 = arith.constant 1.000000e+00 : f32
    %sub3A_353 = vector.broadcast %sub3A_352 : f32 to vector<16xf32>
    %sub3A_354 = arith.subf %sub3A_353, %sub3A_348 : vector<16xf32>
    %lt3A_355 = arith.constant 383 : i32
    %lt3A_356 = vector.broadcast %lt3A_355 : i32 to vector<16xi32>
    %lt3A_357 = arith.cmpi slt, %convert_element_type3A_343, %lt3A_356 : vector<16xi32>
    %jit3A_358 = arith.constant 1 : i32
    %jit3A_359 = arith.constant 0 : i32
    %broadcast_in_dim3A_360 = vector.broadcast %jit3A_358 : i32 to vector<16xi32>
    %broadcast_in_dim3A_361 = vector.broadcast %jit3A_359 : i32 to vector<16xi32>
    %select_n3A_362 = arith.select %lt3A_357, %broadcast_in_dim3A_360, %broadcast_in_dim3A_361 : vector<16xi1>, vector<16xi32>
    %lt3A_363 = arith.constant 383 : i32
    %lt3A_364 = vector.broadcast %lt3A_363 : i32 to vector<16xi32>
    %lt3A_365 = arith.cmpi slt, %convert_element_type3A_344, %lt3A_364 : vector<16xi32>
    %jit3A_366 = arith.constant 384 : i32
    %jit3A_367 = arith.constant 0 : i32
    %broadcast_in_dim3A_368 = vector.broadcast %jit3A_366 : i32 to vector<16xi32>
    %broadcast_in_dim3A_369 = vector.broadcast %jit3A_367 : i32 to vector<16xi32>
    %select_n3A_370 = arith.select %lt3A_365, %broadcast_in_dim3A_368, %broadcast_in_dim3A_369 : vector<16xi1>, vector<16xi32>
    %mul3A_371 = arith.constant 384 : i32
    %mul3A_372 = vector.broadcast %mul3A_371 : i32 to vector<16xi32>
    %mul3A_373 = arith.muli %convert_element_type3A_344, %mul3A_372 : vector<16xi32>
    %add3A_374 = vector.broadcast %mul3A_4 : i32 to vector<16xi32>
    %add3A_375 = arith.addi %add3A_374, %mul3A_373 : vector<16xi32>
    %add3A_376 = arith.addi %add3A_375, %convert_element_type3A_343 : vector<16xi32>
    %swap3A_377 = arith.constant 48 : index
    %swap3A_378 = tpu.vector_load %arg10[%swap3A_377] {strides = array<i32>} : memref<96xi32, #tpu.memory_space<vmem>>, vector<16xi32>,
    tpu.vector_store %arg10[%swap3A_377], %add3A_376 {strides = array<i32>} : memref<96xi32, #tpu.memory_space<vmem>>, vector<16xi32>,
    %add3A_379 = arith.addi %add3A_376, %select_n3A_362 : vector<16xi32>
    %swap3A_380 = arith.constant 48 : index
    %swap3A_381 = tpu.vector_load %arg12[%swap3A_380] {strides = array<i32>} : memref<96xi32, #tpu.memory_space<vmem>>, vector<16xi32>,
    tpu.vector_store %arg12[%swap3A_380], %add3A_379 {strides = array<i32>} : memref<96xi32, #tpu.memory_space<vmem>>, vector<16xi32>,
    %add3A_382 = arith.addi %add3A_376, %select_n3A_370 : vector<16xi32>
    %swap3A_383 = arith.constant 48 : index
    %swap3A_384 = tpu.vector_load %arg14[%swap3A_383] {strides = array<i32>} : memref<96xi32, #tpu.memory_space<vmem>>, vector<16xi32>,
    tpu.vector_store %arg14[%swap3A_383], %add3A_382 {strides = array<i32>} : memref<96xi32, #tpu.memory_space<vmem>>, vector<16xi32>,
    %add3A_385 = arith.addi %add3A_376, %select_n3A_370 : vector<16xi32>
    %add3A_386 = arith.addi %add3A_385, %select_n3A_362 : vector<16xi32>
    %swap3A_387 = arith.constant 48 : index
    %swap3A_388 = tpu.vector_load %arg16[%swap3A_387] {strides = array<i32>} : memref<96xi32, #tpu.memory_space<vmem>>, vector<16xi32>,
    tpu.vector_store %arg16[%swap3A_387], %add3A_386 {strides = array<i32>} : memref<96xi32, #tpu.memory_space<vmem>>, vector<16xi32>,
    %mul3A_389 = arith.mulf %sub3A_354, %sub3A_351 : vector<16xf32>
    %swap3A_390 = arith.constant 48 : index
    %swap3A_391 = tpu.vector_load %arg18[%swap3A_390] {strides = array<i32>} : memref<96xf32, #tpu.memory_space<vmem>>, vector<16xf32>,
    tpu.vector_store %arg18[%swap3A_390], %mul3A_389 {strides = array<i32>} : memref<96xf32, #tpu.memory_space<vmem>>, vector<16xf32>,
    %mul3A_392 = arith.mulf %sub3A_354, %sub3A_346 : vector<16xf32>
    %swap3A_393 = arith.constant 48 : index
    %swap3A_394 = tpu.vector_load %arg20[%swap3A_393] {strides = array<i32>} : memref<96xf32, #tpu.memory_space<vmem>>, vector<16xf32>,
    tpu.vector_store %arg20[%swap3A_393], %mul3A_392 {strides = array<i32>} : memref<96xf32, #tpu.memory_space<vmem>>, vector<16xf32>,
    %mul3A_395 = arith.mulf %sub3A_348, %sub3A_351 : vector<16xf32>
    %swap3A_396 = arith.constant 48 : index
    %swap3A_397 = tpu.vector_load %arg22[%swap3A_396] {strides = array<i32>} : memref<96xf32, #tpu.memory_space<vmem>>, vector<16xf32>,
    tpu.vector_store %arg22[%swap3A_396], %mul3A_395 {strides = array<i32>} : memref<96xf32, #tpu.memory_space<vmem>>, vector<16xf32>,
    %mul3A_398 = arith.mulf %sub3A_348, %sub3A_346 : vector<16xf32>
    %swap3A_399 = arith.constant 48 : index
    %swap3A_400 = tpu.vector_load %arg24[%swap3A_399] {strides = array<i32>} : memref<96xf32, #tpu.memory_space<vmem>>, vector<16xf32>,
    tpu.vector_store %arg24[%swap3A_399], %mul3A_398 {strides = array<i32>} : memref<96xf32, #tpu.memory_space<vmem>>, vector<16xf32>,
    %get3A_401 = arith.constant 64 : index
    %get3A_402 = tpu.vector_load %arg6[%get3A_401] {strides = array<i32>} : memref<96xf32, #tpu.memory_space<vmem>>, vector<16xf32>,
    %get3A_403 = arith.constant 64 : index
    %get3A_404 = tpu.vector_load %arg8[%get3A_403] {strides = array<i32>} : memref<96xf32, #tpu.memory_space<vmem>>, vector<16xf32>,
    %add3A_405 = arith.constant 1.000000e+00 : f32
    %add3A_406 = vector.broadcast %add3A_405 : f32 to vector<16xf32>
    %add3A_407 = arith.addf %get3A_402, %add3A_406 : vector<16xf32>
    %mul3A_408 = arith.constant 5.000000e-01 : f32
    %mul3A_409 = vector.broadcast %mul3A_408 : f32 to vector<16xf32>
    %mul3A_410 = arith.mulf %add3A_407, %mul3A_409 : vector<16xf32>
    %mul3A_411 = arith.constant 3.830000e+02 : f32
    %mul3A_412 = vector.broadcast %mul3A_411 : f32 to vector<16xf32>
    %mul3A_413 = arith.mulf %mul3A_410, %mul3A_412 : vector<16xf32>
    %max3A_414 = arith.constant 0.000000e+00 : f32
    %max3A_415 = vector.broadcast %max3A_414 : f32 to vector<16xf32>
    %max3A_416 = arith.maximumf %mul3A_413, %max3A_415 : vector<16xf32>
    %min3A_417 = arith.constant 3.830000e+02 : f32
    %min3A_418 = vector.broadcast %min3A_417 : f32 to vector<16xf32>
    %min3A_419 = arith.minimumf %max3A_416, %min3A_418 : vector<16xf32>
    %add3A_420 = arith.constant 1.000000e+00 : f32
    %add3A_421 = vector.broadcast %add3A_420 : f32 to vector<16xf32>
    %add3A_422 = arith.addf %get3A_404, %add3A_421 : vector<16xf32>
    %mul3A_423 = arith.constant 5.000000e-01 : f32
    %mul3A_424 = vector.broadcast %mul3A_423 : f32 to vector<16xf32>
    %mul3A_425 = arith.mulf %add3A_422, %mul3A_424 : vector<16xf32>
    %mul3A_426 = arith.constant 3.830000e+02 : f32
    %mul3A_427 = vector.broadcast %mul3A_426 : f32 to vector<16xf32>
    %mul3A_428 = arith.mulf %mul3A_425, %mul3A_427 : vector<16xf32>
    %max3A_429 = arith.constant 0.000000e+00 : f32
    %max3A_430 = vector.broadcast %max3A_429 : f32 to vector<16xf32>
    %max3A_431 = arith.maximumf %mul3A_428, %max3A_430 : vector<16xf32>
    %min3A_432 = arith.constant 3.830000e+02 : f32
    %min3A_433 = vector.broadcast %min3A_432 : f32 to vector<16xf32>
    %min3A_434 = arith.minimumf %max3A_431, %min3A_433 : vector<16xf32>
    %convert_element_type3A_435 = arith.fptosi %min3A_419 : vector<16xf32> to vector<16xi32>
    %convert_element_type3A_436 = arith.fptosi %min3A_434 : vector<16xf32> to vector<16xi32>
    %convert_element_type3A_437 = arith.sitofp %convert_element_type3A_435 : vector<16xi32> to vector<16xf32>
    %sub3A_438 = arith.subf %min3A_419, %convert_element_type3A_437 : vector<16xf32>
    %convert_element_type3A_439 = arith.sitofp %convert_element_type3A_436 : vector<16xi32> to vector<16xf32>
    %sub3A_440 = arith.subf %min3A_434, %convert_element_type3A_439 : vector<16xf32>
    %sub3A_441 = arith.constant 1.000000e+00 : f32
    %sub3A_442 = vector.broadcast %sub3A_441 : f32 to vector<16xf32>
    %sub3A_443 = arith.subf %sub3A_442, %sub3A_438 : vector<16xf32>
    %sub3A_444 = arith.constant 1.000000e+00 : f32
    %sub3A_445 = vector.broadcast %sub3A_444 : f32 to vector<16xf32>
    %sub3A_446 = arith.subf %sub3A_445, %sub3A_440 : vector<16xf32>
    %lt3A_447 = arith.constant 383 : i32
    %lt3A_448 = vector.broadcast %lt3A_447 : i32 to vector<16xi32>
    %lt3A_449 = arith.cmpi slt, %convert_element_type3A_435, %lt3A_448 : vector<16xi32>
    %jit3A_450 = arith.constant 1 : i32
    %jit3A_451 = arith.constant 0 : i32
    %broadcast_in_dim3A_452 = vector.broadcast %jit3A_450 : i32 to vector<16xi32>
    %broadcast_in_dim3A_453 = vector.broadcast %jit3A_451 : i32 to vector<16xi32>
    %select_n3A_454 = arith.select %lt3A_449, %broadcast_in_dim3A_452, %broadcast_in_dim3A_453 : vector<16xi1>, vector<16xi32>
    %lt3A_455 = arith.constant 383 : i32
    %lt3A_456 = vector.broadcast %lt3A_455 : i32 to vector<16xi32>
    %lt3A_457 = arith.cmpi slt, %convert_element_type3A_436, %lt3A_456 : vector<16xi32>
    %jit3A_458 = arith.constant 384 : i32
    %jit3A_459 = arith.constant 0 : i32
    %broadcast_in_dim3A_460 = vector.broadcast %jit3A_458 : i32 to vector<16xi32>
    %broadcast_in_dim3A_461 = vector.broadcast %jit3A_459 : i32 to vector<16xi32>
    %select_n3A_462 = arith.select %lt3A_457, %broadcast_in_dim3A_460, %broadcast_in_dim3A_461 : vector<16xi1>, vector<16xi32>
    %mul3A_463 = arith.constant 384 : i32
    %mul3A_464 = vector.broadcast %mul3A_463 : i32 to vector<16xi32>
    %mul3A_465 = arith.muli %convert_element_type3A_436, %mul3A_464 : vector<16xi32>
    %add3A_466 = vector.broadcast %mul3A_4 : i32 to vector<16xi32>
    %add3A_467 = arith.addi %add3A_466, %mul3A_465 : vector<16xi32>
    %add3A_468 = arith.addi %add3A_467, %convert_element_type3A_435 : vector<16xi32>
    %swap3A_469 = arith.constant 64 : index
    %swap3A_470 = tpu.vector_load %arg10[%swap3A_469] {strides = array<i32>} : memref<96xi32, #tpu.memory_space<vmem>>, vector<16xi32>,
    tpu.vector_store %arg10[%swap3A_469], %add3A_468 {strides = array<i32>} : memref<96xi32, #tpu.memory_space<vmem>>, vector<16xi32>,
    %add3A_471 = arith.addi %add3A_468, %select_n3A_454 : vector<16xi32>
    %swap3A_472 = arith.constant 64 : index
    %swap3A_473 = tpu.vector_load %arg12[%swap3A_472] {strides = array<i32>} : memref<96xi32, #tpu.memory_space<vmem>>, vector<16xi32>,
    tpu.vector_store %arg12[%swap3A_472], %add3A_471 {strides = array<i32>} : memref<96xi32, #tpu.memory_space<vmem>>, vector<16xi32>,
    %add3A_474 = arith.addi %add3A_468, %select_n3A_462 : vector<16xi32>
    %swap3A_475 = arith.constant 64 : index
    %swap3A_476 = tpu.vector_load %arg14[%swap3A_475] {strides = array<i32>} : memref<96xi32, #tpu.memory_space<vmem>>, vector<16xi32>,
    tpu.vector_store %arg14[%swap3A_475], %add3A_474 {strides = array<i32>} : memref<96xi32, #tpu.memory_space<vmem>>, vector<16xi32>,
    %add3A_477 = arith.addi %add3A_468, %select_n3A_462 : vector<16xi32>
    %add3A_478 = arith.addi %add3A_477, %select_n3A_454 : vector<16xi32>
    %swap3A_479 = arith.constant 64 : index
    %swap3A_480 = tpu.vector_load %arg16[%swap3A_479] {strides = array<i32>} : memref<96xi32, #tpu.memory_space<vmem>>, vector<16xi32>,
    tpu.vector_store %arg16[%swap3A_479], %add3A_478 {strides = array<i32>} : memref<96xi32, #tpu.memory_space<vmem>>, vector<16xi32>,
    %mul3A_481 = arith.mulf %sub3A_446, %sub3A_443 : vector<16xf32>
    %swap3A_482 = arith.constant 64 : index
    %swap3A_483 = tpu.vector_load %arg18[%swap3A_482] {strides = array<i32>} : memref<96xf32, #tpu.memory_space<vmem>>, vector<16xf32>,
    tpu.vector_store %arg18[%swap3A_482], %mul3A_481 {strides = array<i32>} : memref<96xf32, #tpu.memory_space<vmem>>, vector<16xf32>,
    %mul3A_484 = arith.mulf %sub3A_446, %sub3A_438 : vector<16xf32>
    %swap3A_485 = arith.constant 64 : index
    %swap3A_486 = tpu.vector_load %arg20[%swap3A_485] {strides = array<i32>} : memref<96xf32, #tpu.memory_space<vmem>>, vector<16xf32>,
    tpu.vector_store %arg20[%swap3A_485], %mul3A_484 {strides = array<i32>} : memref<96xf32, #tpu.memory_space<vmem>>, vector<16xf32>,
    %mul3A_487 = arith.mulf %sub3A_440, %sub3A_443 : vector<16xf32>
    %swap3A_488 = arith.constant 64 : index
    %swap3A_489 = tpu.vector_load %arg22[%swap3A_488] {strides = array<i32>} : memref<96xf32, #tpu.memory_space<vmem>>, vector<16xf32>,
    tpu.vector_store %arg22[%swap3A_488], %mul3A_487 {strides = array<i32>} : memref<96xf32, #tpu.memory_space<vmem>>, vector<16xf32>,
    %mul3A_490 = arith.mulf %sub3A_440, %sub3A_438 : vector<16xf32>
    %swap3A_491 = arith.constant 64 : index
    %swap3A_492 = tpu.vector_load %arg24[%swap3A_491] {strides = array<i32>} : memref<96xf32, #tpu.memory_space<vmem>>, vector<16xf32>,
    tpu.vector_store %arg24[%swap3A_491], %mul3A_490 {strides = array<i32>} : memref<96xf32, #tpu.memory_space<vmem>>, vector<16xf32>,
    %get3A_493 = arith.constant 80 : index
    %get3A_494 = tpu.vector_load %arg6[%get3A_493] {strides = array<i32>} : memref<96xf32, #tpu.memory_space<vmem>>, vector<16xf32>,
    %get3A_495 = arith.constant 80 : index
    %get3A_496 = tpu.vector_load %arg8[%get3A_495] {strides = array<i32>} : memref<96xf32, #tpu.memory_space<vmem>>, vector<16xf32>,
    %add3A_497 = arith.constant 1.000000e+00 : f32
    %add3A_498 = vector.broadcast %add3A_497 : f32 to vector<16xf32>
    %add3A_499 = arith.addf %get3A_494, %add3A_498 : vector<16xf32>
    %mul3A_500 = arith.constant 5.000000e-01 : f32
    %mul3A_501 = vector.broadcast %mul3A_500 : f32 to vector<16xf32>
    %mul3A_502 = arith.mulf %add3A_499, %mul3A_501 : vector<16xf32>
    %mul3A_503 = arith.constant 3.830000e+02 : f32
    %mul3A_504 = vector.broadcast %mul3A_503 : f32 to vector<16xf32>
    %mul3A_505 = arith.mulf %mul3A_502, %mul3A_504 : vector<16xf32>
    %max3A_506 = arith.constant 0.000000e+00 : f32
    %max3A_507 = vector.broadcast %max3A_506 : f32 to vector<16xf32>
    %max3A_508 = arith.maximumf %mul3A_505, %max3A_507 : vector<16xf32>
    %min3A_509 = arith.constant 3.830000e+02 : f32
    %min3A_510 = vector.broadcast %min3A_509 : f32 to vector<16xf32>
    %min3A_511 = arith.minimumf %max3A_508, %min3A_510 : vector<16xf32>
    %add3A_512 = arith.constant 1.000000e+00 : f32
    %add3A_513 = vector.broadcast %add3A_512 : f32 to vector<16xf32>
    %add3A_514 = arith.addf %get3A_496, %add3A_513 : vector<16xf32>
    %mul3A_515 = arith.constant 5.000000e-01 : f32
    %mul3A_516 = vector.broadcast %mul3A_515 : f32 to vector<16xf32>
    %mul3A_517 = arith.mulf %add3A_514, %mul3A_516 : vector<16xf32>
    %mul3A_518 = arith.constant 3.830000e+02 : f32
    %mul3A_519 = vector.broadcast %mul3A_518 : f32 to vector<16xf32>
    %mul3A_520 = arith.mulf %mul3A_517, %mul3A_519 : vector<16xf32>
    %max3A_521 = arith.constant 0.000000e+00 : f32
    %max3A_522 = vector.broadcast %max3A_521 : f32 to vector<16xf32>
    %max3A_523 = arith.maximumf %mul3A_520, %max3A_522 : vector<16xf32>
    %min3A_524 = arith.constant 3.830000e+02 : f32
    %min3A_525 = vector.broadcast %min3A_524 : f32 to vector<16xf32>
    %min3A_526 = arith.minimumf %max3A_523, %min3A_525 : vector<16xf32>
    %convert_element_type3A_527 = arith.fptosi %min3A_511 : vector<16xf32> to vector<16xi32>
    %convert_element_type3A_528 = arith.fptosi %min3A_526 : vector<16xf32> to vector<16xi32>
    %convert_element_type3A_529 = arith.sitofp %convert_element_type3A_527 : vector<16xi32> to vector<16xf32>
    %sub3A_530 = arith.subf %min3A_511, %convert_element_type3A_529 : vector<16xf32>
    %convert_element_type3A_531 = arith.sitofp %convert_element_type3A_528 : vector<16xi32> to vector<16xf32>
    %sub3A_532 = arith.subf %min3A_526, %convert_element_type3A_531 : vector<16xf32>
    %sub3A_533 = arith.constant 1.000000e+00 : f32
    %sub3A_534 = vector.broadcast %sub3A_533 : f32 to vector<16xf32>
    %sub3A_535 = arith.subf %sub3A_534, %sub3A_530 : vector<16xf32>
    %sub3A_536 = arith.constant 1.000000e+00 : f32
    %sub3A_537 = vector.broadcast %sub3A_536 : f32 to vector<16xf32>
    %sub3A_538 = arith.subf %sub3A_537, %sub3A_532 : vector<16xf32>
    %lt3A_539 = arith.constant 383 : i32
    %lt3A_540 = vector.broadcast %lt3A_539 : i32 to vector<16xi32>
    %lt3A_541 = arith.cmpi slt, %convert_element_type3A_527, %lt3A_540 : vector<16xi32>
    %jit3A_542 = arith.constant 1 : i32
    %jit3A_543 = arith.constant 0 : i32
    %broadcast_in_dim3A_544 = vector.broadcast %jit3A_542 : i32 to vector<16xi32>
    %broadcast_in_dim3A_545 = vector.broadcast %jit3A_543 : i32 to vector<16xi32>
    %select_n3A_546 = arith.select %lt3A_541, %broadcast_in_dim3A_544, %broadcast_in_dim3A_545 : vector<16xi1>, vector<16xi32>
    %lt3A_547 = arith.constant 383 : i32
    %lt3A_548 = vector.broadcast %lt3A_547 : i32 to vector<16xi32>
    %lt3A_549 = arith.cmpi slt, %convert_element_type3A_528, %lt3A_548 : vector<16xi32>
    %jit3A_550 = arith.constant 384 : i32
    %jit3A_551 = arith.constant 0 : i32
    %broadcast_in_dim3A_552 = vector.broadcast %jit3A_550 : i32 to vector<16xi32>
    %broadcast_in_dim3A_553 = vector.broadcast %jit3A_551 : i32 to vector<16xi32>
    %select_n3A_554 = arith.select %lt3A_549, %broadcast_in_dim3A_552, %broadcast_in_dim3A_553 : vector<16xi1>, vector<16xi32>
    %mul3A_555 = arith.constant 384 : i32
    %mul3A_556 = vector.broadcast %mul3A_555 : i32 to vector<16xi32>
    %mul3A_557 = arith.muli %convert_element_type3A_528, %mul3A_556 : vector<16xi32>
    %add3A_558 = vector.broadcast %mul3A_4 : i32 to vector<16xi32>
    %add3A_559 = arith.addi %add3A_558, %mul3A_557 : vector<16xi32>
    %add3A_560 = arith.addi %add3A_559, %convert_element_type3A_527 : vector<16xi32>
    %swap3A_561 = arith.constant 80 : index
    %swap3A_562 = tpu.vector_load %arg10[%swap3A_561] {strides = array<i32>} : memref<96xi32, #tpu.memory_space<vmem>>, vector<16xi32>,
    tpu.vector_store %arg10[%swap3A_561], %add3A_560 {strides = array<i32>} : memref<96xi32, #tpu.memory_space<vmem>>, vector<16xi32>,
    %add3A_563 = arith.addi %add3A_560, %select_n3A_546 : vector<16xi32>
    %swap3A_564 = arith.constant 80 : index
    %swap3A_565 = tpu.vector_load %arg12[%swap3A_564] {strides = array<i32>} : memref<96xi32, #tpu.memory_space<vmem>>, vector<16xi32>,
    tpu.vector_store %arg12[%swap3A_564], %add3A_563 {strides = array<i32>} : memref<96xi32, #tpu.memory_space<vmem>>, vector<16xi32>,
    %add3A_566 = arith.addi %add3A_560, %select_n3A_554 : vector<16xi32>
    %swap3A_567 = arith.constant 80 : index
    %swap3A_568 = tpu.vector_load %arg14[%swap3A_567] {strides = array<i32>} : memref<96xi32, #tpu.memory_space<vmem>>, vector<16xi32>,
    tpu.vector_store %arg14[%swap3A_567], %add3A_566 {strides = array<i32>} : memref<96xi32, #tpu.memory_space<vmem>>, vector<16xi32>,
    %add3A_569 = arith.addi %add3A_560, %select_n3A_554 : vector<16xi32>
    %add3A_570 = arith.addi %add3A_569, %select_n3A_546 : vector<16xi32>
    %swap3A_571 = arith.constant 80 : index
    %swap3A_572 = tpu.vector_load %arg16[%swap3A_571] {strides = array<i32>} : memref<96xi32, #tpu.memory_space<vmem>>, vector<16xi32>,
    tpu.vector_store %arg16[%swap3A_571], %add3A_570 {strides = array<i32>} : memref<96xi32, #tpu.memory_space<vmem>>, vector<16xi32>,
    %mul3A_573 = arith.mulf %sub3A_538, %sub3A_535 : vector<16xf32>
    %swap3A_574 = arith.constant 80 : index
    %swap3A_575 = tpu.vector_load %arg18[%swap3A_574] {strides = array<i32>} : memref<96xf32, #tpu.memory_space<vmem>>, vector<16xf32>,
    tpu.vector_store %arg18[%swap3A_574], %mul3A_573 {strides = array<i32>} : memref<96xf32, #tpu.memory_space<vmem>>, vector<16xf32>,
    %mul3A_576 = arith.mulf %sub3A_538, %sub3A_530 : vector<16xf32>
    %swap3A_577 = arith.constant 80 : index
    %swap3A_578 = tpu.vector_load %arg20[%swap3A_577] {strides = array<i32>} : memref<96xf32, #tpu.memory_space<vmem>>, vector<16xf32>,
    tpu.vector_store %arg20[%swap3A_577], %mul3A_576 {strides = array<i32>} : memref<96xf32, #tpu.memory_space<vmem>>, vector<16xf32>,
    %mul3A_579 = arith.mulf %sub3A_532, %sub3A_535 : vector<16xf32>
    %swap3A_580 = arith.constant 80 : index
    %swap3A_581 = tpu.vector_load %arg22[%swap3A_580] {strides = array<i32>} : memref<96xf32, #tpu.memory_space<vmem>>, vector<16xf32>,
    tpu.vector_store %arg22[%swap3A_580], %mul3A_579 {strides = array<i32>} : memref<96xf32, #tpu.memory_space<vmem>>, vector<16xf32>,
    %mul3A_582 = arith.mulf %sub3A_532, %sub3A_530 : vector<16xf32>
    %swap3A_583 = arith.constant 80 : index
    %swap3A_584 = tpu.vector_load %arg24[%swap3A_583] {strides = array<i32>} : memref<96xf32, #tpu.memory_space<vmem>>, vector<16xf32>,
    tpu.vector_store %arg24[%swap3A_583], %mul3A_582 {strides = array<i32>} : memref<96xf32, #tpu.memory_space<vmem>>, vector<16xf32>,
    %gt3A = arith.constant 2 : i32
    %gt3A_585 = arith.cmpi sgt, %select_n3A, %gt3A : i32
    %convert_element_type3A_586 = arith.extui %gt3A_585 : i1 to i32
    %cond3A = arith.constant 0 : i32
    %cond3A_587 = arith.cmpi ne, %convert_element_type3A_586, %cond3A : i32
    scf.if %cond3A_587 {
      %add3A_618 = arith.constant 192 : i32
      %add3A_619 = arith.addi %add3A_9, %add3A_618 : i32
      %dma_start3A_620 = tpu.memref_slice %arg3[%add3A_619] : memref<200096xf32, #tpu.memory_space<hbm>> -> memref<96xf32, #tpu.memory_space<hbm>>
      %dma_start3A_621 = tpu.memref_slice %arg3[%add3A_619] : memref<200096xf32, #tpu.memory_space<hbm>> -> memref<96xf32, #tpu.memory_space<hbm>>
      tpu.enqueue_dma source(%dma_start3A_621 : memref<96xf32, #tpu.memory_space<hbm>>) target(%arg6 : memref<96xf32, #tpu.memory_space<vmem>>) target_semaphore(%arg36 : memref<!tpu.dma_semaphore, #tpu.memory_space<semaphore_mem>>)
      %add3A_622 = arith.constant 192 : i32
      %add3A_623 = arith.addi %add3A_9, %add3A_622 : i32
      %dma_start3A_624 = tpu.memref_slice %arg4[%add3A_623] : memref<200096xf32, #tpu.memory_space<hbm>> -> memref<96xf32, #tpu.memory_space<hbm>>
      %dma_start3A_625 = tpu.memref_slice %arg4[%add3A_623] : memref<200096xf32, #tpu.memory_space<hbm>> -> memref<96xf32, #tpu.memory_space<hbm>>
      tpu.enqueue_dma source(%dma_start3A_625 : memref<96xf32, #tpu.memory_space<hbm>>) target(%arg8 : memref<96xf32, #tpu.memory_space<vmem>>) target_semaphore(%arg36 : memref<!tpu.dma_semaphore, #tpu.memory_space<semaphore_mem>>)
    } else {
    }
    %dma_start3A_588 = arith.constant 0 : i32
    %dma_start3A_589 = arith.constant 0 : i32
    %dma_start3A_590 = tpu.memref_slice %arg2[%dma_start3A_588, %dma_start3A_589] : memref<589824x128xf32, #tpu.memory_space<hbm>> -> memref<589824x128xf32, #tpu.memory_space<hbm>>
    tpu.enqueue_indirect_dma source(%dma_start3A_590 : memref<589824x128xf32, #tpu.memory_space<hbm>>) target(%arg26 : memref<96x128xf32, #tpu.memory_space<vmem>>) offsets(%arg10 : memref<96xi32, #tpu.memory_space<vmem>>) semaphore(%arg38 : memref<!tpu.dma_semaphore, #tpu.memory_space<semaphore_mem>>)
    %dma_start3A_591 = arith.constant 0 : i32
    %dma_start3A_592 = arith.constant 0 : i32
    %dma_start3A_593 = tpu.memref_slice %arg2[%dma_start3A_591, %dma_start3A_592] : memref<589824x128xf32, #tpu.memory_space<hbm>> -> memref<589824x128xf32, #tpu.memory_space<hbm>>
    tpu.enqueue_indirect_dma source(%dma_start3A_593 : memref<589824x128xf32, #tpu.memory_space<hbm>>) target(%arg28 : memref<96x128xf32, #tpu.memory_space<vmem>>) offsets(%arg12 : memref<96xi32, #tpu.memory_space<vmem>>) semaphore(%arg38 : memref<!tpu.dma_semaphore, #tpu.memory_space<semaphore_mem>>)
    %dma_start3A_594 = arith.constant 0 : i32
    %dma_start3A_595 = arith.constant 0 : i32
    %dma_start3A_596 = tpu.memref_slice %arg2[%dma_start3A_594, %dma_start3A_595] : memref<589824x128xf32, #tpu.memory_space<hbm>> -> memref<589824x128xf32, #tpu.memory_space<hbm>>
    tpu.enqueue_indirect_dma source(%dma_start3A_596 : memref<589824x128xf32, #tpu.memory_space<hbm>>) target(%arg30 : memref<96x128xf32, #tpu.memory_space<vmem>>) offsets(%arg14 : memref<96xi32, #tpu.memory_space<vmem>>) semaphore(%arg38 : memref<!tpu.dma_semaphore, #tpu.memory_space<semaphore_mem>>)
    %dma_start3A_597 = arith.constant 0 : i32
    %dma_start3A_598 = arith.constant 0 : i32
    %dma_start3A_599 = tpu.memref_slice %arg2[%dma_start3A_597, %dma_start3A_598] : memref<589824x128xf32, #tpu.memory_space<hbm>> -> memref<589824x128xf32, #tpu.memory_space<hbm>>
    tpu.enqueue_indirect_dma source(%dma_start3A_599 : memref<589824x128xf32, #tpu.memory_space<hbm>>) target(%arg32 : memref<96x128xf32, #tpu.memory_space<vmem>>) offsets(%arg16 : memref<96xi32, #tpu.memory_space<vmem>>) semaphore(%arg38 : memref<!tpu.dma_semaphore, #tpu.memory_space<semaphore_mem>>)
    %scan3A = arith.constant 0 : i32
    %scan3A_600 = arith.constant 0 : i32
    %scan3A_601 = arith.constant 33 : i32
    %scan3A_602 = arith.addi %scan3A_600, %scan3A_601 : i32
    %scan3A_603 = arith.constant 1 : i32
    scf.for %scan3A_618 = %scan3A_600 to %scan3A_602 step %scan3A_603  : i32 {
      %mul3A_619 = arith.constant 2 : i32
      %mul3A_620 = arith.muli %mul3A_619, %scan3A_618 : i32
      %add3A_621 = arith.constant 1 : i32
      %add3A_622 = arith.addi %mul3A_620, %add3A_621 : i32
      %lt3A_623 = arith.cmpi slt, %add3A_622, %select_n3A : i32
      %convert_element_type3A_624 = arith.extui %lt3A_623 : i1 to i32
      %cond3A_625 = arith.constant 0 : i32
      %cond3A_626 = arith.cmpi ne, %convert_element_type3A_624, %cond3A_625 : i32
      scf.if %cond3A_626 {
        %dma_wait3A_635 = arith.constant 0 : i32
        %dma_wait3A_636 = tpu.memref_slice %arg3[%dma_wait3A_635] : memref<200096xf32, #tpu.memory_space<hbm>> -> memref<96xf32, #tpu.memory_space<hbm>>
        %dma_wait3A_637 = arith.constant 0 : i32
        %dma_wait3A_638 = tpu.memref_slice %arg3[%dma_wait3A_637] : memref<200096xf32, #tpu.memory_space<hbm>> -> memref<96xf32, #tpu.memory_space<hbm>>
        tpu.wait_dma2 semaphore(%arg37 : memref<!tpu.dma_semaphore, #tpu.memory_space<semaphore_mem>>) src(%dma_wait3A_638 : memref<96xf32, #tpu.memory_space<hbm>>) dst(%arg7 : memref<96xf32, #tpu.memory_space<vmem>>)
        %dma_wait3A_639 = arith.constant 0 : i32
        %dma_wait3A_640 = tpu.memref_slice %arg4[%dma_wait3A_639] : memref<200096xf32, #tpu.memory_space<hbm>> -> memref<96xf32, #tpu.memory_space<hbm>>
        %dma_wait3A_641 = arith.constant 0 : i32
        %dma_wait3A_642 = tpu.memref_slice %arg4[%dma_wait3A_641] : memref<200096xf32, #tpu.memory_space<hbm>> -> memref<96xf32, #tpu.memory_space<hbm>>
        tpu.wait_dma2 semaphore(%arg37 : memref<!tpu.dma_semaphore, #tpu.memory_space<semaphore_mem>>) src(%dma_wait3A_642 : memref<96xf32, #tpu.memory_space<hbm>>) dst(%arg9 : memref<96xf32, #tpu.memory_space<vmem>>)
        %get3A_643 = arith.constant 0 : index
        %get3A_644 = tpu.vector_load %arg7[%get3A_643] {strides = array<i32>} : memref<96xf32, #tpu.memory_space<vmem>>, vector<16xf32>,
        %get3A_645 = arith.constant 0 : index
        %get3A_646 = tpu.vector_load %arg9[%get3A_645] {strides = array<i32>} : memref<96xf32, #tpu.memory_space<vmem>>, vector<16xf32>,
        %add3A_647 = arith.constant 1.000000e+00 : f32
        %add3A_648 = vector.broadcast %add3A_647 : f32 to vector<16xf32>
        %add3A_649 = arith.addf %get3A_644, %add3A_648 : vector<16xf32>
        %mul3A_650 = arith.constant 5.000000e-01 : f32
        %mul3A_651 = vector.broadcast %mul3A_650 : f32 to vector<16xf32>
        %mul3A_652 = arith.mulf %add3A_649, %mul3A_651 : vector<16xf32>
        %mul3A_653 = arith.constant 3.830000e+02 : f32
        %mul3A_654 = vector.broadcast %mul3A_653 : f32 to vector<16xf32>
        %mul3A_655 = arith.mulf %mul3A_652, %mul3A_654 : vector<16xf32>
        %max3A_656 = arith.constant 0.000000e+00 : f32
        %max3A_657 = vector.broadcast %max3A_656 : f32 to vector<16xf32>
        %max3A_658 = arith.maximumf %mul3A_655, %max3A_657 : vector<16xf32>
        %min3A_659 = arith.constant 3.830000e+02 : f32
        %min3A_660 = vector.broadcast %min3A_659 : f32 to vector<16xf32>
        %min3A_661 = arith.minimumf %max3A_658, %min3A_660 : vector<16xf32>
        %add3A_662 = arith.constant 1.000000e+00 : f32
        %add3A_663 = vector.broadcast %add3A_662 : f32 to vector<16xf32>
        %add3A_664 = arith.addf %get3A_646, %add3A_663 : vector<16xf32>
        %mul3A_665 = arith.constant 5.000000e-01 : f32
        %mul3A_666 = vector.broadcast %mul3A_665 : f32 to vector<16xf32>
        %mul3A_667 = arith.mulf %add3A_664, %mul3A_666 : vector<16xf32>
        %mul3A_668 = arith.constant 3.830000e+02 : f32
        %mul3A_669 = vector.broadcast %mul3A_668 : f32 to vector<16xf32>
        %mul3A_670 = arith.mulf %mul3A_667, %mul3A_669 : vector<16xf32>
        %max3A_671 = arith.constant 0.000000e+00 : f32
        %max3A_672 = vector.broadcast %max3A_671 : f32 to vector<16xf32>
        %max3A_673 = arith.maximumf %mul3A_670, %max3A_672 : vector<16xf32>
        %min3A_674 = arith.constant 3.830000e+02 : f32
        %min3A_675 = vector.broadcast %min3A_674 : f32 to vector<16xf32>
        %min3A_676 = arith.minimumf %max3A_673, %min3A_675 : vector<16xf32>
        %convert_element_type3A_677 = arith.fptosi %min3A_661 : vector<16xf32> to vector<16xi32>
        %convert_element_type3A_678 = arith.fptosi %min3A_676 : vector<16xf32> to vector<16xi32>
        %convert_element_type3A_679 = arith.sitofp %convert_element_type3A_677 : vector<16xi32> to vector<16xf32>
        %sub3A_680 = arith.subf %min3A_661, %convert_element_type3A_679 : vector<16xf32>
        %convert_element_type3A_681 = arith.sitofp %convert_element_type3A_678 : vector<16xi32> to vector<16xf32>
        %sub3A_682 = arith.subf %min3A_676, %convert_element_type3A_681 : vector<16xf32>
        %sub3A_683 = arith.constant 1.000000e+00 : f32
        %sub3A_684 = vector.broadcast %sub3A_683 : f32 to vector<16xf32>
        %sub3A_685 = arith.subf %sub3A_684, %sub3A_680 : vector<16xf32>
        %sub3A_686 = arith.constant 1.000000e+00 : f32
        %sub3A_687 = vector.broadcast %sub3A_686 : f32 to vector<16xf32>
        %sub3A_688 = arith.subf %sub3A_687, %sub3A_682 : vector<16xf32>
        %lt3A_689 = arith.constant 383 : i32
        %lt3A_690 = vector.broadcast %lt3A_689 : i32 to vector<16xi32>
        %lt3A_691 = arith.cmpi slt, %convert_element_type3A_677, %lt3A_690 : vector<16xi32>
        %jit3A_692 = arith.constant 1 : i32
        %jit3A_693 = arith.constant 0 : i32
        %broadcast_in_dim3A_694 = vector.broadcast %jit3A_692 : i32 to vector<16xi32>
        %broadcast_in_dim3A_695 = vector.broadcast %jit3A_693 : i32 to vector<16xi32>
        %select_n3A_696 = arith.select %lt3A_691, %broadcast_in_dim3A_694, %broadcast_in_dim3A_695 : vector<16xi1>, vector<16xi32>
        %lt3A_697 = arith.constant 383 : i32
        %lt3A_698 = vector.broadcast %lt3A_697 : i32 to vector<16xi32>
        %lt3A_699 = arith.cmpi slt, %convert_element_type3A_678, %lt3A_698 : vector<16xi32>
        %jit3A_700 = arith.constant 384 : i32
        %jit3A_701 = arith.constant 0 : i32
        %broadcast_in_dim3A_702 = vector.broadcast %jit3A_700 : i32 to vector<16xi32>
        %broadcast_in_dim3A_703 = vector.broadcast %jit3A_701 : i32 to vector<16xi32>
        %select_n3A_704 = arith.select %lt3A_699, %broadcast_in_dim3A_702, %broadcast_in_dim3A_703 : vector<16xi1>, vector<16xi32>
        %mul3A_705 = arith.constant 384 : i32
        %mul3A_706 = vector.broadcast %mul3A_705 : i32 to vector<16xi32>
        %mul3A_707 = arith.muli %convert_element_type3A_678, %mul3A_706 : vector<16xi32>
        %add3A_708 = vector.broadcast %mul3A_4 : i32 to vector<16xi32>
        %add3A_709 = arith.addi %add3A_708, %mul3A_707 : vector<16xi32>
        %add3A_710 = arith.addi %add3A_709, %convert_element_type3A_677 : vector<16xi32>
        %swap3A_711 = arith.constant 0 : index
        %swap3A_712 = tpu.vector_load %arg11[%swap3A_711] {strides = array<i32>} : memref<96xi32, #tpu.memory_space<vmem>>, vector<16xi32>,
        tpu.vector_store %arg11[%swap3A_711], %add3A_710 {strides = array<i32>} : memref<96xi32, #tpu.memory_space<vmem>>, vector<16xi32>,
        %add3A_713 = arith.addi %add3A_710, %select_n3A_696 : vector<16xi32>
        %swap3A_714 = arith.constant 0 : index
        %swap3A_715 = tpu.vector_load %arg13[%swap3A_714] {strides = array<i32>} : memref<96xi32, #tpu.memory_space<vmem>>, vector<16xi32>,
        tpu.vector_store %arg13[%swap3A_714], %add3A_713 {strides = array<i32>} : memref<96xi32, #tpu.memory_space<vmem>>, vector<16xi32>,
        %add3A_716 = arith.addi %add3A_710, %select_n3A_704 : vector<16xi32>
        %swap3A_717 = arith.constant 0 : index
        %swap3A_718 = tpu.vector_load %arg15[%swap3A_717] {strides = array<i32>} : memref<96xi32, #tpu.memory_space<vmem>>, vector<16xi32>,
        tpu.vector_store %arg15[%swap3A_717], %add3A_716 {strides = array<i32>} : memref<96xi32, #tpu.memory_space<vmem>>, vector<16xi32>,
        %add3A_719 = arith.addi %add3A_710, %select_n3A_704 : vector<16xi32>
        %add3A_720 = arith.addi %add3A_719, %select_n3A_696 : vector<16xi32>
        %swap3A_721 = arith.constant 0 : index
        %swap3A_722 = tpu.vector_load %arg17[%swap3A_721] {strides = array<i32>} : memref<96xi32, #tpu.memory_space<vmem>>, vector<16xi32>,
        tpu.vector_store %arg17[%swap3A_721], %add3A_720 {strides = array<i32>} : memref<96xi32, #tpu.memory_space<vmem>>, vector<16xi32>,
        %mul3A_723 = arith.mulf %sub3A_688, %sub3A_685 : vector<16xf32>
        %swap3A_724 = arith.constant 0 : index
        %swap3A_725 = tpu.vector_load %arg19[%swap3A_724] {strides = array<i32>} : memref<96xf32, #tpu.memory_space<vmem>>, vector<16xf32>,
        tpu.vector_store %arg19[%swap3A_724], %mul3A_723 {strides = array<i32>} : memref<96xf32, #tpu.memory_space<vmem>>, vector<16xf32>,
        %mul3A_726 = arith.mulf %sub3A_688, %sub3A_680 : vector<16xf32>
        %swap3A_727 = arith.constant 0 : index
        %swap3A_728 = tpu.vector_load %arg21[%swap3A_727] {strides = array<i32>} : memref<96xf32, #tpu.memory_space<vmem>>, vector<16xf32>,
        tpu.vector_store %arg21[%swap3A_727], %mul3A_726 {strides = array<i32>} : memref<96xf32, #tpu.memory_space<vmem>>, vector<16xf32>,
        %mul3A_729 = arith.mulf %sub3A_682, %sub3A_685 : vector<16xf32>
        %swap3A_730 = arith.constant 0 : index
        %swap3A_731 = tpu.vector_load %arg23[%swap3A_730] {strides = array<i32>} : memref<96xf32, #tpu.memory_space<vmem>>, vector<16xf32>,
        tpu.vector_store %arg23[%swap3A_730], %mul3A_729 {strides = array<i32>} : memref<96xf32, #tpu.memory_space<vmem>>, vector<16xf32>,
        %mul3A_732 = arith.mulf %sub3A_682, %sub3A_680 : vector<16xf32>
        %swap3A_733 = arith.constant 0 : index
        %swap3A_734 = tpu.vector_load %arg25[%swap3A_733] {strides = array<i32>} : memref<96xf32, #tpu.memory_space<vmem>>, vector<16xf32>,
        tpu.vector_store %arg25[%swap3A_733], %mul3A_732 {strides = array<i32>} : memref<96xf32, #tpu.memory_space<vmem>>, vector<16xf32>,
        %get3A_735 = arith.constant 16 : index
        %get3A_736 = tpu.vector_load %arg7[%get3A_735] {strides = array<i32>} : memref<96xf32, #tpu.memory_space<vmem>>, vector<16xf32>,
        %get3A_737 = arith.constant 16 : index
        %get3A_738 = tpu.vector_load %arg9[%get3A_737] {strides = array<i32>} : memref<96xf32, #tpu.memory_space<vmem>>, vector<16xf32>,
        %add3A_739 = arith.constant 1.000000e+00 : f32
        %add3A_740 = vector.broadcast %add3A_739 : f32 to vector<16xf32>
        %add3A_741 = arith.addf %get3A_736, %add3A_740 : vector<16xf32>
        %mul3A_742 = arith.constant 5.000000e-01 : f32
        %mul3A_743 = vector.broadcast %mul3A_742 : f32 to vector<16xf32>
        %mul3A_744 = arith.mulf %add3A_741, %mul3A_743 : vector<16xf32>
        %mul3A_745 = arith.constant 3.830000e+02 : f32
        %mul3A_746 = vector.broadcast %mul3A_745 : f32 to vector<16xf32>
        %mul3A_747 = arith.mulf %mul3A_744, %mul3A_746 : vector<16xf32>
        %max3A_748 = arith.constant 0.000000e+00 : f32
        %max3A_749 = vector.broadcast %max3A_748 : f32 to vector<16xf32>
        %max3A_750 = arith.maximumf %mul3A_747, %max3A_749 : vector<16xf32>
        %min3A_751 = arith.constant 3.830000e+02 : f32
        %min3A_752 = vector.broadcast %min3A_751 : f32 to vector<16xf32>
        %min3A_753 = arith.minimumf %max3A_750, %min3A_752 : vector<16xf32>
        %add3A_754 = arith.constant 1.000000e+00 : f32
        %add3A_755 = vector.broadcast %add3A_754 : f32 to vector<16xf32>
        %add3A_756 = arith.addf %get3A_738, %add3A_755 : vector<16xf32>
        %mul3A_757 = arith.constant 5.000000e-01 : f32
        %mul3A_758 = vector.broadcast %mul3A_757 : f32 to vector<16xf32>
        %mul3A_759 = arith.mulf %add3A_756, %mul3A_758 : vector<16xf32>
        %mul3A_760 = arith.constant 3.830000e+02 : f32
        %mul3A_761 = vector.broadcast %mul3A_760 : f32 to vector<16xf32>
        %mul3A_762 = arith.mulf %mul3A_759, %mul3A_761 : vector<16xf32>
        %max3A_763 = arith.constant 0.000000e+00 : f32
        %max3A_764 = vector.broadcast %max3A_763 : f32 to vector<16xf32>
        %max3A_765 = arith.maximumf %mul3A_762, %max3A_764 : vector<16xf32>
        %min3A_766 = arith.constant 3.830000e+02 : f32
        %min3A_767 = vector.broadcast %min3A_766 : f32 to vector<16xf32>
        %min3A_768 = arith.minimumf %max3A_765, %min3A_767 : vector<16xf32>
        %convert_element_type3A_769 = arith.fptosi %min3A_753 : vector<16xf32> to vector<16xi32>
        %convert_element_type3A_770 = arith.fptosi %min3A_768 : vector<16xf32> to vector<16xi32>
        %convert_element_type3A_771 = arith.sitofp %convert_element_type3A_769 : vector<16xi32> to vector<16xf32>
        %sub3A_772 = arith.subf %min3A_753, %convert_element_type3A_771 : vector<16xf32>
        %convert_element_type3A_773 = arith.sitofp %convert_element_type3A_770 : vector<16xi32> to vector<16xf32>
        %sub3A_774 = arith.subf %min3A_768, %convert_element_type3A_773 : vector<16xf32>
        %sub3A_775 = arith.constant 1.000000e+00 : f32
        %sub3A_776 = vector.broadcast %sub3A_775 : f32 to vector<16xf32>
        %sub3A_777 = arith.subf %sub3A_776, %sub3A_772 : vector<16xf32>
        %sub3A_778 = arith.constant 1.000000e+00 : f32
        %sub3A_779 = vector.broadcast %sub3A_778 : f32 to vector<16xf32>
        %sub3A_780 = arith.subf %sub3A_779, %sub3A_774 : vector<16xf32>
        %lt3A_781 = arith.constant 383 : i32
        %lt3A_782 = vector.broadcast %lt3A_781 : i32 to vector<16xi32>
        %lt3A_783 = arith.cmpi slt, %convert_element_type3A_769, %lt3A_782 : vector<16xi32>
        %jit3A_784 = arith.constant 1 : i32
        %jit3A_785 = arith.constant 0 : i32
        %broadcast_in_dim3A_786 = vector.broadcast %jit3A_784 : i32 to vector<16xi32>
        %broadcast_in_dim3A_787 = vector.broadcast %jit3A_785 : i32 to vector<16xi32>
        %select_n3A_788 = arith.select %lt3A_783, %broadcast_in_dim3A_786, %broadcast_in_dim3A_787 : vector<16xi1>, vector<16xi32>
        %lt3A_789 = arith.constant 383 : i32
        %lt3A_790 = vector.broadcast %lt3A_789 : i32 to vector<16xi32>
        %lt3A_791 = arith.cmpi slt, %convert_element_type3A_770, %lt3A_790 : vector<16xi32>
        %jit3A_792 = arith.constant 384 : i32
        %jit3A_793 = arith.constant 0 : i32
        %broadcast_in_dim3A_794 = vector.broadcast %jit3A_792 : i32 to vector<16xi32>
        %broadcast_in_dim3A_795 = vector.broadcast %jit3A_793 : i32 to vector<16xi32>
        %select_n3A_796 = arith.select %lt3A_791, %broadcast_in_dim3A_794, %broadcast_in_dim3A_795 : vector<16xi1>, vector<16xi32>
        %mul3A_797 = arith.constant 384 : i32
        %mul3A_798 = vector.broadcast %mul3A_797 : i32 to vector<16xi32>
        %mul3A_799 = arith.muli %convert_element_type3A_770, %mul3A_798 : vector<16xi32>
        %add3A_800 = vector.broadcast %mul3A_4 : i32 to vector<16xi32>
        %add3A_801 = arith.addi %add3A_800, %mul3A_799 : vector<16xi32>
        %add3A_802 = arith.addi %add3A_801, %convert_element_type3A_769 : vector<16xi32>
        %swap3A_803 = arith.constant 16 : index
        %swap3A_804 = tpu.vector_load %arg11[%swap3A_803] {strides = array<i32>} : memref<96xi32, #tpu.memory_space<vmem>>, vector<16xi32>,
        tpu.vector_store %arg11[%swap3A_803], %add3A_802 {strides = array<i32>} : memref<96xi32, #tpu.memory_space<vmem>>, vector<16xi32>,
        %add3A_805 = arith.addi %add3A_802, %select_n3A_788 : vector<16xi32>
        %swap3A_806 = arith.constant 16 : index
        %swap3A_807 = tpu.vector_load %arg13[%swap3A_806] {strides = array<i32>} : memref<96xi32, #tpu.memory_space<vmem>>, vector<16xi32>,
        tpu.vector_store %arg13[%swap3A_806], %add3A_805 {strides = array<i32>} : memref<96xi32, #tpu.memory_space<vmem>>, vector<16xi32>,
        %add3A_808 = arith.addi %add3A_802, %select_n3A_796 : vector<16xi32>
        %swap3A_809 = arith.constant 16 : index
        %swap3A_810 = tpu.vector_load %arg15[%swap3A_809] {strides = array<i32>} : memref<96xi32, #tpu.memory_space<vmem>>, vector<16xi32>,
        tpu.vector_store %arg15[%swap3A_809], %add3A_808 {strides = array<i32>} : memref<96xi32, #tpu.memory_space<vmem>>, vector<16xi32>,
        %add3A_811 = arith.addi %add3A_802, %select_n3A_796 : vector<16xi32>
        %add3A_812 = arith.addi %add3A_811, %select_n3A_788 : vector<16xi32>
        %swap3A_813 = arith.constant 16 : index
        %swap3A_814 = tpu.vector_load %arg17[%swap3A_813] {strides = array<i32>} : memref<96xi32, #tpu.memory_space<vmem>>, vector<16xi32>,
        tpu.vector_store %arg17[%swap3A_813], %add3A_812 {strides = array<i32>} : memref<96xi32, #tpu.memory_space<vmem>>, vector<16xi32>,
        %mul3A_815 = arith.mulf %sub3A_780, %sub3A_777 : vector<16xf32>
        %swap3A_816 = arith.constant 16 : index
        %swap3A_817 = tpu.vector_load %arg19[%swap3A_816] {strides = array<i32>} : memref<96xf32, #tpu.memory_space<vmem>>, vector<16xf32>,
        tpu.vector_store %arg19[%swap3A_816], %mul3A_815 {strides = array<i32>} : memref<96xf32, #tpu.memory_space<vmem>>, vector<16xf32>,
        %mul3A_818 = arith.mulf %sub3A_780, %sub3A_772 : vector<16xf32>
        %swap3A_819 = arith.constant 16 : index
        %swap3A_820 = tpu.vector_load %arg21[%swap3A_819] {strides = array<i32>} : memref<96xf32, #tpu.memory_space<vmem>>, vector<16xf32>,
        tpu.vector_store %arg21[%swap3A_819], %mul3A_818 {strides = array<i32>} : memref<96xf32, #tpu.memory_space<vmem>>, vector<16xf32>,
        %mul3A_821 = arith.mulf %sub3A_774, %sub3A_777 : vector<16xf32>
        %swap3A_822 = arith.constant 16 : index
        %swap3A_823 = tpu.vector_load %arg23[%swap3A_822] {strides = array<i32>} : memref<96xf32, #tpu.memory_space<vmem>>, vector<16xf32>,
        tpu.vector_store %arg23[%swap3A_822], %mul3A_821 {strides = array<i32>} : memref<96xf32, #tpu.memory_space<vmem>>, vector<16xf32>,
        %mul3A_824 = arith.mulf %sub3A_774, %sub3A_772 : vector<16xf32>
        %swap3A_825 = arith.constant 16 : index
        %swap3A_826 = tpu.vector_load %arg25[%swap3A_825] {strides = array<i32>} : memref<96xf32, #tpu.memory_space<vmem>>, vector<16xf32>,
        tpu.vector_store %arg25[%swap3A_825], %mul3A_824 {strides = array<i32>} : memref<96xf32, #tpu.memory_space<vmem>>, vector<16xf32>,
        %get3A_827 = arith.constant 32 : index
        %get3A_828 = tpu.vector_load %arg7[%get3A_827] {strides = array<i32>} : memref<96xf32, #tpu.memory_space<vmem>>, vector<16xf32>,
        %get3A_829 = arith.constant 32 : index
        %get3A_830 = tpu.vector_load %arg9[%get3A_829] {strides = array<i32>} : memref<96xf32, #tpu.memory_space<vmem>>, vector<16xf32>,
        %add3A_831 = arith.constant 1.000000e+00 : f32
        %add3A_832 = vector.broadcast %add3A_831 : f32 to vector<16xf32>
        %add3A_833 = arith.addf %get3A_828, %add3A_832 : vector<16xf32>
        %mul3A_834 = arith.constant 5.000000e-01 : f32
        %mul3A_835 = vector.broadcast %mul3A_834 : f32 to vector<16xf32>
        %mul3A_836 = arith.mulf %add3A_833, %mul3A_835 : vector<16xf32>
        %mul3A_837 = arith.constant 3.830000e+02 : f32
        %mul3A_838 = vector.broadcast %mul3A_837 : f32 to vector<16xf32>
        %mul3A_839 = arith.mulf %mul3A_836, %mul3A_838 : vector<16xf32>
        %max3A_840 = arith.constant 0.000000e+00 : f32
        %max3A_841 = vector.broadcast %max3A_840 : f32 to vector<16xf32>
        %max3A_842 = arith.maximumf %mul3A_839, %max3A_841 : vector<16xf32>
        %min3A_843 = arith.constant 3.830000e+02 : f32
        %min3A_844 = vector.broadcast %min3A_843 : f32 to vector<16xf32>
        %min3A_845 = arith.minimumf %max3A_842, %min3A_844 : vector<16xf32>
        %add3A_846 = arith.constant 1.000000e+00 : f32
        %add3A_847 = vector.broadcast %add3A_846 : f32 to vector<16xf32>
        %add3A_848 = arith.addf %get3A_830, %add3A_847 : vector<16xf32>
        %mul3A_849 = arith.constant 5.000000e-01 : f32
        %mul3A_850 = vector.broadcast %mul3A_849 : f32 to vector<16xf32>
        %mul3A_851 = arith.mulf %add3A_848, %mul3A_850 : vector<16xf32>
        %mul3A_852 = arith.constant 3.830000e+02 : f32
        %mul3A_853 = vector.broadcast %mul3A_852 : f32 to vector<16xf32>
        %mul3A_854 = arith.mulf %mul3A_851, %mul3A_853 : vector<16xf32>
        %max3A_855 = arith.constant 0.000000e+00 : f32
        %max3A_856 = vector.broadcast %max3A_855 : f32 to vector<16xf32>
        %max3A_857 = arith.maximumf %mul3A_854, %max3A_856 : vector<16xf32>
        %min3A_858 = arith.constant 3.830000e+02 : f32
        %min3A_859 = vector.broadcast %min3A_858 : f32 to vector<16xf32>
        %min3A_860 = arith.minimumf %max3A_857, %min3A_859 : vector<16xf32>
        %convert_element_type3A_861 = arith.fptosi %min3A_845 : vector<16xf32> to vector<16xi32>
        %convert_element_type3A_862 = arith.fptosi %min3A_860 : vector<16xf32> to vector<16xi32>
        %convert_element_type3A_863 = arith.sitofp %convert_element_type3A_861 : vector<16xi32> to vector<16xf32>
        %sub3A_864 = arith.subf %min3A_845, %convert_element_type3A_863 : vector<16xf32>
        %convert_element_type3A_865 = arith.sitofp %convert_element_type3A_862 : vector<16xi32> to vector<16xf32>
        %sub3A_866 = arith.subf %min3A_860, %convert_element_type3A_865 : vector<16xf32>
        %sub3A_867 = arith.constant 1.000000e+00 : f32
        %sub3A_868 = vector.broadcast %sub3A_867 : f32 to vector<16xf32>
        %sub3A_869 = arith.subf %sub3A_868, %sub3A_864 : vector<16xf32>
        %sub3A_870 = arith.constant 1.000000e+00 : f32
        %sub3A_871 = vector.broadcast %sub3A_870 : f32 to vector<16xf32>
        %sub3A_872 = arith.subf %sub3A_871, %sub3A_866 : vector<16xf32>
        %lt3A_873 = arith.constant 383 : i32
        %lt3A_874 = vector.broadcast %lt3A_873 : i32 to vector<16xi32>
        %lt3A_875 = arith.cmpi slt, %convert_element_type3A_861, %lt3A_874 : vector<16xi32>
        %jit3A_876 = arith.constant 1 : i32
        %jit3A_877 = arith.constant 0 : i32
        %broadcast_in_dim3A_878 = vector.broadcast %jit3A_876 : i32 to vector<16xi32>
        %broadcast_in_dim3A_879 = vector.broadcast %jit3A_877 : i32 to vector<16xi32>
        %select_n3A_880 = arith.select %lt3A_875, %broadcast_in_dim3A_878, %broadcast_in_dim3A_879 : vector<16xi1>, vector<16xi32>
        %lt3A_881 = arith.constant 383 : i32
        %lt3A_882 = vector.broadcast %lt3A_881 : i32 to vector<16xi32>
        %lt3A_883 = arith.cmpi slt, %convert_element_type3A_862, %lt3A_882 : vector<16xi32>
        %jit3A_884 = arith.constant 384 : i32
        %jit3A_885 = arith.constant 0 : i32
        %broadcast_in_dim3A_886 = vector.broadcast %jit3A_884 : i32 to vector<16xi32>
        %broadcast_in_dim3A_887 = vector.broadcast %jit3A_885 : i32 to vector<16xi32>
        %select_n3A_888 = arith.select %lt3A_883, %broadcast_in_dim3A_886, %broadcast_in_dim3A_887 : vector<16xi1>, vector<16xi32>
        %mul3A_889 = arith.constant 384 : i32
        %mul3A_890 = vector.broadcast %mul3A_889 : i32 to vector<16xi32>
        %mul3A_891 = arith.muli %convert_element_type3A_862, %mul3A_890 : vector<16xi32>
        %add3A_892 = vector.broadcast %mul3A_4 : i32 to vector<16xi32>
        %add3A_893 = arith.addi %add3A_892, %mul3A_891 : vector<16xi32>
        %add3A_894 = arith.addi %add3A_893, %convert_element_type3A_861 : vector<16xi32>
        %swap3A_895 = arith.constant 32 : index
        %swap3A_896 = tpu.vector_load %arg11[%swap3A_895] {strides = array<i32>} : memref<96xi32, #tpu.memory_space<vmem>>, vector<16xi32>,
        tpu.vector_store %arg11[%swap3A_895], %add3A_894 {strides = array<i32>} : memref<96xi32, #tpu.memory_space<vmem>>, vector<16xi32>,
        %add3A_897 = arith.addi %add3A_894, %select_n3A_880 : vector<16xi32>
        %swap3A_898 = arith.constant 32 : index
        %swap3A_899 = tpu.vector_load %arg13[%swap3A_898] {strides = array<i32>} : memref<96xi32, #tpu.memory_space<vmem>>, vector<16xi32>,
        tpu.vector_store %arg13[%swap3A_898], %add3A_897 {strides = array<i32>} : memref<96xi32, #tpu.memory_space<vmem>>, vector<16xi32>,
        %add3A_900 = arith.addi %add3A_894, %select_n3A_888 : vector<16xi32>
        %swap3A_901 = arith.constant 32 : index
        %swap3A_902 = tpu.vector_load %arg15[%swap3A_901] {strides = array<i32>} : memref<96xi32, #tpu.memory_space<vmem>>, vector<16xi32>,
        tpu.vector_store %arg15[%swap3A_901], %add3A_900 {strides = array<i32>} : memref<96xi32, #tpu.memory_space<vmem>>, vector<16xi32>,
        %add3A_903 = arith.addi %add3A_894, %select_n3A_888 : vector<16xi32>
        %add3A_904 = arith.addi %add3A_903, %select_n3A_880 : vector<16xi32>
        %swap3A_905 = arith.constant 32 : index
        %swap3A_906 = tpu.vector_load %arg17[%swap3A_905] {strides = array<i32>} : memref<96xi32, #tpu.memory_space<vmem>>, vector<16xi32>,
        tpu.vector_store %arg17[%swap3A_905], %add3A_904 {strides = array<i32>} : memref<96xi32, #tpu.memory_space<vmem>>, vector<16xi32>,
        %mul3A_907 = arith.mulf %sub3A_872, %sub3A_869 : vector<16xf32>
        %swap3A_908 = arith.constant 32 : index
        %swap3A_909 = tpu.vector_load %arg19[%swap3A_908] {strides = array<i32>} : memref<96xf32, #tpu.memory_space<vmem>>, vector<16xf32>,
        tpu.vector_store %arg19[%swap3A_908], %mul3A_907 {strides = array<i32>} : memref<96xf32, #tpu.memory_space<vmem>>, vector<16xf32>,
        %mul3A_910 = arith.mulf %sub3A_872, %sub3A_864 : vector<16xf32>
        %swap3A_911 = arith.constant 32 : index
        %swap3A_912 = tpu.vector_load %arg21[%swap3A_911] {strides = array<i32>} : memref<96xf32, #tpu.memory_space<vmem>>, vector<16xf32>,
        tpu.vector_store %arg21[%swap3A_911], %mul3A_910 {strides = array<i32>} : memref<96xf32, #tpu.memory_space<vmem>>, vector<16xf32>,
        %mul3A_913 = arith.mulf %sub3A_866, %sub3A_869 : vector<16xf32>
        %swap3A_914 = arith.constant 32 : index
        %swap3A_915 = tpu.vector_load %arg23[%swap3A_914] {strides = array<i32>} : memref<96xf32, #tpu.memory_space<vmem>>, vector<16xf32>,
        tpu.vector_store %arg23[%swap3A_914], %mul3A_913 {strides = array<i32>} : memref<96xf32, #tpu.memory_space<vmem>>, vector<16xf32>,
        %mul3A_916 = arith.mulf %sub3A_866, %sub3A_864 : vector<16xf32>
        %swap3A_917 = arith.constant 32 : index
        %swap3A_918 = tpu.vector_load %arg25[%swap3A_917] {strides = array<i32>} : memref<96xf32, #tpu.memory_space<vmem>>, vector<16xf32>,
        tpu.vector_store %arg25[%swap3A_917], %mul3A_916 {strides = array<i32>} : memref<96xf32, #tpu.memory_space<vmem>>, vector<16xf32>,
        %get3A_919 = arith.constant 48 : index
        %get3A_920 = tpu.vector_load %arg7[%get3A_919] {strides = array<i32>} : memref<96xf32, #tpu.memory_space<vmem>>, vector<16xf32>,
        %get3A_921 = arith.constant 48 : index
        %get3A_922 = tpu.vector_load %arg9[%get3A_921] {strides = array<i32>} : memref<96xf32, #tpu.memory_space<vmem>>, vector<16xf32>,
        %add3A_923 = arith.constant 1.000000e+00 : f32
        %add3A_924 = vector.broadcast %add3A_923 : f32 to vector<16xf32>
        %add3A_925 = arith.addf %get3A_920, %add3A_924 : vector<16xf32>
        %mul3A_926 = arith.constant 5.000000e-01 : f32
        %mul3A_927 = vector.broadcast %mul3A_926 : f32 to vector<16xf32>
        %mul3A_928 = arith.mulf %add3A_925, %mul3A_927 : vector<16xf32>
        %mul3A_929 = arith.constant 3.830000e+02 : f32
        %mul3A_930 = vector.broadcast %mul3A_929 : f32 to vector<16xf32>
        %mul3A_931 = arith.mulf %mul3A_928, %mul3A_930 : vector<16xf32>
        %max3A_932 = arith.constant 0.000000e+00 : f32
        %max3A_933 = vector.broadcast %max3A_932 : f32 to vector<16xf32>
        %max3A_934 = arith.maximumf %mul3A_931, %max3A_933 : vector<16xf32>
        %min3A_935 = arith.constant 3.830000e+02 : f32
        %min3A_936 = vector.broadcast %min3A_935 : f32 to vector<16xf32>
        %min3A_937 = arith.minimumf %max3A_934, %min3A_936 : vector<16xf32>
        %add3A_938 = arith.constant 1.000000e+00 : f32
        %add3A_939 = vector.broadcast %add3A_938 : f32 to vector<16xf32>
        %add3A_940 = arith.addf %get3A_922, %add3A_939 : vector<16xf32>
        %mul3A_941 = arith.constant 5.000000e-01 : f32
        %mul3A_942 = vector.broadcast %mul3A_941 : f32 to vector<16xf32>
        %mul3A_943 = arith.mulf %add3A_940, %mul3A_942 : vector<16xf32>
        %mul3A_944 = arith.constant 3.830000e+02 : f32
        %mul3A_945 = vector.broadcast %mul3A_944 : f32 to vector<16xf32>
        %mul3A_946 = arith.mulf %mul3A_943, %mul3A_945 : vector<16xf32>
        %max3A_947 = arith.constant 0.000000e+00 : f32
        %max3A_948 = vector.broadcast %max3A_947 : f32 to vector<16xf32>
        %max3A_949 = arith.maximumf %mul3A_946, %max3A_948 : vector<16xf32>
        %min3A_950 = arith.constant 3.830000e+02 : f32
        %min3A_951 = vector.broadcast %min3A_950 : f32 to vector<16xf32>
        %min3A_952 = arith.minimumf %max3A_949, %min3A_951 : vector<16xf32>
        %convert_element_type3A_953 = arith.fptosi %min3A_937 : vector<16xf32> to vector<16xi32>
        %convert_element_type3A_954 = arith.fptosi %min3A_952 : vector<16xf32> to vector<16xi32>
        %convert_element_type3A_955 = arith.sitofp %convert_element_type3A_953 : vector<16xi32> to vector<16xf32>
        %sub3A_956 = arith.subf %min3A_937, %convert_element_type3A_955 : vector<16xf32>
        %convert_element_type3A_957 = arith.sitofp %convert_element_type3A_954 : vector<16xi32> to vector<16xf32>
        %sub3A_958 = arith.subf %min3A_952, %convert_element_type3A_957 : vector<16xf32>
        %sub3A_959 = arith.constant 1.000000e+00 : f32
        %sub3A_960 = vector.broadcast %sub3A_959 : f32 to vector<16xf32>
        %sub3A_961 = arith.subf %sub3A_960, %sub3A_956 : vector<16xf32>
        %sub3A_962 = arith.constant 1.000000e+00 : f32
        %sub3A_963 = vector.broadcast %sub3A_962 : f32 to vector<16xf32>
        %sub3A_964 = arith.subf %sub3A_963, %sub3A_958 : vector<16xf32>
        %lt3A_965 = arith.constant 383 : i32
        %lt3A_966 = vector.broadcast %lt3A_965 : i32 to vector<16xi32>
        %lt3A_967 = arith.cmpi slt, %convert_element_type3A_953, %lt3A_966 : vector<16xi32>
        %jit3A_968 = arith.constant 1 : i32
        %jit3A_969 = arith.constant 0 : i32
        %broadcast_in_dim3A_970 = vector.broadcast %jit3A_968 : i32 to vector<16xi32>
        %broadcast_in_dim3A_971 = vector.broadcast %jit3A_969 : i32 to vector<16xi32>
        %select_n3A_972 = arith.select %lt3A_967, %broadcast_in_dim3A_970, %broadcast_in_dim3A_971 : vector<16xi1>, vector<16xi32>
        %lt3A_973 = arith.constant 383 : i32
        %lt3A_974 = vector.broadcast %lt3A_973 : i32 to vector<16xi32>
        %lt3A_975 = arith.cmpi slt, %convert_element_type3A_954, %lt3A_974 : vector<16xi32>
        %jit3A_976 = arith.constant 384 : i32
        %jit3A_977 = arith.constant 0 : i32
        %broadcast_in_dim3A_978 = vector.broadcast %jit3A_976 : i32 to vector<16xi32>
        %broadcast_in_dim3A_979 = vector.broadcast %jit3A_977 : i32 to vector<16xi32>
        %select_n3A_980 = arith.select %lt3A_975, %broadcast_in_dim3A_978, %broadcast_in_dim3A_979 : vector<16xi1>, vector<16xi32>
        %mul3A_981 = arith.constant 384 : i32
        %mul3A_982 = vector.broadcast %mul3A_981 : i32 to vector<16xi32>
        %mul3A_983 = arith.muli %convert_element_type3A_954, %mul3A_982 : vector<16xi32>
        %add3A_984 = vector.broadcast %mul3A_4 : i32 to vector<16xi32>
        %add3A_985 = arith.addi %add3A_984, %mul3A_983 : vector<16xi32>
        %add3A_986 = arith.addi %add3A_985, %convert_element_type3A_953 : vector<16xi32>
        %swap3A_987 = arith.constant 48 : index
        %swap3A_988 = tpu.vector_load %arg11[%swap3A_987] {strides = array<i32>} : memref<96xi32, #tpu.memory_space<vmem>>, vector<16xi32>,
        tpu.vector_store %arg11[%swap3A_987], %add3A_986 {strides = array<i32>} : memref<96xi32, #tpu.memory_space<vmem>>, vector<16xi32>,
        %add3A_989 = arith.addi %add3A_986, %select_n3A_972 : vector<16xi32>
        %swap3A_990 = arith.constant 48 : index
        %swap3A_991 = tpu.vector_load %arg13[%swap3A_990] {strides = array<i32>} : memref<96xi32, #tpu.memory_space<vmem>>, vector<16xi32>,
        tpu.vector_store %arg13[%swap3A_990], %add3A_989 {strides = array<i32>} : memref<96xi32, #tpu.memory_space<vmem>>, vector<16xi32>,
        %add3A_992 = arith.addi %add3A_986, %select_n3A_980 : vector<16xi32>
        %swap3A_993 = arith.constant 48 : index
        %swap3A_994 = tpu.vector_load %arg15[%swap3A_993] {strides = array<i32>} : memref<96xi32, #tpu.memory_space<vmem>>, vector<16xi32>,
        tpu.vector_store %arg15[%swap3A_993], %add3A_992 {strides = array<i32>} : memref<96xi32, #tpu.memory_space<vmem>>, vector<16xi32>,
        %add3A_995 = arith.addi %add3A_986, %select_n3A_980 : vector<16xi32>
        %add3A_996 = arith.addi %add3A_995, %select_n3A_972 : vector<16xi32>
        %swap3A_997 = arith.constant 48 : index
        %swap3A_998 = tpu.vector_load %arg17[%swap3A_997] {strides = array<i32>} : memref<96xi32, #tpu.memory_space<vmem>>, vector<16xi32>,
        tpu.vector_store %arg17[%swap3A_997], %add3A_996 {strides = array<i32>} : memref<96xi32, #tpu.memory_space<vmem>>, vector<16xi32>,
        %mul3A_999 = arith.mulf %sub3A_964, %sub3A_961 : vector<16xf32>
        %swap3A_1000 = arith.constant 48 : index
        %swap3A_1001 = tpu.vector_load %arg19[%swap3A_1000] {strides = array<i32>} : memref<96xf32, #tpu.memory_space<vmem>>, vector<16xf32>,
        tpu.vector_store %arg19[%swap3A_1000], %mul3A_999 {strides = array<i32>} : memref<96xf32, #tpu.memory_space<vmem>>, vector<16xf32>,
        %mul3A_1002 = arith.mulf %sub3A_964, %sub3A_956 : vector<16xf32>
        %swap3A_1003 = arith.constant 48 : index
        %swap3A_1004 = tpu.vector_load %arg21[%swap3A_1003] {strides = array<i32>} : memref<96xf32, #tpu.memory_space<vmem>>, vector<16xf32>,
        tpu.vector_store %arg21[%swap3A_1003], %mul3A_1002 {strides = array<i32>} : memref<96xf32, #tpu.memory_space<vmem>>, vector<16xf32>,
        %mul3A_1005 = arith.mulf %sub3A_958, %sub3A_961 : vector<16xf32>
        %swap3A_1006 = arith.constant 48 : index
        %swap3A_1007 = tpu.vector_load %arg23[%swap3A_1006] {strides = array<i32>} : memref<96xf32, #tpu.memory_space<vmem>>, vector<16xf32>,
        tpu.vector_store %arg23[%swap3A_1006], %mul3A_1005 {strides = array<i32>} : memref<96xf32, #tpu.memory_space<vmem>>, vector<16xf32>,
        %mul3A_1008 = arith.mulf %sub3A_958, %sub3A_956 : vector<16xf32>
        %swap3A_1009 = arith.constant 48 : index
        %swap3A_1010 = tpu.vector_load %arg25[%swap3A_1009] {strides = array<i32>} : memref<96xf32, #tpu.memory_space<vmem>>, vector<16xf32>,
        tpu.vector_store %arg25[%swap3A_1009], %mul3A_1008 {strides = array<i32>} : memref<96xf32, #tpu.memory_space<vmem>>, vector<16xf32>,
        %get3A_1011 = arith.constant 64 : index
        %get3A_1012 = tpu.vector_load %arg7[%get3A_1011] {strides = array<i32>} : memref<96xf32, #tpu.memory_space<vmem>>, vector<16xf32>,
        %get3A_1013 = arith.constant 64 : index
        %get3A_1014 = tpu.vector_load %arg9[%get3A_1013] {strides = array<i32>} : memref<96xf32, #tpu.memory_space<vmem>>, vector<16xf32>,
        %add3A_1015 = arith.constant 1.000000e+00 : f32
        %add3A_1016 = vector.broadcast %add3A_1015 : f32 to vector<16xf32>
        %add3A_1017 = arith.addf %get3A_1012, %add3A_1016 : vector<16xf32>
        %mul3A_1018 = arith.constant 5.000000e-01 : f32
        %mul3A_1019 = vector.broadcast %mul3A_1018 : f32 to vector<16xf32>
        %mul3A_1020 = arith.mulf %add3A_1017, %mul3A_1019 : vector<16xf32>
        %mul3A_1021 = arith.constant 3.830000e+02 : f32
        %mul3A_1022 = vector.broadcast %mul3A_1021 : f32 to vector<16xf32>
        %mul3A_1023 = arith.mulf %mul3A_1020, %mul3A_1022 : vector<16xf32>
        %max3A_1024 = arith.constant 0.000000e+00 : f32
        %max3A_1025 = vector.broadcast %max3A_1024 : f32 to vector<16xf32>
        %max3A_1026 = arith.maximumf %mul3A_1023, %max3A_1025 : vector<16xf32>
        %min3A_1027 = arith.constant 3.830000e+02 : f32
        %min3A_1028 = vector.broadcast %min3A_1027 : f32 to vector<16xf32>
        %min3A_1029 = arith.minimumf %max3A_1026, %min3A_1028 : vector<16xf32>
        %add3A_1030 = arith.constant 1.000000e+00 : f32
        %add3A_1031 = vector.broadcast %add3A_1030 : f32 to vector<16xf32>
        %add3A_1032 = arith.addf %get3A_1014, %add3A_1031 : vector<16xf32>
        %mul3A_1033 = arith.constant 5.000000e-01 : f32
        %mul3A_1034 = vector.broadcast %mul3A_1033 : f32 to vector<16xf32>
        %mul3A_1035 = arith.mulf %add3A_1032, %mul3A_1034 : vector<16xf32>
        %mul3A_1036 = arith.constant 3.830000e+02 : f32
        %mul3A_1037 = vector.broadcast %mul3A_1036 : f32 to vector<16xf32>
        %mul3A_1038 = arith.mulf %mul3A_1035, %mul3A_1037 : vector<16xf32>
        %max3A_1039 = arith.constant 0.000000e+00 : f32
        %max3A_1040 = vector.broadcast %max3A_1039 : f32 to vector<16xf32>
        %max3A_1041 = arith.maximumf %mul3A_1038, %max3A_1040 : vector<16xf32>
        %min3A_1042 = arith.constant 3.830000e+02 : f32
        %min3A_1043 = vector.broadcast %min3A_1042 : f32 to vector<16xf32>
        %min3A_1044 = arith.minimumf %max3A_1041, %min3A_1043 : vector<16xf32>
        %convert_element_type3A_1045 = arith.fptosi %min3A_1029 : vector<16xf32> to vector<16xi32>
        %convert_element_type3A_1046 = arith.fptosi %min3A_1044 : vector<16xf32> to vector<16xi32>
        %convert_element_type3A_1047 = arith.sitofp %convert_element_type3A_1045 : vector<16xi32> to vector<16xf32>
        %sub3A_1048 = arith.subf %min3A_1029, %convert_element_type3A_1047 : vector<16xf32>
        %convert_element_type3A_1049 = arith.sitofp %convert_element_type3A_1046 : vector<16xi32> to vector<16xf32>
        %sub3A_1050 = arith.subf %min3A_1044, %convert_element_type3A_1049 : vector<16xf32>
        %sub3A_1051 = arith.constant 1.000000e+00 : f32
        %sub3A_1052 = vector.broadcast %sub3A_1051 : f32 to vector<16xf32>
        %sub3A_1053 = arith.subf %sub3A_1052, %sub3A_1048 : vector<16xf32>
        %sub3A_1054 = arith.constant 1.000000e+00 : f32
        %sub3A_1055 = vector.broadcast %sub3A_1054 : f32 to vector<16xf32>
        %sub3A_1056 = arith.subf %sub3A_1055, %sub3A_1050 : vector<16xf32>
        %lt3A_1057 = arith.constant 383 : i32
        %lt3A_1058 = vector.broadcast %lt3A_1057 : i32 to vector<16xi32>
        %lt3A_1059 = arith.cmpi slt, %convert_element_type3A_1045, %lt3A_1058 : vector<16xi32>
        %jit3A_1060 = arith.constant 1 : i32
        %jit3A_1061 = arith.constant 0 : i32
        %broadcast_in_dim3A_1062 = vector.broadcast %jit3A_1060 : i32 to vector<16xi32>
        %broadcast_in_dim3A_1063 = vector.broadcast %jit3A_1061 : i32 to vector<16xi32>
        %select_n3A_1064 = arith.select %lt3A_1059, %broadcast_in_dim3A_1062, %broadcast_in_dim3A_1063 : vector<16xi1>, vector<16xi32>
        %lt3A_1065 = arith.constant 383 : i32
        %lt3A_1066 = vector.broadcast %lt3A_1065 : i32 to vector<16xi32>
        %lt3A_1067 = arith.cmpi slt, %convert_element_type3A_1046, %lt3A_1066 : vector<16xi32>
        %jit3A_1068 = arith.constant 384 : i32
        %jit3A_1069 = arith.constant 0 : i32
        %broadcast_in_dim3A_1070 = vector.broadcast %jit3A_1068 : i32 to vector<16xi32>
        %broadcast_in_dim3A_1071 = vector.broadcast %jit3A_1069 : i32 to vector<16xi32>
        %select_n3A_1072 = arith.select %lt3A_1067, %broadcast_in_dim3A_1070, %broadcast_in_dim3A_1071 : vector<16xi1>, vector<16xi32>
        %mul3A_1073 = arith.constant 384 : i32
        %mul3A_1074 = vector.broadcast %mul3A_1073 : i32 to vector<16xi32>
        %mul3A_1075 = arith.muli %convert_element_type3A_1046, %mul3A_1074 : vector<16xi32>
        %add3A_1076 = vector.broadcast %mul3A_4 : i32 to vector<16xi32>
        %add3A_1077 = arith.addi %add3A_1076, %mul3A_1075 : vector<16xi32>
        %add3A_1078 = arith.addi %add3A_1077, %convert_element_type3A_1045 : vector<16xi32>
        %swap3A_1079 = arith.constant 64 : index
        %swap3A_1080 = tpu.vector_load %arg11[%swap3A_1079] {strides = array<i32>} : memref<96xi32, #tpu.memory_space<vmem>>, vector<16xi32>,
        tpu.vector_store %arg11[%swap3A_1079], %add3A_1078 {strides = array<i32>} : memref<96xi32, #tpu.memory_space<vmem>>, vector<16xi32>,
        %add3A_1081 = arith.addi %add3A_1078, %select_n3A_1064 : vector<16xi32>
        %swap3A_1082 = arith.constant 64 : index
        %swap3A_1083 = tpu.vector_load %arg13[%swap3A_1082] {strides = array<i32>} : memref<96xi32, #tpu.memory_space<vmem>>, vector<16xi32>,
        tpu.vector_store %arg13[%swap3A_1082], %add3A_1081 {strides = array<i32>} : memref<96xi32, #tpu.memory_space<vmem>>, vector<16xi32>,
        %add3A_1084 = arith.addi %add3A_1078, %select_n3A_1072 : vector<16xi32>
        %swap3A_1085 = arith.constant 64 : index
        %swap3A_1086 = tpu.vector_load %arg15[%swap3A_1085] {strides = array<i32>} : memref<96xi32, #tpu.memory_space<vmem>>, vector<16xi32>,
        tpu.vector_store %arg15[%swap3A_1085], %add3A_1084 {strides = array<i32>} : memref<96xi32, #tpu.memory_space<vmem>>, vector<16xi32>,
        %add3A_1087 = arith.addi %add3A_1078, %select_n3A_1072 : vector<16xi32>
        %add3A_1088 = arith.addi %add3A_1087, %select_n3A_1064 : vector<16xi32>
        %swap3A_1089 = arith.constant 64 : index
        %swap3A_1090 = tpu.vector_load %arg17[%swap3A_1089] {strides = array<i32>} : memref<96xi32, #tpu.memory_space<vmem>>, vector<16xi32>,
        tpu.vector_store %arg17[%swap3A_1089], %add3A_1088 {strides = array<i32>} : memref<96xi32, #tpu.memory_space<vmem>>, vector<16xi32>,
        %mul3A_1091 = arith.mulf %sub3A_1056, %sub3A_1053 : vector<16xf32>
        %swap3A_1092 = arith.constant 64 : index
        %swap3A_1093 = tpu.vector_load %arg19[%swap3A_1092] {strides = array<i32>} : memref<96xf32, #tpu.memory_space<vmem>>, vector<16xf32>,
        tpu.vector_store %arg19[%swap3A_1092], %mul3A_1091 {strides = array<i32>} : memref<96xf32, #tpu.memory_space<vmem>>, vector<16xf32>,
        %mul3A_1094 = arith.mulf %sub3A_1056, %sub3A_1048 : vector<16xf32>
        %swap3A_1095 = arith.constant 64 : index
        %swap3A_1096 = tpu.vector_load %arg21[%swap3A_1095] {strides = array<i32>} : memref<96xf32, #tpu.memory_space<vmem>>, vector<16xf32>,
        tpu.vector_store %arg21[%swap3A_1095], %mul3A_1094 {strides = array<i32>} : memref<96xf32, #tpu.memory_space<vmem>>, vector<16xf32>,
        %mul3A_1097 = arith.mulf %sub3A_1050, %sub3A_1053 : vector<16xf32>
        %swap3A_1098 = arith.constant 64 : index
        %swap3A_1099 = tpu.vector_load %arg23[%swap3A_1098] {strides = array<i32>} : memref<96xf32, #tpu.memory_space<vmem>>, vector<16xf32>,
        tpu.vector_store %arg23[%swap3A_1098], %mul3A_1097 {strides = array<i32>} : memref<96xf32, #tpu.memory_space<vmem>>, vector<16xf32>,
        %mul3A_1100 = arith.mulf %sub3A_1050, %sub3A_1048 : vector<16xf32>
        %swap3A_1101 = arith.constant 64 : index
        %swap3A_1102 = tpu.vector_load %arg25[%swap3A_1101] {strides = array<i32>} : memref<96xf32, #tpu.memory_space<vmem>>, vector<16xf32>,
        tpu.vector_store %arg25[%swap3A_1101], %mul3A_1100 {strides = array<i32>} : memref<96xf32, #tpu.memory_space<vmem>>, vector<16xf32>,
        %get3A_1103 = arith.constant 80 : index
        %get3A_1104 = tpu.vector_load %arg7[%get3A_1103] {strides = array<i32>} : memref<96xf32, #tpu.memory_space<vmem>>, vector<16xf32>,
        %get3A_1105 = arith.constant 80 : index
        %get3A_1106 = tpu.vector_load %arg9[%get3A_1105] {strides = array<i32>} : memref<96xf32, #tpu.memory_space<vmem>>, vector<16xf32>,
        %add3A_1107 = arith.constant 1.000000e+00 : f32
        %add3A_1108 = vector.broadcast %add3A_1107 : f32 to vector<16xf32>
        %add3A_1109 = arith.addf %get3A_1104, %add3A_1108 : vector<16xf32>
        %mul3A_1110 = arith.constant 5.000000e-01 : f32
        %mul3A_1111 = vector.broadcast %mul3A_1110 : f32 to vector<16xf32>
        %mul3A_1112 = arith.mulf %add3A_1109, %mul3A_1111 : vector<16xf32>
        %mul3A_1113 = arith.constant 3.830000e+02 : f32
        %mul3A_1114 = vector.broadcast %mul3A_1113 : f32 to vector<16xf32>
        %mul3A_1115 = arith.mulf %mul3A_1112, %mul3A_1114 : vector<16xf32>
        %max3A_1116 = arith.constant 0.000000e+00 : f32
        %max3A_1117 = vector.broadcast %max3A_1116 : f32 to vector<16xf32>
        %max3A_1118 = arith.maximumf %mul3A_1115, %max3A_1117 : vector<16xf32>
        %min3A_1119 = arith.constant 3.830000e+02 : f32
        %min3A_1120 = vector.broadcast %min3A_1119 : f32 to vector<16xf32>
        %min3A_1121 = arith.minimumf %max3A_1118, %min3A_1120 : vector<16xf32>
        %add3A_1122 = arith.constant 1.000000e+00 : f32
        %add3A_1123 = vector.broadcast %add3A_1122 : f32 to vector<16xf32>
        %add3A_1124 = arith.addf %get3A_1106, %add3A_1123 : vector<16xf32>
        %mul3A_1125 = arith.constant 5.000000e-01 : f32
        %mul3A_1126 = vector.broadcast %mul3A_1125 : f32 to vector<16xf32>
        %mul3A_1127 = arith.mulf %add3A_1124, %mul3A_1126 : vector<16xf32>
        %mul3A_1128 = arith.constant 3.830000e+02 : f32
        %mul3A_1129 = vector.broadcast %mul3A_1128 : f32 to vector<16xf32>
        %mul3A_1130 = arith.mulf %mul3A_1127, %mul3A_1129 : vector<16xf32>
        %max3A_1131 = arith.constant 0.000000e+00 : f32
        %max3A_1132 = vector.broadcast %max3A_1131 : f32 to vector<16xf32>
        %max3A_1133 = arith.maximumf %mul3A_1130, %max3A_1132 : vector<16xf32>
        %min3A_1134 = arith.constant 3.830000e+02 : f32
        %min3A_1135 = vector.broadcast %min3A_1134 : f32 to vector<16xf32>
        %min3A_1136 = arith.minimumf %max3A_1133, %min3A_1135 : vector<16xf32>
        %convert_element_type3A_1137 = arith.fptosi %min3A_1121 : vector<16xf32> to vector<16xi32>
        %convert_element_type3A_1138 = arith.fptosi %min3A_1136 : vector<16xf32> to vector<16xi32>
        %convert_element_type3A_1139 = arith.sitofp %convert_element_type3A_1137 : vector<16xi32> to vector<16xf32>
        %sub3A_1140 = arith.subf %min3A_1121, %convert_element_type3A_1139 : vector<16xf32>
        %convert_element_type3A_1141 = arith.sitofp %convert_element_type3A_1138 : vector<16xi32> to vector<16xf32>
        %sub3A_1142 = arith.subf %min3A_1136, %convert_element_type3A_1141 : vector<16xf32>
        %sub3A_1143 = arith.constant 1.000000e+00 : f32
        %sub3A_1144 = vector.broadcast %sub3A_1143 : f32 to vector<16xf32>
        %sub3A_1145 = arith.subf %sub3A_1144, %sub3A_1140 : vector<16xf32>
        %sub3A_1146 = arith.constant 1.000000e+00 : f32
        %sub3A_1147 = vector.broadcast %sub3A_1146 : f32 to vector<16xf32>
        %sub3A_1148 = arith.subf %sub3A_1147, %sub3A_1142 : vector<16xf32>
        %lt3A_1149 = arith.constant 383 : i32
        %lt3A_1150 = vector.broadcast %lt3A_1149 : i32 to vector<16xi32>
        %lt3A_1151 = arith.cmpi slt, %convert_element_type3A_1137, %lt3A_1150 : vector<16xi32>
        %jit3A_1152 = arith.constant 1 : i32
        %jit3A_1153 = arith.constant 0 : i32
        %broadcast_in_dim3A_1154 = vector.broadcast %jit3A_1152 : i32 to vector<16xi32>
        %broadcast_in_dim3A_1155 = vector.broadcast %jit3A_1153 : i32 to vector<16xi32>
        %select_n3A_1156 = arith.select %lt3A_1151, %broadcast_in_dim3A_1154, %broadcast_in_dim3A_1155 : vector<16xi1>, vector<16xi32>
        %lt3A_1157 = arith.constant 383 : i32
        %lt3A_1158 = vector.broadcast %lt3A_1157 : i32 to vector<16xi32>
        %lt3A_1159 = arith.cmpi slt, %convert_element_type3A_1138, %lt3A_1158 : vector<16xi32>
        %jit3A_1160 = arith.constant 384 : i32
        %jit3A_1161 = arith.constant 0 : i32
        %broadcast_in_dim3A_1162 = vector.broadcast %jit3A_1160 : i32 to vector<16xi32>
        %broadcast_in_dim3A_1163 = vector.broadcast %jit3A_1161 : i32 to vector<16xi32>
        %select_n3A_1164 = arith.select %lt3A_1159, %broadcast_in_dim3A_1162, %broadcast_in_dim3A_1163 : vector<16xi1>, vector<16xi32>
        %mul3A_1165 = arith.constant 384 : i32
        %mul3A_1166 = vector.broadcast %mul3A_1165 : i32 to vector<16xi32>
        %mul3A_1167 = arith.muli %convert_element_type3A_1138, %mul3A_1166 : vector<16xi32>
        %add3A_1168 = vector.broadcast %mul3A_4 : i32 to vector<16xi32>
        %add3A_1169 = arith.addi %add3A_1168, %mul3A_1167 : vector<16xi32>
        %add3A_1170 = arith.addi %add3A_1169, %convert_element_type3A_1137 : vector<16xi32>
        %swap3A_1171 = arith.constant 80 : index
        %swap3A_1172 = tpu.vector_load %arg11[%swap3A_1171] {strides = array<i32>} : memref<96xi32, #tpu.memory_space<vmem>>, vector<16xi32>,
        tpu.vector_store %arg11[%swap3A_1171], %add3A_1170 {strides = array<i32>} : memref<96xi32, #tpu.memory_space<vmem>>, vector<16xi32>,
        %add3A_1173 = arith.addi %add3A_1170, %select_n3A_1156 : vector<16xi32>
        %swap3A_1174 = arith.constant 80 : index
        %swap3A_1175 = tpu.vector_load %arg13[%swap3A_1174] {strides = array<i32>} : memref<96xi32, #tpu.memory_space<vmem>>, vector<16xi32>,
        tpu.vector_store %arg13[%swap3A_1174], %add3A_1173 {strides = array<i32>} : memref<96xi32, #tpu.memory_space<vmem>>, vector<16xi32>,
        %add3A_1176 = arith.addi %add3A_1170, %select_n3A_1164 : vector<16xi32>
        %swap3A_1177 = arith.constant 80 : index
        %swap3A_1178 = tpu.vector_load %arg15[%swap3A_1177] {strides = array<i32>} : memref<96xi32, #tpu.memory_space<vmem>>, vector<16xi32>,
        tpu.vector_store %arg15[%swap3A_1177], %add3A_1176 {strides = array<i32>} : memref<96xi32, #tpu.memory_space<vmem>>, vector<16xi32>,
        %add3A_1179 = arith.addi %add3A_1170, %select_n3A_1164 : vector<16xi32>
        %add3A_1180 = arith.addi %add3A_1179, %select_n3A_1156 : vector<16xi32>
        %swap3A_1181 = arith.constant 80 : index
        %swap3A_1182 = tpu.vector_load %arg17[%swap3A_1181] {strides = array<i32>} : memref<96xi32, #tpu.memory_space<vmem>>, vector<16xi32>,
        tpu.vector_store %arg17[%swap3A_1181], %add3A_1180 {strides = array<i32>} : memref<96xi32, #tpu.memory_space<vmem>>, vector<16xi32>,
        %mul3A_1183 = arith.mulf %sub3A_1148, %sub3A_1145 : vector<16xf32>
        %swap3A_1184 = arith.constant 80 : index
        %swap3A_1185 = tpu.vector_load %arg19[%swap3A_1184] {strides = array<i32>} : memref<96xf32, #tpu.memory_space<vmem>>, vector<16xf32>,
        tpu.vector_store %arg19[%swap3A_1184], %mul3A_1183 {strides = array<i32>} : memref<96xf32, #tpu.memory_space<vmem>>, vector<16xf32>,
        %mul3A_1186 = arith.mulf %sub3A_1148, %sub3A_1140 : vector<16xf32>
        %swap3A_1187 = arith.constant 80 : index
        %swap3A_1188 = tpu.vector_load %arg21[%swap3A_1187] {strides = array<i32>} : memref<96xf32, #tpu.memory_space<vmem>>, vector<16xf32>,
        tpu.vector_store %arg21[%swap3A_1187], %mul3A_1186 {strides = array<i32>} : memref<96xf32, #tpu.memory_space<vmem>>, vector<16xf32>,
        %mul3A_1189 = arith.mulf %sub3A_1142, %sub3A_1145 : vector<16xf32>
        %swap3A_1190 = arith.constant 80 : index
        %swap3A_1191 = tpu.vector_load %arg23[%swap3A_1190] {strides = array<i32>} : memref<96xf32, #tpu.memory_space<vmem>>, vector<16xf32>,
        tpu.vector_store %arg23[%swap3A_1190], %mul3A_1189 {strides = array<i32>} : memref<96xf32, #tpu.memory_space<vmem>>, vector<16xf32>,
        %mul3A_1192 = arith.mulf %sub3A_1142, %sub3A_1140 : vector<16xf32>
        %swap3A_1193 = arith.constant 80 : index
        %swap3A_1194 = tpu.vector_load %arg25[%swap3A_1193] {strides = array<i32>} : memref<96xf32, #tpu.memory_space<vmem>>, vector<16xf32>,
        tpu.vector_store %arg25[%swap3A_1193], %mul3A_1192 {strides = array<i32>} : memref<96xf32, #tpu.memory_space<vmem>>, vector<16xf32>,
        %add3A_1195 = arith.constant 2 : i32
        %add3A_1196 = arith.addi %add3A_622, %add3A_1195 : i32
        %lt3A_1197 = arith.cmpi slt, %add3A_1196, %select_n3A : i32
        %convert_element_type3A_1198 = arith.extui %lt3A_1197 : i1 to i32
        %cond3A_1199 = arith.constant 0 : i32
        %cond3A_1200 = arith.cmpi ne, %convert_element_type3A_1198, %cond3A_1199 : i32
        scf.if %cond3A_1200 {
          %add3A_1213 = arith.constant 2 : i32
          %add3A_1214 = arith.addi %add3A_622, %add3A_1213 : i32
          %mul3A_1215 = arith.constant 96 : i32
          %mul3A_1216 = arith.muli %add3A_1214, %mul3A_1215 : i32
          %add3A_1217 = arith.addi %add3A_9, %mul3A_1216 : i32
          %dma_start3A_1218 = tpu.memref_slice %arg3[%add3A_1217] : memref<200096xf32, #tpu.memory_space<hbm>> -> memref<96xf32, #tpu.memory_space<hbm>>
          %dma_start3A_1219 = tpu.memref_slice %arg3[%add3A_1217] : memref<200096xf32, #tpu.memory_space<hbm>> -> memref<96xf32, #tpu.memory_space<hbm>>
          tpu.enqueue_dma source(%dma_start3A_1219 : memref<96xf32, #tpu.memory_space<hbm>>) target(%arg7 : memref<96xf32, #tpu.memory_space<vmem>>) target_semaphore(%arg37 : memref<!tpu.dma_semaphore, #tpu.memory_space<semaphore_mem>>)
          %mul3A_1220 = arith.constant 96 : i32
          %mul3A_1221 = arith.muli %add3A_1214, %mul3A_1220 : i32
          %add3A_1222 = arith.addi %add3A_9, %mul3A_1221 : i32
          %dma_start3A_1223 = tpu.memref_slice %arg4[%add3A_1222] : memref<200096xf32, #tpu.memory_space<hbm>> -> memref<96xf32, #tpu.memory_space<hbm>>
          %dma_start3A_1224 = tpu.memref_slice %arg4[%add3A_1222] : memref<200096xf32, #tpu.memory_space<hbm>> -> memref<96xf32, #tpu.memory_space<hbm>>
          tpu.enqueue_dma source(%dma_start3A_1224 : memref<96xf32, #tpu.memory_space<hbm>>) target(%arg9 : memref<96xf32, #tpu.memory_space<vmem>>) target_semaphore(%arg37 : memref<!tpu.dma_semaphore, #tpu.memory_space<semaphore_mem>>)
        } else {
        }
        %dma_start3A_1201 = arith.constant 0 : i32
        %dma_start3A_1202 = arith.constant 0 : i32
        %dma_start3A_1203 = tpu.memref_slice %arg2[%dma_start3A_1201, %dma_start3A_1202] : memref<589824x128xf32, #tpu.memory_space<hbm>> -> memref<589824x128xf32, #tpu.memory_space<hbm>>
        tpu.enqueue_indirect_dma source(%dma_start3A_1203 : memref<589824x128xf32, #tpu.memory_space<hbm>>) target(%arg27 : memref<96x128xf32, #tpu.memory_space<vmem>>) offsets(%arg11 : memref<96xi32, #tpu.memory_space<vmem>>) semaphore(%arg39 : memref<!tpu.dma_semaphore, #tpu.memory_space<semaphore_mem>>)
        %dma_start3A_1204 = arith.constant 0 : i32
        %dma_start3A_1205 = arith.constant 0 : i32
        %dma_start3A_1206 = tpu.memref_slice %arg2[%dma_start3A_1204, %dma_start3A_1205] : memref<589824x128xf32, #tpu.memory_space<hbm>> -> memref<589824x128xf32, #tpu.memory_space<hbm>>
        tpu.enqueue_indirect_dma source(%dma_start3A_1206 : memref<589824x128xf32, #tpu.memory_space<hbm>>) target(%arg29 : memref<96x128xf32, #tpu.memory_space<vmem>>) offsets(%arg13 : memref<96xi32, #tpu.memory_space<vmem>>) semaphore(%arg39 : memref<!tpu.dma_semaphore, #tpu.memory_space<semaphore_mem>>)
        %dma_start3A_1207 = arith.constant 0 : i32
        %dma_start3A_1208 = arith.constant 0 : i32
        %dma_start3A_1209 = tpu.memref_slice %arg2[%dma_start3A_1207, %dma_start3A_1208] : memref<589824x128xf32, #tpu.memory_space<hbm>> -> memref<589824x128xf32, #tpu.memory_space<hbm>>
        tpu.enqueue_indirect_dma source(%dma_start3A_1209 : memref<589824x128xf32, #tpu.memory_space<hbm>>) target(%arg31 : memref<96x128xf32, #tpu.memory_space<vmem>>) offsets(%arg15 : memref<96xi32, #tpu.memory_space<vmem>>) semaphore(%arg39 : memref<!tpu.dma_semaphore, #tpu.memory_space<semaphore_mem>>)
        %dma_start3A_1210 = arith.constant 0 : i32
        %dma_start3A_1211 = arith.constant 0 : i32
        %dma_start3A_1212 = tpu.memref_slice %arg2[%dma_start3A_1210, %dma_start3A_1211] : memref<589824x128xf32, #tpu.memory_space<hbm>> -> memref<589824x128xf32, #tpu.memory_space<hbm>>
        tpu.enqueue_indirect_dma source(%dma_start3A_1212 : memref<589824x128xf32, #tpu.memory_space<hbm>>) target(%arg33 : memref<96x128xf32, #tpu.memory_space<vmem>>) offsets(%arg17 : memref<96xi32, #tpu.memory_space<vmem>>) semaphore(%arg39 : memref<!tpu.dma_semaphore, #tpu.memory_space<semaphore_mem>>)
      } else {
      }
      %lt3A_627 = arith.cmpi slt, %mul3A_620, %select_n3A : i32
      %convert_element_type3A_628 = arith.extui %lt3A_627 : i1 to i32
      %cond3A_629 = arith.constant 0 : i32
      %cond3A_630 = arith.cmpi ne, %convert_element_type3A_628, %cond3A_629 : i32
      scf.if %cond3A_630 {
        %dma_wait3A_635 = arith.constant 0 : i32
        %dma_wait3A_636 = arith.constant 0 : i32
        %dma_wait3A_637 = tpu.memref_slice %arg2[%dma_wait3A_635, %dma_wait3A_636] : memref<589824x128xf32, #tpu.memory_space<hbm>> -> memref<589824x128xf32, #tpu.memory_space<hbm>>
        tpu.wait_indirect_dma semaphore(%arg38 : memref<!tpu.dma_semaphore, #tpu.memory_space<semaphore_mem>>) src(%dma_wait3A_637 : memref<589824x128xf32, #tpu.memory_space<hbm>>) dst(%arg26 : memref<96x128xf32, #tpu.memory_space<vmem>>)
        %dma_wait3A_638 = arith.constant 0 : i32
        %dma_wait3A_639 = arith.constant 0 : i32
        %dma_wait3A_640 = tpu.memref_slice %arg2[%dma_wait3A_638, %dma_wait3A_639] : memref<589824x128xf32, #tpu.memory_space<hbm>> -> memref<589824x128xf32, #tpu.memory_space<hbm>>
        tpu.wait_indirect_dma semaphore(%arg38 : memref<!tpu.dma_semaphore, #tpu.memory_space<semaphore_mem>>) src(%dma_wait3A_640 : memref<589824x128xf32, #tpu.memory_space<hbm>>) dst(%arg28 : memref<96x128xf32, #tpu.memory_space<vmem>>)
        %dma_wait3A_641 = arith.constant 0 : i32
        %dma_wait3A_642 = arith.constant 0 : i32
        %dma_wait3A_643 = tpu.memref_slice %arg2[%dma_wait3A_641, %dma_wait3A_642] : memref<589824x128xf32, #tpu.memory_space<hbm>> -> memref<589824x128xf32, #tpu.memory_space<hbm>>
        tpu.wait_indirect_dma semaphore(%arg38 : memref<!tpu.dma_semaphore, #tpu.memory_space<semaphore_mem>>) src(%dma_wait3A_643 : memref<589824x128xf32, #tpu.memory_space<hbm>>) dst(%arg30 : memref<96x128xf32, #tpu.memory_space<vmem>>)
        %dma_wait3A_644 = arith.constant 0 : i32
        %dma_wait3A_645 = arith.constant 0 : i32
        %dma_wait3A_646 = tpu.memref_slice %arg2[%dma_wait3A_644, %dma_wait3A_645] : memref<589824x128xf32, #tpu.memory_space<hbm>> -> memref<589824x128xf32, #tpu.memory_space<hbm>>
        tpu.wait_indirect_dma semaphore(%arg38 : memref<!tpu.dma_semaphore, #tpu.memory_space<semaphore_mem>>) src(%dma_wait3A_646 : memref<589824x128xf32, #tpu.memory_space<hbm>>) dst(%arg32 : memref<96x128xf32, #tpu.memory_space<vmem>>)
        %ge3A = arith.constant 2 : i32
        %ge3A_647 = arith.cmpi sge, %mul3A_620, %ge3A : i32
        %convert_element_type3A_648 = arith.extui %ge3A_647 : i1 to i32
        %cond3A_649 = arith.constant 0 : i32
        %cond3A_650 = arith.cmpi ne, %convert_element_type3A_648, %cond3A_649 : i32
        scf.if %cond3A_650 {
          %dma_wait3A_669 = arith.constant 0 : i32
          %dma_wait3A_670 = arith.constant 0 : i32
          %dma_wait3A_671 = arith.constant 0 : i32
          %dma_wait3A_672 = tpu.memref_slice %arg5[%dma_wait3A_669, %dma_wait3A_670, %dma_wait3A_671] : memref<4x50000x96xf32, #tpu.memory_space<hbm>> -> memref<1x96x96xf32, #tpu.memory_space<hbm>>
          %dma_wait3A_673 = tpu.memref_squeeze %dma_wait3A_672 : memref<1x96x96xf32, #tpu.memory_space<hbm>> -> memref<96x96xf32, #tpu.memory_space<hbm>>
          %dma_wait3A_674 = arith.constant 0 : i32
          %dma_wait3A_675 = arith.constant 0 : i32
          %dma_wait3A_676 = tpu.memref_slice %arg5[%dma_wait3A_669, %dma_wait3A_674, %dma_wait3A_675] : memref<4x50000x96xf32, #tpu.memory_space<hbm>> -> memref<1x96x96xf32, #tpu.memory_space<hbm>>
          %dma_wait3A_677 = tpu.memref_squeeze %dma_wait3A_676 : memref<1x96x96xf32, #tpu.memory_space<hbm>> -> memref<96x96xf32, #tpu.memory_space<hbm>>
          tpu.wait_dma2 semaphore(%arg40 : memref<!tpu.dma_semaphore, #tpu.memory_space<semaphore_mem>>) src(%dma_wait3A_677 : memref<96x96xf32, #tpu.memory_space<hbm>>) dst(%arg34 : memref<96x96xf32, #tpu.memory_space<vmem>>)
        } else {
        }
        %scan3A_651 = arith.constant 0 : i32
        %scan3A_652 = arith.constant 0 : i32
        %scan3A_653 = arith.constant 24 : i32
        %scan3A_654 = arith.addi %scan3A_652, %scan3A_653 : i32
        %scan3A_655 = arith.constant 1 : i32
        scf.for %scan3A_669 = %scan3A_652 to %scan3A_654 step %scan3A_655  : i32 {
          %mul3A_670 = arith.constant 4 : i32
          %mul3A_671 = arith.muli %scan3A_669, %mul3A_670 : i32
          %add3A_672 = arith.constant 0 : i32
          %add3A_673 = arith.addi %mul3A_671, %add3A_672 : i32
          %add3A_674 = vector.broadcast %add3A_673 : i32 to vector<16xi32>
          %add3A_675 = arith.addi %broadcast_in_dim3A_14, %add3A_674 : vector<16xi32>
          %gather3A = tpu.vector_load_idx %arg18[%add3A_675] : memref<96xf32, #tpu.memory_space<vmem>>[vector<16xi32>], vector<16xf32>,
          %gather3A_676 = tpu.vector_load_idx %arg20[%add3A_675] : memref<96xf32, #tpu.memory_space<vmem>>[vector<16xi32>], vector<16xf32>,
          %gather3A_677 = tpu.vector_load_idx %arg22[%add3A_675] : memref<96xf32, #tpu.memory_space<vmem>>[vector<16xi32>], vector<16xf32>,
          %gather3A_678 = tpu.vector_load_idx %arg24[%add3A_675] : memref<96xf32, #tpu.memory_space<vmem>>[vector<16xi32>], vector<16xf32>,
          %get3A_679 = arith.index_cast %add3A_673 : i32 to index
          %get3A_680 = arith.constant 0 : index
          %get3A_681 = tpu.vector_load %arg26[%get3A_679, %get3A_680] {strides = array<i32>} : memref<96x128xf32, #tpu.memory_space<vmem>>, vector<16xf32>,
          %mul3A_682 = arith.mulf %get3A_681, %gather3A : vector<16xf32>
          %get3A_683 = arith.index_cast %add3A_673 : i32 to index
          %get3A_684 = arith.constant 0 : index
          %get3A_685 = tpu.vector_load %arg28[%get3A_683, %get3A_684] {strides = array<i32>} : memref<96x128xf32, #tpu.memory_space<vmem>>, vector<16xf32>,
          %mul3A_686 = arith.mulf %get3A_685, %gather3A_676 : vector<16xf32>
          %add3A_687 = arith.addf %mul3A_682, %mul3A_686 : vector<16xf32>
          %get3A_688 = arith.index_cast %add3A_673 : i32 to index
          %get3A_689 = arith.constant 0 : index
          %get3A_690 = tpu.vector_load %arg30[%get3A_688, %get3A_689] {strides = array<i32>} : memref<96x128xf32, #tpu.memory_space<vmem>>, vector<16xf32>,
          %mul3A_691 = arith.mulf %get3A_690, %gather3A_677 : vector<16xf32>
          %add3A_692 = arith.addf %add3A_687, %mul3A_691 : vector<16xf32>
          %get3A_693 = arith.index_cast %add3A_673 : i32 to index
          %get3A_694 = arith.constant 0 : index
          %get3A_695 = tpu.vector_load %arg32[%get3A_693, %get3A_694] {strides = array<i32>} : memref<96x128xf32, #tpu.memory_space<vmem>>, vector<16xf32>,
          %mul3A_696 = arith.mulf %get3A_695, %gather3A_678 : vector<16xf32>
          %add3A_697 = arith.addf %add3A_692, %mul3A_696 : vector<16xf32>
          %swap3A_698 = arith.index_cast %add3A_673 : i32 to index
          %swap3A_699 = arith.constant 0 : index
          %swap3A_700 = tpu.vector_load %arg34[%swap3A_698, %swap3A_699] {strides = array<i32>} : memref<96x96xf32, #tpu.memory_space<vmem>>, vector<16xf32>,
          tpu.vector_store %arg34[%swap3A_698, %swap3A_699], %add3A_697 {strides = array<i32>} : memref<96x96xf32, #tpu.memory_space<vmem>>, vector<16xf32>,
          %get3A_701 = arith.index_cast %add3A_673 : i32 to index
          %get3A_702 = arith.constant 16 : index
          %get3A_703 = tpu.vector_load %arg26[%get3A_701, %get3A_702] {strides = array<i32>} : memref<96x128xf32, #tpu.memory_space<vmem>>, vector<16xf32>,
          %mul3A_704 = arith.mulf %get3A_703, %gather3A : vector<16xf32>
          %get3A_705 = arith.index_cast %add3A_673 : i32 to index
          %get3A_706 = arith.constant 16 : index
          %get3A_707 = tpu.vector_load %arg28[%get3A_705, %get3A_706] {strides = array<i32>} : memref<96x128xf32, #tpu.memory_space<vmem>>, vector<16xf32>,
          %mul3A_708 = arith.mulf %get3A_707, %gather3A_676 : vector<16xf32>
          %add3A_709 = arith.addf %mul3A_704, %mul3A_708 : vector<16xf32>
          %get3A_710 = arith.index_cast %add3A_673 : i32 to index
          %get3A_711 = arith.constant 16 : index
          %get3A_712 = tpu.vector_load %arg30[%get3A_710, %get3A_711] {strides = array<i32>} : memref<96x128xf32, #tpu.memory_space<vmem>>, vector<16xf32>,
          %mul3A_713 = arith.mulf %get3A_712, %gather3A_677 : vector<16xf32>
          %add3A_714 = arith.addf %add3A_709, %mul3A_713 : vector<16xf32>
          %get3A_715 = arith.index_cast %add3A_673 : i32 to index
          %get3A_716 = arith.constant 16 : index
          %get3A_717 = tpu.vector_load %arg32[%get3A_715, %get3A_716] {strides = array<i32>} : memref<96x128xf32, #tpu.memory_space<vmem>>, vector<16xf32>,
          %mul3A_718 = arith.mulf %get3A_717, %gather3A_678 : vector<16xf32>
          %add3A_719 = arith.addf %add3A_714, %mul3A_718 : vector<16xf32>
          %swap3A_720 = arith.index_cast %add3A_673 : i32 to index
          %swap3A_721 = arith.constant 16 : index
          %swap3A_722 = tpu.vector_load %arg34[%swap3A_720, %swap3A_721] {strides = array<i32>} : memref<96x96xf32, #tpu.memory_space<vmem>>, vector<16xf32>,
          tpu.vector_store %arg34[%swap3A_720, %swap3A_721], %add3A_719 {strides = array<i32>} : memref<96x96xf32, #tpu.memory_space<vmem>>, vector<16xf32>,
          %get3A_723 = arith.index_cast %add3A_673 : i32 to index
          %get3A_724 = arith.constant 32 : index
          %get3A_725 = tpu.vector_load %arg26[%get3A_723, %get3A_724] {strides = array<i32>} : memref<96x128xf32, #tpu.memory_space<vmem>>, vector<16xf32>,
          %mul3A_726 = arith.mulf %get3A_725, %gather3A : vector<16xf32>
          %get3A_727 = arith.index_cast %add3A_673 : i32 to index
          %get3A_728 = arith.constant 32 : index
          %get3A_729 = tpu.vector_load %arg28[%get3A_727, %get3A_728] {strides = array<i32>} : memref<96x128xf32, #tpu.memory_space<vmem>>, vector<16xf32>,
          %mul3A_730 = arith.mulf %get3A_729, %gather3A_676 : vector<16xf32>
          %add3A_731 = arith.addf %mul3A_726, %mul3A_730 : vector<16xf32>
          %get3A_732 = arith.index_cast %add3A_673 : i32 to index
          %get3A_733 = arith.constant 32 : index
          %get3A_734 = tpu.vector_load %arg30[%get3A_732, %get3A_733] {strides = array<i32>} : memref<96x128xf32, #tpu.memory_space<vmem>>, vector<16xf32>,
          %mul3A_735 = arith.mulf %get3A_734, %gather3A_677 : vector<16xf32>
          %add3A_736 = arith.addf %add3A_731, %mul3A_735 : vector<16xf32>
          %get3A_737 = arith.index_cast %add3A_673 : i32 to index
          %get3A_738 = arith.constant 32 : index
          %get3A_739 = tpu.vector_load %arg32[%get3A_737, %get3A_738] {strides = array<i32>} : memref<96x128xf32, #tpu.memory_space<vmem>>, vector<16xf32>,
          %mul3A_740 = arith.mulf %get3A_739, %gather3A_678 : vector<16xf32>
          %add3A_741 = arith.addf %add3A_736, %mul3A_740 : vector<16xf32>
          %swap3A_742 = arith.index_cast %add3A_673 : i32 to index
          %swap3A_743 = arith.constant 32 : index
          %swap3A_744 = tpu.vector_load %arg34[%swap3A_742, %swap3A_743] {strides = array<i32>} : memref<96x96xf32, #tpu.memory_space<vmem>>, vector<16xf32>,
          tpu.vector_store %arg34[%swap3A_742, %swap3A_743], %add3A_741 {strides = array<i32>} : memref<96x96xf32, #tpu.memory_space<vmem>>, vector<16xf32>,
          %get3A_745 = arith.index_cast %add3A_673 : i32 to index
          %get3A_746 = arith.constant 48 : index
          %get3A_747 = tpu.vector_load %arg26[%get3A_745, %get3A_746] {strides = array<i32>} : memref<96x128xf32, #tpu.memory_space<vmem>>, vector<16xf32>,
          %mul3A_748 = arith.mulf %get3A_747, %gather3A : vector<16xf32>
          %get3A_749 = arith.index_cast %add3A_673 : i32 to index
          %get3A_750 = arith.constant 48 : index
          %get3A_751 = tpu.vector_load %arg28[%get3A_749, %get3A_750] {strides = array<i32>} : memref<96x128xf32, #tpu.memory_space<vmem>>, vector<16xf32>,
          %mul3A_752 = arith.mulf %get3A_751, %gather3A_676 : vector<16xf32>
          %add3A_753 = arith.addf %mul3A_748, %mul3A_752 : vector<16xf32>
          %get3A_754 = arith.index_cast %add3A_673 : i32 to index
          %get3A_755 = arith.constant 48 : index
          %get3A_756 = tpu.vector_load %arg30[%get3A_754, %get3A_755] {strides = array<i32>} : memref<96x128xf32, #tpu.memory_space<vmem>>, vector<16xf32>,
          %mul3A_757 = arith.mulf %get3A_756, %gather3A_677 : vector<16xf32>
          %add3A_758 = arith.addf %add3A_753, %mul3A_757 : vector<16xf32>
          %get3A_759 = arith.index_cast %add3A_673 : i32 to index
          %get3A_760 = arith.constant 48 : index
          %get3A_761 = tpu.vector_load %arg32[%get3A_759, %get3A_760] {strides = array<i32>} : memref<96x128xf32, #tpu.memory_space<vmem>>, vector<16xf32>,
          %mul3A_762 = arith.mulf %get3A_761, %gather3A_678 : vector<16xf32>
          %add3A_763 = arith.addf %add3A_758, %mul3A_762 : vector<16xf32>
          %swap3A_764 = arith.index_cast %add3A_673 : i32 to index
          %swap3A_765 = arith.constant 48 : index
          %swap3A_766 = tpu.vector_load %arg34[%swap3A_764, %swap3A_765] {strides = array<i32>} : memref<96x96xf32, #tpu.memory_space<vmem>>, vector<16xf32>,
          tpu.vector_store %arg34[%swap3A_764, %swap3A_765], %add3A_763 {strides = array<i32>} : memref<96x96xf32, #tpu.memory_space<vmem>>, vector<16xf32>,
          %get3A_767 = arith.index_cast %add3A_673 : i32 to index
          %get3A_768 = arith.constant 64 : index
          %get3A_769 = tpu.vector_load %arg26[%get3A_767, %get3A_768] {strides = array<i32>} : memref<96x128xf32, #tpu.memory_space<vmem>>, vector<16xf32>,
          %mul3A_770 = arith.mulf %get3A_769, %gather3A : vector<16xf32>
          %get3A_771 = arith.index_cast %add3A_673 : i32 to index
          %get3A_772 = arith.constant 64 : index
          %get3A_773 = tpu.vector_load %arg28[%get3A_771, %get3A_772] {strides = array<i32>} : memref<96x128xf32, #tpu.memory_space<vmem>>, vector<16xf32>,
          %mul3A_774 = arith.mulf %get3A_773, %gather3A_676 : vector<16xf32>
          %add3A_775 = arith.addf %mul3A_770, %mul3A_774 : vector<16xf32>
          %get3A_776 = arith.index_cast %add3A_673 : i32 to index
          %get3A_777 = arith.constant 64 : index
          %get3A_778 = tpu.vector_load %arg30[%get3A_776, %get3A_777] {strides = array<i32>} : memref<96x128xf32, #tpu.memory_space<vmem>>, vector<16xf32>,
          %mul3A_779 = arith.mulf %get3A_778, %gather3A_677 : vector<16xf32>
          %add3A_780 = arith.addf %add3A_775, %mul3A_779 : vector<16xf32>
          %get3A_781 = arith.index_cast %add3A_673 : i32 to index
          %get3A_782 = arith.constant 64 : index
          %get3A_783 = tpu.vector_load %arg32[%get3A_781, %get3A_782] {strides = array<i32>} : memref<96x128xf32, #tpu.memory_space<vmem>>, vector<16xf32>,
          %mul3A_784 = arith.mulf %get3A_783, %gather3A_678 : vector<16xf32>
          %add3A_785 = arith.addf %add3A_780, %mul3A_784 : vector<16xf32>
          %swap3A_786 = arith.index_cast %add3A_673 : i32 to index
          %swap3A_787 = arith.constant 64 : index
          %swap3A_788 = tpu.vector_load %arg34[%swap3A_786, %swap3A_787] {strides = array<i32>} : memref<96x96xf32, #tpu.memory_space<vmem>>, vector<16xf32>,
          tpu.vector_store %arg34[%swap3A_786, %swap3A_787], %add3A_785 {strides = array<i32>} : memref<96x96xf32, #tpu.memory_space<vmem>>, vector<16xf32>,
          %get3A_789 = arith.index_cast %add3A_673 : i32 to index
          %get3A_790 = arith.constant 80 : index
          %get3A_791 = tpu.vector_load %arg26[%get3A_789, %get3A_790] {strides = array<i32>} : memref<96x128xf32, #tpu.memory_space<vmem>>, vector<16xf32>,
          %mul3A_792 = arith.mulf %get3A_791, %gather3A : vector<16xf32>
          %get3A_793 = arith.index_cast %add3A_673 : i32 to index
          %get3A_794 = arith.constant 80 : index
          %get3A_795 = tpu.vector_load %arg28[%get3A_793, %get3A_794] {strides = array<i32>} : memref<96x128xf32, #tpu.memory_space<vmem>>, vector<16xf32>,
          %mul3A_796 = arith.mulf %get3A_795, %gather3A_676 : vector<16xf32>
          %add3A_797 = arith.addf %mul3A_792, %mul3A_796 : vector<16xf32>
          %get3A_798 = arith.index_cast %add3A_673 : i32 to index
          %get3A_799 = arith.constant 80 : index
          %get3A_800 = tpu.vector_load %arg30[%get3A_798, %get3A_799] {strides = array<i32>} : memref<96x128xf32, #tpu.memory_space<vmem>>, vector<16xf32>,
          %mul3A_801 = arith.mulf %get3A_800, %gather3A_677 : vector<16xf32>
          %add3A_802 = arith.addf %add3A_797, %mul3A_801 : vector<16xf32>
          %get3A_803 = arith.index_cast %add3A_673 : i32 to index
          %get3A_804 = arith.constant 80 : index
          %get3A_805 = tpu.vector_load %arg32[%get3A_803, %get3A_804] {strides = array<i32>} : memref<96x128xf32, #tpu.memory_space<vmem>>, vector<16xf32>,
          %mul3A_806 = arith.mulf %get3A_805, %gather3A_678 : vector<16xf32>
          %add3A_807 = arith.addf %add3A_802, %mul3A_806 : vector<16xf32>
          %swap3A_808 = arith.index_cast %add3A_673 : i32 to index
          %swap3A_809 = arith.constant 80 : index
          %swap3A_810 = tpu.vector_load %arg34[%swap3A_808, %swap3A_809] {strides = array<i32>} : memref<96x96xf32, #tpu.memory_space<vmem>>, vector<16xf32>,
          tpu.vector_store %arg34[%swap3A_808, %swap3A_809], %add3A_807 {strides = array<i32>} : memref<96x96xf32, #tpu.memory_space<vmem>>, vector<16xf32>,
          %mul3A_811 = arith.constant 4 : i32
          %mul3A_812 = arith.muli %scan3A_669, %mul3A_811 : i32
          %add3A_813 = arith.constant 1 : i32
          %add3A_814 = arith.addi %mul3A_812, %add3A_813 : i32
          %add3A_815 = vector.broadcast %add3A_814 : i32 to vector<16xi32>
          %add3A_816 = arith.addi %broadcast_in_dim3A_14, %add3A_815 : vector<16xi32>
          %gather3A_817 = tpu.vector_load_idx %arg18[%add3A_816] : memref<96xf32, #tpu.memory_space<vmem>>[vector<16xi32>], vector<16xf32>,
          %gather3A_818 = tpu.vector_load_idx %arg20[%add3A_816] : memref<96xf32, #tpu.memory_space<vmem>>[vector<16xi32>], vector<16xf32>,
          %gather3A_819 = tpu.vector_load_idx %arg22[%add3A_816] : memref<96xf32, #tpu.memory_space<vmem>>[vector<16xi32>], vector<16xf32>,
          %gather3A_820 = tpu.vector_load_idx %arg24[%add3A_816] : memref<96xf32, #tpu.memory_space<vmem>>[vector<16xi32>], vector<16xf32>,
          %get3A_821 = arith.index_cast %add3A_814 : i32 to index
          %get3A_822 = arith.constant 0 : index
          %get3A_823 = tpu.vector_load %arg26[%get3A_821, %get3A_822] {strides = array<i32>} : memref<96x128xf32, #tpu.memory_space<vmem>>, vector<16xf32>,
          %mul3A_824 = arith.mulf %get3A_823, %gather3A_817 : vector<16xf32>
          %get3A_825 = arith.index_cast %add3A_814 : i32 to index
          %get3A_826 = arith.constant 0 : index
          %get3A_827 = tpu.vector_load %arg28[%get3A_825, %get3A_826] {strides = array<i32>} : memref<96x128xf32, #tpu.memory_space<vmem>>, vector<16xf32>,
          %mul3A_828 = arith.mulf %get3A_827, %gather3A_818 : vector<16xf32>
          %add3A_829 = arith.addf %mul3A_824, %mul3A_828 : vector<16xf32>
          %get3A_830 = arith.index_cast %add3A_814 : i32 to index
          %get3A_831 = arith.constant 0 : index
          %get3A_832 = tpu.vector_load %arg30[%get3A_830, %get3A_831] {strides = array<i32>} : memref<96x128xf32, #tpu.memory_space<vmem>>, vector<16xf32>,
          %mul3A_833 = arith.mulf %get3A_832, %gather3A_819 : vector<16xf32>
          %add3A_834 = arith.addf %add3A_829, %mul3A_833 : vector<16xf32>
          %get3A_835 = arith.index_cast %add3A_814 : i32 to index
          %get3A_836 = arith.constant 0 : index
          %get3A_837 = tpu.vector_load %arg32[%get3A_835, %get3A_836] {strides = array<i32>} : memref<96x128xf32, #tpu.memory_space<vmem>>, vector<16xf32>,
          %mul3A_838 = arith.mulf %get3A_837, %gather3A_820 : vector<16xf32>
          %add3A_839 = arith.addf %add3A_834, %mul3A_838 : vector<16xf32>
          %swap3A_840 = arith.index_cast %add3A_814 : i32 to index
          %swap3A_841 = arith.constant 0 : index
          %swap3A_842 = tpu.vector_load %arg34[%swap3A_840, %swap3A_841] {strides = array<i32>} : memref<96x96xf32, #tpu.memory_space<vmem>>, vector<16xf32>,
          tpu.vector_store %arg34[%swap3A_840, %swap3A_841], %add3A_839 {strides = array<i32>} : memref<96x96xf32, #tpu.memory_space<vmem>>, vector<16xf32>,
          %get3A_843 = arith.index_cast %add3A_814 : i32 to index
          %get3A_844 = arith.constant 16 : index
          %get3A_845 = tpu.vector_load %arg26[%get3A_843, %get3A_844] {strides = array<i32>} : memref<96x128xf32, #tpu.memory_space<vmem>>, vector<16xf32>,
          %mul3A_846 = arith.mulf %get3A_845, %gather3A_817 : vector<16xf32>
          %get3A_847 = arith.index_cast %add3A_814 : i32 to index
          %get3A_848 = arith.constant 16 : index
          %get3A_849 = tpu.vector_load %arg28[%get3A_847, %get3A_848] {strides = array<i32>} : memref<96x128xf32, #tpu.memory_space<vmem>>, vector<16xf32>,
          %mul3A_850 = arith.mulf %get3A_849, %gather3A_818 : vector<16xf32>
          %add3A_851 = arith.addf %mul3A_846, %mul3A_850 : vector<16xf32>
          %get3A_852 = arith.index_cast %add3A_814 : i32 to index
          %get3A_853 = arith.constant 16 : index
          %get3A_854 = tpu.vector_load %arg30[%get3A_852, %get3A_853] {strides = array<i32>} : memref<96x128xf32, #tpu.memory_space<vmem>>, vector<16xf32>,
          %mul3A_855 = arith.mulf %get3A_854, %gather3A_819 : vector<16xf32>
          %add3A_856 = arith.addf %add3A_851, %mul3A_855 : vector<16xf32>
          %get3A_857 = arith.index_cast %add3A_814 : i32 to index
          %get3A_858 = arith.constant 16 : index
          %get3A_859 = tpu.vector_load %arg32[%get3A_857, %get3A_858] {strides = array<i32>} : memref<96x128xf32, #tpu.memory_space<vmem>>, vector<16xf32>,
          %mul3A_860 = arith.mulf %get3A_859, %gather3A_820 : vector<16xf32>
          %add3A_861 = arith.addf %add3A_856, %mul3A_860 : vector<16xf32>
          %swap3A_862 = arith.index_cast %add3A_814 : i32 to index
          %swap3A_863 = arith.constant 16 : index
          %swap3A_864 = tpu.vector_load %arg34[%swap3A_862, %swap3A_863] {strides = array<i32>} : memref<96x96xf32, #tpu.memory_space<vmem>>, vector<16xf32>,
          tpu.vector_store %arg34[%swap3A_862, %swap3A_863], %add3A_861 {strides = array<i32>} : memref<96x96xf32, #tpu.memory_space<vmem>>, vector<16xf32>,
          %get3A_865 = arith.index_cast %add3A_814 : i32 to index
          %get3A_866 = arith.constant 32 : index
          %get3A_867 = tpu.vector_load %arg26[%get3A_865, %get3A_866] {strides = array<i32>} : memref<96x128xf32, #tpu.memory_space<vmem>>, vector<16xf32>,
          %mul3A_868 = arith.mulf %get3A_867, %gather3A_817 : vector<16xf32>
          %get3A_869 = arith.index_cast %add3A_814 : i32 to index
          %get3A_870 = arith.constant 32 : index
          %get3A_871 = tpu.vector_load %arg28[%get3A_869, %get3A_870] {strides = array<i32>} : memref<96x128xf32, #tpu.memory_space<vmem>>, vector<16xf32>,
          %mul3A_872 = arith.mulf %get3A_871, %gather3A_818 : vector<16xf32>
          %add3A_873 = arith.addf %mul3A_868, %mul3A_872 : vector<16xf32>
          %get3A_874 = arith.index_cast %add3A_814 : i32 to index
          %get3A_875 = arith.constant 32 : index
          %get3A_876 = tpu.vector_load %arg30[%get3A_874, %get3A_875] {strides = array<i32>} : memref<96x128xf32, #tpu.memory_space<vmem>>, vector<16xf32>,
          %mul3A_877 = arith.mulf %get3A_876, %gather3A_819 : vector<16xf32>
          %add3A_878 = arith.addf %add3A_873, %mul3A_877 : vector<16xf32>
          %get3A_879 = arith.index_cast %add3A_814 : i32 to index
          %get3A_880 = arith.constant 32 : index
          %get3A_881 = tpu.vector_load %arg32[%get3A_879, %get3A_880] {strides = array<i32>} : memref<96x128xf32, #tpu.memory_space<vmem>>, vector<16xf32>,
          %mul3A_882 = arith.mulf %get3A_881, %gather3A_820 : vector<16xf32>
          %add3A_883 = arith.addf %add3A_878, %mul3A_882 : vector<16xf32>
          %swap3A_884 = arith.index_cast %add3A_814 : i32 to index
          %swap3A_885 = arith.constant 32 : index
          %swap3A_886 = tpu.vector_load %arg34[%swap3A_884, %swap3A_885] {strides = array<i32>} : memref<96x96xf32, #tpu.memory_space<vmem>>, vector<16xf32>,
          tpu.vector_store %arg34[%swap3A_884, %swap3A_885], %add3A_883 {strides = array<i32>} : memref<96x96xf32, #tpu.memory_space<vmem>>, vector<16xf32>,
          %get3A_887 = arith.index_cast %add3A_814 : i32 to index
          %get3A_888 = arith.constant 48 : index
          %get3A_889 = tpu.vector_load %arg26[%get3A_887, %get3A_888] {strides = array<i32>} : memref<96x128xf32, #tpu.memory_space<vmem>>, vector<16xf32>,
          %mul3A_890 = arith.mulf %get3A_889, %gather3A_817 : vector<16xf32>
          %get3A_891 = arith.index_cast %add3A_814 : i32 to index
          %get3A_892 = arith.constant 48 : index
          %get3A_893 = tpu.vector_load %arg28[%get3A_891, %get3A_892] {strides = array<i32>} : memref<96x128xf32, #tpu.memory_space<vmem>>, vector<16xf32>,
          %mul3A_894 = arith.mulf %get3A_893, %gather3A_818 : vector<16xf32>
          %add3A_895 = arith.addf %mul3A_890, %mul3A_894 : vector<16xf32>
          %get3A_896 = arith.index_cast %add3A_814 : i32 to index
          %get3A_897 = arith.constant 48 : index
          %get3A_898 = tpu.vector_load %arg30[%get3A_896, %get3A_897] {strides = array<i32>} : memref<96x128xf32, #tpu.memory_space<vmem>>, vector<16xf32>,
          %mul3A_899 = arith.mulf %get3A_898, %gather3A_819 : vector<16xf32>
          %add3A_900 = arith.addf %add3A_895, %mul3A_899 : vector<16xf32>
          %get3A_901 = arith.index_cast %add3A_814 : i32 to index
          %get3A_902 = arith.constant 48 : index
          %get3A_903 = tpu.vector_load %arg32[%get3A_901, %get3A_902] {strides = array<i32>} : memref<96x128xf32, #tpu.memory_space<vmem>>, vector<16xf32>,
          %mul3A_904 = arith.mulf %get3A_903, %gather3A_820 : vector<16xf32>
          %add3A_905 = arith.addf %add3A_900, %mul3A_904 : vector<16xf32>
          %swap3A_906 = arith.index_cast %add3A_814 : i32 to index
          %swap3A_907 = arith.constant 48 : index
          %swap3A_908 = tpu.vector_load %arg34[%swap3A_906, %swap3A_907] {strides = array<i32>} : memref<96x96xf32, #tpu.memory_space<vmem>>, vector<16xf32>,
          tpu.vector_store %arg34[%swap3A_906, %swap3A_907], %add3A_905 {strides = array<i32>} : memref<96x96xf32, #tpu.memory_space<vmem>>, vector<16xf32>,
          %get3A_909 = arith.index_cast %add3A_814 : i32 to index
          %get3A_910 = arith.constant 64 : index
          %get3A_911 = tpu.vector_load %arg26[%get3A_909, %get3A_910] {strides = array<i32>} : memref<96x128xf32, #tpu.memory_space<vmem>>, vector<16xf32>,
          %mul3A_912 = arith.mulf %get3A_911, %gather3A_817 : vector<16xf32>
          %get3A_913 = arith.index_cast %add3A_814 : i32 to index
          %get3A_914 = arith.constant 64 : index
          %get3A_915 = tpu.vector_load %arg28[%get3A_913, %get3A_914] {strides = array<i32>} : memref<96x128xf32, #tpu.memory_space<vmem>>, vector<16xf32>,
          %mul3A_916 = arith.mulf %get3A_915, %gather3A_818 : vector<16xf32>
          %add3A_917 = arith.addf %mul3A_912, %mul3A_916 : vector<16xf32>
          %get3A_918 = arith.index_cast %add3A_814 : i32 to index
          %get3A_919 = arith.constant 64 : index
          %get3A_920 = tpu.vector_load %arg30[%get3A_918, %get3A_919] {strides = array<i32>} : memref<96x128xf32, #tpu.memory_space<vmem>>, vector<16xf32>,
          %mul3A_921 = arith.mulf %get3A_920, %gather3A_819 : vector<16xf32>
          %add3A_922 = arith.addf %add3A_917, %mul3A_921 : vector<16xf32>
          %get3A_923 = arith.index_cast %add3A_814 : i32 to index
          %get3A_924 = arith.constant 64 : index
          %get3A_925 = tpu.vector_load %arg32[%get3A_923, %get3A_924] {strides = array<i32>} : memref<96x128xf32, #tpu.memory_space<vmem>>, vector<16xf32>,
          %mul3A_926 = arith.mulf %get3A_925, %gather3A_820 : vector<16xf32>
          %add3A_927 = arith.addf %add3A_922, %mul3A_926 : vector<16xf32>
          %swap3A_928 = arith.index_cast %add3A_814 : i32 to index
          %swap3A_929 = arith.constant 64 : index
          %swap3A_930 = tpu.vector_load %arg34[%swap3A_928, %swap3A_929] {strides = array<i32>} : memref<96x96xf32, #tpu.memory_space<vmem>>, vector<16xf32>,
          tpu.vector_store %arg34[%swap3A_928, %swap3A_929], %add3A_927 {strides = array<i32>} : memref<96x96xf32, #tpu.memory_space<vmem>>, vector<16xf32>,
          %get3A_931 = arith.index_cast %add3A_814 : i32 to index
          %get3A_932 = arith.constant 80 : index
          %get3A_933 = tpu.vector_load %arg26[%get3A_931, %get3A_932] {strides = array<i32>} : memref<96x128xf32, #tpu.memory_space<vmem>>, vector<16xf32>,
          %mul3A_934 = arith.mulf %get3A_933, %gather3A_817 : vector<16xf32>
          %get3A_935 = arith.index_cast %add3A_814 : i32 to index
          %get3A_936 = arith.constant 80 : index
          %get3A_937 = tpu.vector_load %arg28[%get3A_935, %get3A_936] {strides = array<i32>} : memref<96x128xf32, #tpu.memory_space<vmem>>, vector<16xf32>,
          %mul3A_938 = arith.mulf %get3A_937, %gather3A_818 : vector<16xf32>
          %add3A_939 = arith.addf %mul3A_934, %mul3A_938 : vector<16xf32>
          %get3A_940 = arith.index_cast %add3A_814 : i32 to index
          %get3A_941 = arith.constant 80 : index
          %get3A_942 = tpu.vector_load %arg30[%get3A_940, %get3A_941] {strides = array<i32>} : memref<96x128xf32, #tpu.memory_space<vmem>>, vector<16xf32>,
          %mul3A_943 = arith.mulf %get3A_942, %gather3A_819 : vector<16xf32>
          %add3A_944 = arith.addf %add3A_939, %mul3A_943 : vector<16xf32>
          %get3A_945 = arith.index_cast %add3A_814 : i32 to index
          %get3A_946 = arith.constant 80 : index
          %get3A_947 = tpu.vector_load %arg32[%get3A_945, %get3A_946] {strides = array<i32>} : memref<96x128xf32, #tpu.memory_space<vmem>>, vector<16xf32>,
          %mul3A_948 = arith.mulf %get3A_947, %gather3A_820 : vector<16xf32>
          %add3A_949 = arith.addf %add3A_944, %mul3A_948 : vector<16xf32>
          %swap3A_950 = arith.index_cast %add3A_814 : i32 to index
          %swap3A_951 = arith.constant 80 : index
          %swap3A_952 = tpu.vector_load %arg34[%swap3A_950, %swap3A_951] {strides = array<i32>} : memref<96x96xf32, #tpu.memory_space<vmem>>, vector<16xf32>,
          tpu.vector_store %arg34[%swap3A_950, %swap3A_951], %add3A_949 {strides = array<i32>} : memref<96x96xf32, #tpu.memory_space<vmem>>, vector<16xf32>,
          %mul3A_953 = arith.constant 4 : i32
          %mul3A_954 = arith.muli %scan3A_669, %mul3A_953 : i32
          %add3A_955 = arith.constant 2 : i32
          %add3A_956 = arith.addi %mul3A_954, %add3A_955 : i32
          %add3A_957 = vector.broadcast %add3A_956 : i32 to vector<16xi32>
          %add3A_958 = arith.addi %broadcast_in_dim3A_14, %add3A_957 : vector<16xi32>
          %gather3A_959 = tpu.vector_load_idx %arg18[%add3A_958] : memref<96xf32, #tpu.memory_space<vmem>>[vector<16xi32>], vector<16xf32>,
          %gather3A_960 = tpu.vector_load_idx %arg20[%add3A_958] : memref<96xf32, #tpu.memory_space<vmem>>[vector<16xi32>], vector<16xf32>,
          %gather3A_961 = tpu.vector_load_idx %arg22[%add3A_958] : memref<96xf32, #tpu.memory_space<vmem>>[vector<16xi32>], vector<16xf32>,
          %gather3A_962 = tpu.vector_load_idx %arg24[%add3A_958] : memref<96xf32, #tpu.memory_space<vmem>>[vector<16xi32>], vector<16xf32>,
          %get3A_963 = arith.index_cast %add3A_956 : i32 to index
          %get3A_964 = arith.constant 0 : index
          %get3A_965 = tpu.vector_load %arg26[%get3A_963, %get3A_964] {strides = array<i32>} : memref<96x128xf32, #tpu.memory_space<vmem>>, vector<16xf32>,
          %mul3A_966 = arith.mulf %get3A_965, %gather3A_959 : vector<16xf32>
          %get3A_967 = arith.index_cast %add3A_956 : i32 to index
          %get3A_968 = arith.constant 0 : index
          %get3A_969 = tpu.vector_load %arg28[%get3A_967, %get3A_968] {strides = array<i32>} : memref<96x128xf32, #tpu.memory_space<vmem>>, vector<16xf32>,
          %mul3A_970 = arith.mulf %get3A_969, %gather3A_960 : vector<16xf32>
          %add3A_971 = arith.addf %mul3A_966, %mul3A_970 : vector<16xf32>
          %get3A_972 = arith.index_cast %add3A_956 : i32 to index
          %get3A_973 = arith.constant 0 : index
          %get3A_974 = tpu.vector_load %arg30[%get3A_972, %get3A_973] {strides = array<i32>} : memref<96x128xf32, #tpu.memory_space<vmem>>, vector<16xf32>,
          %mul3A_975 = arith.mulf %get3A_974, %gather3A_961 : vector<16xf32>
          %add3A_976 = arith.addf %add3A_971, %mul3A_975 : vector<16xf32>
          %get3A_977 = arith.index_cast %add3A_956 : i32 to index
          %get3A_978 = arith.constant 0 : index
          %get3A_979 = tpu.vector_load %arg32[%get3A_977, %get3A_978] {strides = array<i32>} : memref<96x128xf32, #tpu.memory_space<vmem>>, vector<16xf32>,
          %mul3A_980 = arith.mulf %get3A_979, %gather3A_962 : vector<16xf32>
          %add3A_981 = arith.addf %add3A_976, %mul3A_980 : vector<16xf32>
          %swap3A_982 = arith.index_cast %add3A_956 : i32 to index
          %swap3A_983 = arith.constant 0 : index
          %swap3A_984 = tpu.vector_load %arg34[%swap3A_982, %swap3A_983] {strides = array<i32>} : memref<96x96xf32, #tpu.memory_space<vmem>>, vector<16xf32>,
          tpu.vector_store %arg34[%swap3A_982, %swap3A_983], %add3A_981 {strides = array<i32>} : memref<96x96xf32, #tpu.memory_space<vmem>>, vector<16xf32>,
          %get3A_985 = arith.index_cast %add3A_956 : i32 to index
          %get3A_986 = arith.constant 16 : index
          %get3A_987 = tpu.vector_load %arg26[%get3A_985, %get3A_986] {strides = array<i32>} : memref<96x128xf32, #tpu.memory_space<vmem>>, vector<16xf32>,
          %mul3A_988 = arith.mulf %get3A_987, %gather3A_959 : vector<16xf32>
          %get3A_989 = arith.index_cast %add3A_956 : i32 to index
          %get3A_990 = arith.constant 16 : index
          %get3A_991 = tpu.vector_load %arg28[%get3A_989, %get3A_990] {strides = array<i32>} : memref<96x128xf32, #tpu.memory_space<vmem>>, vector<16xf32>,
          %mul3A_992 = arith.mulf %get3A_991, %gather3A_960 : vector<16xf32>
          %add3A_993 = arith.addf %mul3A_988, %mul3A_992 : vector<16xf32>
          %get3A_994 = arith.index_cast %add3A_956 : i32 to index
          %get3A_995 = arith.constant 16 : index
          %get3A_996 = tpu.vector_load %arg30[%get3A_994, %get3A_995] {strides = array<i32>} : memref<96x128xf32, #tpu.memory_space<vmem>>, vector<16xf32>,
          %mul3A_997 = arith.mulf %get3A_996, %gather3A_961 : vector<16xf32>
          %add3A_998 = arith.addf %add3A_993, %mul3A_997 : vector<16xf32>
          %get3A_999 = arith.index_cast %add3A_956 : i32 to index
          %get3A_1000 = arith.constant 16 : index
          %get3A_1001 = tpu.vector_load %arg32[%get3A_999, %get3A_1000] {strides = array<i32>} : memref<96x128xf32, #tpu.memory_space<vmem>>, vector<16xf32>,
          %mul3A_1002 = arith.mulf %get3A_1001, %gather3A_962 : vector<16xf32>
          %add3A_1003 = arith.addf %add3A_998, %mul3A_1002 : vector<16xf32>
          %swap3A_1004 = arith.index_cast %add3A_956 : i32 to index
          %swap3A_1005 = arith.constant 16 : index
          %swap3A_1006 = tpu.vector_load %arg34[%swap3A_1004, %swap3A_1005] {strides = array<i32>} : memref<96x96xf32, #tpu.memory_space<vmem>>, vector<16xf32>,
          tpu.vector_store %arg34[%swap3A_1004, %swap3A_1005], %add3A_1003 {strides = array<i32>} : memref<96x96xf32, #tpu.memory_space<vmem>>, vector<16xf32>,
          %get3A_1007 = arith.index_cast %add3A_956 : i32 to index
          %get3A_1008 = arith.constant 32 : index
          %get3A_1009 = tpu.vector_load %arg26[%get3A_1007, %get3A_1008] {strides = array<i32>} : memref<96x128xf32, #tpu.memory_space<vmem>>, vector<16xf32>,
          %mul3A_1010 = arith.mulf %get3A_1009, %gather3A_959 : vector<16xf32>
          %get3A_1011 = arith.index_cast %add3A_956 : i32 to index
          %get3A_1012 = arith.constant 32 : index
          %get3A_1013 = tpu.vector_load %arg28[%get3A_1011, %get3A_1012] {strides = array<i32>} : memref<96x128xf32, #tpu.memory_space<vmem>>, vector<16xf32>,
          %mul3A_1014 = arith.mulf %get3A_1013, %gather3A_960 : vector<16xf32>
          %add3A_1015 = arith.addf %mul3A_1010, %mul3A_1014 : vector<16xf32>
          %get3A_1016 = arith.index_cast %add3A_956 : i32 to index
          %get3A_1017 = arith.constant 32 : index
          %get3A_1018 = tpu.vector_load %arg30[%get3A_1016, %get3A_1017] {strides = array<i32>} : memref<96x128xf32, #tpu.memory_space<vmem>>, vector<16xf32>,
          %mul3A_1019 = arith.mulf %get3A_1018, %gather3A_961 : vector<16xf32>
          %add3A_1020 = arith.addf %add3A_1015, %mul3A_1019 : vector<16xf32>
          %get3A_1021 = arith.index_cast %add3A_956 : i32 to index
          %get3A_1022 = arith.constant 32 : index
          %get3A_1023 = tpu.vector_load %arg32[%get3A_1021, %get3A_1022] {strides = array<i32>} : memref<96x128xf32, #tpu.memory_space<vmem>>, vector<16xf32>,
          %mul3A_1024 = arith.mulf %get3A_1023, %gather3A_962 : vector<16xf32>
          %add3A_1025 = arith.addf %add3A_1020, %mul3A_1024 : vector<16xf32>
          %swap3A_1026 = arith.index_cast %add3A_956 : i32 to index
          %swap3A_1027 = arith.constant 32 : index
          %swap3A_1028 = tpu.vector_load %arg34[%swap3A_1026, %swap3A_1027] {strides = array<i32>} : memref<96x96xf32, #tpu.memory_space<vmem>>, vector<16xf32>,
          tpu.vector_store %arg34[%swap3A_1026, %swap3A_1027], %add3A_1025 {strides = array<i32>} : memref<96x96xf32, #tpu.memory_space<vmem>>, vector<16xf32>,
          %get3A_1029 = arith.index_cast %add3A_956 : i32 to index
          %get3A_1030 = arith.constant 48 : index
          %get3A_1031 = tpu.vector_load %arg26[%get3A_1029, %get3A_1030] {strides = array<i32>} : memref<96x128xf32, #tpu.memory_space<vmem>>, vector<16xf32>,
          %mul3A_1032 = arith.mulf %get3A_1031, %gather3A_959 : vector<16xf32>
          %get3A_1033 = arith.index_cast %add3A_956 : i32 to index
          %get3A_1034 = arith.constant 48 : index
          %get3A_1035 = tpu.vector_load %arg28[%get3A_1033, %get3A_1034] {strides = array<i32>} : memref<96x128xf32, #tpu.memory_space<vmem>>, vector<16xf32>,
          %mul3A_1036 = arith.mulf %get3A_1035, %gather3A_960 : vector<16xf32>
          %add3A_1037 = arith.addf %mul3A_1032, %mul3A_1036 : vector<16xf32>
          %get3A_1038 = arith.index_cast %add3A_956 : i32 to index
          %get3A_1039 = arith.constant 48 : index
          %get3A_1040 = tpu.vector_load %arg30[%get3A_1038, %get3A_1039] {strides = array<i32>} : memref<96x128xf32, #tpu.memory_space<vmem>>, vector<16xf32>,
          %mul3A_1041 = arith.mulf %get3A_1040, %gather3A_961 : vector<16xf32>
          %add3A_1042 = arith.addf %add3A_1037, %mul3A_1041 : vector<16xf32>
          %get3A_1043 = arith.index_cast %add3A_956 : i32 to index
          %get3A_1044 = arith.constant 48 : index
          %get3A_1045 = tpu.vector_load %arg32[%get3A_1043, %get3A_1044] {strides = array<i32>} : memref<96x128xf32, #tpu.memory_space<vmem>>, vector<16xf32>,
          %mul3A_1046 = arith.mulf %get3A_1045, %gather3A_962 : vector<16xf32>
          %add3A_1047 = arith.addf %add3A_1042, %mul3A_1046 : vector<16xf32>
          %swap3A_1048 = arith.index_cast %add3A_956 : i32 to index
          %swap3A_1049 = arith.constant 48 : index
          %swap3A_1050 = tpu.vector_load %arg34[%swap3A_1048, %swap3A_1049] {strides = array<i32>} : memref<96x96xf32, #tpu.memory_space<vmem>>, vector<16xf32>,
          tpu.vector_store %arg34[%swap3A_1048, %swap3A_1049], %add3A_1047 {strides = array<i32>} : memref<96x96xf32, #tpu.memory_space<vmem>>, vector<16xf32>,
          %get3A_1051 = arith.index_cast %add3A_956 : i32 to index
          %get3A_1052 = arith.constant 64 : index
          %get3A_1053 = tpu.vector_load %arg26[%get3A_1051, %get3A_1052] {strides = array<i32>} : memref<96x128xf32, #tpu.memory_space<vmem>>, vector<16xf32>,
          %mul3A_1054 = arith.mulf %get3A_1053, %gather3A_959 : vector<16xf32>
          %get3A_1055 = arith.index_cast %add3A_956 : i32 to index
          %get3A_1056 = arith.constant 64 : index
          %get3A_1057 = tpu.vector_load %arg28[%get3A_1055, %get3A_1056] {strides = array<i32>} : memref<96x128xf32, #tpu.memory_space<vmem>>, vector<16xf32>,
          %mul3A_1058 = arith.mulf %get3A_1057, %gather3A_960 : vector<16xf32>
          %add3A_1059 = arith.addf %mul3A_1054, %mul3A_1058 : vector<16xf32>
          %get3A_1060 = arith.index_cast %add3A_956 : i32 to index
          %get3A_1061 = arith.constant 64 : index
          %get3A_1062 = tpu.vector_load %arg30[%get3A_1060, %get3A_1061] {strides = array<i32>} : memref<96x128xf32, #tpu.memory_space<vmem>>, vector<16xf32>,
          %mul3A_1063 = arith.mulf %get3A_1062, %gather3A_961 : vector<16xf32>
          %add3A_1064 = arith.addf %add3A_1059, %mul3A_1063 : vector<16xf32>
          %get3A_1065 = arith.index_cast %add3A_956 : i32 to index
          %get3A_1066 = arith.constant 64 : index
          %get3A_1067 = tpu.vector_load %arg32[%get3A_1065, %get3A_1066] {strides = array<i32>} : memref<96x128xf32, #tpu.memory_space<vmem>>, vector<16xf32>,
          %mul3A_1068 = arith.mulf %get3A_1067, %gather3A_962 : vector<16xf32>
          %add3A_1069 = arith.addf %add3A_1064, %mul3A_1068 : vector<16xf32>
          %swap3A_1070 = arith.index_cast %add3A_956 : i32 to index
          %swap3A_1071 = arith.constant 64 : index
          %swap3A_1072 = tpu.vector_load %arg34[%swap3A_1070, %swap3A_1071] {strides = array<i32>} : memref<96x96xf32, #tpu.memory_space<vmem>>, vector<16xf32>,
          tpu.vector_store %arg34[%swap3A_1070, %swap3A_1071], %add3A_1069 {strides = array<i32>} : memref<96x96xf32, #tpu.memory_space<vmem>>, vector<16xf32>,
          %get3A_1073 = arith.index_cast %add3A_956 : i32 to index
          %get3A_1074 = arith.constant 80 : index
          %get3A_1075 = tpu.vector_load %arg26[%get3A_1073, %get3A_1074] {strides = array<i32>} : memref<96x128xf32, #tpu.memory_space<vmem>>, vector<16xf32>,
          %mul3A_1076 = arith.mulf %get3A_1075, %gather3A_959 : vector<16xf32>
          %get3A_1077 = arith.index_cast %add3A_956 : i32 to index
          %get3A_1078 = arith.constant 80 : index
          %get3A_1079 = tpu.vector_load %arg28[%get3A_1077, %get3A_1078] {strides = array<i32>} : memref<96x128xf32, #tpu.memory_space<vmem>>, vector<16xf32>,
          %mul3A_1080 = arith.mulf %get3A_1079, %gather3A_960 : vector<16xf32>
          %add3A_1081 = arith.addf %mul3A_1076, %mul3A_1080 : vector<16xf32>
          %get3A_1082 = arith.index_cast %add3A_956 : i32 to index
          %get3A_1083 = arith.constant 80 : index
          %get3A_1084 = tpu.vector_load %arg30[%get3A_1082, %get3A_1083] {strides = array<i32>} : memref<96x128xf32, #tpu.memory_space<vmem>>, vector<16xf32>,
          %mul3A_1085 = arith.mulf %get3A_1084, %gather3A_961 : vector<16xf32>
          %add3A_1086 = arith.addf %add3A_1081, %mul3A_1085 : vector<16xf32>
          %get3A_1087 = arith.index_cast %add3A_956 : i32 to index
          %get3A_1088 = arith.constant 80 : index
          %get3A_1089 = tpu.vector_load %arg32[%get3A_1087, %get3A_1088] {strides = array<i32>} : memref<96x128xf32, #tpu.memory_space<vmem>>, vector<16xf32>,
          %mul3A_1090 = arith.mulf %get3A_1089, %gather3A_962 : vector<16xf32>
          %add3A_1091 = arith.addf %add3A_1086, %mul3A_1090 : vector<16xf32>
          %swap3A_1092 = arith.index_cast %add3A_956 : i32 to index
          %swap3A_1093 = arith.constant 80 : index
          %swap3A_1094 = tpu.vector_load %arg34[%swap3A_1092, %swap3A_1093] {strides = array<i32>} : memref<96x96xf32, #tpu.memory_space<vmem>>, vector<16xf32>,
          tpu.vector_store %arg34[%swap3A_1092, %swap3A_1093], %add3A_1091 {strides = array<i32>} : memref<96x96xf32, #tpu.memory_space<vmem>>, vector<16xf32>,
          %mul3A_1095 = arith.constant 4 : i32
          %mul3A_1096 = arith.muli %scan3A_669, %mul3A_1095 : i32
          %add3A_1097 = arith.constant 3 : i32
          %add3A_1098 = arith.addi %mul3A_1096, %add3A_1097 : i32
          %add3A_1099 = vector.broadcast %add3A_1098 : i32 to vector<16xi32>
          %add3A_1100 = arith.addi %broadcast_in_dim3A_14, %add3A_1099 : vector<16xi32>
          %gather3A_1101 = tpu.vector_load_idx %arg18[%add3A_1100] : memref<96xf32, #tpu.memory_space<vmem>>[vector<16xi32>], vector<16xf32>,
          %gather3A_1102 = tpu.vector_load_idx %arg20[%add3A_1100] : memref<96xf32, #tpu.memory_space<vmem>>[vector<16xi32>], vector<16xf32>,
          %gather3A_1103 = tpu.vector_load_idx %arg22[%add3A_1100] : memref<96xf32, #tpu.memory_space<vmem>>[vector<16xi32>], vector<16xf32>,
          %gather3A_1104 = tpu.vector_load_idx %arg24[%add3A_1100] : memref<96xf32, #tpu.memory_space<vmem>>[vector<16xi32>], vector<16xf32>,
          %get3A_1105 = arith.index_cast %add3A_1098 : i32 to index
          %get3A_1106 = arith.constant 0 : index
          %get3A_1107 = tpu.vector_load %arg26[%get3A_1105, %get3A_1106] {strides = array<i32>} : memref<96x128xf32, #tpu.memory_space<vmem>>, vector<16xf32>,
          %mul3A_1108 = arith.mulf %get3A_1107, %gather3A_1101 : vector<16xf32>
          %get3A_1109 = arith.index_cast %add3A_1098 : i32 to index
          %get3A_1110 = arith.constant 0 : index
          %get3A_1111 = tpu.vector_load %arg28[%get3A_1109, %get3A_1110] {strides = array<i32>} : memref<96x128xf32, #tpu.memory_space<vmem>>, vector<16xf32>,
          %mul3A_1112 = arith.mulf %get3A_1111, %gather3A_1102 : vector<16xf32>
          %add3A_1113 = arith.addf %mul3A_1108, %mul3A_1112 : vector<16xf32>
          %get3A_1114 = arith.index_cast %add3A_1098 : i32 to index
          %get3A_1115 = arith.constant 0 : index
          %get3A_1116 = tpu.vector_load %arg30[%get3A_1114, %get3A_1115] {strides = array<i32>} : memref<96x128xf32, #tpu.memory_space<vmem>>, vector<16xf32>,
          %mul3A_1117 = arith.mulf %get3A_1116, %gather3A_1103 : vector<16xf32>
          %add3A_1118 = arith.addf %add3A_1113, %mul3A_1117 : vector<16xf32>
          %get3A_1119 = arith.index_cast %add3A_1098 : i32 to index
          %get3A_1120 = arith.constant 0 : index
          %get3A_1121 = tpu.vector_load %arg32[%get3A_1119, %get3A_1120] {strides = array<i32>} : memref<96x128xf32, #tpu.memory_space<vmem>>, vector<16xf32>,
          %mul3A_1122 = arith.mulf %get3A_1121, %gather3A_1104 : vector<16xf32>
          %add3A_1123 = arith.addf %add3A_1118, %mul3A_1122 : vector<16xf32>
          %swap3A_1124 = arith.index_cast %add3A_1098 : i32 to index
          %swap3A_1125 = arith.constant 0 : index
          %swap3A_1126 = tpu.vector_load %arg34[%swap3A_1124, %swap3A_1125] {strides = array<i32>} : memref<96x96xf32, #tpu.memory_space<vmem>>, vector<16xf32>,
          tpu.vector_store %arg34[%swap3A_1124, %swap3A_1125], %add3A_1123 {strides = array<i32>} : memref<96x96xf32, #tpu.memory_space<vmem>>, vector<16xf32>,
          %get3A_1127 = arith.index_cast %add3A_1098 : i32 to index
          %get3A_1128 = arith.constant 16 : index
          %get3A_1129 = tpu.vector_load %arg26[%get3A_1127, %get3A_1128] {strides = array<i32>} : memref<96x128xf32, #tpu.memory_space<vmem>>, vector<16xf32>,
          %mul3A_1130 = arith.mulf %get3A_1129, %gather3A_1101 : vector<16xf32>
          %get3A_1131 = arith.index_cast %add3A_1098 : i32 to index
          %get3A_1132 = arith.constant 16 : index
          %get3A_1133 = tpu.vector_load %arg28[%get3A_1131, %get3A_1132] {strides = array<i32>} : memref<96x128xf32, #tpu.memory_space<vmem>>, vector<16xf32>,
          %mul3A_1134 = arith.mulf %get3A_1133, %gather3A_1102 : vector<16xf32>
          %add3A_1135 = arith.addf %mul3A_1130, %mul3A_1134 : vector<16xf32>
          %get3A_1136 = arith.index_cast %add3A_1098 : i32 to index
          %get3A_1137 = arith.constant 16 : index
          %get3A_1138 = tpu.vector_load %arg30[%get3A_1136, %get3A_1137] {strides = array<i32>} : memref<96x128xf32, #tpu.memory_space<vmem>>, vector<16xf32>,
          %mul3A_1139 = arith.mulf %get3A_1138, %gather3A_1103 : vector<16xf32>
          %add3A_1140 = arith.addf %add3A_1135, %mul3A_1139 : vector<16xf32>
          %get3A_1141 = arith.index_cast %add3A_1098 : i32 to index
          %get3A_1142 = arith.constant 16 : index
          %get3A_1143 = tpu.vector_load %arg32[%get3A_1141, %get3A_1142] {strides = array<i32>} : memref<96x128xf32, #tpu.memory_space<vmem>>, vector<16xf32>,
          %mul3A_1144 = arith.mulf %get3A_1143, %gather3A_1104 : vector<16xf32>
          %add3A_1145 = arith.addf %add3A_1140, %mul3A_1144 : vector<16xf32>
          %swap3A_1146 = arith.index_cast %add3A_1098 : i32 to index
          %swap3A_1147 = arith.constant 16 : index
          %swap3A_1148 = tpu.vector_load %arg34[%swap3A_1146, %swap3A_1147] {strides = array<i32>} : memref<96x96xf32, #tpu.memory_space<vmem>>, vector<16xf32>,
          tpu.vector_store %arg34[%swap3A_1146, %swap3A_1147], %add3A_1145 {strides = array<i32>} : memref<96x96xf32, #tpu.memory_space<vmem>>, vector<16xf32>,
          %get3A_1149 = arith.index_cast %add3A_1098 : i32 to index
          %get3A_1150 = arith.constant 32 : index
          %get3A_1151 = tpu.vector_load %arg26[%get3A_1149, %get3A_1150] {strides = array<i32>} : memref<96x128xf32, #tpu.memory_space<vmem>>, vector<16xf32>,
          %mul3A_1152 = arith.mulf %get3A_1151, %gather3A_1101 : vector<16xf32>
          %get3A_1153 = arith.index_cast %add3A_1098 : i32 to index
          %get3A_1154 = arith.constant 32 : index
          %get3A_1155 = tpu.vector_load %arg28[%get3A_1153, %get3A_1154] {strides = array<i32>} : memref<96x128xf32, #tpu.memory_space<vmem>>, vector<16xf32>,
          %mul3A_1156 = arith.mulf %get3A_1155, %gather3A_1102 : vector<16xf32>
          %add3A_1157 = arith.addf %mul3A_1152, %mul3A_1156 : vector<16xf32>
          %get3A_1158 = arith.index_cast %add3A_1098 : i32 to index
          %get3A_1159 = arith.constant 32 : index
          %get3A_1160 = tpu.vector_load %arg30[%get3A_1158, %get3A_1159] {strides = array<i32>} : memref<96x128xf32, #tpu.memory_space<vmem>>, vector<16xf32>,
          %mul3A_1161 = arith.mulf %get3A_1160, %gather3A_1103 : vector<16xf32>
          %add3A_1162 = arith.addf %add3A_1157, %mul3A_1161 : vector<16xf32>
          %get3A_1163 = arith.index_cast %add3A_1098 : i32 to index
          %get3A_1164 = arith.constant 32 : index
          %get3A_1165 = tpu.vector_load %arg32[%get3A_1163, %get3A_1164] {strides = array<i32>} : memref<96x128xf32, #tpu.memory_space<vmem>>, vector<16xf32>,
          %mul3A_1166 = arith.mulf %get3A_1165, %gather3A_1104 : vector<16xf32>
          %add3A_1167 = arith.addf %add3A_1162, %mul3A_1166 : vector<16xf32>
          %swap3A_1168 = arith.index_cast %add3A_1098 : i32 to index
          %swap3A_1169 = arith.constant 32 : index
          %swap3A_1170 = tpu.vector_load %arg34[%swap3A_1168, %swap3A_1169] {strides = array<i32>} : memref<96x96xf32, #tpu.memory_space<vmem>>, vector<16xf32>,
          tpu.vector_store %arg34[%swap3A_1168, %swap3A_1169], %add3A_1167 {strides = array<i32>} : memref<96x96xf32, #tpu.memory_space<vmem>>, vector<16xf32>,
          %get3A_1171 = arith.index_cast %add3A_1098 : i32 to index
          %get3A_1172 = arith.constant 48 : index
          %get3A_1173 = tpu.vector_load %arg26[%get3A_1171, %get3A_1172] {strides = array<i32>} : memref<96x128xf32, #tpu.memory_space<vmem>>, vector<16xf32>,
          %mul3A_1174 = arith.mulf %get3A_1173, %gather3A_1101 : vector<16xf32>
          %get3A_1175 = arith.index_cast %add3A_1098 : i32 to index
          %get3A_1176 = arith.constant 48 : index
          %get3A_1177 = tpu.vector_load %arg28[%get3A_1175, %get3A_1176] {strides = array<i32>} : memref<96x128xf32, #tpu.memory_space<vmem>>, vector<16xf32>,
          %mul3A_1178 = arith.mulf %get3A_1177, %gather3A_1102 : vector<16xf32>
          %add3A_1179 = arith.addf %mul3A_1174, %mul3A_1178 : vector<16xf32>
          %get3A_1180 = arith.index_cast %add3A_1098 : i32 to index
          %get3A_1181 = arith.constant 48 : index
          %get3A_1182 = tpu.vector_load %arg30[%get3A_1180, %get3A_1181] {strides = array<i32>} : memref<96x128xf32, #tpu.memory_space<vmem>>, vector<16xf32>,
          %mul3A_1183 = arith.mulf %get3A_1182, %gather3A_1103 : vector<16xf32>
          %add3A_1184 = arith.addf %add3A_1179, %mul3A_1183 : vector<16xf32>
          %get3A_1185 = arith.index_cast %add3A_1098 : i32 to index
          %get3A_1186 = arith.constant 48 : index
          %get3A_1187 = tpu.vector_load %arg32[%get3A_1185, %get3A_1186] {strides = array<i32>} : memref<96x128xf32, #tpu.memory_space<vmem>>, vector<16xf32>,
          %mul3A_1188 = arith.mulf %get3A_1187, %gather3A_1104 : vector<16xf32>
          %add3A_1189 = arith.addf %add3A_1184, %mul3A_1188 : vector<16xf32>
          %swap3A_1190 = arith.index_cast %add3A_1098 : i32 to index
          %swap3A_1191 = arith.constant 48 : index
          %swap3A_1192 = tpu.vector_load %arg34[%swap3A_1190, %swap3A_1191] {strides = array<i32>} : memref<96x96xf32, #tpu.memory_space<vmem>>, vector<16xf32>,
          tpu.vector_store %arg34[%swap3A_1190, %swap3A_1191], %add3A_1189 {strides = array<i32>} : memref<96x96xf32, #tpu.memory_space<vmem>>, vector<16xf32>,
          %get3A_1193 = arith.index_cast %add3A_1098 : i32 to index
          %get3A_1194 = arith.constant 64 : index
          %get3A_1195 = tpu.vector_load %arg26[%get3A_1193, %get3A_1194] {strides = array<i32>} : memref<96x128xf32, #tpu.memory_space<vmem>>, vector<16xf32>,
          %mul3A_1196 = arith.mulf %get3A_1195, %gather3A_1101 : vector<16xf32>
          %get3A_1197 = arith.index_cast %add3A_1098 : i32 to index
          %get3A_1198 = arith.constant 64 : index
          %get3A_1199 = tpu.vector_load %arg28[%get3A_1197, %get3A_1198] {strides = array<i32>} : memref<96x128xf32, #tpu.memory_space<vmem>>, vector<16xf32>,
          %mul3A_1200 = arith.mulf %get3A_1199, %gather3A_1102 : vector<16xf32>
          %add3A_1201 = arith.addf %mul3A_1196, %mul3A_1200 : vector<16xf32>
          %get3A_1202 = arith.index_cast %add3A_1098 : i32 to index
          %get3A_1203 = arith.constant 64 : index
          %get3A_1204 = tpu.vector_load %arg30[%get3A_1202, %get3A_1203] {strides = array<i32>} : memref<96x128xf32, #tpu.memory_space<vmem>>, vector<16xf32>,
          %mul3A_1205 = arith.mulf %get3A_1204, %gather3A_1103 : vector<16xf32>
          %add3A_1206 = arith.addf %add3A_1201, %mul3A_1205 : vector<16xf32>
          %get3A_1207 = arith.index_cast %add3A_1098 : i32 to index
          %get3A_1208 = arith.constant 64 : index
          %get3A_1209 = tpu.vector_load %arg32[%get3A_1207, %get3A_1208] {strides = array<i32>} : memref<96x128xf32, #tpu.memory_space<vmem>>, vector<16xf32>,
          %mul3A_1210 = arith.mulf %get3A_1209, %gather3A_1104 : vector<16xf32>
          %add3A_1211 = arith.addf %add3A_1206, %mul3A_1210 : vector<16xf32>
          %swap3A_1212 = arith.index_cast %add3A_1098 : i32 to index
          %swap3A_1213 = arith.constant 64 : index
          %swap3A_1214 = tpu.vector_load %arg34[%swap3A_1212, %swap3A_1213] {strides = array<i32>} : memref<96x96xf32, #tpu.memory_space<vmem>>, vector<16xf32>,
          tpu.vector_store %arg34[%swap3A_1212, %swap3A_1213], %add3A_1211 {strides = array<i32>} : memref<96x96xf32, #tpu.memory_space<vmem>>, vector<16xf32>,
          %get3A_1215 = arith.index_cast %add3A_1098 : i32 to index
          %get3A_1216 = arith.constant 80 : index
          %get3A_1217 = tpu.vector_load %arg26[%get3A_1215, %get3A_1216] {strides = array<i32>} : memref<96x128xf32, #tpu.memory_space<vmem>>, vector<16xf32>,
          %mul3A_1218 = arith.mulf %get3A_1217, %gather3A_1101 : vector<16xf32>
          %get3A_1219 = arith.index_cast %add3A_1098 : i32 to index
          %get3A_1220 = arith.constant 80 : index
          %get3A_1221 = tpu.vector_load %arg28[%get3A_1219, %get3A_1220] {strides = array<i32>} : memref<96x128xf32, #tpu.memory_space<vmem>>, vector<16xf32>,
          %mul3A_1222 = arith.mulf %get3A_1221, %gather3A_1102 : vector<16xf32>
          %add3A_1223 = arith.addf %mul3A_1218, %mul3A_1222 : vector<16xf32>
          %get3A_1224 = arith.index_cast %add3A_1098 : i32 to index
          %get3A_1225 = arith.constant 80 : index
          %get3A_1226 = tpu.vector_load %arg30[%get3A_1224, %get3A_1225] {strides = array<i32>} : memref<96x128xf32, #tpu.memory_space<vmem>>, vector<16xf32>,
          %mul3A_1227 = arith.mulf %get3A_1226, %gather3A_1103 : vector<16xf32>
          %add3A_1228 = arith.addf %add3A_1223, %mul3A_1227 : vector<16xf32>
          %get3A_1229 = arith.index_cast %add3A_1098 : i32 to index
          %get3A_1230 = arith.constant 80 : index
          %get3A_1231 = tpu.vector_load %arg32[%get3A_1229, %get3A_1230] {strides = array<i32>} : memref<96x128xf32, #tpu.memory_space<vmem>>, vector<16xf32>,
          %mul3A_1232 = arith.mulf %get3A_1231, %gather3A_1104 : vector<16xf32>
          %add3A_1233 = arith.addf %add3A_1228, %mul3A_1232 : vector<16xf32>
          %swap3A_1234 = arith.index_cast %add3A_1098 : i32 to index
          %swap3A_1235 = arith.constant 80 : index
          %swap3A_1236 = tpu.vector_load %arg34[%swap3A_1234, %swap3A_1235] {strides = array<i32>} : memref<96x96xf32, #tpu.memory_space<vmem>>, vector<16xf32>,
          tpu.vector_store %arg34[%swap3A_1234, %swap3A_1235], %add3A_1233 {strides = array<i32>} : memref<96x96xf32, #tpu.memory_space<vmem>>, vector<16xf32>,
        }
        %scan3A_656 = arith.constant 24 : i32
        %not3A_657 = arith.constant true
        %not3A_658 = arith.xori %eq3A_12, %not3A_657 : i1
        %lt3A_659 = arith.constant 58 : i32
        %lt3A_660 = arith.cmpi slt, %mul3A_620, %lt3A_659 : i32
        %or3A = arith.ori %not3A_658, %lt3A_660 : i1
        %convert_element_type3A_661 = arith.extui %or3A : i1 to i32
        %cond3A_662 = arith.constant 0 : i32
        %cond3A_663 = arith.cmpi ne, %convert_element_type3A_661, %cond3A_662 : i32
        scf.if %cond3A_663 {
          %mul3A_669 = arith.constant 96 : i32
          %mul3A_670 = arith.muli %mul3A_620, %mul3A_669 : i32
          %add3A_671 = arith.addi %mul3A_11, %mul3A_670 : i32
          %dma_start3A_672 = arith.constant 0 : i32
          %dma_start3A_673 = tpu.memref_slice %arg5[%div3A_2, %add3A_671, %dma_start3A_672] : memref<4x50000x96xf32, #tpu.memory_space<hbm>> -> memref<1x96x96xf32, #tpu.memory_space<hbm>>
          %dma_start3A_674 = tpu.memref_squeeze %dma_start3A_673 : memref<1x96x96xf32, #tpu.memory_space<hbm>> -> memref<96x96xf32, #tpu.memory_space<hbm>>
          %dma_start3A_675 = arith.constant 0 : i32
          %dma_start3A_676 = tpu.memref_slice %arg5[%div3A_2, %add3A_671, %dma_start3A_675] : memref<4x50000x96xf32, #tpu.memory_space<hbm>> -> memref<1x96x96xf32, #tpu.memory_space<hbm>>
          %dma_start3A_677 = tpu.memref_squeeze %dma_start3A_676 : memref<1x96x96xf32, #tpu.memory_space<hbm>> -> memref<96x96xf32, #tpu.memory_space<hbm>>
          tpu.enqueue_dma source(%arg34 : memref<96x96xf32, #tpu.memory_space<vmem>>) target(%dma_start3A_677 : memref<96x96xf32, #tpu.memory_space<hbm>>) target_semaphore(%arg40 : memref<!tpu.dma_semaphore, #tpu.memory_space<semaphore_mem>>)
        } else {
        }
        %not3A_664 = arith.constant true
        %not3A_665 = arith.xori %or3A, %not3A_664 : i1
        %convert_element_type3A_666 = arith.extui %not3A_665 : i1 to i32
        %cond3A_667 = arith.constant 0 : i32
        %cond3A_668 = arith.cmpi ne, %convert_element_type3A_666, %cond3A_667 : i32
        scf.if %cond3A_668 {
          %add3A_669 = arith.constant 5568 : i32
          %add3A_670 = arith.addi %mul3A_11, %add3A_669 : i32
          "tpu.region"() ({
            %run_scoped3A = tpu.sem_alloc : memref<!tpu.dma_semaphore, #tpu.memory_space<semaphore_mem>>
            %dma_start3A_671 = arith.constant 0 : i32
            %dma_start3A_672 = arith.constant 0 : i32
            %dma_start3A_673 = tpu.memref_slice %arg34[%dma_start3A_671, %dma_start3A_672] : memref<96x96xf32, #tpu.memory_space<vmem>> -> memref<80x96xf32, #tpu.memory_space<vmem>>
            %dma_start3A_674 = arith.constant 0 : i32
            %dma_start3A_675 = tpu.memref_slice %arg5[%div3A_2, %add3A_670, %dma_start3A_674] : memref<4x50000x96xf32, #tpu.memory_space<hbm>> -> memref<1x80x96xf32, #tpu.memory_space<hbm>>
            %dma_start3A_676 = tpu.memref_squeeze %dma_start3A_675 : memref<1x80x96xf32, #tpu.memory_space<hbm>> -> memref<80x96xf32, #tpu.memory_space<hbm>>
            %dma_start3A_677 = arith.constant 0 : i32
            %dma_start3A_678 = tpu.memref_slice %arg5[%div3A_2, %add3A_670, %dma_start3A_677] : memref<4x50000x96xf32, #tpu.memory_space<hbm>> -> memref<1x80x96xf32, #tpu.memory_space<hbm>>
            %dma_start3A_679 = tpu.memref_squeeze %dma_start3A_678 : memref<1x80x96xf32, #tpu.memory_space<hbm>> -> memref<80x96xf32, #tpu.memory_space<hbm>>
            %dma_start3A_680 = arith.constant 0 : i32
            %dma_start3A_681 = arith.constant 0 : i32
            %dma_start3A_682 = tpu.memref_slice %arg34[%dma_start3A_680, %dma_start3A_681] : memref<96x96xf32, #tpu.memory_space<vmem>> -> memref<80x96xf32, #tpu.memory_space<vmem>>
            tpu.enqueue_dma source(%dma_start3A_682 : memref<80x96xf32, #tpu.memory_space<vmem>>) target(%dma_start3A_679 : memref<80x96xf32, #tpu.memory_space<hbm>>) target_semaphore(%run_scoped3A : memref<!tpu.dma_semaphore, #tpu.memory_space<semaphore_mem>>)
            %dma_wait3A_683 = arith.constant 0 : i32
            %dma_wait3A_684 = arith.constant 0 : i32
            %dma_wait3A_685 = tpu.memref_slice %arg34[%dma_wait3A_683, %dma_wait3A_684] : memref<96x96xf32, #tpu.memory_space<vmem>> -> memref<80x96xf32, #tpu.memory_space<vmem>>
            %dma_wait3A_686 = arith.constant 0 : i32
            %dma_wait3A_687 = tpu.memref_slice %arg5[%div3A_2, %add3A_670, %dma_wait3A_686] : memref<4x50000x96xf32, #tpu.memory_space<hbm>> -> memref<1x80x96xf32, #tpu.memory_space<hbm>>
            %dma_wait3A_688 = tpu.memref_squeeze %dma_wait3A_687 : memref<1x80x96xf32, #tpu.memory_space<hbm>> -> memref<80x96xf32, #tpu.memory_space<hbm>>
            %dma_wait3A_689 = arith.constant 0 : i32
            %dma_wait3A_690 = tpu.memref_slice %arg5[%div3A_2, %add3A_670, %dma_wait3A_689] : memref<4x50000x96xf32, #tpu.memory_space<hbm>> -> memref<1x80x96xf32, #tpu.memory_space<hbm>>
            %dma_wait3A_691 = tpu.memref_squeeze %dma_wait3A_690 : memref<1x80x96xf32, #tpu.memory_space<hbm>> -> memref<80x96xf32, #tpu.memory_space<hbm>>
            %dma_wait3A_692 = arith.constant 0 : i32
            %dma_wait3A_693 = arith.constant 0 : i32
            %dma_wait3A_694 = tpu.memref_slice %arg34[%dma_wait3A_692, %dma_wait3A_693] : memref<96x96xf32, #tpu.memory_space<vmem>> -> memref<80x96xf32, #tpu.memory_space<vmem>>
            tpu.wait_dma2 semaphore(%run_scoped3A : memref<!tpu.dma_semaphore, #tpu.memory_space<semaphore_mem>>) src(%dma_wait3A_694 : memref<80x96xf32, #tpu.memory_space<vmem>>) dst(%dma_wait3A_691 : memref<80x96xf32, #tpu.memory_space<hbm>>)
            tpu.yield
          }) : () -> ()
        } else {
        }
      } else {
      }
      %lt3A_631 = arith.cmpi slt, %add3A_622, %select_n3A : i32
      %convert_element_type3A_632 = arith.extui %lt3A_631 : i1 to i32
      %cond3A_633 = arith.constant 0 : i32
      %cond3A_634 = arith.cmpi ne, %convert_element_type3A_632, %cond3A_633 : i32
      scf.if %cond3A_634 {
        %add3A_635 = arith.constant 1 : i32
        %add3A_636 = arith.addi %add3A_622, %add3A_635 : i32
        %lt3A_637 = arith.cmpi slt, %add3A_636, %select_n3A : i32
        %convert_element_type3A_638 = arith.extui %lt3A_637 : i1 to i32
        %cond3A_639 = arith.constant 0 : i32
        %cond3A_640 = arith.cmpi ne, %convert_element_type3A_638, %cond3A_639 : i32
        scf.if %cond3A_640 {
          %add3A_675 = arith.constant 1 : i32
          %add3A_676 = arith.addi %add3A_622, %add3A_675 : i32
          %dma_wait3A_677 = arith.constant 0 : i32
          %dma_wait3A_678 = tpu.memref_slice %arg3[%dma_wait3A_677] : memref<200096xf32, #tpu.memory_space<hbm>> -> memref<96xf32, #tpu.memory_space<hbm>>
          %dma_wait3A_679 = arith.constant 0 : i32
          %dma_wait3A_680 = tpu.memref_slice %arg3[%dma_wait3A_679] : memref<200096xf32, #tpu.memory_space<hbm>> -> memref<96xf32, #tpu.memory_space<hbm>>
          tpu.wait_dma2 semaphore(%arg36 : memref<!tpu.dma_semaphore, #tpu.memory_space<semaphore_mem>>) src(%dma_wait3A_680 : memref<96xf32, #tpu.memory_space<hbm>>) dst(%arg6 : memref<96xf32, #tpu.memory_space<vmem>>)
          %dma_wait3A_681 = arith.constant 0 : i32
          %dma_wait3A_682 = tpu.memref_slice %arg4[%dma_wait3A_681] : memref<200096xf32, #tpu.memory_space<hbm>> -> memref<96xf32, #tpu.memory_space<hbm>>
          %dma_wait3A_683 = arith.constant 0 : i32
          %dma_wait3A_684 = tpu.memref_slice %arg4[%dma_wait3A_683] : memref<200096xf32, #tpu.memory_space<hbm>> -> memref<96xf32, #tpu.memory_space<hbm>>
          tpu.wait_dma2 semaphore(%arg36 : memref<!tpu.dma_semaphore, #tpu.memory_space<semaphore_mem>>) src(%dma_wait3A_684 : memref<96xf32, #tpu.memory_space<hbm>>) dst(%arg8 : memref<96xf32, #tpu.memory_space<vmem>>)
          %get3A_685 = arith.constant 0 : index
          %get3A_686 = tpu.vector_load %arg6[%get3A_685] {strides = array<i32>} : memref<96xf32, #tpu.memory_space<vmem>>, vector<16xf32>,
          %get3A_687 = arith.constant 0 : index
          %get3A_688 = tpu.vector_load %arg8[%get3A_687] {strides = array<i32>} : memref<96xf32, #tpu.memory_space<vmem>>, vector<16xf32>,
          %add3A_689 = arith.constant 1.000000e+00 : f32
          %add3A_690 = vector.broadcast %add3A_689 : f32 to vector<16xf32>
          %add3A_691 = arith.addf %get3A_686, %add3A_690 : vector<16xf32>
          %mul3A_692 = arith.constant 5.000000e-01 : f32
          %mul3A_693 = vector.broadcast %mul3A_692 : f32 to vector<16xf32>
          %mul3A_694 = arith.mulf %add3A_691, %mul3A_693 : vector<16xf32>
          %mul3A_695 = arith.constant 3.830000e+02 : f32
          %mul3A_696 = vector.broadcast %mul3A_695 : f32 to vector<16xf32>
          %mul3A_697 = arith.mulf %mul3A_694, %mul3A_696 : vector<16xf32>
          %max3A_698 = arith.constant 0.000000e+00 : f32
          %max3A_699 = vector.broadcast %max3A_698 : f32 to vector<16xf32>
          %max3A_700 = arith.maximumf %mul3A_697, %max3A_699 : vector<16xf32>
          %min3A_701 = arith.constant 3.830000e+02 : f32
          %min3A_702 = vector.broadcast %min3A_701 : f32 to vector<16xf32>
          %min3A_703 = arith.minimumf %max3A_700, %min3A_702 : vector<16xf32>
          %add3A_704 = arith.constant 1.000000e+00 : f32
          %add3A_705 = vector.broadcast %add3A_704 : f32 to vector<16xf32>
          %add3A_706 = arith.addf %get3A_688, %add3A_705 : vector<16xf32>
          %mul3A_707 = arith.constant 5.000000e-01 : f32
          %mul3A_708 = vector.broadcast %mul3A_707 : f32 to vector<16xf32>
          %mul3A_709 = arith.mulf %add3A_706, %mul3A_708 : vector<16xf32>
          %mul3A_710 = arith.constant 3.830000e+02 : f32
          %mul3A_711 = vector.broadcast %mul3A_710 : f32 to vector<16xf32>
          %mul3A_712 = arith.mulf %mul3A_709, %mul3A_711 : vector<16xf32>
          %max3A_713 = arith.constant 0.000000e+00 : f32
          %max3A_714 = vector.broadcast %max3A_713 : f32 to vector<16xf32>
          %max3A_715 = arith.maximumf %mul3A_712, %max3A_714 : vector<16xf32>
          %min3A_716 = arith.constant 3.830000e+02 : f32
          %min3A_717 = vector.broadcast %min3A_716 : f32 to vector<16xf32>
          %min3A_718 = arith.minimumf %max3A_715, %min3A_717 : vector<16xf32>
          %convert_element_type3A_719 = arith.fptosi %min3A_703 : vector<16xf32> to vector<16xi32>
          %convert_element_type3A_720 = arith.fptosi %min3A_718 : vector<16xf32> to vector<16xi32>
          %convert_element_type3A_721 = arith.sitofp %convert_element_type3A_719 : vector<16xi32> to vector<16xf32>
          %sub3A_722 = arith.subf %min3A_703, %convert_element_type3A_721 : vector<16xf32>
          %convert_element_type3A_723 = arith.sitofp %convert_element_type3A_720 : vector<16xi32> to vector<16xf32>
          %sub3A_724 = arith.subf %min3A_718, %convert_element_type3A_723 : vector<16xf32>
          %sub3A_725 = arith.constant 1.000000e+00 : f32
          %sub3A_726 = vector.broadcast %sub3A_725 : f32 to vector<16xf32>
          %sub3A_727 = arith.subf %sub3A_726, %sub3A_722 : vector<16xf32>
          %sub3A_728 = arith.constant 1.000000e+00 : f32
          %sub3A_729 = vector.broadcast %sub3A_728 : f32 to vector<16xf32>
          %sub3A_730 = arith.subf %sub3A_729, %sub3A_724 : vector<16xf32>
          %lt3A_731 = arith.constant 383 : i32
          %lt3A_732 = vector.broadcast %lt3A_731 : i32 to vector<16xi32>
          %lt3A_733 = arith.cmpi slt, %convert_element_type3A_719, %lt3A_732 : vector<16xi32>
          %jit3A_734 = arith.constant 1 : i32
          %jit3A_735 = arith.constant 0 : i32
          %broadcast_in_dim3A_736 = vector.broadcast %jit3A_734 : i32 to vector<16xi32>
          %broadcast_in_dim3A_737 = vector.broadcast %jit3A_735 : i32 to vector<16xi32>
          %select_n3A_738 = arith.select %lt3A_733, %broadcast_in_dim3A_736, %broadcast_in_dim3A_737 : vector<16xi1>, vector<16xi32>
          %lt3A_739 = arith.constant 383 : i32
          %lt3A_740 = vector.broadcast %lt3A_739 : i32 to vector<16xi32>
          %lt3A_741 = arith.cmpi slt, %convert_element_type3A_720, %lt3A_740 : vector<16xi32>
          %jit3A_742 = arith.constant 384 : i32
          %jit3A_743 = arith.constant 0 : i32
          %broadcast_in_dim3A_744 = vector.broadcast %jit3A_742 : i32 to vector<16xi32>
          %broadcast_in_dim3A_745 = vector.broadcast %jit3A_743 : i32 to vector<16xi32>
          %select_n3A_746 = arith.select %lt3A_741, %broadcast_in_dim3A_744, %broadcast_in_dim3A_745 : vector<16xi1>, vector<16xi32>
          %mul3A_747 = arith.constant 384 : i32
          %mul3A_748 = vector.broadcast %mul3A_747 : i32 to vector<16xi32>
          %mul3A_749 = arith.muli %convert_element_type3A_720, %mul3A_748 : vector<16xi32>
          %add3A_750 = vector.broadcast %mul3A_4 : i32 to vector<16xi32>
          %add3A_751 = arith.addi %add3A_750, %mul3A_749 : vector<16xi32>
          %add3A_752 = arith.addi %add3A_751, %convert_element_type3A_719 : vector<16xi32>
          %swap3A_753 = arith.constant 0 : index
          %swap3A_754 = tpu.vector_load %arg10[%swap3A_753] {strides = array<i32>} : memref<96xi32, #tpu.memory_space<vmem>>, vector<16xi32>,
          tpu.vector_store %arg10[%swap3A_753], %add3A_752 {strides = array<i32>} : memref<96xi32, #tpu.memory_space<vmem>>, vector<16xi32>,
          %add3A_755 = arith.addi %add3A_752, %select_n3A_738 : vector<16xi32>
          %swap3A_756 = arith.constant 0 : index
          %swap3A_757 = tpu.vector_load %arg12[%swap3A_756] {strides = array<i32>} : memref<96xi32, #tpu.memory_space<vmem>>, vector<16xi32>,
          tpu.vector_store %arg12[%swap3A_756], %add3A_755 {strides = array<i32>} : memref<96xi32, #tpu.memory_space<vmem>>, vector<16xi32>,
          %add3A_758 = arith.addi %add3A_752, %select_n3A_746 : vector<16xi32>
          %swap3A_759 = arith.constant 0 : index
          %swap3A_760 = tpu.vector_load %arg14[%swap3A_759] {strides = array<i32>} : memref<96xi32, #tpu.memory_space<vmem>>, vector<16xi32>,
          tpu.vector_store %arg14[%swap3A_759], %add3A_758 {strides = array<i32>} : memref<96xi32, #tpu.memory_space<vmem>>, vector<16xi32>,
          %add3A_761 = arith.addi %add3A_752, %select_n3A_746 : vector<16xi32>
          %add3A_762 = arith.addi %add3A_761, %select_n3A_738 : vector<16xi32>
          %swap3A_763 = arith.constant 0 : index
          %swap3A_764 = tpu.vector_load %arg16[%swap3A_763] {strides = array<i32>} : memref<96xi32, #tpu.memory_space<vmem>>, vector<16xi32>,
          tpu.vector_store %arg16[%swap3A_763], %add3A_762 {strides = array<i32>} : memref<96xi32, #tpu.memory_space<vmem>>, vector<16xi32>,
          %mul3A_765 = arith.mulf %sub3A_730, %sub3A_727 : vector<16xf32>
          %swap3A_766 = arith.constant 0 : index
          %swap3A_767 = tpu.vector_load %arg18[%swap3A_766] {strides = array<i32>} : memref<96xf32, #tpu.memory_space<vmem>>, vector<16xf32>,
          tpu.vector_store %arg18[%swap3A_766], %mul3A_765 {strides = array<i32>} : memref<96xf32, #tpu.memory_space<vmem>>, vector<16xf32>,
          %mul3A_768 = arith.mulf %sub3A_730, %sub3A_722 : vector<16xf32>
          %swap3A_769 = arith.constant 0 : index
          %swap3A_770 = tpu.vector_load %arg20[%swap3A_769] {strides = array<i32>} : memref<96xf32, #tpu.memory_space<vmem>>, vector<16xf32>,
          tpu.vector_store %arg20[%swap3A_769], %mul3A_768 {strides = array<i32>} : memref<96xf32, #tpu.memory_space<vmem>>, vector<16xf32>,
          %mul3A_771 = arith.mulf %sub3A_724, %sub3A_727 : vector<16xf32>
          %swap3A_772 = arith.constant 0 : index
          %swap3A_773 = tpu.vector_load %arg22[%swap3A_772] {strides = array<i32>} : memref<96xf32, #tpu.memory_space<vmem>>, vector<16xf32>,
          tpu.vector_store %arg22[%swap3A_772], %mul3A_771 {strides = array<i32>} : memref<96xf32, #tpu.memory_space<vmem>>, vector<16xf32>,
          %mul3A_774 = arith.mulf %sub3A_724, %sub3A_722 : vector<16xf32>
          %swap3A_775 = arith.constant 0 : index
          %swap3A_776 = tpu.vector_load %arg24[%swap3A_775] {strides = array<i32>} : memref<96xf32, #tpu.memory_space<vmem>>, vector<16xf32>,
          tpu.vector_store %arg24[%swap3A_775], %mul3A_774 {strides = array<i32>} : memref<96xf32, #tpu.memory_space<vmem>>, vector<16xf32>,
          %get3A_777 = arith.constant 16 : index
          %get3A_778 = tpu.vector_load %arg6[%get3A_777] {strides = array<i32>} : memref<96xf32, #tpu.memory_space<vmem>>, vector<16xf32>,
          %get3A_779 = arith.constant 16 : index
          %get3A_780 = tpu.vector_load %arg8[%get3A_779] {strides = array<i32>} : memref<96xf32, #tpu.memory_space<vmem>>, vector<16xf32>,
          %add3A_781 = arith.constant 1.000000e+00 : f32
          %add3A_782 = vector.broadcast %add3A_781 : f32 to vector<16xf32>
          %add3A_783 = arith.addf %get3A_778, %add3A_782 : vector<16xf32>
          %mul3A_784 = arith.constant 5.000000e-01 : f32
          %mul3A_785 = vector.broadcast %mul3A_784 : f32 to vector<16xf32>
          %mul3A_786 = arith.mulf %add3A_783, %mul3A_785 : vector<16xf32>
          %mul3A_787 = arith.constant 3.830000e+02 : f32
          %mul3A_788 = vector.broadcast %mul3A_787 : f32 to vector<16xf32>
          %mul3A_789 = arith.mulf %mul3A_786, %mul3A_788 : vector<16xf32>
          %max3A_790 = arith.constant 0.000000e+00 : f32
          %max3A_791 = vector.broadcast %max3A_790 : f32 to vector<16xf32>
          %max3A_792 = arith.maximumf %mul3A_789, %max3A_791 : vector<16xf32>
          %min3A_793 = arith.constant 3.830000e+02 : f32
          %min3A_794 = vector.broadcast %min3A_793 : f32 to vector<16xf32>
          %min3A_795 = arith.minimumf %max3A_792, %min3A_794 : vector<16xf32>
          %add3A_796 = arith.constant 1.000000e+00 : f32
          %add3A_797 = vector.broadcast %add3A_796 : f32 to vector<16xf32>
          %add3A_798 = arith.addf %get3A_780, %add3A_797 : vector<16xf32>
          %mul3A_799 = arith.constant 5.000000e-01 : f32
          %mul3A_800 = vector.broadcast %mul3A_799 : f32 to vector<16xf32>
          %mul3A_801 = arith.mulf %add3A_798, %mul3A_800 : vector<16xf32>
          %mul3A_802 = arith.constant 3.830000e+02 : f32
          %mul3A_803 = vector.broadcast %mul3A_802 : f32 to vector<16xf32>
          %mul3A_804 = arith.mulf %mul3A_801, %mul3A_803 : vector<16xf32>
          %max3A_805 = arith.constant 0.000000e+00 : f32
          %max3A_806 = vector.broadcast %max3A_805 : f32 to vector<16xf32>
          %max3A_807 = arith.maximumf %mul3A_804, %max3A_806 : vector<16xf32>
          %min3A_808 = arith.constant 3.830000e+02 : f32
          %min3A_809 = vector.broadcast %min3A_808 : f32 to vector<16xf32>
          %min3A_810 = arith.minimumf %max3A_807, %min3A_809 : vector<16xf32>
          %convert_element_type3A_811 = arith.fptosi %min3A_795 : vector<16xf32> to vector<16xi32>
          %convert_element_type3A_812 = arith.fptosi %min3A_810 : vector<16xf32> to vector<16xi32>
          %convert_element_type3A_813 = arith.sitofp %convert_element_type3A_811 : vector<16xi32> to vector<16xf32>
          %sub3A_814 = arith.subf %min3A_795, %convert_element_type3A_813 : vector<16xf32>
          %convert_element_type3A_815 = arith.sitofp %convert_element_type3A_812 : vector<16xi32> to vector<16xf32>
          %sub3A_816 = arith.subf %min3A_810, %convert_element_type3A_815 : vector<16xf32>
          %sub3A_817 = arith.constant 1.000000e+00 : f32
          %sub3A_818 = vector.broadcast %sub3A_817 : f32 to vector<16xf32>
          %sub3A_819 = arith.subf %sub3A_818, %sub3A_814 : vector<16xf32>
          %sub3A_820 = arith.constant 1.000000e+00 : f32
          %sub3A_821 = vector.broadcast %sub3A_820 : f32 to vector<16xf32>
          %sub3A_822 = arith.subf %sub3A_821, %sub3A_816 : vector<16xf32>
          %lt3A_823 = arith.constant 383 : i32
          %lt3A_824 = vector.broadcast %lt3A_823 : i32 to vector<16xi32>
          %lt3A_825 = arith.cmpi slt, %convert_element_type3A_811, %lt3A_824 : vector<16xi32>
          %jit3A_826 = arith.constant 1 : i32
          %jit3A_827 = arith.constant 0 : i32
          %broadcast_in_dim3A_828 = vector.broadcast %jit3A_826 : i32 to vector<16xi32>
          %broadcast_in_dim3A_829 = vector.broadcast %jit3A_827 : i32 to vector<16xi32>
          %select_n3A_830 = arith.select %lt3A_825, %broadcast_in_dim3A_828, %broadcast_in_dim3A_829 : vector<16xi1>, vector<16xi32>
          %lt3A_831 = arith.constant 383 : i32
          %lt3A_832 = vector.broadcast %lt3A_831 : i32 to vector<16xi32>
          %lt3A_833 = arith.cmpi slt, %convert_element_type3A_812, %lt3A_832 : vector<16xi32>
          %jit3A_834 = arith.constant 384 : i32
          %jit3A_835 = arith.constant 0 : i32
          %broadcast_in_dim3A_836 = vector.broadcast %jit3A_834 : i32 to vector<16xi32>
          %broadcast_in_dim3A_837 = vector.broadcast %jit3A_835 : i32 to vector<16xi32>
          %select_n3A_838 = arith.select %lt3A_833, %broadcast_in_dim3A_836, %broadcast_in_dim3A_837 : vector<16xi1>, vector<16xi32>
          %mul3A_839 = arith.constant 384 : i32
          %mul3A_840 = vector.broadcast %mul3A_839 : i32 to vector<16xi32>
          %mul3A_841 = arith.muli %convert_element_type3A_812, %mul3A_840 : vector<16xi32>
          %add3A_842 = vector.broadcast %mul3A_4 : i32 to vector<16xi32>
          %add3A_843 = arith.addi %add3A_842, %mul3A_841 : vector<16xi32>
          %add3A_844 = arith.addi %add3A_843, %convert_element_type3A_811 : vector<16xi32>
          %swap3A_845 = arith.constant 16 : index
          %swap3A_846 = tpu.vector_load %arg10[%swap3A_845] {strides = array<i32>} : memref<96xi32, #tpu.memory_space<vmem>>, vector<16xi32>,
          tpu.vector_store %arg10[%swap3A_845], %add3A_844 {strides = array<i32>} : memref<96xi32, #tpu.memory_space<vmem>>, vector<16xi32>,
          %add3A_847 = arith.addi %add3A_844, %select_n3A_830 : vector<16xi32>
          %swap3A_848 = arith.constant 16 : index
          %swap3A_849 = tpu.vector_load %arg12[%swap3A_848] {strides = array<i32>} : memref<96xi32, #tpu.memory_space<vmem>>, vector<16xi32>,
          tpu.vector_store %arg12[%swap3A_848], %add3A_847 {strides = array<i32>} : memref<96xi32, #tpu.memory_space<vmem>>, vector<16xi32>,
          %add3A_850 = arith.addi %add3A_844, %select_n3A_838 : vector<16xi32>
          %swap3A_851 = arith.constant 16 : index
          %swap3A_852 = tpu.vector_load %arg14[%swap3A_851] {strides = array<i32>} : memref<96xi32, #tpu.memory_space<vmem>>, vector<16xi32>,
          tpu.vector_store %arg14[%swap3A_851], %add3A_850 {strides = array<i32>} : memref<96xi32, #tpu.memory_space<vmem>>, vector<16xi32>,
          %add3A_853 = arith.addi %add3A_844, %select_n3A_838 : vector<16xi32>
          %add3A_854 = arith.addi %add3A_853, %select_n3A_830 : vector<16xi32>
          %swap3A_855 = arith.constant 16 : index
          %swap3A_856 = tpu.vector_load %arg16[%swap3A_855] {strides = array<i32>} : memref<96xi32, #tpu.memory_space<vmem>>, vector<16xi32>,
          tpu.vector_store %arg16[%swap3A_855], %add3A_854 {strides = array<i32>} : memref<96xi32, #tpu.memory_space<vmem>>, vector<16xi32>,
          %mul3A_857 = arith.mulf %sub3A_822, %sub3A_819 : vector<16xf32>
          %swap3A_858 = arith.constant 16 : index
          %swap3A_859 = tpu.vector_load %arg18[%swap3A_858] {strides = array<i32>} : memref<96xf32, #tpu.memory_space<vmem>>, vector<16xf32>,
          tpu.vector_store %arg18[%swap3A_858], %mul3A_857 {strides = array<i32>} : memref<96xf32, #tpu.memory_space<vmem>>, vector<16xf32>,
          %mul3A_860 = arith.mulf %sub3A_822, %sub3A_814 : vector<16xf32>
          %swap3A_861 = arith.constant 16 : index
          %swap3A_862 = tpu.vector_load %arg20[%swap3A_861] {strides = array<i32>} : memref<96xf32, #tpu.memory_space<vmem>>, vector<16xf32>,
          tpu.vector_store %arg20[%swap3A_861], %mul3A_860 {strides = array<i32>} : memref<96xf32, #tpu.memory_space<vmem>>, vector<16xf32>,
          %mul3A_863 = arith.mulf %sub3A_816, %sub3A_819 : vector<16xf32>
          %swap3A_864 = arith.constant 16 : index
          %swap3A_865 = tpu.vector_load %arg22[%swap3A_864] {strides = array<i32>} : memref<96xf32, #tpu.memory_space<vmem>>, vector<16xf32>,
          tpu.vector_store %arg22[%swap3A_864], %mul3A_863 {strides = array<i32>} : memref<96xf32, #tpu.memory_space<vmem>>, vector<16xf32>,
          %mul3A_866 = arith.mulf %sub3A_816, %sub3A_814 : vector<16xf32>
          %swap3A_867 = arith.constant 16 : index
          %swap3A_868 = tpu.vector_load %arg24[%swap3A_867] {strides = array<i32>} : memref<96xf32, #tpu.memory_space<vmem>>, vector<16xf32>,
          tpu.vector_store %arg24[%swap3A_867], %mul3A_866 {strides = array<i32>} : memref<96xf32, #tpu.memory_space<vmem>>, vector<16xf32>,
          %get3A_869 = arith.constant 32 : index
          %get3A_870 = tpu.vector_load %arg6[%get3A_869] {strides = array<i32>} : memref<96xf32, #tpu.memory_space<vmem>>, vector<16xf32>,
          %get3A_871 = arith.constant 32 : index
          %get3A_872 = tpu.vector_load %arg8[%get3A_871] {strides = array<i32>} : memref<96xf32, #tpu.memory_space<vmem>>, vector<16xf32>,
          %add3A_873 = arith.constant 1.000000e+00 : f32
          %add3A_874 = vector.broadcast %add3A_873 : f32 to vector<16xf32>
          %add3A_875 = arith.addf %get3A_870, %add3A_874 : vector<16xf32>
          %mul3A_876 = arith.constant 5.000000e-01 : f32
          %mul3A_877 = vector.broadcast %mul3A_876 : f32 to vector<16xf32>
          %mul3A_878 = arith.mulf %add3A_875, %mul3A_877 : vector<16xf32>
          %mul3A_879 = arith.constant 3.830000e+02 : f32
          %mul3A_880 = vector.broadcast %mul3A_879 : f32 to vector<16xf32>
          %mul3A_881 = arith.mulf %mul3A_878, %mul3A_880 : vector<16xf32>
          %max3A_882 = arith.constant 0.000000e+00 : f32
          %max3A_883 = vector.broadcast %max3A_882 : f32 to vector<16xf32>
          %max3A_884 = arith.maximumf %mul3A_881, %max3A_883 : vector<16xf32>
          %min3A_885 = arith.constant 3.830000e+02 : f32
          %min3A_886 = vector.broadcast %min3A_885 : f32 to vector<16xf32>
          %min3A_887 = arith.minimumf %max3A_884, %min3A_886 : vector<16xf32>
          %add3A_888 = arith.constant 1.000000e+00 : f32
          %add3A_889 = vector.broadcast %add3A_888 : f32 to vector<16xf32>
          %add3A_890 = arith.addf %get3A_872, %add3A_889 : vector<16xf32>
          %mul3A_891 = arith.constant 5.000000e-01 : f32
          %mul3A_892 = vector.broadcast %mul3A_891 : f32 to vector<16xf32>
          %mul3A_893 = arith.mulf %add3A_890, %mul3A_892 : vector<16xf32>
          %mul3A_894 = arith.constant 3.830000e+02 : f32
          %mul3A_895 = vector.broadcast %mul3A_894 : f32 to vector<16xf32>
          %mul3A_896 = arith.mulf %mul3A_893, %mul3A_895 : vector<16xf32>
          %max3A_897 = arith.constant 0.000000e+00 : f32
          %max3A_898 = vector.broadcast %max3A_897 : f32 to vector<16xf32>
          %max3A_899 = arith.maximumf %mul3A_896, %max3A_898 : vector<16xf32>
          %min3A_900 = arith.constant 3.830000e+02 : f32
          %min3A_901 = vector.broadcast %min3A_900 : f32 to vector<16xf32>
          %min3A_902 = arith.minimumf %max3A_899, %min3A_901 : vector<16xf32>
          %convert_element_type3A_903 = arith.fptosi %min3A_887 : vector<16xf32> to vector<16xi32>
          %convert_element_type3A_904 = arith.fptosi %min3A_902 : vector<16xf32> to vector<16xi32>
          %convert_element_type3A_905 = arith.sitofp %convert_element_type3A_903 : vector<16xi32> to vector<16xf32>
          %sub3A_906 = arith.subf %min3A_887, %convert_element_type3A_905 : vector<16xf32>
          %convert_element_type3A_907 = arith.sitofp %convert_element_type3A_904 : vector<16xi32> to vector<16xf32>
          %sub3A_908 = arith.subf %min3A_902, %convert_element_type3A_907 : vector<16xf32>
          %sub3A_909 = arith.constant 1.000000e+00 : f32
          %sub3A_910 = vector.broadcast %sub3A_909 : f32 to vector<16xf32>
          %sub3A_911 = arith.subf %sub3A_910, %sub3A_906 : vector<16xf32>
          %sub3A_912 = arith.constant 1.000000e+00 : f32
          %sub3A_913 = vector.broadcast %sub3A_912 : f32 to vector<16xf32>
          %sub3A_914 = arith.subf %sub3A_913, %sub3A_908 : vector<16xf32>
          %lt3A_915 = arith.constant 383 : i32
          %lt3A_916 = vector.broadcast %lt3A_915 : i32 to vector<16xi32>
          %lt3A_917 = arith.cmpi slt, %convert_element_type3A_903, %lt3A_916 : vector<16xi32>
          %jit3A_918 = arith.constant 1 : i32
          %jit3A_919 = arith.constant 0 : i32
          %broadcast_in_dim3A_920 = vector.broadcast %jit3A_918 : i32 to vector<16xi32>
          %broadcast_in_dim3A_921 = vector.broadcast %jit3A_919 : i32 to vector<16xi32>
          %select_n3A_922 = arith.select %lt3A_917, %broadcast_in_dim3A_920, %broadcast_in_dim3A_921 : vector<16xi1>, vector<16xi32>
          %lt3A_923 = arith.constant 383 : i32
          %lt3A_924 = vector.broadcast %lt3A_923 : i32 to vector<16xi32>
          %lt3A_925 = arith.cmpi slt, %convert_element_type3A_904, %lt3A_924 : vector<16xi32>
          %jit3A_926 = arith.constant 384 : i32
          %jit3A_927 = arith.constant 0 : i32
          %broadcast_in_dim3A_928 = vector.broadcast %jit3A_926 : i32 to vector<16xi32>
          %broadcast_in_dim3A_929 = vector.broadcast %jit3A_927 : i32 to vector<16xi32>
          %select_n3A_930 = arith.select %lt3A_925, %broadcast_in_dim3A_928, %broadcast_in_dim3A_929 : vector<16xi1>, vector<16xi32>
          %mul3A_931 = arith.constant 384 : i32
          %mul3A_932 = vector.broadcast %mul3A_931 : i32 to vector<16xi32>
          %mul3A_933 = arith.muli %convert_element_type3A_904, %mul3A_932 : vector<16xi32>
          %add3A_934 = vector.broadcast %mul3A_4 : i32 to vector<16xi32>
          %add3A_935 = arith.addi %add3A_934, %mul3A_933 : vector<16xi32>
          %add3A_936 = arith.addi %add3A_935, %convert_element_type3A_903 : vector<16xi32>
          %swap3A_937 = arith.constant 32 : index
          %swap3A_938 = tpu.vector_load %arg10[%swap3A_937] {strides = array<i32>} : memref<96xi32, #tpu.memory_space<vmem>>, vector<16xi32>,
          tpu.vector_store %arg10[%swap3A_937], %add3A_936 {strides = array<i32>} : memref<96xi32, #tpu.memory_space<vmem>>, vector<16xi32>,
          %add3A_939 = arith.addi %add3A_936, %select_n3A_922 : vector<16xi32>
          %swap3A_940 = arith.constant 32 : index
          %swap3A_941 = tpu.vector_load %arg12[%swap3A_940] {strides = array<i32>} : memref<96xi32, #tpu.memory_space<vmem>>, vector<16xi32>,
          tpu.vector_store %arg12[%swap3A_940], %add3A_939 {strides = array<i32>} : memref<96xi32, #tpu.memory_space<vmem>>, vector<16xi32>,
          %add3A_942 = arith.addi %add3A_936, %select_n3A_930 : vector<16xi32>
          %swap3A_943 = arith.constant 32 : index
          %swap3A_944 = tpu.vector_load %arg14[%swap3A_943] {strides = array<i32>} : memref<96xi32, #tpu.memory_space<vmem>>, vector<16xi32>,
          tpu.vector_store %arg14[%swap3A_943], %add3A_942 {strides = array<i32>} : memref<96xi32, #tpu.memory_space<vmem>>, vector<16xi32>,
          %add3A_945 = arith.addi %add3A_936, %select_n3A_930 : vector<16xi32>
          %add3A_946 = arith.addi %add3A_945, %select_n3A_922 : vector<16xi32>
          %swap3A_947 = arith.constant 32 : index
          %swap3A_948 = tpu.vector_load %arg16[%swap3A_947] {strides = array<i32>} : memref<96xi32, #tpu.memory_space<vmem>>, vector<16xi32>,
          tpu.vector_store %arg16[%swap3A_947], %add3A_946 {strides = array<i32>} : memref<96xi32, #tpu.memory_space<vmem>>, vector<16xi32>,
          %mul3A_949 = arith.mulf %sub3A_914, %sub3A_911 : vector<16xf32>
          %swap3A_950 = arith.constant 32 : index
          %swap3A_951 = tpu.vector_load %arg18[%swap3A_950] {strides = array<i32>} : memref<96xf32, #tpu.memory_space<vmem>>, vector<16xf32>,
          tpu.vector_store %arg18[%swap3A_950], %mul3A_949 {strides = array<i32>} : memref<96xf32, #tpu.memory_space<vmem>>, vector<16xf32>,
          %mul3A_952 = arith.mulf %sub3A_914, %sub3A_906 : vector<16xf32>
          %swap3A_953 = arith.constant 32 : index
          %swap3A_954 = tpu.vector_load %arg20[%swap3A_953] {strides = array<i32>} : memref<96xf32, #tpu.memory_space<vmem>>, vector<16xf32>,
          tpu.vector_store %arg20[%swap3A_953], %mul3A_952 {strides = array<i32>} : memref<96xf32, #tpu.memory_space<vmem>>, vector<16xf32>,
          %mul3A_955 = arith.mulf %sub3A_908, %sub3A_911 : vector<16xf32>
          %swap3A_956 = arith.constant 32 : index
          %swap3A_957 = tpu.vector_load %arg22[%swap3A_956] {strides = array<i32>} : memref<96xf32, #tpu.memory_space<vmem>>, vector<16xf32>,
          tpu.vector_store %arg22[%swap3A_956], %mul3A_955 {strides = array<i32>} : memref<96xf32, #tpu.memory_space<vmem>>, vector<16xf32>,
          %mul3A_958 = arith.mulf %sub3A_908, %sub3A_906 : vector<16xf32>
          %swap3A_959 = arith.constant 32 : index
          %swap3A_960 = tpu.vector_load %arg24[%swap3A_959] {strides = array<i32>} : memref<96xf32, #tpu.memory_space<vmem>>, vector<16xf32>,
          tpu.vector_store %arg24[%swap3A_959], %mul3A_958 {strides = array<i32>} : memref<96xf32, #tpu.memory_space<vmem>>, vector<16xf32>,
          %get3A_961 = arith.constant 48 : index
          %get3A_962 = tpu.vector_load %arg6[%get3A_961] {strides = array<i32>} : memref<96xf32, #tpu.memory_space<vmem>>, vector<16xf32>,
          %get3A_963 = arith.constant 48 : index
          %get3A_964 = tpu.vector_load %arg8[%get3A_963] {strides = array<i32>} : memref<96xf32, #tpu.memory_space<vmem>>, vector<16xf32>,
          %add3A_965 = arith.constant 1.000000e+00 : f32
          %add3A_966 = vector.broadcast %add3A_965 : f32 to vector<16xf32>
          %add3A_967 = arith.addf %get3A_962, %add3A_966 : vector<16xf32>
          %mul3A_968 = arith.constant 5.000000e-01 : f32
          %mul3A_969 = vector.broadcast %mul3A_968 : f32 to vector<16xf32>
          %mul3A_970 = arith.mulf %add3A_967, %mul3A_969 : vector<16xf32>
          %mul3A_971 = arith.constant 3.830000e+02 : f32
          %mul3A_972 = vector.broadcast %mul3A_971 : f32 to vector<16xf32>
          %mul3A_973 = arith.mulf %mul3A_970, %mul3A_972 : vector<16xf32>
          %max3A_974 = arith.constant 0.000000e+00 : f32
          %max3A_975 = vector.broadcast %max3A_974 : f32 to vector<16xf32>
          %max3A_976 = arith.maximumf %mul3A_973, %max3A_975 : vector<16xf32>
          %min3A_977 = arith.constant 3.830000e+02 : f32
          %min3A_978 = vector.broadcast %min3A_977 : f32 to vector<16xf32>
          %min3A_979 = arith.minimumf %max3A_976, %min3A_978 : vector<16xf32>
          %add3A_980 = arith.constant 1.000000e+00 : f32
          %add3A_981 = vector.broadcast %add3A_980 : f32 to vector<16xf32>
          %add3A_982 = arith.addf %get3A_964, %add3A_981 : vector<16xf32>
          %mul3A_983 = arith.constant 5.000000e-01 : f32
          %mul3A_984 = vector.broadcast %mul3A_983 : f32 to vector<16xf32>
          %mul3A_985 = arith.mulf %add3A_982, %mul3A_984 : vector<16xf32>
          %mul3A_986 = arith.constant 3.830000e+02 : f32
          %mul3A_987 = vector.broadcast %mul3A_986 : f32 to vector<16xf32>
          %mul3A_988 = arith.mulf %mul3A_985, %mul3A_987 : vector<16xf32>
          %max3A_989 = arith.constant 0.000000e+00 : f32
          %max3A_990 = vector.broadcast %max3A_989 : f32 to vector<16xf32>
          %max3A_991 = arith.maximumf %mul3A_988, %max3A_990 : vector<16xf32>
          %min3A_992 = arith.constant 3.830000e+02 : f32
          %min3A_993 = vector.broadcast %min3A_992 : f32 to vector<16xf32>
          %min3A_994 = arith.minimumf %max3A_991, %min3A_993 : vector<16xf32>
          %convert_element_type3A_995 = arith.fptosi %min3A_979 : vector<16xf32> to vector<16xi32>
          %convert_element_type3A_996 = arith.fptosi %min3A_994 : vector<16xf32> to vector<16xi32>
          %convert_element_type3A_997 = arith.sitofp %convert_element_type3A_995 : vector<16xi32> to vector<16xf32>
          %sub3A_998 = arith.subf %min3A_979, %convert_element_type3A_997 : vector<16xf32>
          %convert_element_type3A_999 = arith.sitofp %convert_element_type3A_996 : vector<16xi32> to vector<16xf32>
          %sub3A_1000 = arith.subf %min3A_994, %convert_element_type3A_999 : vector<16xf32>
          %sub3A_1001 = arith.constant 1.000000e+00 : f32
          %sub3A_1002 = vector.broadcast %sub3A_1001 : f32 to vector<16xf32>
          %sub3A_1003 = arith.subf %sub3A_1002, %sub3A_998 : vector<16xf32>
          %sub3A_1004 = arith.constant 1.000000e+00 : f32
          %sub3A_1005 = vector.broadcast %sub3A_1004 : f32 to vector<16xf32>
          %sub3A_1006 = arith.subf %sub3A_1005, %sub3A_1000 : vector<16xf32>
          %lt3A_1007 = arith.constant 383 : i32
          %lt3A_1008 = vector.broadcast %lt3A_1007 : i32 to vector<16xi32>
          %lt3A_1009 = arith.cmpi slt, %convert_element_type3A_995, %lt3A_1008 : vector<16xi32>
          %jit3A_1010 = arith.constant 1 : i32
          %jit3A_1011 = arith.constant 0 : i32
          %broadcast_in_dim3A_1012 = vector.broadcast %jit3A_1010 : i32 to vector<16xi32>
          %broadcast_in_dim3A_1013 = vector.broadcast %jit3A_1011 : i32 to vector<16xi32>
          %select_n3A_1014 = arith.select %lt3A_1009, %broadcast_in_dim3A_1012, %broadcast_in_dim3A_1013 : vector<16xi1>, vector<16xi32>
          %lt3A_1015 = arith.constant 383 : i32
          %lt3A_1016 = vector.broadcast %lt3A_1015 : i32 to vector<16xi32>
          %lt3A_1017 = arith.cmpi slt, %convert_element_type3A_996, %lt3A_1016 : vector<16xi32>
          %jit3A_1018 = arith.constant 384 : i32
          %jit3A_1019 = arith.constant 0 : i32
          %broadcast_in_dim3A_1020 = vector.broadcast %jit3A_1018 : i32 to vector<16xi32>
          %broadcast_in_dim3A_1021 = vector.broadcast %jit3A_1019 : i32 to vector<16xi32>
          %select_n3A_1022 = arith.select %lt3A_1017, %broadcast_in_dim3A_1020, %broadcast_in_dim3A_1021 : vector<16xi1>, vector<16xi32>
          %mul3A_1023 = arith.constant 384 : i32
          %mul3A_1024 = vector.broadcast %mul3A_1023 : i32 to vector<16xi32>
          %mul3A_1025 = arith.muli %convert_element_type3A_996, %mul3A_1024 : vector<16xi32>
          %add3A_1026 = vector.broadcast %mul3A_4 : i32 to vector<16xi32>
          %add3A_1027 = arith.addi %add3A_1026, %mul3A_1025 : vector<16xi32>
          %add3A_1028 = arith.addi %add3A_1027, %convert_element_type3A_995 : vector<16xi32>
          %swap3A_1029 = arith.constant 48 : index
          %swap3A_1030 = tpu.vector_load %arg10[%swap3A_1029] {strides = array<i32>} : memref<96xi32, #tpu.memory_space<vmem>>, vector<16xi32>,
          tpu.vector_store %arg10[%swap3A_1029], %add3A_1028 {strides = array<i32>} : memref<96xi32, #tpu.memory_space<vmem>>, vector<16xi32>,
          %add3A_1031 = arith.addi %add3A_1028, %select_n3A_1014 : vector<16xi32>
          %swap3A_1032 = arith.constant 48 : index
          %swap3A_1033 = tpu.vector_load %arg12[%swap3A_1032] {strides = array<i32>} : memref<96xi32, #tpu.memory_space<vmem>>, vector<16xi32>,
          tpu.vector_store %arg12[%swap3A_1032], %add3A_1031 {strides = array<i32>} : memref<96xi32, #tpu.memory_space<vmem>>, vector<16xi32>,
          %add3A_1034 = arith.addi %add3A_1028, %select_n3A_1022 : vector<16xi32>
          %swap3A_1035 = arith.constant 48 : index
          %swap3A_1036 = tpu.vector_load %arg14[%swap3A_1035] {strides = array<i32>} : memref<96xi32, #tpu.memory_space<vmem>>, vector<16xi32>,
          tpu.vector_store %arg14[%swap3A_1035], %add3A_1034 {strides = array<i32>} : memref<96xi32, #tpu.memory_space<vmem>>, vector<16xi32>,
          %add3A_1037 = arith.addi %add3A_1028, %select_n3A_1022 : vector<16xi32>
          %add3A_1038 = arith.addi %add3A_1037, %select_n3A_1014 : vector<16xi32>
          %swap3A_1039 = arith.constant 48 : index
          %swap3A_1040 = tpu.vector_load %arg16[%swap3A_1039] {strides = array<i32>} : memref<96xi32, #tpu.memory_space<vmem>>, vector<16xi32>,
          tpu.vector_store %arg16[%swap3A_1039], %add3A_1038 {strides = array<i32>} : memref<96xi32, #tpu.memory_space<vmem>>, vector<16xi32>,
          %mul3A_1041 = arith.mulf %sub3A_1006, %sub3A_1003 : vector<16xf32>
          %swap3A_1042 = arith.constant 48 : index
          %swap3A_1043 = tpu.vector_load %arg18[%swap3A_1042] {strides = array<i32>} : memref<96xf32, #tpu.memory_space<vmem>>, vector<16xf32>,
          tpu.vector_store %arg18[%swap3A_1042], %mul3A_1041 {strides = array<i32>} : memref<96xf32, #tpu.memory_space<vmem>>, vector<16xf32>,
          %mul3A_1044 = arith.mulf %sub3A_1006, %sub3A_998 : vector<16xf32>
          %swap3A_1045 = arith.constant 48 : index
          %swap3A_1046 = tpu.vector_load %arg20[%swap3A_1045] {strides = array<i32>} : memref<96xf32, #tpu.memory_space<vmem>>, vector<16xf32>,
          tpu.vector_store %arg20[%swap3A_1045], %mul3A_1044 {strides = array<i32>} : memref<96xf32, #tpu.memory_space<vmem>>, vector<16xf32>,
          %mul3A_1047 = arith.mulf %sub3A_1000, %sub3A_1003 : vector<16xf32>
          %swap3A_1048 = arith.constant 48 : index
          %swap3A_1049 = tpu.vector_load %arg22[%swap3A_1048] {strides = array<i32>} : memref<96xf32, #tpu.memory_space<vmem>>, vector<16xf32>,
          tpu.vector_store %arg22[%swap3A_1048], %mul3A_1047 {strides = array<i32>} : memref<96xf32, #tpu.memory_space<vmem>>, vector<16xf32>,
          %mul3A_1050 = arith.mulf %sub3A_1000, %sub3A_998 : vector<16xf32>
          %swap3A_1051 = arith.constant 48 : index
          %swap3A_1052 = tpu.vector_load %arg24[%swap3A_1051] {strides = array<i32>} : memref<96xf32, #tpu.memory_space<vmem>>, vector<16xf32>,
          tpu.vector_store %arg24[%swap3A_1051], %mul3A_1050 {strides = array<i32>} : memref<96xf32, #tpu.memory_space<vmem>>, vector<16xf32>,
          %get3A_1053 = arith.constant 64 : index
          %get3A_1054 = tpu.vector_load %arg6[%get3A_1053] {strides = array<i32>} : memref<96xf32, #tpu.memory_space<vmem>>, vector<16xf32>,
          %get3A_1055 = arith.constant 64 : index
          %get3A_1056 = tpu.vector_load %arg8[%get3A_1055] {strides = array<i32>} : memref<96xf32, #tpu.memory_space<vmem>>, vector<16xf32>,
          %add3A_1057 = arith.constant 1.000000e+00 : f32
          %add3A_1058 = vector.broadcast %add3A_1057 : f32 to vector<16xf32>
          %add3A_1059 = arith.addf %get3A_1054, %add3A_1058 : vector<16xf32>
          %mul3A_1060 = arith.constant 5.000000e-01 : f32
          %mul3A_1061 = vector.broadcast %mul3A_1060 : f32 to vector<16xf32>
          %mul3A_1062 = arith.mulf %add3A_1059, %mul3A_1061 : vector<16xf32>
          %mul3A_1063 = arith.constant 3.830000e+02 : f32
          %mul3A_1064 = vector.broadcast %mul3A_1063 : f32 to vector<16xf32>
          %mul3A_1065 = arith.mulf %mul3A_1062, %mul3A_1064 : vector<16xf32>
          %max3A_1066 = arith.constant 0.000000e+00 : f32
          %max3A_1067 = vector.broadcast %max3A_1066 : f32 to vector<16xf32>
          %max3A_1068 = arith.maximumf %mul3A_1065, %max3A_1067 : vector<16xf32>
          %min3A_1069 = arith.constant 3.830000e+02 : f32
          %min3A_1070 = vector.broadcast %min3A_1069 : f32 to vector<16xf32>
          %min3A_1071 = arith.minimumf %max3A_1068, %min3A_1070 : vector<16xf32>
          %add3A_1072 = arith.constant 1.000000e+00 : f32
          %add3A_1073 = vector.broadcast %add3A_1072 : f32 to vector<16xf32>
          %add3A_1074 = arith.addf %get3A_1056, %add3A_1073 : vector<16xf32>
          %mul3A_1075 = arith.constant 5.000000e-01 : f32
          %mul3A_1076 = vector.broadcast %mul3A_1075 : f32 to vector<16xf32>
          %mul3A_1077 = arith.mulf %add3A_1074, %mul3A_1076 : vector<16xf32>
          %mul3A_1078 = arith.constant 3.830000e+02 : f32
          %mul3A_1079 = vector.broadcast %mul3A_1078 : f32 to vector<16xf32>
          %mul3A_1080 = arith.mulf %mul3A_1077, %mul3A_1079 : vector<16xf32>
          %max3A_1081 = arith.constant 0.000000e+00 : f32
          %max3A_1082 = vector.broadcast %max3A_1081 : f32 to vector<16xf32>
          %max3A_1083 = arith.maximumf %mul3A_1080, %max3A_1082 : vector<16xf32>
          %min3A_1084 = arith.constant 3.830000e+02 : f32
          %min3A_1085 = vector.broadcast %min3A_1084 : f32 to vector<16xf32>
          %min3A_1086 = arith.minimumf %max3A_1083, %min3A_1085 : vector<16xf32>
          %convert_element_type3A_1087 = arith.fptosi %min3A_1071 : vector<16xf32> to vector<16xi32>
          %convert_element_type3A_1088 = arith.fptosi %min3A_1086 : vector<16xf32> to vector<16xi32>
          %convert_element_type3A_1089 = arith.sitofp %convert_element_type3A_1087 : vector<16xi32> to vector<16xf32>
          %sub3A_1090 = arith.subf %min3A_1071, %convert_element_type3A_1089 : vector<16xf32>
          %convert_element_type3A_1091 = arith.sitofp %convert_element_type3A_1088 : vector<16xi32> to vector<16xf32>
          %sub3A_1092 = arith.subf %min3A_1086, %convert_element_type3A_1091 : vector<16xf32>
          %sub3A_1093 = arith.constant 1.000000e+00 : f32
          %sub3A_1094 = vector.broadcast %sub3A_1093 : f32 to vector<16xf32>
          %sub3A_1095 = arith.subf %sub3A_1094, %sub3A_1090 : vector<16xf32>
          %sub3A_1096 = arith.constant 1.000000e+00 : f32
          %sub3A_1097 = vector.broadcast %sub3A_1096 : f32 to vector<16xf32>
          %sub3A_1098 = arith.subf %sub3A_1097, %sub3A_1092 : vector<16xf32>
          %lt3A_1099 = arith.constant 383 : i32
          %lt3A_1100 = vector.broadcast %lt3A_1099 : i32 to vector<16xi32>
          %lt3A_1101 = arith.cmpi slt, %convert_element_type3A_1087, %lt3A_1100 : vector<16xi32>
          %jit3A_1102 = arith.constant 1 : i32
          %jit3A_1103 = arith.constant 0 : i32
          %broadcast_in_dim3A_1104 = vector.broadcast %jit3A_1102 : i32 to vector<16xi32>
          %broadcast_in_dim3A_1105 = vector.broadcast %jit3A_1103 : i32 to vector<16xi32>
          %select_n3A_1106 = arith.select %lt3A_1101, %broadcast_in_dim3A_1104, %broadcast_in_dim3A_1105 : vector<16xi1>, vector<16xi32>
          %lt3A_1107 = arith.constant 383 : i32
          %lt3A_1108 = vector.broadcast %lt3A_1107 : i32 to vector<16xi32>
          %lt3A_1109 = arith.cmpi slt, %convert_element_type3A_1088, %lt3A_1108 : vector<16xi32>
          %jit3A_1110 = arith.constant 384 : i32
          %jit3A_1111 = arith.constant 0 : i32
          %broadcast_in_dim3A_1112 = vector.broadcast %jit3A_1110 : i32 to vector<16xi32>
          %broadcast_in_dim3A_1113 = vector.broadcast %jit3A_1111 : i32 to vector<16xi32>
          %select_n3A_1114 = arith.select %lt3A_1109, %broadcast_in_dim3A_1112, %broadcast_in_dim3A_1113 : vector<16xi1>, vector<16xi32>
          %mul3A_1115 = arith.constant 384 : i32
          %mul3A_1116 = vector.broadcast %mul3A_1115 : i32 to vector<16xi32>
          %mul3A_1117 = arith.muli %convert_element_type3A_1088, %mul3A_1116 : vector<16xi32>
          %add3A_1118 = vector.broadcast %mul3A_4 : i32 to vector<16xi32>
          %add3A_1119 = arith.addi %add3A_1118, %mul3A_1117 : vector<16xi32>
          %add3A_1120 = arith.addi %add3A_1119, %convert_element_type3A_1087 : vector<16xi32>
          %swap3A_1121 = arith.constant 64 : index
          %swap3A_1122 = tpu.vector_load %arg10[%swap3A_1121] {strides = array<i32>} : memref<96xi32, #tpu.memory_space<vmem>>, vector<16xi32>,
          tpu.vector_store %arg10[%swap3A_1121], %add3A_1120 {strides = array<i32>} : memref<96xi32, #tpu.memory_space<vmem>>, vector<16xi32>,
          %add3A_1123 = arith.addi %add3A_1120, %select_n3A_1106 : vector<16xi32>
          %swap3A_1124 = arith.constant 64 : index
          %swap3A_1125 = tpu.vector_load %arg12[%swap3A_1124] {strides = array<i32>} : memref<96xi32, #tpu.memory_space<vmem>>, vector<16xi32>,
          tpu.vector_store %arg12[%swap3A_1124], %add3A_1123 {strides = array<i32>} : memref<96xi32, #tpu.memory_space<vmem>>, vector<16xi32>,
          %add3A_1126 = arith.addi %add3A_1120, %select_n3A_1114 : vector<16xi32>
          %swap3A_1127 = arith.constant 64 : index
          %swap3A_1128 = tpu.vector_load %arg14[%swap3A_1127] {strides = array<i32>} : memref<96xi32, #tpu.memory_space<vmem>>, vector<16xi32>,
          tpu.vector_store %arg14[%swap3A_1127], %add3A_1126 {strides = array<i32>} : memref<96xi32, #tpu.memory_space<vmem>>, vector<16xi32>,
          %add3A_1129 = arith.addi %add3A_1120, %select_n3A_1114 : vector<16xi32>
          %add3A_1130 = arith.addi %add3A_1129, %select_n3A_1106 : vector<16xi32>
          %swap3A_1131 = arith.constant 64 : index
          %swap3A_1132 = tpu.vector_load %arg16[%swap3A_1131] {strides = array<i32>} : memref<96xi32, #tpu.memory_space<vmem>>, vector<16xi32>,
          tpu.vector_store %arg16[%swap3A_1131], %add3A_1130 {strides = array<i32>} : memref<96xi32, #tpu.memory_space<vmem>>, vector<16xi32>,
          %mul3A_1133 = arith.mulf %sub3A_1098, %sub3A_1095 : vector<16xf32>
          %swap3A_1134 = arith.constant 64 : index
          %swap3A_1135 = tpu.vector_load %arg18[%swap3A_1134] {strides = array<i32>} : memref<96xf32, #tpu.memory_space<vmem>>, vector<16xf32>,
          tpu.vector_store %arg18[%swap3A_1134], %mul3A_1133 {strides = array<i32>} : memref<96xf32, #tpu.memory_space<vmem>>, vector<16xf32>,
          %mul3A_1136 = arith.mulf %sub3A_1098, %sub3A_1090 : vector<16xf32>
          %swap3A_1137 = arith.constant 64 : index
          %swap3A_1138 = tpu.vector_load %arg20[%swap3A_1137] {strides = array<i32>} : memref<96xf32, #tpu.memory_space<vmem>>, vector<16xf32>,
          tpu.vector_store %arg20[%swap3A_1137], %mul3A_1136 {strides = array<i32>} : memref<96xf32, #tpu.memory_space<vmem>>, vector<16xf32>,
          %mul3A_1139 = arith.mulf %sub3A_1092, %sub3A_1095 : vector<16xf32>
          %swap3A_1140 = arith.constant 64 : index
          %swap3A_1141 = tpu.vector_load %arg22[%swap3A_1140] {strides = array<i32>} : memref<96xf32, #tpu.memory_space<vmem>>, vector<16xf32>,
          tpu.vector_store %arg22[%swap3A_1140], %mul3A_1139 {strides = array<i32>} : memref<96xf32, #tpu.memory_space<vmem>>, vector<16xf32>,
          %mul3A_1142 = arith.mulf %sub3A_1092, %sub3A_1090 : vector<16xf32>
          %swap3A_1143 = arith.constant 64 : index
          %swap3A_1144 = tpu.vector_load %arg24[%swap3A_1143] {strides = array<i32>} : memref<96xf32, #tpu.memory_space<vmem>>, vector<16xf32>,
          tpu.vector_store %arg24[%swap3A_1143], %mul3A_1142 {strides = array<i32>} : memref<96xf32, #tpu.memory_space<vmem>>, vector<16xf32>,
          %get3A_1145 = arith.constant 80 : index
          %get3A_1146 = tpu.vector_load %arg6[%get3A_1145] {strides = array<i32>} : memref<96xf32, #tpu.memory_space<vmem>>, vector<16xf32>,
          %get3A_1147 = arith.constant 80 : index
          %get3A_1148 = tpu.vector_load %arg8[%get3A_1147] {strides = array<i32>} : memref<96xf32, #tpu.memory_space<vmem>>, vector<16xf32>,
          %add3A_1149 = arith.constant 1.000000e+00 : f32
          %add3A_1150 = vector.broadcast %add3A_1149 : f32 to vector<16xf32>
          %add3A_1151 = arith.addf %get3A_1146, %add3A_1150 : vector<16xf32>
          %mul3A_1152 = arith.constant 5.000000e-01 : f32
          %mul3A_1153 = vector.broadcast %mul3A_1152 : f32 to vector<16xf32>
          %mul3A_1154 = arith.mulf %add3A_1151, %mul3A_1153 : vector<16xf32>
          %mul3A_1155 = arith.constant 3.830000e+02 : f32
          %mul3A_1156 = vector.broadcast %mul3A_1155 : f32 to vector<16xf32>
          %mul3A_1157 = arith.mulf %mul3A_1154, %mul3A_1156 : vector<16xf32>
          %max3A_1158 = arith.constant 0.000000e+00 : f32
          %max3A_1159 = vector.broadcast %max3A_1158 : f32 to vector<16xf32>
          %max3A_1160 = arith.maximumf %mul3A_1157, %max3A_1159 : vector<16xf32>
          %min3A_1161 = arith.constant 3.830000e+02 : f32
          %min3A_1162 = vector.broadcast %min3A_1161 : f32 to vector<16xf32>
          %min3A_1163 = arith.minimumf %max3A_1160, %min3A_1162 : vector<16xf32>
          %add3A_1164 = arith.constant 1.000000e+00 : f32
          %add3A_1165 = vector.broadcast %add3A_1164 : f32 to vector<16xf32>
          %add3A_1166 = arith.addf %get3A_1148, %add3A_1165 : vector<16xf32>
          %mul3A_1167 = arith.constant 5.000000e-01 : f32
          %mul3A_1168 = vector.broadcast %mul3A_1167 : f32 to vector<16xf32>
          %mul3A_1169 = arith.mulf %add3A_1166, %mul3A_1168 : vector<16xf32>
          %mul3A_1170 = arith.constant 3.830000e+02 : f32
          %mul3A_1171 = vector.broadcast %mul3A_1170 : f32 to vector<16xf32>
          %mul3A_1172 = arith.mulf %mul3A_1169, %mul3A_1171 : vector<16xf32>
          %max3A_1173 = arith.constant 0.000000e+00 : f32
          %max3A_1174 = vector.broadcast %max3A_1173 : f32 to vector<16xf32>
          %max3A_1175 = arith.maximumf %mul3A_1172, %max3A_1174 : vector<16xf32>
          %min3A_1176 = arith.constant 3.830000e+02 : f32
          %min3A_1177 = vector.broadcast %min3A_1176 : f32 to vector<16xf32>
          %min3A_1178 = arith.minimumf %max3A_1175, %min3A_1177 : vector<16xf32>
          %convert_element_type3A_1179 = arith.fptosi %min3A_1163 : vector<16xf32> to vector<16xi32>
          %convert_element_type3A_1180 = arith.fptosi %min3A_1178 : vector<16xf32> to vector<16xi32>
          %convert_element_type3A_1181 = arith.sitofp %convert_element_type3A_1179 : vector<16xi32> to vector<16xf32>
          %sub3A_1182 = arith.subf %min3A_1163, %convert_element_type3A_1181 : vector<16xf32>
          %convert_element_type3A_1183 = arith.sitofp %convert_element_type3A_1180 : vector<16xi32> to vector<16xf32>
          %sub3A_1184 = arith.subf %min3A_1178, %convert_element_type3A_1183 : vector<16xf32>
          %sub3A_1185 = arith.constant 1.000000e+00 : f32
          %sub3A_1186 = vector.broadcast %sub3A_1185 : f32 to vector<16xf32>
          %sub3A_1187 = arith.subf %sub3A_1186, %sub3A_1182 : vector<16xf32>
          %sub3A_1188 = arith.constant 1.000000e+00 : f32
          %sub3A_1189 = vector.broadcast %sub3A_1188 : f32 to vector<16xf32>
          %sub3A_1190 = arith.subf %sub3A_1189, %sub3A_1184 : vector<16xf32>
          %lt3A_1191 = arith.constant 383 : i32
          %lt3A_1192 = vector.broadcast %lt3A_1191 : i32 to vector<16xi32>
          %lt3A_1193 = arith.cmpi slt, %convert_element_type3A_1179, %lt3A_1192 : vector<16xi32>
          %jit3A_1194 = arith.constant 1 : i32
          %jit3A_1195 = arith.constant 0 : i32
          %broadcast_in_dim3A_1196 = vector.broadcast %jit3A_1194 : i32 to vector<16xi32>
          %broadcast_in_dim3A_1197 = vector.broadcast %jit3A_1195 : i32 to vector<16xi32>
          %select_n3A_1198 = arith.select %lt3A_1193, %broadcast_in_dim3A_1196, %broadcast_in_dim3A_1197 : vector<16xi1>, vector<16xi32>
          %lt3A_1199 = arith.constant 383 : i32
          %lt3A_1200 = vector.broadcast %lt3A_1199 : i32 to vector<16xi32>
          %lt3A_1201 = arith.cmpi slt, %convert_element_type3A_1180, %lt3A_1200 : vector<16xi32>
          %jit3A_1202 = arith.constant 384 : i32
          %jit3A_1203 = arith.constant 0 : i32
          %broadcast_in_dim3A_1204 = vector.broadcast %jit3A_1202 : i32 to vector<16xi32>
          %broadcast_in_dim3A_1205 = vector.broadcast %jit3A_1203 : i32 to vector<16xi32>
          %select_n3A_1206 = arith.select %lt3A_1201, %broadcast_in_dim3A_1204, %broadcast_in_dim3A_1205 : vector<16xi1>, vector<16xi32>
          %mul3A_1207 = arith.constant 384 : i32
          %mul3A_1208 = vector.broadcast %mul3A_1207 : i32 to vector<16xi32>
          %mul3A_1209 = arith.muli %convert_element_type3A_1180, %mul3A_1208 : vector<16xi32>
          %add3A_1210 = vector.broadcast %mul3A_4 : i32 to vector<16xi32>
          %add3A_1211 = arith.addi %add3A_1210, %mul3A_1209 : vector<16xi32>
          %add3A_1212 = arith.addi %add3A_1211, %convert_element_type3A_1179 : vector<16xi32>
          %swap3A_1213 = arith.constant 80 : index
          %swap3A_1214 = tpu.vector_load %arg10[%swap3A_1213] {strides = array<i32>} : memref<96xi32, #tpu.memory_space<vmem>>, vector<16xi32>,
          tpu.vector_store %arg10[%swap3A_1213], %add3A_1212 {strides = array<i32>} : memref<96xi32, #tpu.memory_space<vmem>>, vector<16xi32>,
          %add3A_1215 = arith.addi %add3A_1212, %select_n3A_1198 : vector<16xi32>
          %swap3A_1216 = arith.constant 80 : index
          %swap3A_1217 = tpu.vector_load %arg12[%swap3A_1216] {strides = array<i32>} : memref<96xi32, #tpu.memory_space<vmem>>, vector<16xi32>,
          tpu.vector_store %arg12[%swap3A_1216], %add3A_1215 {strides = array<i32>} : memref<96xi32, #tpu.memory_space<vmem>>, vector<16xi32>,
          %add3A_1218 = arith.addi %add3A_1212, %select_n3A_1206 : vector<16xi32>
          %swap3A_1219 = arith.constant 80 : index
          %swap3A_1220 = tpu.vector_load %arg14[%swap3A_1219] {strides = array<i32>} : memref<96xi32, #tpu.memory_space<vmem>>, vector<16xi32>,
          tpu.vector_store %arg14[%swap3A_1219], %add3A_1218 {strides = array<i32>} : memref<96xi32, #tpu.memory_space<vmem>>, vector<16xi32>,
          %add3A_1221 = arith.addi %add3A_1212, %select_n3A_1206 : vector<16xi32>
          %add3A_1222 = arith.addi %add3A_1221, %select_n3A_1198 : vector<16xi32>
          %swap3A_1223 = arith.constant 80 : index
          %swap3A_1224 = tpu.vector_load %arg16[%swap3A_1223] {strides = array<i32>} : memref<96xi32, #tpu.memory_space<vmem>>, vector<16xi32>,
          tpu.vector_store %arg16[%swap3A_1223], %add3A_1222 {strides = array<i32>} : memref<96xi32, #tpu.memory_space<vmem>>, vector<16xi32>,
          %mul3A_1225 = arith.mulf %sub3A_1190, %sub3A_1187 : vector<16xf32>
          %swap3A_1226 = arith.constant 80 : index
          %swap3A_1227 = tpu.vector_load %arg18[%swap3A_1226] {strides = array<i32>} : memref<96xf32, #tpu.memory_space<vmem>>, vector<16xf32>,
          tpu.vector_store %arg18[%swap3A_1226], %mul3A_1225 {strides = array<i32>} : memref<96xf32, #tpu.memory_space<vmem>>, vector<16xf32>,
          %mul3A_1228 = arith.mulf %sub3A_1190, %sub3A_1182 : vector<16xf32>
          %swap3A_1229 = arith.constant 80 : index
          %swap3A_1230 = tpu.vector_load %arg20[%swap3A_1229] {strides = array<i32>} : memref<96xf32, #tpu.memory_space<vmem>>, vector<16xf32>,
          tpu.vector_store %arg20[%swap3A_1229], %mul3A_1228 {strides = array<i32>} : memref<96xf32, #tpu.memory_space<vmem>>, vector<16xf32>,
          %mul3A_1231 = arith.mulf %sub3A_1184, %sub3A_1187 : vector<16xf32>
          %swap3A_1232 = arith.constant 80 : index
          %swap3A_1233 = tpu.vector_load %arg22[%swap3A_1232] {strides = array<i32>} : memref<96xf32, #tpu.memory_space<vmem>>, vector<16xf32>,
          tpu.vector_store %arg22[%swap3A_1232], %mul3A_1231 {strides = array<i32>} : memref<96xf32, #tpu.memory_space<vmem>>, vector<16xf32>,
          %mul3A_1234 = arith.mulf %sub3A_1184, %sub3A_1182 : vector<16xf32>
          %swap3A_1235 = arith.constant 80 : index
          %swap3A_1236 = tpu.vector_load %arg24[%swap3A_1235] {strides = array<i32>} : memref<96xf32, #tpu.memory_space<vmem>>, vector<16xf32>,
          tpu.vector_store %arg24[%swap3A_1235], %mul3A_1234 {strides = array<i32>} : memref<96xf32, #tpu.memory_space<vmem>>, vector<16xf32>,
          %add3A_1237 = arith.constant 2 : i32
          %add3A_1238 = arith.addi %add3A_676, %add3A_1237 : i32
          %lt3A_1239 = arith.cmpi slt, %add3A_1238, %select_n3A : i32
          %convert_element_type3A_1240 = arith.extui %lt3A_1239 : i1 to i32
          %cond3A_1241 = arith.constant 0 : i32
          %cond3A_1242 = arith.cmpi ne, %convert_element_type3A_1240, %cond3A_1241 : i32
          scf.if %cond3A_1242 {
            %add3A_1255 = arith.constant 2 : i32
            %add3A_1256 = arith.addi %add3A_676, %add3A_1255 : i32
            %mul3A_1257 = arith.constant 96 : i32
            %mul3A_1258 = arith.muli %add3A_1256, %mul3A_1257 : i32
            %add3A_1259 = arith.addi %add3A_9, %mul3A_1258 : i32
            %dma_start3A_1260 = tpu.memref_slice %arg3[%add3A_1259] : memref<200096xf32, #tpu.memory_space<hbm>> -> memref<96xf32, #tpu.memory_space<hbm>>
            %dma_start3A_1261 = tpu.memref_slice %arg3[%add3A_1259] : memref<200096xf32, #tpu.memory_space<hbm>> -> memref<96xf32, #tpu.memory_space<hbm>>
            tpu.enqueue_dma source(%dma_start3A_1261 : memref<96xf32, #tpu.memory_space<hbm>>) target(%arg6 : memref<96xf32, #tpu.memory_space<vmem>>) target_semaphore(%arg36 : memref<!tpu.dma_semaphore, #tpu.memory_space<semaphore_mem>>)
            %mul3A_1262 = arith.constant 96 : i32
            %mul3A_1263 = arith.muli %add3A_1256, %mul3A_1262 : i32
            %add3A_1264 = arith.addi %add3A_9, %mul3A_1263 : i32
            %dma_start3A_1265 = tpu.memref_slice %arg4[%add3A_1264] : memref<200096xf32, #tpu.memory_space<hbm>> -> memref<96xf32, #tpu.memory_space<hbm>>
            %dma_start3A_1266 = tpu.memref_slice %arg4[%add3A_1264] : memref<200096xf32, #tpu.memory_space<hbm>> -> memref<96xf32, #tpu.memory_space<hbm>>
            tpu.enqueue_dma source(%dma_start3A_1266 : memref<96xf32, #tpu.memory_space<hbm>>) target(%arg8 : memref<96xf32, #tpu.memory_space<vmem>>) target_semaphore(%arg36 : memref<!tpu.dma_semaphore, #tpu.memory_space<semaphore_mem>>)
          } else {
          }
          %dma_start3A_1243 = arith.constant 0 : i32
          %dma_start3A_1244 = arith.constant 0 : i32
          %dma_start3A_1245 = tpu.memref_slice %arg2[%dma_start3A_1243, %dma_start3A_1244] : memref<589824x128xf32, #tpu.memory_space<hbm>> -> memref<589824x128xf32, #tpu.memory_space<hbm>>
          tpu.enqueue_indirect_dma source(%dma_start3A_1245 : memref<589824x128xf32, #tpu.memory_space<hbm>>) target(%arg26 : memref<96x128xf32, #tpu.memory_space<vmem>>) offsets(%arg10 : memref<96xi32, #tpu.memory_space<vmem>>) semaphore(%arg38 : memref<!tpu.dma_semaphore, #tpu.memory_space<semaphore_mem>>)
          %dma_start3A_1246 = arith.constant 0 : i32
          %dma_start3A_1247 = arith.constant 0 : i32
          %dma_start3A_1248 = tpu.memref_slice %arg2[%dma_start3A_1246, %dma_start3A_1247] : memref<589824x128xf32, #tpu.memory_space<hbm>> -> memref<589824x128xf32, #tpu.memory_space<hbm>>
          tpu.enqueue_indirect_dma source(%dma_start3A_1248 : memref<589824x128xf32, #tpu.memory_space<hbm>>) target(%arg28 : memref<96x128xf32, #tpu.memory_space<vmem>>) offsets(%arg12 : memref<96xi32, #tpu.memory_space<vmem>>) semaphore(%arg38 : memref<!tpu.dma_semaphore, #tpu.memory_space<semaphore_mem>>)
          %dma_start3A_1249 = arith.constant 0 : i32
          %dma_start3A_1250 = arith.constant 0 : i32
          %dma_start3A_1251 = tpu.memref_slice %arg2[%dma_start3A_1249, %dma_start3A_1250] : memref<589824x128xf32, #tpu.memory_space<hbm>> -> memref<589824x128xf32, #tpu.memory_space<hbm>>
          tpu.enqueue_indirect_dma source(%dma_start3A_1251 : memref<589824x128xf32, #tpu.memory_space<hbm>>) target(%arg30 : memref<96x128xf32, #tpu.memory_space<vmem>>) offsets(%arg14 : memref<96xi32, #tpu.memory_space<vmem>>) semaphore(%arg38 : memref<!tpu.dma_semaphore, #tpu.memory_space<semaphore_mem>>)
          %dma_start3A_1252 = arith.constant 0 : i32
          %dma_start3A_1253 = arith.constant 0 : i32
          %dma_start3A_1254 = tpu.memref_slice %arg2[%dma_start3A_1252, %dma_start3A_1253] : memref<589824x128xf32, #tpu.memory_space<hbm>> -> memref<589824x128xf32, #tpu.memory_space<hbm>>
          tpu.enqueue_indirect_dma source(%dma_start3A_1254 : memref<589824x128xf32, #tpu.memory_space<hbm>>) target(%arg32 : memref<96x128xf32, #tpu.memory_space<vmem>>) offsets(%arg16 : memref<96xi32, #tpu.memory_space<vmem>>) semaphore(%arg38 : memref<!tpu.dma_semaphore, #tpu.memory_space<semaphore_mem>>)
        } else {
        }
        %dma_wait3A_641 = arith.constant 0 : i32
        %dma_wait3A_642 = arith.constant 0 : i32
        %dma_wait3A_643 = tpu.memref_slice %arg2[%dma_wait3A_641, %dma_wait3A_642] : memref<589824x128xf32, #tpu.memory_space<hbm>> -> memref<589824x128xf32, #tpu.memory_space<hbm>>
        tpu.wait_indirect_dma semaphore(%arg39 : memref<!tpu.dma_semaphore, #tpu.memory_space<semaphore_mem>>) src(%dma_wait3A_643 : memref<589824x128xf32, #tpu.memory_space<hbm>>) dst(%arg27 : memref<96x128xf32, #tpu.memory_space<vmem>>)
        %dma_wait3A_644 = arith.constant 0 : i32
        %dma_wait3A_645 = arith.constant 0 : i32
        %dma_wait3A_646 = tpu.memref_slice %arg2[%dma_wait3A_644, %dma_wait3A_645] : memref<589824x128xf32, #tpu.memory_space<hbm>> -> memref<589824x128xf32, #tpu.memory_space<hbm>>
        tpu.wait_indirect_dma semaphore(%arg39 : memref<!tpu.dma_semaphore, #tpu.memory_space<semaphore_mem>>) src(%dma_wait3A_646 : memref<589824x128xf32, #tpu.memory_space<hbm>>) dst(%arg29 : memref<96x128xf32, #tpu.memory_space<vmem>>)
        %dma_wait3A_647 = arith.constant 0 : i32
        %dma_wait3A_648 = arith.constant 0 : i32
        %dma_wait3A_649 = tpu.memref_slice %arg2[%dma_wait3A_647, %dma_wait3A_648] : memref<589824x128xf32, #tpu.memory_space<hbm>> -> memref<589824x128xf32, #tpu.memory_space<hbm>>
        tpu.wait_indirect_dma semaphore(%arg39 : memref<!tpu.dma_semaphore, #tpu.memory_space<semaphore_mem>>) src(%dma_wait3A_649 : memref<589824x128xf32, #tpu.memory_space<hbm>>) dst(%arg31 : memref<96x128xf32, #tpu.memory_space<vmem>>)
        %dma_wait3A_650 = arith.constant 0 : i32
        %dma_wait3A_651 = arith.constant 0 : i32
        %dma_wait3A_652 = tpu.memref_slice %arg2[%dma_wait3A_650, %dma_wait3A_651] : memref<589824x128xf32, #tpu.memory_space<hbm>> -> memref<589824x128xf32, #tpu.memory_space<hbm>>
        tpu.wait_indirect_dma semaphore(%arg39 : memref<!tpu.dma_semaphore, #tpu.memory_space<semaphore_mem>>) src(%dma_wait3A_652 : memref<589824x128xf32, #tpu.memory_space<hbm>>) dst(%arg33 : memref<96x128xf32, #tpu.memory_space<vmem>>)
        %ge3A = arith.constant 2 : i32
        %ge3A_653 = arith.cmpi sge, %add3A_622, %ge3A : i32
        %convert_element_type3A_654 = arith.extui %ge3A_653 : i1 to i32
        %cond3A_655 = arith.constant 0 : i32
        %cond3A_656 = arith.cmpi ne, %convert_element_type3A_654, %cond3A_655 : i32
        scf.if %cond3A_656 {
          %dma_wait3A_675 = arith.constant 0 : i32
          %dma_wait3A_676 = arith.constant 0 : i32
          %dma_wait3A_677 = arith.constant 0 : i32
          %dma_wait3A_678 = tpu.memref_slice %arg5[%dma_wait3A_675, %dma_wait3A_676, %dma_wait3A_677] : memref<4x50000x96xf32, #tpu.memory_space<hbm>> -> memref<1x96x96xf32, #tpu.memory_space<hbm>>
          %dma_wait3A_679 = tpu.memref_squeeze %dma_wait3A_678 : memref<1x96x96xf32, #tpu.memory_space<hbm>> -> memref<96x96xf32, #tpu.memory_space<hbm>>
          %dma_wait3A_680 = arith.constant 0 : i32
          %dma_wait3A_681 = arith.constant 0 : i32
          %dma_wait3A_682 = tpu.memref_slice %arg5[%dma_wait3A_675, %dma_wait3A_680, %dma_wait3A_681] : memref<4x50000x96xf32, #tpu.memory_space<hbm>> -> memref<1x96x96xf32, #tpu.memory_space<hbm>>
          %dma_wait3A_683 = tpu.memref_squeeze %dma_wait3A_682 : memref<1x96x96xf32, #tpu.memory_space<hbm>> -> memref<96x96xf32, #tpu.memory_space<hbm>>
          tpu.wait_dma2 semaphore(%arg41 : memref<!tpu.dma_semaphore, #tpu.memory_space<semaphore_mem>>) src(%dma_wait3A_683 : memref<96x96xf32, #tpu.memory_space<hbm>>) dst(%arg35 : memref<96x96xf32, #tpu.memory_space<vmem>>)
        } else {
        }
        %scan3A_657 = arith.constant 0 : i32
        %scan3A_658 = arith.constant 0 : i32
        %scan3A_659 = arith.constant 24 : i32
        %scan3A_660 = arith.addi %scan3A_658, %scan3A_659 : i32
        %scan3A_661 = arith.constant 1 : i32
        scf.for %scan3A_675 = %scan3A_658 to %scan3A_660 step %scan3A_661  : i32 {
          %mul3A_676 = arith.constant 4 : i32
          %mul3A_677 = arith.muli %scan3A_675, %mul3A_676 : i32
          %add3A_678 = arith.constant 0 : i32
          %add3A_679 = arith.addi %mul3A_677, %add3A_678 : i32
          %add3A_680 = vector.broadcast %add3A_679 : i32 to vector<16xi32>
          %add3A_681 = arith.addi %broadcast_in_dim3A_14, %add3A_680 : vector<16xi32>
          %gather3A = tpu.vector_load_idx %arg19[%add3A_681] : memref<96xf32, #tpu.memory_space<vmem>>[vector<16xi32>], vector<16xf32>,
          %gather3A_682 = tpu.vector_load_idx %arg21[%add3A_681] : memref<96xf32, #tpu.memory_space<vmem>>[vector<16xi32>], vector<16xf32>,
          %gather3A_683 = tpu.vector_load_idx %arg23[%add3A_681] : memref<96xf32, #tpu.memory_space<vmem>>[vector<16xi32>], vector<16xf32>,
          %gather3A_684 = tpu.vector_load_idx %arg25[%add3A_681] : memref<96xf32, #tpu.memory_space<vmem>>[vector<16xi32>], vector<16xf32>,
          %get3A_685 = arith.index_cast %add3A_679 : i32 to index
          %get3A_686 = arith.constant 0 : index
          %get3A_687 = tpu.vector_load %arg27[%get3A_685, %get3A_686] {strides = array<i32>} : memref<96x128xf32, #tpu.memory_space<vmem>>, vector<16xf32>,
          %mul3A_688 = arith.mulf %get3A_687, %gather3A : vector<16xf32>
          %get3A_689 = arith.index_cast %add3A_679 : i32 to index
          %get3A_690 = arith.constant 0 : index
          %get3A_691 = tpu.vector_load %arg29[%get3A_689, %get3A_690] {strides = array<i32>} : memref<96x128xf32, #tpu.memory_space<vmem>>, vector<16xf32>,
          %mul3A_692 = arith.mulf %get3A_691, %gather3A_682 : vector<16xf32>
          %add3A_693 = arith.addf %mul3A_688, %mul3A_692 : vector<16xf32>
          %get3A_694 = arith.index_cast %add3A_679 : i32 to index
          %get3A_695 = arith.constant 0 : index
          %get3A_696 = tpu.vector_load %arg31[%get3A_694, %get3A_695] {strides = array<i32>} : memref<96x128xf32, #tpu.memory_space<vmem>>, vector<16xf32>,
          %mul3A_697 = arith.mulf %get3A_696, %gather3A_683 : vector<16xf32>
          %add3A_698 = arith.addf %add3A_693, %mul3A_697 : vector<16xf32>
          %get3A_699 = arith.index_cast %add3A_679 : i32 to index
          %get3A_700 = arith.constant 0 : index
          %get3A_701 = tpu.vector_load %arg33[%get3A_699, %get3A_700] {strides = array<i32>} : memref<96x128xf32, #tpu.memory_space<vmem>>, vector<16xf32>,
          %mul3A_702 = arith.mulf %get3A_701, %gather3A_684 : vector<16xf32>
          %add3A_703 = arith.addf %add3A_698, %mul3A_702 : vector<16xf32>
          %swap3A_704 = arith.index_cast %add3A_679 : i32 to index
          %swap3A_705 = arith.constant 0 : index
          %swap3A_706 = tpu.vector_load %arg35[%swap3A_704, %swap3A_705] {strides = array<i32>} : memref<96x96xf32, #tpu.memory_space<vmem>>, vector<16xf32>,
          tpu.vector_store %arg35[%swap3A_704, %swap3A_705], %add3A_703 {strides = array<i32>} : memref<96x96xf32, #tpu.memory_space<vmem>>, vector<16xf32>,
          %get3A_707 = arith.index_cast %add3A_679 : i32 to index
          %get3A_708 = arith.constant 16 : index
          %get3A_709 = tpu.vector_load %arg27[%get3A_707, %get3A_708] {strides = array<i32>} : memref<96x128xf32, #tpu.memory_space<vmem>>, vector<16xf32>,
          %mul3A_710 = arith.mulf %get3A_709, %gather3A : vector<16xf32>
          %get3A_711 = arith.index_cast %add3A_679 : i32 to index
          %get3A_712 = arith.constant 16 : index
          %get3A_713 = tpu.vector_load %arg29[%get3A_711, %get3A_712] {strides = array<i32>} : memref<96x128xf32, #tpu.memory_space<vmem>>, vector<16xf32>,
          %mul3A_714 = arith.mulf %get3A_713, %gather3A_682 : vector<16xf32>
          %add3A_715 = arith.addf %mul3A_710, %mul3A_714 : vector<16xf32>
          %get3A_716 = arith.index_cast %add3A_679 : i32 to index
          %get3A_717 = arith.constant 16 : index
          %get3A_718 = tpu.vector_load %arg31[%get3A_716, %get3A_717] {strides = array<i32>} : memref<96x128xf32, #tpu.memory_space<vmem>>, vector<16xf32>,
          %mul3A_719 = arith.mulf %get3A_718, %gather3A_683 : vector<16xf32>
          %add3A_720 = arith.addf %add3A_715, %mul3A_719 : vector<16xf32>
          %get3A_721 = arith.index_cast %add3A_679 : i32 to index
          %get3A_722 = arith.constant 16 : index
          %get3A_723 = tpu.vector_load %arg33[%get3A_721, %get3A_722] {strides = array<i32>} : memref<96x128xf32, #tpu.memory_space<vmem>>, vector<16xf32>,
          %mul3A_724 = arith.mulf %get3A_723, %gather3A_684 : vector<16xf32>
          %add3A_725 = arith.addf %add3A_720, %mul3A_724 : vector<16xf32>
          %swap3A_726 = arith.index_cast %add3A_679 : i32 to index
          %swap3A_727 = arith.constant 16 : index
          %swap3A_728 = tpu.vector_load %arg35[%swap3A_726, %swap3A_727] {strides = array<i32>} : memref<96x96xf32, #tpu.memory_space<vmem>>, vector<16xf32>,
          tpu.vector_store %arg35[%swap3A_726, %swap3A_727], %add3A_725 {strides = array<i32>} : memref<96x96xf32, #tpu.memory_space<vmem>>, vector<16xf32>,
          %get3A_729 = arith.index_cast %add3A_679 : i32 to index
          %get3A_730 = arith.constant 32 : index
          %get3A_731 = tpu.vector_load %arg27[%get3A_729, %get3A_730] {strides = array<i32>} : memref<96x128xf32, #tpu.memory_space<vmem>>, vector<16xf32>,
          %mul3A_732 = arith.mulf %get3A_731, %gather3A : vector<16xf32>
          %get3A_733 = arith.index_cast %add3A_679 : i32 to index
          %get3A_734 = arith.constant 32 : index
          %get3A_735 = tpu.vector_load %arg29[%get3A_733, %get3A_734] {strides = array<i32>} : memref<96x128xf32, #tpu.memory_space<vmem>>, vector<16xf32>,
          %mul3A_736 = arith.mulf %get3A_735, %gather3A_682 : vector<16xf32>
          %add3A_737 = arith.addf %mul3A_732, %mul3A_736 : vector<16xf32>
          %get3A_738 = arith.index_cast %add3A_679 : i32 to index
          %get3A_739 = arith.constant 32 : index
          %get3A_740 = tpu.vector_load %arg31[%get3A_738, %get3A_739] {strides = array<i32>} : memref<96x128xf32, #tpu.memory_space<vmem>>, vector<16xf32>,
          %mul3A_741 = arith.mulf %get3A_740, %gather3A_683 : vector<16xf32>
          %add3A_742 = arith.addf %add3A_737, %mul3A_741 : vector<16xf32>
          %get3A_743 = arith.index_cast %add3A_679 : i32 to index
          %get3A_744 = arith.constant 32 : index
          %get3A_745 = tpu.vector_load %arg33[%get3A_743, %get3A_744] {strides = array<i32>} : memref<96x128xf32, #tpu.memory_space<vmem>>, vector<16xf32>,
          %mul3A_746 = arith.mulf %get3A_745, %gather3A_684 : vector<16xf32>
          %add3A_747 = arith.addf %add3A_742, %mul3A_746 : vector<16xf32>
          %swap3A_748 = arith.index_cast %add3A_679 : i32 to index
          %swap3A_749 = arith.constant 32 : index
          %swap3A_750 = tpu.vector_load %arg35[%swap3A_748, %swap3A_749] {strides = array<i32>} : memref<96x96xf32, #tpu.memory_space<vmem>>, vector<16xf32>,
          tpu.vector_store %arg35[%swap3A_748, %swap3A_749], %add3A_747 {strides = array<i32>} : memref<96x96xf32, #tpu.memory_space<vmem>>, vector<16xf32>,
          %get3A_751 = arith.index_cast %add3A_679 : i32 to index
          %get3A_752 = arith.constant 48 : index
          %get3A_753 = tpu.vector_load %arg27[%get3A_751, %get3A_752] {strides = array<i32>} : memref<96x128xf32, #tpu.memory_space<vmem>>, vector<16xf32>,
          %mul3A_754 = arith.mulf %get3A_753, %gather3A : vector<16xf32>
          %get3A_755 = arith.index_cast %add3A_679 : i32 to index
          %get3A_756 = arith.constant 48 : index
          %get3A_757 = tpu.vector_load %arg29[%get3A_755, %get3A_756] {strides = array<i32>} : memref<96x128xf32, #tpu.memory_space<vmem>>, vector<16xf32>,
          %mul3A_758 = arith.mulf %get3A_757, %gather3A_682 : vector<16xf32>
          %add3A_759 = arith.addf %mul3A_754, %mul3A_758 : vector<16xf32>
          %get3A_760 = arith.index_cast %add3A_679 : i32 to index
          %get3A_761 = arith.constant 48 : index
          %get3A_762 = tpu.vector_load %arg31[%get3A_760, %get3A_761] {strides = array<i32>} : memref<96x128xf32, #tpu.memory_space<vmem>>, vector<16xf32>,
          %mul3A_763 = arith.mulf %get3A_762, %gather3A_683 : vector<16xf32>
          %add3A_764 = arith.addf %add3A_759, %mul3A_763 : vector<16xf32>
          %get3A_765 = arith.index_cast %add3A_679 : i32 to index
          %get3A_766 = arith.constant 48 : index
          %get3A_767 = tpu.vector_load %arg33[%get3A_765, %get3A_766] {strides = array<i32>} : memref<96x128xf32, #tpu.memory_space<vmem>>, vector<16xf32>,
          %mul3A_768 = arith.mulf %get3A_767, %gather3A_684 : vector<16xf32>
          %add3A_769 = arith.addf %add3A_764, %mul3A_768 : vector<16xf32>
          %swap3A_770 = arith.index_cast %add3A_679 : i32 to index
          %swap3A_771 = arith.constant 48 : index
          %swap3A_772 = tpu.vector_load %arg35[%swap3A_770, %swap3A_771] {strides = array<i32>} : memref<96x96xf32, #tpu.memory_space<vmem>>, vector<16xf32>,
          tpu.vector_store %arg35[%swap3A_770, %swap3A_771], %add3A_769 {strides = array<i32>} : memref<96x96xf32, #tpu.memory_space<vmem>>, vector<16xf32>,
          %get3A_773 = arith.index_cast %add3A_679 : i32 to index
          %get3A_774 = arith.constant 64 : index
          %get3A_775 = tpu.vector_load %arg27[%get3A_773, %get3A_774] {strides = array<i32>} : memref<96x128xf32, #tpu.memory_space<vmem>>, vector<16xf32>,
          %mul3A_776 = arith.mulf %get3A_775, %gather3A : vector<16xf32>
          %get3A_777 = arith.index_cast %add3A_679 : i32 to index
          %get3A_778 = arith.constant 64 : index
          %get3A_779 = tpu.vector_load %arg29[%get3A_777, %get3A_778] {strides = array<i32>} : memref<96x128xf32, #tpu.memory_space<vmem>>, vector<16xf32>,
          %mul3A_780 = arith.mulf %get3A_779, %gather3A_682 : vector<16xf32>
          %add3A_781 = arith.addf %mul3A_776, %mul3A_780 : vector<16xf32>
          %get3A_782 = arith.index_cast %add3A_679 : i32 to index
          %get3A_783 = arith.constant 64 : index
          %get3A_784 = tpu.vector_load %arg31[%get3A_782, %get3A_783] {strides = array<i32>} : memref<96x128xf32, #tpu.memory_space<vmem>>, vector<16xf32>,
          %mul3A_785 = arith.mulf %get3A_784, %gather3A_683 : vector<16xf32>
          %add3A_786 = arith.addf %add3A_781, %mul3A_785 : vector<16xf32>
          %get3A_787 = arith.index_cast %add3A_679 : i32 to index
          %get3A_788 = arith.constant 64 : index
          %get3A_789 = tpu.vector_load %arg33[%get3A_787, %get3A_788] {strides = array<i32>} : memref<96x128xf32, #tpu.memory_space<vmem>>, vector<16xf32>,
          %mul3A_790 = arith.mulf %get3A_789, %gather3A_684 : vector<16xf32>
          %add3A_791 = arith.addf %add3A_786, %mul3A_790 : vector<16xf32>
          %swap3A_792 = arith.index_cast %add3A_679 : i32 to index
          %swap3A_793 = arith.constant 64 : index
          %swap3A_794 = tpu.vector_load %arg35[%swap3A_792, %swap3A_793] {strides = array<i32>} : memref<96x96xf32, #tpu.memory_space<vmem>>, vector<16xf32>,
          tpu.vector_store %arg35[%swap3A_792, %swap3A_793], %add3A_791 {strides = array<i32>} : memref<96x96xf32, #tpu.memory_space<vmem>>, vector<16xf32>,
          %get3A_795 = arith.index_cast %add3A_679 : i32 to index
          %get3A_796 = arith.constant 80 : index
          %get3A_797 = tpu.vector_load %arg27[%get3A_795, %get3A_796] {strides = array<i32>} : memref<96x128xf32, #tpu.memory_space<vmem>>, vector<16xf32>,
          %mul3A_798 = arith.mulf %get3A_797, %gather3A : vector<16xf32>
          %get3A_799 = arith.index_cast %add3A_679 : i32 to index
          %get3A_800 = arith.constant 80 : index
          %get3A_801 = tpu.vector_load %arg29[%get3A_799, %get3A_800] {strides = array<i32>} : memref<96x128xf32, #tpu.memory_space<vmem>>, vector<16xf32>,
          %mul3A_802 = arith.mulf %get3A_801, %gather3A_682 : vector<16xf32>
          %add3A_803 = arith.addf %mul3A_798, %mul3A_802 : vector<16xf32>
          %get3A_804 = arith.index_cast %add3A_679 : i32 to index
          %get3A_805 = arith.constant 80 : index
          %get3A_806 = tpu.vector_load %arg31[%get3A_804, %get3A_805] {strides = array<i32>} : memref<96x128xf32, #tpu.memory_space<vmem>>, vector<16xf32>,
          %mul3A_807 = arith.mulf %get3A_806, %gather3A_683 : vector<16xf32>
          %add3A_808 = arith.addf %add3A_803, %mul3A_807 : vector<16xf32>
          %get3A_809 = arith.index_cast %add3A_679 : i32 to index
          %get3A_810 = arith.constant 80 : index
          %get3A_811 = tpu.vector_load %arg33[%get3A_809, %get3A_810] {strides = array<i32>} : memref<96x128xf32, #tpu.memory_space<vmem>>, vector<16xf32>,
          %mul3A_812 = arith.mulf %get3A_811, %gather3A_684 : vector<16xf32>
          %add3A_813 = arith.addf %add3A_808, %mul3A_812 : vector<16xf32>
          %swap3A_814 = arith.index_cast %add3A_679 : i32 to index
          %swap3A_815 = arith.constant 80 : index
          %swap3A_816 = tpu.vector_load %arg35[%swap3A_814, %swap3A_815] {strides = array<i32>} : memref<96x96xf32, #tpu.memory_space<vmem>>, vector<16xf32>,
          tpu.vector_store %arg35[%swap3A_814, %swap3A_815], %add3A_813 {strides = array<i32>} : memref<96x96xf32, #tpu.memory_space<vmem>>, vector<16xf32>,
          %mul3A_817 = arith.constant 4 : i32
          %mul3A_818 = arith.muli %scan3A_675, %mul3A_817 : i32
          %add3A_819 = arith.constant 1 : i32
          %add3A_820 = arith.addi %mul3A_818, %add3A_819 : i32
          %add3A_821 = vector.broadcast %add3A_820 : i32 to vector<16xi32>
          %add3A_822 = arith.addi %broadcast_in_dim3A_14, %add3A_821 : vector<16xi32>
          %gather3A_823 = tpu.vector_load_idx %arg19[%add3A_822] : memref<96xf32, #tpu.memory_space<vmem>>[vector<16xi32>], vector<16xf32>,
          %gather3A_824 = tpu.vector_load_idx %arg21[%add3A_822] : memref<96xf32, #tpu.memory_space<vmem>>[vector<16xi32>], vector<16xf32>,
          %gather3A_825 = tpu.vector_load_idx %arg23[%add3A_822] : memref<96xf32, #tpu.memory_space<vmem>>[vector<16xi32>], vector<16xf32>,
          %gather3A_826 = tpu.vector_load_idx %arg25[%add3A_822] : memref<96xf32, #tpu.memory_space<vmem>>[vector<16xi32>], vector<16xf32>,
          %get3A_827 = arith.index_cast %add3A_820 : i32 to index
          %get3A_828 = arith.constant 0 : index
          %get3A_829 = tpu.vector_load %arg27[%get3A_827, %get3A_828] {strides = array<i32>} : memref<96x128xf32, #tpu.memory_space<vmem>>, vector<16xf32>,
          %mul3A_830 = arith.mulf %get3A_829, %gather3A_823 : vector<16xf32>
          %get3A_831 = arith.index_cast %add3A_820 : i32 to index
          %get3A_832 = arith.constant 0 : index
          %get3A_833 = tpu.vector_load %arg29[%get3A_831, %get3A_832] {strides = array<i32>} : memref<96x128xf32, #tpu.memory_space<vmem>>, vector<16xf32>,
          %mul3A_834 = arith.mulf %get3A_833, %gather3A_824 : vector<16xf32>
          %add3A_835 = arith.addf %mul3A_830, %mul3A_834 : vector<16xf32>
          %get3A_836 = arith.index_cast %add3A_820 : i32 to index
          %get3A_837 = arith.constant 0 : index
          %get3A_838 = tpu.vector_load %arg31[%get3A_836, %get3A_837] {strides = array<i32>} : memref<96x128xf32, #tpu.memory_space<vmem>>, vector<16xf32>,
          %mul3A_839 = arith.mulf %get3A_838, %gather3A_825 : vector<16xf32>
          %add3A_840 = arith.addf %add3A_835, %mul3A_839 : vector<16xf32>
          %get3A_841 = arith.index_cast %add3A_820 : i32 to index
          %get3A_842 = arith.constant 0 : index
          %get3A_843 = tpu.vector_load %arg33[%get3A_841, %get3A_842] {strides = array<i32>} : memref<96x128xf32, #tpu.memory_space<vmem>>, vector<16xf32>,
          %mul3A_844 = arith.mulf %get3A_843, %gather3A_826 : vector<16xf32>
          %add3A_845 = arith.addf %add3A_840, %mul3A_844 : vector<16xf32>
          %swap3A_846 = arith.index_cast %add3A_820 : i32 to index
          %swap3A_847 = arith.constant 0 : index
          %swap3A_848 = tpu.vector_load %arg35[%swap3A_846, %swap3A_847] {strides = array<i32>} : memref<96x96xf32, #tpu.memory_space<vmem>>, vector<16xf32>,
          tpu.vector_store %arg35[%swap3A_846, %swap3A_847], %add3A_845 {strides = array<i32>} : memref<96x96xf32, #tpu.memory_space<vmem>>, vector<16xf32>,
          %get3A_849 = arith.index_cast %add3A_820 : i32 to index
          %get3A_850 = arith.constant 16 : index
          %get3A_851 = tpu.vector_load %arg27[%get3A_849, %get3A_850] {strides = array<i32>} : memref<96x128xf32, #tpu.memory_space<vmem>>, vector<16xf32>,
          %mul3A_852 = arith.mulf %get3A_851, %gather3A_823 : vector<16xf32>
          %get3A_853 = arith.index_cast %add3A_820 : i32 to index
          %get3A_854 = arith.constant 16 : index
          %get3A_855 = tpu.vector_load %arg29[%get3A_853, %get3A_854] {strides = array<i32>} : memref<96x128xf32, #tpu.memory_space<vmem>>, vector<16xf32>,
          %mul3A_856 = arith.mulf %get3A_855, %gather3A_824 : vector<16xf32>
          %add3A_857 = arith.addf %mul3A_852, %mul3A_856 : vector<16xf32>
          %get3A_858 = arith.index_cast %add3A_820 : i32 to index
          %get3A_859 = arith.constant 16 : index
          %get3A_860 = tpu.vector_load %arg31[%get3A_858, %get3A_859] {strides = array<i32>} : memref<96x128xf32, #tpu.memory_space<vmem>>, vector<16xf32>,
          %mul3A_861 = arith.mulf %get3A_860, %gather3A_825 : vector<16xf32>
          %add3A_862 = arith.addf %add3A_857, %mul3A_861 : vector<16xf32>
          %get3A_863 = arith.index_cast %add3A_820 : i32 to index
          %get3A_864 = arith.constant 16 : index
          %get3A_865 = tpu.vector_load %arg33[%get3A_863, %get3A_864] {strides = array<i32>} : memref<96x128xf32, #tpu.memory_space<vmem>>, vector<16xf32>,
          %mul3A_866 = arith.mulf %get3A_865, %gather3A_826 : vector<16xf32>
          %add3A_867 = arith.addf %add3A_862, %mul3A_866 : vector<16xf32>
          %swap3A_868 = arith.index_cast %add3A_820 : i32 to index
          %swap3A_869 = arith.constant 16 : index
          %swap3A_870 = tpu.vector_load %arg35[%swap3A_868, %swap3A_869] {strides = array<i32>} : memref<96x96xf32, #tpu.memory_space<vmem>>, vector<16xf32>,
          tpu.vector_store %arg35[%swap3A_868, %swap3A_869], %add3A_867 {strides = array<i32>} : memref<96x96xf32, #tpu.memory_space<vmem>>, vector<16xf32>,
          %get3A_871 = arith.index_cast %add3A_820 : i32 to index
          %get3A_872 = arith.constant 32 : index
          %get3A_873 = tpu.vector_load %arg27[%get3A_871, %get3A_872] {strides = array<i32>} : memref<96x128xf32, #tpu.memory_space<vmem>>, vector<16xf32>,
          %mul3A_874 = arith.mulf %get3A_873, %gather3A_823 : vector<16xf32>
          %get3A_875 = arith.index_cast %add3A_820 : i32 to index
          %get3A_876 = arith.constant 32 : index
          %get3A_877 = tpu.vector_load %arg29[%get3A_875, %get3A_876] {strides = array<i32>} : memref<96x128xf32, #tpu.memory_space<vmem>>, vector<16xf32>,
          %mul3A_878 = arith.mulf %get3A_877, %gather3A_824 : vector<16xf32>
          %add3A_879 = arith.addf %mul3A_874, %mul3A_878 : vector<16xf32>
          %get3A_880 = arith.index_cast %add3A_820 : i32 to index
          %get3A_881 = arith.constant 32 : index
          %get3A_882 = tpu.vector_load %arg31[%get3A_880, %get3A_881] {strides = array<i32>} : memref<96x128xf32, #tpu.memory_space<vmem>>, vector<16xf32>,
          %mul3A_883 = arith.mulf %get3A_882, %gather3A_825 : vector<16xf32>
          %add3A_884 = arith.addf %add3A_879, %mul3A_883 : vector<16xf32>
          %get3A_885 = arith.index_cast %add3A_820 : i32 to index
          %get3A_886 = arith.constant 32 : index
          %get3A_887 = tpu.vector_load %arg33[%get3A_885, %get3A_886] {strides = array<i32>} : memref<96x128xf32, #tpu.memory_space<vmem>>, vector<16xf32>,
          %mul3A_888 = arith.mulf %get3A_887, %gather3A_826 : vector<16xf32>
          %add3A_889 = arith.addf %add3A_884, %mul3A_888 : vector<16xf32>
          %swap3A_890 = arith.index_cast %add3A_820 : i32 to index
          %swap3A_891 = arith.constant 32 : index
          %swap3A_892 = tpu.vector_load %arg35[%swap3A_890, %swap3A_891] {strides = array<i32>} : memref<96x96xf32, #tpu.memory_space<vmem>>, vector<16xf32>,
          tpu.vector_store %arg35[%swap3A_890, %swap3A_891], %add3A_889 {strides = array<i32>} : memref<96x96xf32, #tpu.memory_space<vmem>>, vector<16xf32>,
          %get3A_893 = arith.index_cast %add3A_820 : i32 to index
          %get3A_894 = arith.constant 48 : index
          %get3A_895 = tpu.vector_load %arg27[%get3A_893, %get3A_894] {strides = array<i32>} : memref<96x128xf32, #tpu.memory_space<vmem>>, vector<16xf32>,
          %mul3A_896 = arith.mulf %get3A_895, %gather3A_823 : vector<16xf32>
          %get3A_897 = arith.index_cast %add3A_820 : i32 to index
          %get3A_898 = arith.constant 48 : index
          %get3A_899 = tpu.vector_load %arg29[%get3A_897, %get3A_898] {strides = array<i32>} : memref<96x128xf32, #tpu.memory_space<vmem>>, vector<16xf32>,
          %mul3A_900 = arith.mulf %get3A_899, %gather3A_824 : vector<16xf32>
          %add3A_901 = arith.addf %mul3A_896, %mul3A_900 : vector<16xf32>
          %get3A_902 = arith.index_cast %add3A_820 : i32 to index
          %get3A_903 = arith.constant 48 : index
          %get3A_904 = tpu.vector_load %arg31[%get3A_902, %get3A_903] {strides = array<i32>} : memref<96x128xf32, #tpu.memory_space<vmem>>, vector<16xf32>,
          %mul3A_905 = arith.mulf %get3A_904, %gather3A_825 : vector<16xf32>
          %add3A_906 = arith.addf %add3A_901, %mul3A_905 : vector<16xf32>
          %get3A_907 = arith.index_cast %add3A_820 : i32 to index
          %get3A_908 = arith.constant 48 : index
          %get3A_909 = tpu.vector_load %arg33[%get3A_907, %get3A_908] {strides = array<i32>} : memref<96x128xf32, #tpu.memory_space<vmem>>, vector<16xf32>,
          %mul3A_910 = arith.mulf %get3A_909, %gather3A_826 : vector<16xf32>
          %add3A_911 = arith.addf %add3A_906, %mul3A_910 : vector<16xf32>
          %swap3A_912 = arith.index_cast %add3A_820 : i32 to index
          %swap3A_913 = arith.constant 48 : index
          %swap3A_914 = tpu.vector_load %arg35[%swap3A_912, %swap3A_913] {strides = array<i32>} : memref<96x96xf32, #tpu.memory_space<vmem>>, vector<16xf32>,
          tpu.vector_store %arg35[%swap3A_912, %swap3A_913], %add3A_911 {strides = array<i32>} : memref<96x96xf32, #tpu.memory_space<vmem>>, vector<16xf32>,
          %get3A_915 = arith.index_cast %add3A_820 : i32 to index
          %get3A_916 = arith.constant 64 : index
          %get3A_917 = tpu.vector_load %arg27[%get3A_915, %get3A_916] {strides = array<i32>} : memref<96x128xf32, #tpu.memory_space<vmem>>, vector<16xf32>,
          %mul3A_918 = arith.mulf %get3A_917, %gather3A_823 : vector<16xf32>
          %get3A_919 = arith.index_cast %add3A_820 : i32 to index
          %get3A_920 = arith.constant 64 : index
          %get3A_921 = tpu.vector_load %arg29[%get3A_919, %get3A_920] {strides = array<i32>} : memref<96x128xf32, #tpu.memory_space<vmem>>, vector<16xf32>,
          %mul3A_922 = arith.mulf %get3A_921, %gather3A_824 : vector<16xf32>
          %add3A_923 = arith.addf %mul3A_918, %mul3A_922 : vector<16xf32>
          %get3A_924 = arith.index_cast %add3A_820 : i32 to index
          %get3A_925 = arith.constant 64 : index
          %get3A_926 = tpu.vector_load %arg31[%get3A_924, %get3A_925] {strides = array<i32>} : memref<96x128xf32, #tpu.memory_space<vmem>>, vector<16xf32>,
          %mul3A_927 = arith.mulf %get3A_926, %gather3A_825 : vector<16xf32>
          %add3A_928 = arith.addf %add3A_923, %mul3A_927 : vector<16xf32>
          %get3A_929 = arith.index_cast %add3A_820 : i32 to index
          %get3A_930 = arith.constant 64 : index
          %get3A_931 = tpu.vector_load %arg33[%get3A_929, %get3A_930] {strides = array<i32>} : memref<96x128xf32, #tpu.memory_space<vmem>>, vector<16xf32>,
          %mul3A_932 = arith.mulf %get3A_931, %gather3A_826 : vector<16xf32>
          %add3A_933 = arith.addf %add3A_928, %mul3A_932 : vector<16xf32>
          %swap3A_934 = arith.index_cast %add3A_820 : i32 to index
          %swap3A_935 = arith.constant 64 : index
          %swap3A_936 = tpu.vector_load %arg35[%swap3A_934, %swap3A_935] {strides = array<i32>} : memref<96x96xf32, #tpu.memory_space<vmem>>, vector<16xf32>,
          tpu.vector_store %arg35[%swap3A_934, %swap3A_935], %add3A_933 {strides = array<i32>} : memref<96x96xf32, #tpu.memory_space<vmem>>, vector<16xf32>,
          %get3A_937 = arith.index_cast %add3A_820 : i32 to index
          %get3A_938 = arith.constant 80 : index
          %get3A_939 = tpu.vector_load %arg27[%get3A_937, %get3A_938] {strides = array<i32>} : memref<96x128xf32, #tpu.memory_space<vmem>>, vector<16xf32>,
          %mul3A_940 = arith.mulf %get3A_939, %gather3A_823 : vector<16xf32>
          %get3A_941 = arith.index_cast %add3A_820 : i32 to index
          %get3A_942 = arith.constant 80 : index
          %get3A_943 = tpu.vector_load %arg29[%get3A_941, %get3A_942] {strides = array<i32>} : memref<96x128xf32, #tpu.memory_space<vmem>>, vector<16xf32>,
          %mul3A_944 = arith.mulf %get3A_943, %gather3A_824 : vector<16xf32>
          %add3A_945 = arith.addf %mul3A_940, %mul3A_944 : vector<16xf32>
          %get3A_946 = arith.index_cast %add3A_820 : i32 to index
          %get3A_947 = arith.constant 80 : index
          %get3A_948 = tpu.vector_load %arg31[%get3A_946, %get3A_947] {strides = array<i32>} : memref<96x128xf32, #tpu.memory_space<vmem>>, vector<16xf32>,
          %mul3A_949 = arith.mulf %get3A_948, %gather3A_825 : vector<16xf32>
          %add3A_950 = arith.addf %add3A_945, %mul3A_949 : vector<16xf32>
          %get3A_951 = arith.index_cast %add3A_820 : i32 to index
          %get3A_952 = arith.constant 80 : index
          %get3A_953 = tpu.vector_load %arg33[%get3A_951, %get3A_952] {strides = array<i32>} : memref<96x128xf32, #tpu.memory_space<vmem>>, vector<16xf32>,
          %mul3A_954 = arith.mulf %get3A_953, %gather3A_826 : vector<16xf32>
          %add3A_955 = arith.addf %add3A_950, %mul3A_954 : vector<16xf32>
          %swap3A_956 = arith.index_cast %add3A_820 : i32 to index
          %swap3A_957 = arith.constant 80 : index
          %swap3A_958 = tpu.vector_load %arg35[%swap3A_956, %swap3A_957] {strides = array<i32>} : memref<96x96xf32, #tpu.memory_space<vmem>>, vector<16xf32>,
          tpu.vector_store %arg35[%swap3A_956, %swap3A_957], %add3A_955 {strides = array<i32>} : memref<96x96xf32, #tpu.memory_space<vmem>>, vector<16xf32>,
          %mul3A_959 = arith.constant 4 : i32
          %mul3A_960 = arith.muli %scan3A_675, %mul3A_959 : i32
          %add3A_961 = arith.constant 2 : i32
          %add3A_962 = arith.addi %mul3A_960, %add3A_961 : i32
          %add3A_963 = vector.broadcast %add3A_962 : i32 to vector<16xi32>
          %add3A_964 = arith.addi %broadcast_in_dim3A_14, %add3A_963 : vector<16xi32>
          %gather3A_965 = tpu.vector_load_idx %arg19[%add3A_964] : memref<96xf32, #tpu.memory_space<vmem>>[vector<16xi32>], vector<16xf32>,
          %gather3A_966 = tpu.vector_load_idx %arg21[%add3A_964] : memref<96xf32, #tpu.memory_space<vmem>>[vector<16xi32>], vector<16xf32>,
          %gather3A_967 = tpu.vector_load_idx %arg23[%add3A_964] : memref<96xf32, #tpu.memory_space<vmem>>[vector<16xi32>], vector<16xf32>,
          %gather3A_968 = tpu.vector_load_idx %arg25[%add3A_964] : memref<96xf32, #tpu.memory_space<vmem>>[vector<16xi32>], vector<16xf32>,
          %get3A_969 = arith.index_cast %add3A_962 : i32 to index
          %get3A_970 = arith.constant 0 : index
          %get3A_971 = tpu.vector_load %arg27[%get3A_969, %get3A_970] {strides = array<i32>} : memref<96x128xf32, #tpu.memory_space<vmem>>, vector<16xf32>,
          %mul3A_972 = arith.mulf %get3A_971, %gather3A_965 : vector<16xf32>
          %get3A_973 = arith.index_cast %add3A_962 : i32 to index
          %get3A_974 = arith.constant 0 : index
          %get3A_975 = tpu.vector_load %arg29[%get3A_973, %get3A_974] {strides = array<i32>} : memref<96x128xf32, #tpu.memory_space<vmem>>, vector<16xf32>,
          %mul3A_976 = arith.mulf %get3A_975, %gather3A_966 : vector<16xf32>
          %add3A_977 = arith.addf %mul3A_972, %mul3A_976 : vector<16xf32>
          %get3A_978 = arith.index_cast %add3A_962 : i32 to index
          %get3A_979 = arith.constant 0 : index
          %get3A_980 = tpu.vector_load %arg31[%get3A_978, %get3A_979] {strides = array<i32>} : memref<96x128xf32, #tpu.memory_space<vmem>>, vector<16xf32>,
          %mul3A_981 = arith.mulf %get3A_980, %gather3A_967 : vector<16xf32>
          %add3A_982 = arith.addf %add3A_977, %mul3A_981 : vector<16xf32>
          %get3A_983 = arith.index_cast %add3A_962 : i32 to index
          %get3A_984 = arith.constant 0 : index
          %get3A_985 = tpu.vector_load %arg33[%get3A_983, %get3A_984] {strides = array<i32>} : memref<96x128xf32, #tpu.memory_space<vmem>>, vector<16xf32>,
          %mul3A_986 = arith.mulf %get3A_985, %gather3A_968 : vector<16xf32>
          %add3A_987 = arith.addf %add3A_982, %mul3A_986 : vector<16xf32>
          %swap3A_988 = arith.index_cast %add3A_962 : i32 to index
          %swap3A_989 = arith.constant 0 : index
          %swap3A_990 = tpu.vector_load %arg35[%swap3A_988, %swap3A_989] {strides = array<i32>} : memref<96x96xf32, #tpu.memory_space<vmem>>, vector<16xf32>,
          tpu.vector_store %arg35[%swap3A_988, %swap3A_989], %add3A_987 {strides = array<i32>} : memref<96x96xf32, #tpu.memory_space<vmem>>, vector<16xf32>,
          %get3A_991 = arith.index_cast %add3A_962 : i32 to index
          %get3A_992 = arith.constant 16 : index
          %get3A_993 = tpu.vector_load %arg27[%get3A_991, %get3A_992] {strides = array<i32>} : memref<96x128xf32, #tpu.memory_space<vmem>>, vector<16xf32>,
          %mul3A_994 = arith.mulf %get3A_993, %gather3A_965 : vector<16xf32>
          %get3A_995 = arith.index_cast %add3A_962 : i32 to index
          %get3A_996 = arith.constant 16 : index
          %get3A_997 = tpu.vector_load %arg29[%get3A_995, %get3A_996] {strides = array<i32>} : memref<96x128xf32, #tpu.memory_space<vmem>>, vector<16xf32>,
          %mul3A_998 = arith.mulf %get3A_997, %gather3A_966 : vector<16xf32>
          %add3A_999 = arith.addf %mul3A_994, %mul3A_998 : vector<16xf32>
          %get3A_1000 = arith.index_cast %add3A_962 : i32 to index
          %get3A_1001 = arith.constant 16 : index
          %get3A_1002 = tpu.vector_load %arg31[%get3A_1000, %get3A_1001] {strides = array<i32>} : memref<96x128xf32, #tpu.memory_space<vmem>>, vector<16xf32>,
          %mul3A_1003 = arith.mulf %get3A_1002, %gather3A_967 : vector<16xf32>
          %add3A_1004 = arith.addf %add3A_999, %mul3A_1003 : vector<16xf32>
          %get3A_1005 = arith.index_cast %add3A_962 : i32 to index
          %get3A_1006 = arith.constant 16 : index
          %get3A_1007 = tpu.vector_load %arg33[%get3A_1005, %get3A_1006] {strides = array<i32>} : memref<96x128xf32, #tpu.memory_space<vmem>>, vector<16xf32>,
          %mul3A_1008 = arith.mulf %get3A_1007, %gather3A_968 : vector<16xf32>
          %add3A_1009 = arith.addf %add3A_1004, %mul3A_1008 : vector<16xf32>
          %swap3A_1010 = arith.index_cast %add3A_962 : i32 to index
          %swap3A_1011 = arith.constant 16 : index
          %swap3A_1012 = tpu.vector_load %arg35[%swap3A_1010, %swap3A_1011] {strides = array<i32>} : memref<96x96xf32, #tpu.memory_space<vmem>>, vector<16xf32>,
          tpu.vector_store %arg35[%swap3A_1010, %swap3A_1011], %add3A_1009 {strides = array<i32>} : memref<96x96xf32, #tpu.memory_space<vmem>>, vector<16xf32>,
          %get3A_1013 = arith.index_cast %add3A_962 : i32 to index
          %get3A_1014 = arith.constant 32 : index
          %get3A_1015 = tpu.vector_load %arg27[%get3A_1013, %get3A_1014] {strides = array<i32>} : memref<96x128xf32, #tpu.memory_space<vmem>>, vector<16xf32>,
          %mul3A_1016 = arith.mulf %get3A_1015, %gather3A_965 : vector<16xf32>
          %get3A_1017 = arith.index_cast %add3A_962 : i32 to index
          %get3A_1018 = arith.constant 32 : index
          %get3A_1019 = tpu.vector_load %arg29[%get3A_1017, %get3A_1018] {strides = array<i32>} : memref<96x128xf32, #tpu.memory_space<vmem>>, vector<16xf32>,
          %mul3A_1020 = arith.mulf %get3A_1019, %gather3A_966 : vector<16xf32>
          %add3A_1021 = arith.addf %mul3A_1016, %mul3A_1020 : vector<16xf32>
          %get3A_1022 = arith.index_cast %add3A_962 : i32 to index
          %get3A_1023 = arith.constant 32 : index
          %get3A_1024 = tpu.vector_load %arg31[%get3A_1022, %get3A_1023] {strides = array<i32>} : memref<96x128xf32, #tpu.memory_space<vmem>>, vector<16xf32>,
          %mul3A_1025 = arith.mulf %get3A_1024, %gather3A_967 : vector<16xf32>
          %add3A_1026 = arith.addf %add3A_1021, %mul3A_1025 : vector<16xf32>
          %get3A_1027 = arith.index_cast %add3A_962 : i32 to index
          %get3A_1028 = arith.constant 32 : index
          %get3A_1029 = tpu.vector_load %arg33[%get3A_1027, %get3A_1028] {strides = array<i32>} : memref<96x128xf32, #tpu.memory_space<vmem>>, vector<16xf32>,
          %mul3A_1030 = arith.mulf %get3A_1029, %gather3A_968 : vector<16xf32>
          %add3A_1031 = arith.addf %add3A_1026, %mul3A_1030 : vector<16xf32>
          %swap3A_1032 = arith.index_cast %add3A_962 : i32 to index
          %swap3A_1033 = arith.constant 32 : index
          %swap3A_1034 = tpu.vector_load %arg35[%swap3A_1032, %swap3A_1033] {strides = array<i32>} : memref<96x96xf32, #tpu.memory_space<vmem>>, vector<16xf32>,
          tpu.vector_store %arg35[%swap3A_1032, %swap3A_1033], %add3A_1031 {strides = array<i32>} : memref<96x96xf32, #tpu.memory_space<vmem>>, vector<16xf32>,
          %get3A_1035 = arith.index_cast %add3A_962 : i32 to index
          %get3A_1036 = arith.constant 48 : index
          %get3A_1037 = tpu.vector_load %arg27[%get3A_1035, %get3A_1036] {strides = array<i32>} : memref<96x128xf32, #tpu.memory_space<vmem>>, vector<16xf32>,
          %mul3A_1038 = arith.mulf %get3A_1037, %gather3A_965 : vector<16xf32>
          %get3A_1039 = arith.index_cast %add3A_962 : i32 to index
          %get3A_1040 = arith.constant 48 : index
          %get3A_1041 = tpu.vector_load %arg29[%get3A_1039, %get3A_1040] {strides = array<i32>} : memref<96x128xf32, #tpu.memory_space<vmem>>, vector<16xf32>,
          %mul3A_1042 = arith.mulf %get3A_1041, %gather3A_966 : vector<16xf32>
          %add3A_1043 = arith.addf %mul3A_1038, %mul3A_1042 : vector<16xf32>
          %get3A_1044 = arith.index_cast %add3A_962 : i32 to index
          %get3A_1045 = arith.constant 48 : index
          %get3A_1046 = tpu.vector_load %arg31[%get3A_1044, %get3A_1045] {strides = array<i32>} : memref<96x128xf32, #tpu.memory_space<vmem>>, vector<16xf32>,
          %mul3A_1047 = arith.mulf %get3A_1046, %gather3A_967 : vector<16xf32>
          %add3A_1048 = arith.addf %add3A_1043, %mul3A_1047 : vector<16xf32>
          %get3A_1049 = arith.index_cast %add3A_962 : i32 to index
          %get3A_1050 = arith.constant 48 : index
          %get3A_1051 = tpu.vector_load %arg33[%get3A_1049, %get3A_1050] {strides = array<i32>} : memref<96x128xf32, #tpu.memory_space<vmem>>, vector<16xf32>,
          %mul3A_1052 = arith.mulf %get3A_1051, %gather3A_968 : vector<16xf32>
          %add3A_1053 = arith.addf %add3A_1048, %mul3A_1052 : vector<16xf32>
          %swap3A_1054 = arith.index_cast %add3A_962 : i32 to index
          %swap3A_1055 = arith.constant 48 : index
          %swap3A_1056 = tpu.vector_load %arg35[%swap3A_1054, %swap3A_1055] {strides = array<i32>} : memref<96x96xf32, #tpu.memory_space<vmem>>, vector<16xf32>,
          tpu.vector_store %arg35[%swap3A_1054, %swap3A_1055], %add3A_1053 {strides = array<i32>} : memref<96x96xf32, #tpu.memory_space<vmem>>, vector<16xf32>,
          %get3A_1057 = arith.index_cast %add3A_962 : i32 to index
          %get3A_1058 = arith.constant 64 : index
          %get3A_1059 = tpu.vector_load %arg27[%get3A_1057, %get3A_1058] {strides = array<i32>} : memref<96x128xf32, #tpu.memory_space<vmem>>, vector<16xf32>,
          %mul3A_1060 = arith.mulf %get3A_1059, %gather3A_965 : vector<16xf32>
          %get3A_1061 = arith.index_cast %add3A_962 : i32 to index
          %get3A_1062 = arith.constant 64 : index
          %get3A_1063 = tpu.vector_load %arg29[%get3A_1061, %get3A_1062] {strides = array<i32>} : memref<96x128xf32, #tpu.memory_space<vmem>>, vector<16xf32>,
          %mul3A_1064 = arith.mulf %get3A_1063, %gather3A_966 : vector<16xf32>
          %add3A_1065 = arith.addf %mul3A_1060, %mul3A_1064 : vector<16xf32>
          %get3A_1066 = arith.index_cast %add3A_962 : i32 to index
          %get3A_1067 = arith.constant 64 : index
          %get3A_1068 = tpu.vector_load %arg31[%get3A_1066, %get3A_1067] {strides = array<i32>} : memref<96x128xf32, #tpu.memory_space<vmem>>, vector<16xf32>,
          %mul3A_1069 = arith.mulf %get3A_1068, %gather3A_967 : vector<16xf32>
          %add3A_1070 = arith.addf %add3A_1065, %mul3A_1069 : vector<16xf32>
          %get3A_1071 = arith.index_cast %add3A_962 : i32 to index
          %get3A_1072 = arith.constant 64 : index
          %get3A_1073 = tpu.vector_load %arg33[%get3A_1071, %get3A_1072] {strides = array<i32>} : memref<96x128xf32, #tpu.memory_space<vmem>>, vector<16xf32>,
          %mul3A_1074 = arith.mulf %get3A_1073, %gather3A_968 : vector<16xf32>
          %add3A_1075 = arith.addf %add3A_1070, %mul3A_1074 : vector<16xf32>
          %swap3A_1076 = arith.index_cast %add3A_962 : i32 to index
          %swap3A_1077 = arith.constant 64 : index
          %swap3A_1078 = tpu.vector_load %arg35[%swap3A_1076, %swap3A_1077] {strides = array<i32>} : memref<96x96xf32, #tpu.memory_space<vmem>>, vector<16xf32>,
          tpu.vector_store %arg35[%swap3A_1076, %swap3A_1077], %add3A_1075 {strides = array<i32>} : memref<96x96xf32, #tpu.memory_space<vmem>>, vector<16xf32>,
          %get3A_1079 = arith.index_cast %add3A_962 : i32 to index
          %get3A_1080 = arith.constant 80 : index
          %get3A_1081 = tpu.vector_load %arg27[%get3A_1079, %get3A_1080] {strides = array<i32>} : memref<96x128xf32, #tpu.memory_space<vmem>>, vector<16xf32>,
          %mul3A_1082 = arith.mulf %get3A_1081, %gather3A_965 : vector<16xf32>
          %get3A_1083 = arith.index_cast %add3A_962 : i32 to index
          %get3A_1084 = arith.constant 80 : index
          %get3A_1085 = tpu.vector_load %arg29[%get3A_1083, %get3A_1084] {strides = array<i32>} : memref<96x128xf32, #tpu.memory_space<vmem>>, vector<16xf32>,
          %mul3A_1086 = arith.mulf %get3A_1085, %gather3A_966 : vector<16xf32>
          %add3A_1087 = arith.addf %mul3A_1082, %mul3A_1086 : vector<16xf32>
          %get3A_1088 = arith.index_cast %add3A_962 : i32 to index
          %get3A_1089 = arith.constant 80 : index
          %get3A_1090 = tpu.vector_load %arg31[%get3A_1088, %get3A_1089] {strides = array<i32>} : memref<96x128xf32, #tpu.memory_space<vmem>>, vector<16xf32>,
          %mul3A_1091 = arith.mulf %get3A_1090, %gather3A_967 : vector<16xf32>
          %add3A_1092 = arith.addf %add3A_1087, %mul3A_1091 : vector<16xf32>
          %get3A_1093 = arith.index_cast %add3A_962 : i32 to index
          %get3A_1094 = arith.constant 80 : index
          %get3A_1095 = tpu.vector_load %arg33[%get3A_1093, %get3A_1094] {strides = array<i32>} : memref<96x128xf32, #tpu.memory_space<vmem>>, vector<16xf32>,
          %mul3A_1096 = arith.mulf %get3A_1095, %gather3A_968 : vector<16xf32>
          %add3A_1097 = arith.addf %add3A_1092, %mul3A_1096 : vector<16xf32>
          %swap3A_1098 = arith.index_cast %add3A_962 : i32 to index
          %swap3A_1099 = arith.constant 80 : index
          %swap3A_1100 = tpu.vector_load %arg35[%swap3A_1098, %swap3A_1099] {strides = array<i32>} : memref<96x96xf32, #tpu.memory_space<vmem>>, vector<16xf32>,
          tpu.vector_store %arg35[%swap3A_1098, %swap3A_1099], %add3A_1097 {strides = array<i32>} : memref<96x96xf32, #tpu.memory_space<vmem>>, vector<16xf32>,
          %mul3A_1101 = arith.constant 4 : i32
          %mul3A_1102 = arith.muli %scan3A_675, %mul3A_1101 : i32
          %add3A_1103 = arith.constant 3 : i32
          %add3A_1104 = arith.addi %mul3A_1102, %add3A_1103 : i32
          %add3A_1105 = vector.broadcast %add3A_1104 : i32 to vector<16xi32>
          %add3A_1106 = arith.addi %broadcast_in_dim3A_14, %add3A_1105 : vector<16xi32>
          %gather3A_1107 = tpu.vector_load_idx %arg19[%add3A_1106] : memref<96xf32, #tpu.memory_space<vmem>>[vector<16xi32>], vector<16xf32>,
          %gather3A_1108 = tpu.vector_load_idx %arg21[%add3A_1106] : memref<96xf32, #tpu.memory_space<vmem>>[vector<16xi32>], vector<16xf32>,
          %gather3A_1109 = tpu.vector_load_idx %arg23[%add3A_1106] : memref<96xf32, #tpu.memory_space<vmem>>[vector<16xi32>], vector<16xf32>,
          %gather3A_1110 = tpu.vector_load_idx %arg25[%add3A_1106] : memref<96xf32, #tpu.memory_space<vmem>>[vector<16xi32>], vector<16xf32>,
          %get3A_1111 = arith.index_cast %add3A_1104 : i32 to index
          %get3A_1112 = arith.constant 0 : index
          %get3A_1113 = tpu.vector_load %arg27[%get3A_1111, %get3A_1112] {strides = array<i32>} : memref<96x128xf32, #tpu.memory_space<vmem>>, vector<16xf32>,
          %mul3A_1114 = arith.mulf %get3A_1113, %gather3A_1107 : vector<16xf32>
          %get3A_1115 = arith.index_cast %add3A_1104 : i32 to index
          %get3A_1116 = arith.constant 0 : index
          %get3A_1117 = tpu.vector_load %arg29[%get3A_1115, %get3A_1116] {strides = array<i32>} : memref<96x128xf32, #tpu.memory_space<vmem>>, vector<16xf32>,
          %mul3A_1118 = arith.mulf %get3A_1117, %gather3A_1108 : vector<16xf32>
          %add3A_1119 = arith.addf %mul3A_1114, %mul3A_1118 : vector<16xf32>
          %get3A_1120 = arith.index_cast %add3A_1104 : i32 to index
          %get3A_1121 = arith.constant 0 : index
          %get3A_1122 = tpu.vector_load %arg31[%get3A_1120, %get3A_1121] {strides = array<i32>} : memref<96x128xf32, #tpu.memory_space<vmem>>, vector<16xf32>,
          %mul3A_1123 = arith.mulf %get3A_1122, %gather3A_1109 : vector<16xf32>
          %add3A_1124 = arith.addf %add3A_1119, %mul3A_1123 : vector<16xf32>
          %get3A_1125 = arith.index_cast %add3A_1104 : i32 to index
          %get3A_1126 = arith.constant 0 : index
          %get3A_1127 = tpu.vector_load %arg33[%get3A_1125, %get3A_1126] {strides = array<i32>} : memref<96x128xf32, #tpu.memory_space<vmem>>, vector<16xf32>,
          %mul3A_1128 = arith.mulf %get3A_1127, %gather3A_1110 : vector<16xf32>
          %add3A_1129 = arith.addf %add3A_1124, %mul3A_1128 : vector<16xf32>
          %swap3A_1130 = arith.index_cast %add3A_1104 : i32 to index
          %swap3A_1131 = arith.constant 0 : index
          %swap3A_1132 = tpu.vector_load %arg35[%swap3A_1130, %swap3A_1131] {strides = array<i32>} : memref<96x96xf32, #tpu.memory_space<vmem>>, vector<16xf32>,
          tpu.vector_store %arg35[%swap3A_1130, %swap3A_1131], %add3A_1129 {strides = array<i32>} : memref<96x96xf32, #tpu.memory_space<vmem>>, vector<16xf32>,
          %get3A_1133 = arith.index_cast %add3A_1104 : i32 to index
          %get3A_1134 = arith.constant 16 : index
          %get3A_1135 = tpu.vector_load %arg27[%get3A_1133, %get3A_1134] {strides = array<i32>} : memref<96x128xf32, #tpu.memory_space<vmem>>, vector<16xf32>,
          %mul3A_1136 = arith.mulf %get3A_1135, %gather3A_1107 : vector<16xf32>
          %get3A_1137 = arith.index_cast %add3A_1104 : i32 to index
          %get3A_1138 = arith.constant 16 : index
          %get3A_1139 = tpu.vector_load %arg29[%get3A_1137, %get3A_1138] {strides = array<i32>} : memref<96x128xf32, #tpu.memory_space<vmem>>, vector<16xf32>,
          %mul3A_1140 = arith.mulf %get3A_1139, %gather3A_1108 : vector<16xf32>
          %add3A_1141 = arith.addf %mul3A_1136, %mul3A_1140 : vector<16xf32>
          %get3A_1142 = arith.index_cast %add3A_1104 : i32 to index
          %get3A_1143 = arith.constant 16 : index
          %get3A_1144 = tpu.vector_load %arg31[%get3A_1142, %get3A_1143] {strides = array<i32>} : memref<96x128xf32, #tpu.memory_space<vmem>>, vector<16xf32>,
          %mul3A_1145 = arith.mulf %get3A_1144, %gather3A_1109 : vector<16xf32>
          %add3A_1146 = arith.addf %add3A_1141, %mul3A_1145 : vector<16xf32>
          %get3A_1147 = arith.index_cast %add3A_1104 : i32 to index
          %get3A_1148 = arith.constant 16 : index
          %get3A_1149 = tpu.vector_load %arg33[%get3A_1147, %get3A_1148] {strides = array<i32>} : memref<96x128xf32, #tpu.memory_space<vmem>>, vector<16xf32>,
          %mul3A_1150 = arith.mulf %get3A_1149, %gather3A_1110 : vector<16xf32>
          %add3A_1151 = arith.addf %add3A_1146, %mul3A_1150 : vector<16xf32>
          %swap3A_1152 = arith.index_cast %add3A_1104 : i32 to index
          %swap3A_1153 = arith.constant 16 : index
          %swap3A_1154 = tpu.vector_load %arg35[%swap3A_1152, %swap3A_1153] {strides = array<i32>} : memref<96x96xf32, #tpu.memory_space<vmem>>, vector<16xf32>,
          tpu.vector_store %arg35[%swap3A_1152, %swap3A_1153], %add3A_1151 {strides = array<i32>} : memref<96x96xf32, #tpu.memory_space<vmem>>, vector<16xf32>,
          %get3A_1155 = arith.index_cast %add3A_1104 : i32 to index
          %get3A_1156 = arith.constant 32 : index
          %get3A_1157 = tpu.vector_load %arg27[%get3A_1155, %get3A_1156] {strides = array<i32>} : memref<96x128xf32, #tpu.memory_space<vmem>>, vector<16xf32>,
          %mul3A_1158 = arith.mulf %get3A_1157, %gather3A_1107 : vector<16xf32>
          %get3A_1159 = arith.index_cast %add3A_1104 : i32 to index
          %get3A_1160 = arith.constant 32 : index
          %get3A_1161 = tpu.vector_load %arg29[%get3A_1159, %get3A_1160] {strides = array<i32>} : memref<96x128xf32, #tpu.memory_space<vmem>>, vector<16xf32>,
          %mul3A_1162 = arith.mulf %get3A_1161, %gather3A_1108 : vector<16xf32>
          %add3A_1163 = arith.addf %mul3A_1158, %mul3A_1162 : vector<16xf32>
          %get3A_1164 = arith.index_cast %add3A_1104 : i32 to index
          %get3A_1165 = arith.constant 32 : index
          %get3A_1166 = tpu.vector_load %arg31[%get3A_1164, %get3A_1165] {strides = array<i32>} : memref<96x128xf32, #tpu.memory_space<vmem>>, vector<16xf32>,
          %mul3A_1167 = arith.mulf %get3A_1166, %gather3A_1109 : vector<16xf32>
          %add3A_1168 = arith.addf %add3A_1163, %mul3A_1167 : vector<16xf32>
          %get3A_1169 = arith.index_cast %add3A_1104 : i32 to index
          %get3A_1170 = arith.constant 32 : index
          %get3A_1171 = tpu.vector_load %arg33[%get3A_1169, %get3A_1170] {strides = array<i32>} : memref<96x128xf32, #tpu.memory_space<vmem>>, vector<16xf32>,
          %mul3A_1172 = arith.mulf %get3A_1171, %gather3A_1110 : vector<16xf32>
          %add3A_1173 = arith.addf %add3A_1168, %mul3A_1172 : vector<16xf32>
          %swap3A_1174 = arith.index_cast %add3A_1104 : i32 to index
          %swap3A_1175 = arith.constant 32 : index
          %swap3A_1176 = tpu.vector_load %arg35[%swap3A_1174, %swap3A_1175] {strides = array<i32>} : memref<96x96xf32, #tpu.memory_space<vmem>>, vector<16xf32>,
          tpu.vector_store %arg35[%swap3A_1174, %swap3A_1175], %add3A_1173 {strides = array<i32>} : memref<96x96xf32, #tpu.memory_space<vmem>>, vector<16xf32>,
          %get3A_1177 = arith.index_cast %add3A_1104 : i32 to index
          %get3A_1178 = arith.constant 48 : index
          %get3A_1179 = tpu.vector_load %arg27[%get3A_1177, %get3A_1178] {strides = array<i32>} : memref<96x128xf32, #tpu.memory_space<vmem>>, vector<16xf32>,
          %mul3A_1180 = arith.mulf %get3A_1179, %gather3A_1107 : vector<16xf32>
          %get3A_1181 = arith.index_cast %add3A_1104 : i32 to index
          %get3A_1182 = arith.constant 48 : index
          %get3A_1183 = tpu.vector_load %arg29[%get3A_1181, %get3A_1182] {strides = array<i32>} : memref<96x128xf32, #tpu.memory_space<vmem>>, vector<16xf32>,
          %mul3A_1184 = arith.mulf %get3A_1183, %gather3A_1108 : vector<16xf32>
          %add3A_1185 = arith.addf %mul3A_1180, %mul3A_1184 : vector<16xf32>
          %get3A_1186 = arith.index_cast %add3A_1104 : i32 to index
          %get3A_1187 = arith.constant 48 : index
          %get3A_1188 = tpu.vector_load %arg31[%get3A_1186, %get3A_1187] {strides = array<i32>} : memref<96x128xf32, #tpu.memory_space<vmem>>, vector<16xf32>,
          %mul3A_1189 = arith.mulf %get3A_1188, %gather3A_1109 : vector<16xf32>
          %add3A_1190 = arith.addf %add3A_1185, %mul3A_1189 : vector<16xf32>
          %get3A_1191 = arith.index_cast %add3A_1104 : i32 to index
          %get3A_1192 = arith.constant 48 : index
          %get3A_1193 = tpu.vector_load %arg33[%get3A_1191, %get3A_1192] {strides = array<i32>} : memref<96x128xf32, #tpu.memory_space<vmem>>, vector<16xf32>,
          %mul3A_1194 = arith.mulf %get3A_1193, %gather3A_1110 : vector<16xf32>
          %add3A_1195 = arith.addf %add3A_1190, %mul3A_1194 : vector<16xf32>
          %swap3A_1196 = arith.index_cast %add3A_1104 : i32 to index
          %swap3A_1197 = arith.constant 48 : index
          %swap3A_1198 = tpu.vector_load %arg35[%swap3A_1196, %swap3A_1197] {strides = array<i32>} : memref<96x96xf32, #tpu.memory_space<vmem>>, vector<16xf32>,
          tpu.vector_store %arg35[%swap3A_1196, %swap3A_1197], %add3A_1195 {strides = array<i32>} : memref<96x96xf32, #tpu.memory_space<vmem>>, vector<16xf32>,
          %get3A_1199 = arith.index_cast %add3A_1104 : i32 to index
          %get3A_1200 = arith.constant 64 : index
          %get3A_1201 = tpu.vector_load %arg27[%get3A_1199, %get3A_1200] {strides = array<i32>} : memref<96x128xf32, #tpu.memory_space<vmem>>, vector<16xf32>,
          %mul3A_1202 = arith.mulf %get3A_1201, %gather3A_1107 : vector<16xf32>
          %get3A_1203 = arith.index_cast %add3A_1104 : i32 to index
          %get3A_1204 = arith.constant 64 : index
          %get3A_1205 = tpu.vector_load %arg29[%get3A_1203, %get3A_1204] {strides = array<i32>} : memref<96x128xf32, #tpu.memory_space<vmem>>, vector<16xf32>,
          %mul3A_1206 = arith.mulf %get3A_1205, %gather3A_1108 : vector<16xf32>
          %add3A_1207 = arith.addf %mul3A_1202, %mul3A_1206 : vector<16xf32>
          %get3A_1208 = arith.index_cast %add3A_1104 : i32 to index
          %get3A_1209 = arith.constant 64 : index
          %get3A_1210 = tpu.vector_load %arg31[%get3A_1208, %get3A_1209] {strides = array<i32>} : memref<96x128xf32, #tpu.memory_space<vmem>>, vector<16xf32>,
          %mul3A_1211 = arith.mulf %get3A_1210, %gather3A_1109 : vector<16xf32>
          %add3A_1212 = arith.addf %add3A_1207, %mul3A_1211 : vector<16xf32>
          %get3A_1213 = arith.index_cast %add3A_1104 : i32 to index
          %get3A_1214 = arith.constant 64 : index
          %get3A_1215 = tpu.vector_load %arg33[%get3A_1213, %get3A_1214] {strides = array<i32>} : memref<96x128xf32, #tpu.memory_space<vmem>>, vector<16xf32>,
          %mul3A_1216 = arith.mulf %get3A_1215, %gather3A_1110 : vector<16xf32>
          %add3A_1217 = arith.addf %add3A_1212, %mul3A_1216 : vector<16xf32>
          %swap3A_1218 = arith.index_cast %add3A_1104 : i32 to index
          %swap3A_1219 = arith.constant 64 : index
          %swap3A_1220 = tpu.vector_load %arg35[%swap3A_1218, %swap3A_1219] {strides = array<i32>} : memref<96x96xf32, #tpu.memory_space<vmem>>, vector<16xf32>,
          tpu.vector_store %arg35[%swap3A_1218, %swap3A_1219], %add3A_1217 {strides = array<i32>} : memref<96x96xf32, #tpu.memory_space<vmem>>, vector<16xf32>,
          %get3A_1221 = arith.index_cast %add3A_1104 : i32 to index
          %get3A_1222 = arith.constant 80 : index
          %get3A_1223 = tpu.vector_load %arg27[%get3A_1221, %get3A_1222] {strides = array<i32>} : memref<96x128xf32, #tpu.memory_space<vmem>>, vector<16xf32>,
          %mul3A_1224 = arith.mulf %get3A_1223, %gather3A_1107 : vector<16xf32>
          %get3A_1225 = arith.index_cast %add3A_1104 : i32 to index
          %get3A_1226 = arith.constant 80 : index
          %get3A_1227 = tpu.vector_load %arg29[%get3A_1225, %get3A_1226] {strides = array<i32>} : memref<96x128xf32, #tpu.memory_space<vmem>>, vector<16xf32>,
          %mul3A_1228 = arith.mulf %get3A_1227, %gather3A_1108 : vector<16xf32>
          %add3A_1229 = arith.addf %mul3A_1224, %mul3A_1228 : vector<16xf32>
          %get3A_1230 = arith.index_cast %add3A_1104 : i32 to index
          %get3A_1231 = arith.constant 80 : index
          %get3A_1232 = tpu.vector_load %arg31[%get3A_1230, %get3A_1231] {strides = array<i32>} : memref<96x128xf32, #tpu.memory_space<vmem>>, vector<16xf32>,
          %mul3A_1233 = arith.mulf %get3A_1232, %gather3A_1109 : vector<16xf32>
          %add3A_1234 = arith.addf %add3A_1229, %mul3A_1233 : vector<16xf32>
          %get3A_1235 = arith.index_cast %add3A_1104 : i32 to index
          %get3A_1236 = arith.constant 80 : index
          %get3A_1237 = tpu.vector_load %arg33[%get3A_1235, %get3A_1236] {strides = array<i32>} : memref<96x128xf32, #tpu.memory_space<vmem>>, vector<16xf32>,
          %mul3A_1238 = arith.mulf %get3A_1237, %gather3A_1110 : vector<16xf32>
          %add3A_1239 = arith.addf %add3A_1234, %mul3A_1238 : vector<16xf32>
          %swap3A_1240 = arith.index_cast %add3A_1104 : i32 to index
          %swap3A_1241 = arith.constant 80 : index
          %swap3A_1242 = tpu.vector_load %arg35[%swap3A_1240, %swap3A_1241] {strides = array<i32>} : memref<96x96xf32, #tpu.memory_space<vmem>>, vector<16xf32>,
          tpu.vector_store %arg35[%swap3A_1240, %swap3A_1241], %add3A_1239 {strides = array<i32>} : memref<96x96xf32, #tpu.memory_space<vmem>>, vector<16xf32>,
        }
        %scan3A_662 = arith.constant 24 : i32
        %not3A_663 = arith.constant true
        %not3A_664 = arith.xori %eq3A_12, %not3A_663 : i1
        %lt3A_665 = arith.constant 58 : i32
        %lt3A_666 = arith.cmpi slt, %add3A_622, %lt3A_665 : i32
        %or3A = arith.ori %not3A_664, %lt3A_666 : i1
        %convert_element_type3A_667 = arith.extui %or3A : i1 to i32
        %cond3A_668 = arith.constant 0 : i32
        %cond3A_669 = arith.cmpi ne, %convert_element_type3A_667, %cond3A_668 : i32
        scf.if %cond3A_669 {
          %mul3A_675 = arith.constant 96 : i32
          %mul3A_676 = arith.muli %add3A_622, %mul3A_675 : i32
          %add3A_677 = arith.addi %mul3A_11, %mul3A_676 : i32
          %dma_start3A_678 = arith.constant 0 : i32
          %dma_start3A_679 = tpu.memref_slice %arg5[%div3A_2, %add3A_677, %dma_start3A_678] : memref<4x50000x96xf32, #tpu.memory_space<hbm>> -> memref<1x96x96xf32, #tpu.memory_space<hbm>>
          %dma_start3A_680 = tpu.memref_squeeze %dma_start3A_679 : memref<1x96x96xf32, #tpu.memory_space<hbm>> -> memref<96x96xf32, #tpu.memory_space<hbm>>
          %dma_start3A_681 = arith.constant 0 : i32
          %dma_start3A_682 = tpu.memref_slice %arg5[%div3A_2, %add3A_677, %dma_start3A_681] : memref<4x50000x96xf32, #tpu.memory_space<hbm>> -> memref<1x96x96xf32, #tpu.memory_space<hbm>>
          %dma_start3A_683 = tpu.memref_squeeze %dma_start3A_682 : memref<1x96x96xf32, #tpu.memory_space<hbm>> -> memref<96x96xf32, #tpu.memory_space<hbm>>
          tpu.enqueue_dma source(%arg35 : memref<96x96xf32, #tpu.memory_space<vmem>>) target(%dma_start3A_683 : memref<96x96xf32, #tpu.memory_space<hbm>>) target_semaphore(%arg41 : memref<!tpu.dma_semaphore, #tpu.memory_space<semaphore_mem>>)
        } else {
        }
        %not3A_670 = arith.constant true
        %not3A_671 = arith.xori %or3A, %not3A_670 : i1
        %convert_element_type3A_672 = arith.extui %not3A_671 : i1 to i32
        %cond3A_673 = arith.constant 0 : i32
        %cond3A_674 = arith.cmpi ne, %convert_element_type3A_672, %cond3A_673 : i32
        scf.if %cond3A_674 {
          %add3A_675 = arith.constant 5568 : i32
          %add3A_676 = arith.addi %mul3A_11, %add3A_675 : i32
          "tpu.region"() ({
            %run_scoped3A = tpu.sem_alloc : memref<!tpu.dma_semaphore, #tpu.memory_space<semaphore_mem>>
            %dma_start3A_677 = arith.constant 0 : i32
            %dma_start3A_678 = arith.constant 0 : i32
            %dma_start3A_679 = tpu.memref_slice %arg35[%dma_start3A_677, %dma_start3A_678] : memref<96x96xf32, #tpu.memory_space<vmem>> -> memref<80x96xf32, #tpu.memory_space<vmem>>
            %dma_start3A_680 = arith.constant 0 : i32
            %dma_start3A_681 = tpu.memref_slice %arg5[%div3A_2, %add3A_676, %dma_start3A_680] : memref<4x50000x96xf32, #tpu.memory_space<hbm>> -> memref<1x80x96xf32, #tpu.memory_space<hbm>>
            %dma_start3A_682 = tpu.memref_squeeze %dma_start3A_681 : memref<1x80x96xf32, #tpu.memory_space<hbm>> -> memref<80x96xf32, #tpu.memory_space<hbm>>
            %dma_start3A_683 = arith.constant 0 : i32
            %dma_start3A_684 = tpu.memref_slice %arg5[%div3A_2, %add3A_676, %dma_start3A_683] : memref<4x50000x96xf32, #tpu.memory_space<hbm>> -> memref<1x80x96xf32, #tpu.memory_space<hbm>>
            %dma_start3A_685 = tpu.memref_squeeze %dma_start3A_684 : memref<1x80x96xf32, #tpu.memory_space<hbm>> -> memref<80x96xf32, #tpu.memory_space<hbm>>
            %dma_start3A_686 = arith.constant 0 : i32
            %dma_start3A_687 = arith.constant 0 : i32
            %dma_start3A_688 = tpu.memref_slice %arg35[%dma_start3A_686, %dma_start3A_687] : memref<96x96xf32, #tpu.memory_space<vmem>> -> memref<80x96xf32, #tpu.memory_space<vmem>>
            tpu.enqueue_dma source(%dma_start3A_688 : memref<80x96xf32, #tpu.memory_space<vmem>>) target(%dma_start3A_685 : memref<80x96xf32, #tpu.memory_space<hbm>>) target_semaphore(%run_scoped3A : memref<!tpu.dma_semaphore, #tpu.memory_space<semaphore_mem>>)
            %dma_wait3A_689 = arith.constant 0 : i32
            %dma_wait3A_690 = arith.constant 0 : i32
            %dma_wait3A_691 = tpu.memref_slice %arg35[%dma_wait3A_689, %dma_wait3A_690] : memref<96x96xf32, #tpu.memory_space<vmem>> -> memref<80x96xf32, #tpu.memory_space<vmem>>
            %dma_wait3A_692 = arith.constant 0 : i32
            %dma_wait3A_693 = tpu.memref_slice %arg5[%div3A_2, %add3A_676, %dma_wait3A_692] : memref<4x50000x96xf32, #tpu.memory_space<hbm>> -> memref<1x80x96xf32, #tpu.memory_space<hbm>>
            %dma_wait3A_694 = tpu.memref_squeeze %dma_wait3A_693 : memref<1x80x96xf32, #tpu.memory_space<hbm>> -> memref<80x96xf32, #tpu.memory_space<hbm>>
            %dma_wait3A_695 = arith.constant 0 : i32
            %dma_wait3A_696 = tpu.memref_slice %arg5[%div3A_2, %add3A_676, %dma_wait3A_695] : memref<4x50000x96xf32, #tpu.memory_space<hbm>> -> memref<1x80x96xf32, #tpu.memory_space<hbm>>
            %dma_wait3A_697 = tpu.memref_squeeze %dma_wait3A_696 : memref<1x80x96xf32, #tpu.memory_space<hbm>> -> memref<80x96xf32, #tpu.memory_space<hbm>>
            %dma_wait3A_698 = arith.constant 0 : i32
            %dma_wait3A_699 = arith.constant 0 : i32
            %dma_wait3A_700 = tpu.memref_slice %arg35[%dma_wait3A_698, %dma_wait3A_699] : memref<96x96xf32, #tpu.memory_space<vmem>> -> memref<80x96xf32, #tpu.memory_space<vmem>>
            tpu.wait_dma2 semaphore(%run_scoped3A : memref<!tpu.dma_semaphore, #tpu.memory_space<semaphore_mem>>) src(%dma_wait3A_700 : memref<80x96xf32, #tpu.memory_space<vmem>>) dst(%dma_wait3A_697 : memref<80x96xf32, #tpu.memory_space<hbm>>)
            tpu.yield
          }) : () -> ()
        } else {
        }
      } else {
      }
    }
    %scan3A_604 = arith.constant 33 : i32
    %not3A = arith.constant true
    %not3A_605 = arith.xori %eq3A_12, %not3A : i1
    %convert_element_type3A_606 = arith.extui %not3A_605 : i1 to i32
    %cond3A_607 = arith.constant 0 : i32
    %cond3A_608 = arith.cmpi ne, %convert_element_type3A_606, %cond3A_607 : i32
    scf.if %cond3A_608 {
      %dma_wait3A_618 = arith.constant 0 : i32
      %dma_wait3A_619 = arith.constant 0 : i32
      %dma_wait3A_620 = arith.constant 0 : i32
      %dma_wait3A_621 = tpu.memref_slice %arg5[%dma_wait3A_618, %dma_wait3A_619, %dma_wait3A_620] : memref<4x50000x96xf32, #tpu.memory_space<hbm>> -> memref<1x96x96xf32, #tpu.memory_space<hbm>>
      %dma_wait3A_622 = tpu.memref_squeeze %dma_wait3A_621 : memref<1x96x96xf32, #tpu.memory_space<hbm>> -> memref<96x96xf32, #tpu.memory_space<hbm>>
      %dma_wait3A_623 = arith.constant 0 : i32
      %dma_wait3A_624 = arith.constant 0 : i32
      %dma_wait3A_625 = tpu.memref_slice %arg5[%dma_wait3A_618, %dma_wait3A_623, %dma_wait3A_624] : memref<4x50000x96xf32, #tpu.memory_space<hbm>> -> memref<1x96x96xf32, #tpu.memory_space<hbm>>
      %dma_wait3A_626 = tpu.memref_squeeze %dma_wait3A_625 : memref<1x96x96xf32, #tpu.memory_space<hbm>> -> memref<96x96xf32, #tpu.memory_space<hbm>>
      tpu.wait_dma2 semaphore(%arg40 : memref<!tpu.dma_semaphore, #tpu.memory_space<semaphore_mem>>) src(%dma_wait3A_626 : memref<96x96xf32, #tpu.memory_space<hbm>>) dst(%arg34 : memref<96x96xf32, #tpu.memory_space<vmem>>)
    } else {
    }
    %dma_wait3A_609 = arith.constant 0 : i32
    %dma_wait3A_610 = arith.constant 0 : i32
    %dma_wait3A_611 = arith.constant 0 : i32
    %dma_wait3A_612 = tpu.memref_slice %arg5[%dma_wait3A_609, %dma_wait3A_610, %dma_wait3A_611] : memref<4x50000x96xf32, #tpu.memory_space<hbm>> -> memref<1x96x96xf32, #tpu.memory_space<hbm>>
    %dma_wait3A_613 = tpu.memref_squeeze %dma_wait3A_612 : memref<1x96x96xf32, #tpu.memory_space<hbm>> -> memref<96x96xf32, #tpu.memory_space<hbm>>
    %dma_wait3A_614 = arith.constant 0 : i32
    %dma_wait3A_615 = arith.constant 0 : i32
    %dma_wait3A_616 = tpu.memref_slice %arg5[%dma_wait3A_609, %dma_wait3A_614, %dma_wait3A_615] : memref<4x50000x96xf32, #tpu.memory_space<hbm>> -> memref<1x96x96xf32, #tpu.memory_space<hbm>>
    %dma_wait3A_617 = tpu.memref_squeeze %dma_wait3A_616 : memref<1x96x96xf32, #tpu.memory_space<hbm>> -> memref<96x96xf32, #tpu.memory_space<hbm>>
    tpu.wait_dma2 semaphore(%arg41 : memref<!tpu.dma_semaphore, #tpu.memory_space<semaphore_mem>>) src(%dma_wait3A_617 : memref<96x96xf32, #tpu.memory_space<hbm>>) dst(%arg35 : memref<96x96xf32, #tpu.memory_space<vmem>>)
    return
  }
}

</mosaic_0001>

<sc_bundles>
// kernel: kernel.3.cloned.1.call-start
scs
__scs_entry_jumppad:
0x0: {  	(pc) =	sbr.rel $0x88, $3  }
0x1: {  	(tag) =	ssettag $0x0;
	lr =	simm.s32 $0x1  }
0x2: {  	[smem:$0x3F9F] =	sst lr;
	_ =	strace $0xD0000000  }
0x3: {  	_ = 	snop  }
0x4: {  	_ = 	snop  }
0x5: {  	_ = 	snop  }
0x6: {  	_ = 	snop  }
0x7: {  	_ = 	snop  }
__scs_overlays_trampoline_lowered:
0x8: {  	[smem:$0x3FAE] =	sst s0  }
0x9: {  	[smem:$0x3FAF] =	sst s1  }
0xa: {  	[smem:$0x3FB0] =	sst s2  }
0xb: {  	[smem:$0x3FB1] =	sst s3  }
0xc: {  	[smem:$0x3FB2] =	sst s4  }
0xd: {  	[smem:$0x3FB3] =	sst s5  }
0xe: {  	[smem:$0x3FB4] =	sst s6  }
0xf: {  	[smem:$0x3FB5] =	sst s7  }
0x10: {  	[smem:$0x3FB6] =	sst s8  }
0x11: {  	[smem:$0x3FB7] =	sst s9;
	s0 =	simm.s32 @!p0 $0x0  }
0x12: {  	s1 =	sld [smem:$0x3F9D];
	s0 =	simm.s32 @p0 $0x1  }
0x13: {  	[smem:$0x3FB8] =	sst s0;
	s0 =	simm.s32 @!p1 $0x0  }
0x14: {  	s2 =	sld [smem:$0x3F9C];
	s0 =	simm.s32 @p1 $0x1  }
0x15: {  	[smem:$0x3FB9] =	sst s0;
	s0 =	simm.s32 @!p2 $0x0  }
0x16: {  	s3 =	sld [smem:$0x3FDB];
	s0 =	simm.s32 @p2 $0x1  }
0x17: {  	s4 =	simm.s32 $0x1BF5;
	[smem:$0x3FBB] =	sst s0  }
0x18: {  	s0 =	sld [smem:$0x3F9E];
	_ =	swait.ge [sflag:s4], $0x0  }
0x19: {  	s7 =	sld [smem:$0x3F9F]  }
0x1a: {  	s8 =	sadd.s32 $0xFFFFE003, lr  }
0x1b: {  	s9 =	sadd.s32 $0xFFFFFEF7, lr;
	s5 =	simm.s32 $0xFFFFFFFF;
	p2 =	slt.u32 s8, $0xFFFFF086  }
0x1c: {  	p1 =	slt.u32 s9, $0xF7A;
	s5 =	simm.s32 @!p2 $0x0  }
0x1d: {  	s5 =	simm.s32 @p1 $0x1;
	p0 =	seq.s32 s7, s2  }
0x1e: {  	s7 =	smul.u32 @!p0 $0xF7A, s2;
	p2 =	seq.s32 @!p0 s5, $0x0  }
0x1f: {  	s9 =	smul.u32 $0xF7A, s1;
	s8 =	simm.s32 @!p0 $0x1BF5;
	p2 =	por !p2, p0  }
0x20: {  	[sflag:s8] =	ssyncset.s32 @!p0 $0xFFFFF086;
	s6 =	sadd.s32 @!p0 s3, s7;
	s7 =	simm.s32 @!p0 $0x108  }
0x21: {  	s3 =	sadd.s32 s3, s9;
	s6 =	sadd.s32 @!p0 $0x88, s6;
	s7 =	simm.s32 @p2 $0x1082  }
0x22: {  	[simem:s7], [sflag:s8] =	dma.local @!p0 [hbm:s6], $0xF7A  }
0x23: {  	s9 =	sor.u32 $0xD0000000, s2;
	s6 =	simm.s32 $0x108;
	_ =	swait.ge @!p0 [sflag:s8], $0x0  }
0x24: {  	s3 =	sadd.s32 $0x88, s3;
	s6 =	simm.s32 @!p1 $0x1082;
	[sflag:s4] =	ssyncset.s32 $0xFFFFF086  }
0x25: {  	[simem:s6], [sflag:s4] =	dma.local [hbm:s3], $0xF7A  }
0x26: {  	[smem:$0x3F9F] =	sst s1;
	(tag) =	ssettag s2;
	_ =	strace s9  }
0x27: {  	s1 =	sld [smem:$0x3FAF]  }
0x28: {  	s2 =	sld [smem:$0x3FB0]  }
0x29: {  	s4 =	sld [smem:$0x3FB2]  }
0x2a: {  	p0 =	seq.s32 s5, $0x0;
	s5 =	sld [smem:$0x3FB3]  }
0x2b: {  	s6 =	sld [smem:$0x3FB4]  }
0x2c: {  	s7 =	sld [smem:$0x3FB5]  }
0x2d: {  	s3 =	simm.s32 $0x108;
	s8 =	sld [smem:$0x3FB6]  }
0x2e: {  	s3 =	simm.s32 @!p0 $0x1082;
	s9 =	sld [smem:$0x3FB7]  }
0x2f: {  	lr =	sadd.s32 s0, s3;
	s0 =	sld [smem:$0x3FAE]  }
0x30: {  	s3 =	sld [smem:$0x3FB1]  }
0x31: {  	[smem:$0x3FBA] =	sst s10  }
0x32: {  	s10 =	sld [smem:$0x3FB8];
	_ =	sdelay $0x3  }
0x33: {  	p0 =	seq.s32 s10, $0x1;
	s10 =	sld [smem:$0x3FBA];
	_ =	sdelay $0x3  }
0x34: {  	[smem:$0x3FBA] =	sst s10  }
0x35: {  	s10 =	sld [smem:$0x3FB9];
	_ =	sdelay $0x3  }
0x36: {  	p1 =	seq.s32 s10, $0x1;
	s10 =	sld [smem:$0x3FBA];
	_ =	sdelay $0x3  }
0x37: {  	[smem:$0x3FBA] =	sst s10  }
0x38: {  	s10 =	sld [smem:$0x3FBB]  }
0x39: {  	_ = 	snop;
	(pc) =	sbr.ind lr, $3  }
0x3a: {  	_ = 	snop  }
0x3b: {  	_ = 	snop  }
0x3c: {  	p2 =	seq.s32 s10, $0x1;
	s10 =	sld [smem:$0x3FBA]  }
0x3d: {  	_ =	shalt  }
0x3e: {  	_ =	shalt  }
0x3f: {  	_ =	shalt  }
0x40: {  	_ =	shalt  }
0x41: {  	_ =	shalt  }
0x42: {  	_ =	shalt  }
0x43: {  	_ =	shalt  }
0x44: {  	_ =	shalt  }
0x45: {  	_ =	shalt  }
0x46: {  	_ =	shalt  }
0x47: {  	_ =	shalt  }
0x48: {  	_ =	shalt  }
0x49: {  	_ =	shalt  }
0x4a: {  	_ =	shalt  }
0x4b: {  	_ =	shalt  }
0x4c: {  	_ =	shalt  }
0x4d: {  	_ =	shalt  }
0x4e: {  	_ =	shalt  }
0x4f: {  	_ =	shalt  }
0x50: {  	_ =	shalt  }
0x51: {  	_ =	shalt  }
0x52: {  	_ =	shalt  }
0x53: {  	_ =	shalt  }
0x54: {  	_ =	shalt  }
0x55: {  	_ =	shalt  }
0x56: {  	_ =	shalt  }
0x57: {  	_ =	shalt  }
0x58: {  	_ =	shalt  }
0x59: {  	_ =	shalt  }
0x5a: {  	_ =	shalt  }
0x5b: {  	_ =	shalt  }
0x5c: {  	_ =	shalt  }
0x5d: {  	_ =	shalt  }
0x5e: {  	_ =	shalt  }
0x5f: {  	_ =	shalt  }
0x60: {  	_ =	shalt  }
0x61: {  	_ =	shalt  }
0x62: {  	_ =	shalt  }
0x63: {  	_ =	shalt  }
0x64: {  	_ =	shalt  }
0x65: {  	_ =	shalt  }
0x66: {  	_ =	shalt  }
0x67: {  	_ =	shalt  }
0x68: {  	_ =	shalt  }
0x69: {  	_ =	shalt  }
0x6a: {  	_ =	shalt  }
0x6b: {  	_ =	shalt  }
0x6c: {  	_ =	shalt  }
0x6d: {  	_ =	shalt  }
0x6e: {  	_ =	shalt  }
0x6f: {  	_ =	shalt  }
0x70: {  	_ =	shalt  }
0x71: {  	_ =	shalt  }
0x72: {  	_ =	shalt  }
0x73: {  	_ =	shalt  }
0x74: {  	_ =	shalt  }
0x75: {  	_ =	shalt  }
0x76: {  	_ =	shalt  }
0x77: {  	_ =	shalt  }
0x78: {  	_ =	shalt  }
0x79: {  	_ =	shalt  }
0x7a: {  	_ =	shalt  }
0x7b: {  	_ =	shalt  }
0x7c: {  	_ =	shalt  }
0x7d: {  	_ =	shalt  }
0x7e: {  	_ =	shalt  }
0x7f: {  	_ =	shalt  }
0x80: {  	_ =	shalt  }
0x81: {  	_ =	shalt  }
0x82: {  	_ =	shalt  }
0x83: {  	_ =	shalt  }
0x84: {  	_ =	shalt  }
0x85: {  	_ =	shalt  }
0x86: {  	_ =	shalt  }
0x87: {  	_ =	shalt  }
.Lfunc_end0:
.L_simem_size_0:
called_computation.1_lowered:
.L_overlay_start_0:
0x88: {  	s2 =	sld [smem:$0x3FD9]  }
0x89: {  	s3 =	sld [smem:$0x3FFE];
	_ =	sdelay $0x1  }
0x8a: {  	s1 =	srdreg.scid  }
0x8b: {  	s0 =	sand.u32 $0x1, s1  }
0x8c: {  	s17 =	sshll.u32 s0, $0xA;
	s2 =	sadd.s32 s3, s2  }
0x8d: {  	s2 =	sadd.s32 s2, s17  }
0x8e: {  	[smem:$0x3FC6] =	sst s2  }
0x8f: {  	_ = 	snop  }
0x90: {  	s2 =	sld [smem:$0x3FD0];
	(tm) =	ssettm $0x1  }
0x91: {  	s18 =	sld [smem:$0x3FFB];
	_ =	sdelay $0x3  }
0x92: {  	_ =	strace s18  }
0x93: {  	s3 =	sld [smem:$0x3FFC];
	_ =	sdelay $0x3  }
0x94: {  	_ =	strace s3  }
0x95: {  	s3 =	sld [smem:$0x3FFD];
	_ =	sdelay $0x3  }
0x96: {  	_ =	strace s3  }
0x97: {  	_ =	strace $0x8FFFFFFF  }
0x98: {  	s19 =	sld [smem:$0x3FDB];
	_ =	sdelay $0x1  }
0x99: {  	s4 =	simm.s32 $_scs_section_size  }
0x9a: {  	s5 =	simm.s32 $_size__tile_overlayer_lowered;
	s6 =	simm.s32 $_tile_overlayer_lowered  }
0x9b: {  	s22 =	simm.s32 $0x1BFF;
	s21 =	sshll.u32 s6, $0x1;
	s3 =	sadd.s32 s4, s19  }
0x9c: {  	s7 =	simm.s32 $0x0;
	s20 =	sshll.u32 s5, $0x1;
	s5 =	sadd.s32 s21, s3  }
0x9d: {  	[timem:s7], [sflag:s22] =	dma.local [hbm:s5], s20  }
0x9e: {  	_ =	swait.ge [sflag:s22], s20  }
0x9f: {  	s4 =	ssub.s32 $0x0, s20;
	[sflag:s22] =	ssyncset.done $0x0  }
0xa0: {  	[sflag:s22] =	ssyncadd.s32 s4;
	_ =	sdelay $0x1  }
0xa1: {  	s23 =	simm.s32 $0x1B8B  }
0xa2: {  	_ =	swait.ge [sflag:s23], $0x1  }
0xa3: {  	[sflag:s23] =	ssyncset.done $0x0  }
0xa4: {  	s25 =	simm.s32 $0x1B8E;
	s24 =	sld [smem:$0x3FFE];
	[sflag:s23] =	ssyncadd.s32 $0xFFFFFFFF  }
0xa5: {  	s26 =	simm.s32 $execute0_lowered;
	[smem:$0x3FD2] =	sst s25  }
0xa6: {  	s5 =	sshll.u32 s26, $0x1;
	_ =	strace $0x80000049;
	[dreg:$0x1] =	wrdreg $0xFFFFFFFF  }
0xa7: {  	s28 =	simm.s32 $_size_execute0_lowered;
	s3 =	sadd.s32 s3, s5;
	[dreg:$0x0] =	wrdreg $0x0  }
0xa8: {  	s5 =	sshll.u32 s28, $0x1;
	[dreg:$0x2] =	wrdreg s3  }
0xa9: {  	[dreg:$0x3] =	wrdreg s5  }
0xaa: {  	[dreg:$0x4] =	wrdreg $0xC0  }
0xab: {  	_ =	task [dreg:s7], $0x5FFFF  }
0xac: {  	[dreg:$0x1] =	wrdreg $0xFFFFFFFF  }
0xad: {  	[dreg:$0x0] =	wrdreg $0x60  }
0xae: {  	[dreg:$0x2] =	wrdreg s24  }
0xaf: {  	[dreg:$0x3] =	wrdreg s2  }
0xb0: {  	[dreg:$0x4] =	wrdreg $0x9  }
0xb1: {  	_ =	task.clear_ibuf [dreg:s7], $0x5FFFF;
	_ =	strace $0x90000049  }
0xb2: {  	s29 =	simm.s32 $0x9;
	_ =	strace $0x8000004B  }
0xb3: {  	_ =	swait.ge [sflag:s29], $0x1  }
0xb4: {  	[sflag:s29] =	ssyncadd.s32 $0xFFFFFFFF  }
0xb5: {  	_ =	strace $0x9000004B  }
0xb6: {  	_ =	sfence  }
0xb7: {  	s30 =	sld [smem:$0x0];
	_ =	sdelay $0x2  }
0xb8: {  	s31 =	sshll.u32 s1, $0xD;
	s1 =	sshrl.u32 s1, $0x2  }
0xb9: {  	s3 =	sand.u32 $0x4000, s31;
	s1 =	sadd.s32 s1, s30  }
0xba: {  	s0 =	sor.u32 s3, s0;
	s1 =	sshll.u32 s1, $0x11  }
0xbb: {  	s0 =	sor.u32 s1, s0  }
0xbc: {  	s0 =	sadd.s32 $0x8F2B, s0  }
0xbd: {  	[sflag:s0] =	ssyncadd.remote.s32 $0x1  }
0xbe: {  	_ =	sfence.sel $0xFFFF  }
0xbf: {  	[dreg:$0x0] =	wrdreg $0xFFFFFFFF;
	(pc) =	sbr.abs _section_cstart, $3  }
0xc0: {  	[dreg:$0x1] =	wrdreg $0xFFFFFFFF  }
0xc1: {  	_ =	task.clear_ibuf [dreg:s7], $0x2FFFF;
	_ =	strace $0x9FFFFFFF  }
0xc2: {  	(tm) =	ssettm $0x7FFFFFFF  }
0xc3: {  	_ =	shalt  }
tec
execute0_lowered:
.L_overlay_start_1:
0x0: {  	(tag) =	ssettag $0x1  }
0x1: {  	s0 =	rddreg [dreg:$0x0]  }
0x2: {  	s2 =	rddreg [dreg:$0x1]  }
0x3: {  	s3 =	simm.s32 $0x0;
	s5 =	stileid.u32;
	s1 =	srdreg.scid  }
0x4: {  	s9 =	simm.s32 $0x3B;
	s19 =	simm.s32 $0x3;
	s28 =	simm.s32 $0x800  }
0x5: {  	s29 =	simm.s32 $0x900;
	s31 =	simm.s32 $0x8;
	[smem:$0x7FF] =	sst s3  }
0x6: {  	s4 =	sshll.u32 s5, $0x1;
	s1 =	sand.u32 $0x1, s1;
	s5 =	sshrl.u32 s5, $0x2  }
0x7: {  	s6 =	sadd.s32 $0x900200, s0;
	s14 =	sadd.s32 $0x200, s0;
	s8 =	smul.u32 $0xC350, s5  }
0x8: {  	s4 =	sand.u32 $0x6, s4;
	_ =	strace $0x8000004A;
	s12 =	smul.u32 $0x24000, s5  }
0x9: {  	s5 =	smul.u32 $0x61A800, s5;
	s10 =	smov.u32 s14;
	s11 =	sor.u32 s1, s4  }
0xa: {  	s4 =	sadd.s32 $0x906400, s0;
	s1 =	ssub.s32 $0x2, s1;
	s7 =	smul.u32 $0x18C0, s11  }
0xb: {  	s20 =	sshrl.u32 s1, $0x1;
	p0 =	seq.s32 s11, $0x7;
	[dreg:$0x4] =	wrdreg s5  }
0xc: {  	s5 =	sshrl.u32 s5, $0x3;
	p1 =	sne.s32 s11, $0x7;
	s11 =	simm.s32 $0x980  }
0xd: {  	v0 =	vmov s12;
	s12 =	simm.s32 $0x0;
	s0 =	ssub.s32 s1, s20;
	s9 =	simm.s32 @!p0 $0x42  }
0xe: {  	s30 =	sadd.s32 s14, s5;
	s20 =	simm.s32 $0x880;
	[dreg:$0x3] =	wrdreg s7  }
0xf: {  	s8 =	sadd.s32 s8, s7;
	s17 =	sadd.s32 $0xFFFFFFFE, s9;
	s0 =	smax.u32 s0, $0x1  }
0x10: {  	s18 =	sadd.s32 $0xC3000, s30;
	s21 =	sshrl.u32 s8, $0x3;
	[dreg:$0xb] =	wrdreg s0  }
0x11: {  	s0 =	simm.s32 $0x4;
	s13 =	sadd.s32 $0xC, s21;
	s22 =	sadd.s32 s2, s21  }
0x12: {  	s23 =	sadd.s32 s6, s21;
	s1 =	sadd.s32 $0x18, s21;
	[dreg:$0x5] =	wrdreg s22  }
0x13: {  	s21 =	simm.s32 $0x2;
	[dreg:$0x6] =	wrdreg s23;
	s24 =	sadd.s32 s2, s13  }
.Ltmp0:
0x14: {  	s25 =	sadd.s32 s6, s13;
	[dreg:$0x7] =	wrdreg s24;
	(pc) =	sbr.rel .LBB2_1-.Ltmp0, $4  }
0x15: {  	s26 =	sadd.s32 s2, s1;
	s1 =	sadd.s32 s6, s1;
	[dreg:$0x8] =	wrdreg s25  }
0x16: {  	s23 =	simm.s32 $0x1;
	s22 =	simm.s32 $0x780;
	[dreg:$0x9] =	wrdreg s26  }
0x17: {  	s13 =	simm.s32 $0x7;
	[dreg:$0xa] =	wrdreg s1;
	s24 =	simm.s32 $0x60  }
0x18: {  	v1 =	vimm.s32 $0x0;
	s25 =	simm.s32 $0x600;
	s26 =	simm.s32 $0x700;
	s1 =	simm.s32 $0x680  }
.LBB2_15:
0x19: {  	s5 =	simm.s32 @!p0 $0x5  }
0x1a: {  	_ =	swait.ge @!p0 [sflag:s5], $0x3000  }
0x1b: {  	[sflag:s5] =	ssyncset.done @!p0 $0x0  }
0x1c: {  	s7 =	simm.s32 $0x6;
	[sflag:s5] =	ssyncadd.s32 @!p0 $0xFFFFD000  }
0x1d: {  	_ =	swait.ge [sflag:s7], $0x3000  }
0x1e: {  	s12 =	rddreg [dreg:$0xc]  }
0x1f: {  	s30 =	rddreg [dreg:$0xb];
	s12 =	sadd.s32 $0x1, s12  }
0x20: {  	p2 =	sne.s32 s12, s30  }
.Ltmp1:
0x21: {  	_ = 	snop;
	(pc) =	sbr.rel @!p2 .LBB2_16-.Ltmp1, $3  }
0x22: {  	_ =	sdelay $0x1  }
0x23: {  	[sflag:s7] =	ssyncset.done $0x0  }
0x24: {  	[sflag:s7] =	ssyncadd.s32 $0xFFFFD000  }
.LBB2_1:
0x25: {  	[dreg:$0xc] =	wrdreg s12  }
0x26: {  	s5 =	rddreg [dreg:$0x5]  }
0x27: {  	[tilespmem:s3], [sflag:$0x1] =	stream.linear.gather [hbm4b:s5+s3], $0x60, $0x38;
	[tilespmem:$0x1EA00] =	vst v63  }
0x28: {  	s12 =	rddreg [dreg:$0x6];
	s7 =	simm.s32 $0x100  }
0x29: {  	[tilespmem:s7], [sflag:$0x1] =	stream.linear.gather [hbm4b:s12+s3], $0x60, $0x38;
	[tilespmem:$0x1EA00] =	vst v63  }
0x2a: {  	s14 =	rddreg [dreg:$0x7];
	s15 =	simm.s32 $0x80  }
0x2b: {  	[tilespmem:s15], [sflag:$0x2] =	stream.linear.gather [hbm4b:s14+s3], $0x60, $0x38;
	[tilespmem:$0x1EA00] =	vst v63  }
0x2c: {  	s16 =	rddreg [dreg:$0x8];
	s30 =	simm.s32 $0x180  }
0x2d: {  	[tilespmem:s30], [sflag:$0x2] =	stream.linear.gather [hbm4b:s16+s3], $0x60, $0x38;
	[tilespmem:$0x1EA00] =	vst v63  }
0x2e: {  	_ =	swait.ge [sflag:s23], $0x60  }
0x2f: {  	[sflag:s23] =	ssyncset.done $0x0  }
0x30: {  	[sflag:s23] =	ssyncadd.s32 $0xFFFFFFA0  }
0x31: {  	_ =	swait.ge [sflag:s23], $0x60  }
0x32: {  	[sflag:s23] =	ssyncset.done $0x0  }
0x33: {  	[sflag:s23] =	ssyncadd.s32 $0xFFFFFFA0  }
0x34: {  	v2 =	vld [tilespmem:$0x0]  }
0x35: {  	v3 =	vld [tilespmem:$0x100]  }
0x36: {  	v6 =	vld [tilespmem:$0x10]  }
0x37: {  	v9 =	vld [tilespmem:$0x110]  }
0x38: {  	v10 =	vld [tilespmem:$0x20]  }
0x39: {  	v13 =	vld [tilespmem:$0x120]  }
0x3a: {  	v21 =	vld [tilespmem:$0x130];
	_ =	sdelay $0x1  }
0x3b: {  	v2 =	vadd.f32 $1.000000000e+00, v2;
	v3 =	vadd.f32 $1.000000000e+00, v3  }
0x3c: {  	v6 =	vadd.f32 $1.000000000e+00, v6;
	v9 =	vadd.f32 $1.000000000e+00, v9  }
0x3d: {  	v10 =	vadd.f32 $1.000000000e+00, v10;
	v13 =	vadd.f32 $1.000000000e+00, v13;
	v2 =	vmul.f32 $5.000000000e-01, v2  }
0x3e: {  	v21 =	vadd.f32 $1.000000000e+00, v21;
	v3 =	vmul.f32 $5.000000000e-01, v3;
	v6 =	vmul.f32 $5.000000000e-01, v6  }
0x3f: {  	v9 =	vmul.f32 $5.000000000e-01, v9;
	v10 =	vmul.f32 $5.000000000e-01, v10  }
0x40: {  	v13 =	vmul.f32 $5.000000000e-01, v13;
	v43 =	vmul.f32 $5.000000000e-01, v21  }
0x41: {  	v2 =	vmul.f32 $3.830000000e+02, v2;
	v3 =	vmul.f32 $3.830000000e+02, v3  }
0x42: {  	v28 =	vmul.f32 $3.830000000e+02, v6;
	v9 =	vmul.f32 $3.830000000e+02, v9  }
0x43: {  	v53 =	vld [tilespmem:$0x140];
	v10 =	vmul.f32 $3.830000000e+02, v10;
	v13 =	vmul.f32 $3.830000000e+02, v13  }
0x44: {  	v47 =	vmul.f32 $3.830000000e+02, v43;
	v2 =	vmax.f32 v2, $0.0e+00;
	v3 =	vmax.f32 v3, $0.0e+00  }
0x45: {  	v32 =	vld [tilespmem:$0x30];
	v9 =	vmax.f32 v9, $0.0e+00;
	v10 =	vmax.f32 v10, $0.0e+00;
	v2 =	vmin.f32 v2, $3.830000000e+02  }
0x46: {  	v3 =	vmin.f32 v3, $3.830000000e+02;
	v9 =	vmin.f32 v9, $3.830000000e+02;
	v4 =	vtrunc.f32 v2  }
0x47: {  	v10 =	vmin.f32 v10, $3.830000000e+02;
	v5 =	vtrunc.f32 v3;
	v16 =	vtrunc.f32 v9  }
0x48: {  	v62 =	vadd.f32 $1.000000000e+00, v53;
	v18 =	vtrunc.f32 v10;
	v4 =	vcvt.f32.s32 v4  }
0x49: {  	v13 =	vmax.f32 v13, $0.0e+00;
	v5 =	vcvt.f32.s32 v5;
	v16 =	vcvt.f32.s32 v16  }
0x4a: {  	v31 =	vcvt.f32.s32 v18;
	v18 =	vadd.f32 $1.000000000e+00, v32;
	v7 =	vcvt.s32.f32 v4  }
0x4b: {  	v8 =	vcvt.s32.f32 v5;
	vm0 =	vlt.s32 v4, $0x17F;
	v11 =	vmul.u32 $0x180, v5  }
0x4c: {  	v4 =	vadd.s32 v4, v0;
	vm5 =	vlt.s32 v5, $0x17F;
	v5 =	vmax.f32 v28, $0.0e+00  }
0x4d: {  	v30 =	vcvt.s32.f32 v16;
	v20 =	vcvt.s32.f32 v31;
	vm7 =	vlt.s32 v16, $0x17F  }
0x4e: {  	v16 =	vmul.u32 $0x180, v16;
	v18 =	vmul.f32 $5.000000000e-01, v18;
	vm8 =	vlt.s32 v31, $0x17F  }
0x4f: {  	v12 =	vsel vm0, $0x1, v1;
	v29 =	vsel vm5, $0x180, v1;
	v5 =	vmin.f32 v5, $3.830000000e+02  }
0x50: {  	v36 =	vsel vm7, $0x180, v1;
	v48 =	vsel vm8, $0x1, v1;
	v2 =	vsub.f32 v2, v7  }
0x51: {  	v3 =	vsub.f32 v3, v8;
	v4 =	vadd.s32 v11, v4;
	v15 =	vtrunc.f32 v5  }
0x52: {  	v9 =	vsub.f32 v9, v30;
	v10 =	vsub.f32 v10, v20;
	v42 =	vmul.f32 $3.830000000e+02, v18  }
0x53: {  	v11 =	vadd.s32 v12, v4;
	v6 =	vadd.s32 v29, v4;
	v15 =	vcvt.f32.s32 v15  }
0x54: {  	v7 =	vsub.f32 $1.000000000e+00, v2;
	v8 =	vsub.f32 $1.000000000e+00, v3;
	v12 =	vadd.s32 v12, v6  }
0x55: {  	v35 =	vsub.f32 $1.000000000e+00, v9;
	v44 =	vsub.f32 $1.000000000e+00, v10;
	v46 =	vmax.f32 v42, $0.0e+00  }
0x56: {  	v17 =	vcvt.s32.f32 v15;
	vm6 =	vlt.s32 v15, $0x17F;
	v14 =	vmul.f32 v8, v7  }
0x57: {  	[tilespmem:$0x200] =	vst v4;
	v15 =	vadd.s32 v15, v0;
	v8 =	vmul.f32 v8, v2;
	v7 =	vmul.f32 v7, v3  }
0x58: {  	[tilespmem:$0x300] =	vst v11;
	v2 =	vmul.f32 v3, v2;
	v3 =	vmin.f32 v13, $3.830000000e+02;
	v22 =	vsel vm6, $0x1, v1  }
0x59: {  	v29 =	vld [tilespmem:$0x50];
	[tilespmem:$0x400] =	vst v6;
	v15 =	vadd.s32 v16, v15;
	v13 =	vadd.s32 v31, v0;
	v5 =	vsub.f32 v5, v17  }
0x5a: {  	v32 =	vld [tilespmem:$0x150];
	[tilespmem:$0x500] =	vst v12;
	v19 =	vtrunc.f32 v3;
	v37 =	vadd.s32 v22, v15;
	v4 =	vadd.s32 v36, v15  }
0x5b: {  	v17 =	vmax.f32 v47, $0.0e+00;
	v19 =	vcvt.f32.s32 v19;
	v41 =	vadd.s32 v22, v4;
	[tilespmem:$0x600] =	vst v14  }
0x5c: {  	v50 =	vld [tilespmem:$0x40];
	[tilespmem:$0x700] =	vst v8;
	v8 =	vmin.f32 v46, $3.830000000e+02;
	v51 =	vmin.f32 v17, $3.830000000e+02;
	v14 =	vmul.f32 $5.000000000e-01, v62  }
0x5d: {  	[tilespmem:$0x210] =	vst v15;
	v33 =	vsub.f32 $1.000000000e+00, v5;
	v39 =	vmul.f32 v35, v5;
	v5 =	vmul.f32 v9, v5  }
0x5e: {  	[tilespmem:$0x800] =	vst v7;
	v16 =	vadd.f32 $1.000000000e+00, v29;
	v49 =	vtrunc.f32 v8;
	v55 =	vtrunc.f32 v51  }
0x5f: {  	[tilespmem:$0x510] =	vst v41;
	v41 =	vadd.f32 $1.000000000e+00, v32;
	v34 =	vcvt.s32.f32 v19;
	vm9 =	vlt.s32 v19, $0x17F  }
0x60: {  	[tilespmem:$0x900] =	vst v2;
	v2 =	vmul.u32 $0x180, v19;
	v52 =	vcvt.f32.s32 v49;
	v26 =	vmul.f32 $3.830000000e+02, v14  }
0x61: {  	[tilespmem:$0x310] =	vst v37;
	v19 =	vadd.f32 $1.000000000e+00, v50;
	v43 =	vmul.f32 $5.000000000e-01, v16;
	v38 =	vmul.f32 v35, v33  }
0x62: {  	[tilespmem:$0x410] =	vst v4;
	v40 =	vmul.f32 v33, v9;
	v54 =	vsel vm9, $0x180, v1;
	v3 =	vsub.f32 v3, v34  }
0x63: {  	[tilespmem:$0x710] =	vst v39;
	v2 =	vadd.s32 v2, v13;
	v13 =	vcvt.f32.s32 v55;
	v57 =	vcvt.s32.f32 v52  }
0x64: {  	[tilespmem:$0x910] =	vst v5;
	v22 =	vmul.f32 $5.000000000e-01, v19;
	vm10 =	vlt.s32 v52, $0x17F;
	v28 =	vadd.s32 v52, v0  }
0x65: {  	v31 =	vmax.f32 v26, $0.0e+00;
	v56 =	vadd.s32 v54, v2;
	v58 =	vadd.s32 v48, v2;
	[tilespmem:$0x610] =	vst v38  }
0x66: {  	[tilespmem:$0x810] =	vst v40;
	v24 =	vsel vm10, $0x1, v1;
	v12 =	vmin.f32 v31, $3.830000000e+02;
	v45 =	vsub.f32 $1.000000000e+00, v3  }
0x67: {  	[tilespmem:$0x220] =	vst v2;
	v7 =	vadd.s32 v48, v56;
	v60 =	vcvt.s32.f32 v13;
	v9 =	vmul.f32 v44, v3  }
0x68: {  	v8 =	vsub.f32 v8, v57;
	v3 =	vmul.f32 v3, v10;
	v11 =	vmul.f32 $3.830000000e+02, v22;
	[tilespmem:$0x320] =	vst v58  }
0x69: {  	vm11 =	vlt.s32 v13, $0x17F;
	v25 =	vmul.u32 $0x180, v13;
	[tilespmem:$0x420] =	vst v56;
	v36 =	vtrunc.f32 v12  }
0x6a: {  	v27 =	vsel vm11, $0x180, v1;
	[tilespmem:$0x520] =	vst v7;
	v37 =	vcvt.f32.s32 v36;
	v59 =	vmul.f32 v45, v44  }
0x6b: {  	v61 =	vmul.f32 v45, v10;
	v63 =	vsub.f32 v51, v60;
	v23 =	vsub.f32 $1.000000000e+00, v8;
	[tilespmem:$0x820] =	vst v9  }
0x6c: {  	v11 =	vmax.f32 v11, $0.0e+00;
	v30 =	vadd.s32 v25, v28;
	[tilespmem:$0x920] =	vst v3;
	v45 =	vmul.f32 $5.000000000e-01, v41  }
0x6d: {  	v11 =	vmin.f32 v11, $3.830000000e+02;
	v35 =	vadd.s32 v24, v30;
	v4 =	vadd.s32 v27, v30;
	[tilespmem:$0x230] =	vst v30  }
0x6e: {  	v40 =	vcvt.s32.f32 v37;
	vm13 =	vlt.s32 v37, $0x17F;
	[tilespmem:$0x620] =	vst v59;
	v34 =	vtrunc.f32 v11  }
0x6f: {  	v9 =	vmul.u32 $0x180, v37;
	v2 =	vsub.f32 $1.000000000e+00, v63;
	[tilespmem:$0x720] =	vst v61;
	v17 =	vcvt.f32.s32 v34  }
0x70: {  	v3 =	vmul.f32 v23, v63;
	v39 =	vmul.f32 v63, v8;
	[tilespmem:$0x330] =	vst v35;
	v42 =	vadd.s32 v24, v4  }
0x71: {  	[tilespmem:$0x430] =	vst v4;
	v51 =	vsel vm13, $0x180, v1;
	v33 =	vmul.f32 v2, v23;
	v38 =	vcvt.s32.f32 v17  }
0x72: {  	v44 =	vsub.f32 v12, v40;
	[tilespmem:$0x530] =	vst v42;
	v2 =	vmul.f32 v2, v8;
	v8 =	vmul.f32 $3.830000000e+02, v45  }
0x73: {  	[tilespmem:$0x830] =	vst v3;
	vm12 =	vlt.s32 v17, $0x17F;
	v5 =	vsub.f32 v11, v38;
	v11 =	vmul.f32 $3.830000000e+02, v43  }
0x74: {  	v48 =	vadd.s32 v17, v0;
	v47 =	vsel vm12, $0x1, v1;
	[tilespmem:$0x730] =	vst v2;
	v2 =	vsub.f32 $1.000000000e+00, v44  }
0x75: {  	[tilespmem:$0x930] =	vst v39;
	v3 =	vadd.s32 v9, v48;
	v8 =	vmax.f32 v8, $0.0e+00;
	v11 =	vmax.f32 v11, $0.0e+00  }
0x76: {  	[tilespmem:$0x630] =	vst v33;
	v8 =	vmin.f32 v8, $3.830000000e+02;
	v46 =	vsub.f32 $1.000000000e+00, v5;
	v49 =	vmin.f32 v11, $3.830000000e+02  }
0x77: {  	v50 =	vadd.s32 v47, v3;
	[tilespmem:$0x240] =	vst v3;
	v53 =	vtrunc.f32 v8;
	v11 =	vtrunc.f32 v49  }
0x78: {  	v3 =	vadd.s32 v51, v3;
	[tilespmem:$0x340] =	vst v50;
	v54 =	vmul.f32 v2, v46;
	v2 =	vmul.f32 v2, v5  }
0x79: {  	[tilespmem:$0x440] =	vst v3;
	v52 =	vcvt.f32.s32 v11;
	v11 =	vcvt.f32.s32 v53  }
0x7a: {  	v3 =	vadd.s32 v47, v3;
	v6 =	vmul.f32 v46, v44;
	[tilespmem:$0x740] =	vst v2;
	v2 =	vmul.f32 v44, v5  }
0x7b: {  	[tilespmem:$0x540] =	vst v3;
	v55 =	vcvt.s32.f32 v52;
	v3 =	vcvt.s32.f32 v11  }
0x7c: {  	[tilespmem:$0x640] =	vst v54;
	v56 =	vmul.u32 $0x180, v11;
	vm14 =	vlt.s32 v52, $0x17F;
	v58 =	vadd.s32 v52, v0  }
0x7d: {  	[tilespmem:$0x840] =	vst v6;
	vm15 =	vlt.s32 v11, $0x17F;
	v9 =	vsub.f32 v49, v55;
	v3 =	vsub.f32 v8, v3  }
0x7e: {  	[tilespmem:$0x940] =	vst v2;
	v2 =	vsel vm14, $0x1, v1;
	v60 =	vsel vm15, $0x180, v1;
	v4 =	vadd.s32 v56, v58  }
0x7f: {  	[tilespmem:$0x250] =	vst v4;
	v61 =	vadd.s32 v2, v4;
	v57 =	vsub.f32 $1.000000000e+00, v9;
	v59 =	vsub.f32 $1.000000000e+00, v3  }
0x80: {  	v4 =	vadd.s32 v60, v4;
	[tilespmem:$0x350] =	vst v61  }
0x81: {  	[tilespmem:$0x450] =	vst v4;
	v2 =	vadd.s32 v2, v4;
	v62 =	vmul.f32 v59, v57  }
0x82: {  	[tilespmem:$0x550] =	vst v2;
	v2 =	vmul.f32 v59, v9  }
0x83: {  	v63 =	vmul.f32 v57, v3;
	[tilespmem:$0x650] =	vst v62  }
0x84: {  	[tilespmem:$0x750] =	vst v2;
	v2 =	vmul.f32 v3, v9  }
0x85: {  	[tilespmem:$0x850] =	vst v63  }
0x86: {  	s14 =	rddreg [dreg:$0x9];
	[tilespmem:$0x950] =	vst v2  }
0x87: {  	[tilespmem:s3], [sflag:$0x1] =	stream.linear.gather [hbm4b:s14+s3], $0x60, $0x38;
	[tilespmem:$0x1EA00] =	vst v63  }
0x88: {  	s15 =	rddreg [dreg:$0xa]  }
0x89: {  	[tilespmem:s7], [sflag:$0x1] =	stream.linear.gather [hbm4b:s15+s3], $0x60, $0x38;
	[tilespmem:$0x1EA00] =	vst v63  }
0x8a: {  	s16 =	simm.s32 $0x200;
	s30 =	simm.s32 $0xA00  }
0x8b: {  	[tilespmem:s30], [sflag:$0x3] =	stream.indirect.gather [hbm4b:s4+s24], $0x80, s16, s24, $0xb8;
	[tilespmem:$0x1EA00] =	vst v63  }
0x8c: {  	s12 =	simm.s32 $0x6A00;
	s7 =	simm.s32 $0x300  }
0x8d: {  	[tilespmem:s12], [sflag:$0x3] =	stream.indirect.gather [hbm4b:s4+s24], $0x80, s7, s24, $0xb8;
	[tilespmem:$0x1EA00] =	vst v63  }
.Ltmp2:
0x8e: {  	_ = 	snop;
	(pc) =	sbr.rel .LBB2_2-.Ltmp2, $4  }
0x8f: {  	s14 =	simm.s32 $0x400;
	s15 =	simm.s32 $0xCA00  }
0x90: {  	[tilespmem:s15], [sflag:$0x3] =	stream.indirect.gather [hbm4b:s4+s24], $0x80, s14, s24, $0xb8;
	[tilespmem:$0x1EA00] =	vst v63  }
0x91: {  	s16 =	simm.s32 $0x500;
	s30 =	simm.s32 $0x12A00;
	s14 =	simm.s32 $0x0  }
0x92: {  	[tilespmem:s30], [sflag:$0x3] =	stream.indirect.gather [hbm4b:s4+s24], $0x80, s16, s24, $0xb8;
	[tilespmem:$0x1EA00] =	vst v63  }
.LBB2_14:
0x93: {  	s14 =	sadd.s32 $0x1, s14  }
0x94: {  	p2 =	sne.s32 s14, $0x21  }
.Ltmp3:
0x95: {  	_ = 	snop;
	(pc) =	sbr.rel @!p2 .LBB2_15-.Ltmp3, $1  }
0x96: {  	_ =	sdelay $0x3  }
.LBB2_2:
0x97: {  	s15 =	sshllo.u32 s14, $0x1  }
0x98: {  	p3 =	sge.u32 s15, s9  }
.Ltmp4:
0x99: {  	_ = 	snop;
	(pc) =	sbr.rel @p3 .LBB2_4-.Ltmp4, $2  }
0x9a: {  	_ =	sdelay $0x2  }
0x9b: {  	s16 =	sshll.u32 s14, $0x1  }
0x9c: {  	_ =	swait.ge [sflag:s21], $0x60  }
0x9d: {  	[sflag:s21] =	ssyncset.done $0x0  }
0x9e: {  	[sflag:s21] =	ssyncadd.s32 $0xFFFFFFA0  }
0x9f: {  	_ =	swait.ge [sflag:s21], $0x60  }
0xa0: {  	[sflag:s21] =	ssyncset.done $0x0  }
0xa1: {  	[sflag:s21] =	ssyncadd.s32 $0xFFFFFFA0  }
0xa2: {  	v2 =	vld [tilespmem:$0x80]  }
0xa3: {  	v3 =	vld [tilespmem:$0x180]  }
0xa4: {  	v6 =	vld [tilespmem:$0x90]  }
0xa5: {  	v9 =	vld [tilespmem:$0x190]  }
0xa6: {  	v10 =	vld [tilespmem:$0xA0]  }
0xa7: {  	v13 =	vld [tilespmem:$0x1A0]  }
0xa8: {  	v21 =	vld [tilespmem:$0x1B0];
	_ =	sdelay $0x1  }
0xa9: {  	v2 =	vadd.f32 $1.000000000e+00, v2;
	v3 =	vadd.f32 $1.000000000e+00, v3  }
0xaa: {  	v6 =	vadd.f32 $1.000000000e+00, v6;
	v9 =	vadd.f32 $1.000000000e+00, v9  }
0xab: {  	v10 =	vadd.f32 $1.000000000e+00, v10;
	v13 =	vadd.f32 $1.000000000e+00, v13;
	v2 =	vmul.f32 $5.000000000e-01, v2  }
0xac: {  	v21 =	vadd.f32 $1.000000000e+00, v21;
	v3 =	vmul.f32 $5.000000000e-01, v3;
	v6 =	vmul.f32 $5.000000000e-01, v6  }
0xad: {  	v9 =	vmul.f32 $5.000000000e-01, v9;
	v10 =	vmul.f32 $5.000000000e-01, v10  }
0xae: {  	v13 =	vmul.f32 $5.000000000e-01, v13;
	v43 =	vmul.f32 $5.000000000e-01, v21  }
0xaf: {  	v2 =	vmul.f32 $3.830000000e+02, v2;
	v3 =	vmul.f32 $3.830000000e+02, v3  }
0xb0: {  	v28 =	vmul.f32 $3.830000000e+02, v6;
	v9 =	vmul.f32 $3.830000000e+02, v9  }
0xb1: {  	v53 =	vld [tilespmem:$0x1C0];
	v10 =	vmul.f32 $3.830000000e+02, v10;
	v13 =	vmul.f32 $3.830000000e+02, v13  }
0xb2: {  	v47 =	vmul.f32 $3.830000000e+02, v43;
	v2 =	vmax.f32 v2, $0.0e+00;
	v3 =	vmax.f32 v3, $0.0e+00  }
0xb3: {  	v32 =	vld [tilespmem:$0xB0];
	v9 =	vmax.f32 v9, $0.0e+00;
	v10 =	vmax.f32 v10, $0.0e+00;
	v2 =	vmin.f32 v2, $3.830000000e+02  }
0xb4: {  	v3 =	vmin.f32 v3, $3.830000000e+02;
	v9 =	vmin.f32 v9, $3.830000000e+02;
	v4 =	vtrunc.f32 v2  }
0xb5: {  	v10 =	vmin.f32 v10, $3.830000000e+02;
	v5 =	vtrunc.f32 v3;
	v16 =	vtrunc.f32 v9  }
0xb6: {  	v62 =	vadd.f32 $1.000000000e+00, v53;
	v18 =	vtrunc.f32 v10;
	v4 =	vcvt.f32.s32 v4  }
0xb7: {  	v13 =	vmax.f32 v13, $0.0e+00;
	v5 =	vcvt.f32.s32 v5;
	v16 =	vcvt.f32.s32 v16  }
0xb8: {  	v31 =	vcvt.f32.s32 v18;
	v18 =	vadd.f32 $1.000000000e+00, v32;
	v7 =	vcvt.s32.f32 v4  }
0xb9: {  	v8 =	vcvt.s32.f32 v5;
	vm0 =	vlt.s32 v4, $0x17F;
	v11 =	vmul.u32 $0x180, v5  }
0xba: {  	v4 =	vadd.s32 v4, v0;
	vm5 =	vlt.s32 v5, $0x17F;
	v5 =	vmax.f32 v28, $0.0e+00  }
0xbb: {  	v30 =	vcvt.s32.f32 v16;
	v20 =	vcvt.s32.f32 v31;
	vm7 =	vlt.s32 v16, $0x17F  }
0xbc: {  	v16 =	vmul.u32 $0x180, v16;
	v18 =	vmul.f32 $5.000000000e-01, v18;
	vm8 =	vlt.s32 v31, $0x17F  }
0xbd: {  	v12 =	vsel vm0, $0x1, v1;
	v29 =	vsel vm5, $0x180, v1;
	v5 =	vmin.f32 v5, $3.830000000e+02  }
0xbe: {  	v36 =	vsel vm7, $0x180, v1;
	v48 =	vsel vm8, $0x1, v1;
	v2 =	vsub.f32 v2, v7  }
0xbf: {  	v3 =	vsub.f32 v3, v8;
	v4 =	vadd.s32 v11, v4;
	v15 =	vtrunc.f32 v5  }
0xc0: {  	v9 =	vsub.f32 v9, v30;
	v10 =	vsub.f32 v10, v20;
	v42 =	vmul.f32 $3.830000000e+02, v18  }
0xc1: {  	v11 =	vadd.s32 v12, v4;
	v6 =	vadd.s32 v29, v4;
	v15 =	vcvt.f32.s32 v15  }
0xc2: {  	v7 =	vsub.f32 $1.000000000e+00, v2;
	v8 =	vsub.f32 $1.000000000e+00, v3;
	v12 =	vadd.s32 v12, v6  }
0xc3: {  	v35 =	vsub.f32 $1.000000000e+00, v9;
	v44 =	vsub.f32 $1.000000000e+00, v10;
	v46 =	vmax.f32 v42, $0.0e+00  }
0xc4: {  	v17 =	vcvt.s32.f32 v15;
	vm6 =	vlt.s32 v15, $0x17F;
	v14 =	vmul.f32 v8, v7  }
0xc5: {  	[tilespmem:$0x280] =	vst v4;
	v15 =	vadd.s32 v15, v0;
	v8 =	vmul.f32 v8, v2;
	v7 =	vmul.f32 v7, v3  }
0xc6: {  	[tilespmem:$0x380] =	vst v11;
	v2 =	vmul.f32 v3, v2;
	v3 =	vmin.f32 v13, $3.830000000e+02;
	v22 =	vsel vm6, $0x1, v1  }
0xc7: {  	v29 =	vld [tilespmem:$0xD0];
	[tilespmem:$0x480] =	vst v6;
	v15 =	vadd.s32 v16, v15;
	v13 =	vadd.s32 v31, v0;
	v5 =	vsub.f32 v5, v17  }
0xc8: {  	v32 =	vld [tilespmem:$0x1D0];
	[tilespmem:$0x580] =	vst v12;
	v19 =	vtrunc.f32 v3;
	v37 =	vadd.s32 v22, v15;
	v4 =	vadd.s32 v36, v15  }
0xc9: {  	v17 =	vmax.f32 v47, $0.0e+00;
	v19 =	vcvt.f32.s32 v19;
	v41 =	vadd.s32 v22, v4;
	[tilespmem:$0x680] =	vst v14  }
0xca: {  	v50 =	vld [tilespmem:$0xC0];
	[tilespmem:$0x780] =	vst v8;
	v8 =	vmin.f32 v46, $3.830000000e+02;
	v51 =	vmin.f32 v17, $3.830000000e+02;
	v14 =	vmul.f32 $5.000000000e-01, v62  }
0xcb: {  	[tilespmem:$0x290] =	vst v15;
	v33 =	vsub.f32 $1.000000000e+00, v5;
	v39 =	vmul.f32 v35, v5;
	v5 =	vmul.f32 v9, v5  }
0xcc: {  	[tilespmem:$0x880] =	vst v7;
	v16 =	vadd.f32 $1.000000000e+00, v29;
	v49 =	vtrunc.f32 v8;
	v55 =	vtrunc.f32 v51  }
0xcd: {  	[tilespmem:$0x590] =	vst v41;
	v41 =	vadd.f32 $1.000000000e+00, v32;
	v34 =	vcvt.s32.f32 v19;
	vm9 =	vlt.s32 v19, $0x17F  }
0xce: {  	[tilespmem:$0x980] =	vst v2;
	v2 =	vmul.u32 $0x180, v19;
	v52 =	vcvt.f32.s32 v49;
	v26 =	vmul.f32 $3.830000000e+02, v14  }
0xcf: {  	[tilespmem:$0x390] =	vst v37;
	v19 =	vadd.f32 $1.000000000e+00, v50;
	v43 =	vmul.f32 $5.000000000e-01, v16;
	v38 =	vmul.f32 v35, v33  }
0xd0: {  	[tilespmem:$0x490] =	vst v4;
	v40 =	vmul.f32 v33, v9;
	v54 =	vsel vm9, $0x180, v1;
	v3 =	vsub.f32 v3, v34  }
0xd1: {  	[tilespmem:$0x790] =	vst v39;
	v2 =	vadd.s32 v2, v13;
	v13 =	vcvt.f32.s32 v55;
	v57 =	vcvt.s32.f32 v52  }
0xd2: {  	[tilespmem:$0x990] =	vst v5;
	v22 =	vmul.f32 $5.000000000e-01, v19;
	vm10 =	vlt.s32 v52, $0x17F;
	v28 =	vadd.s32 v52, v0  }
0xd3: {  	v31 =	vmax.f32 v26, $0.0e+00;
	v56 =	vadd.s32 v54, v2;
	v58 =	vadd.s32 v48, v2;
	[tilespmem:$0x690] =	vst v38  }
0xd4: {  	[tilespmem:$0x890] =	vst v40;
	v24 =	vsel vm10, $0x1, v1;
	v12 =	vmin.f32 v31, $3.830000000e+02;
	v45 =	vsub.f32 $1.000000000e+00, v3  }
0xd5: {  	[tilespmem:$0x2A0] =	vst v2;
	v7 =	vadd.s32 v48, v56;
	v60 =	vcvt.s32.f32 v13;
	v9 =	vmul.f32 v44, v3  }
0xd6: {  	v8 =	vsub.f32 v8, v57;
	v3 =	vmul.f32 v3, v10;
	v11 =	vmul.f32 $3.830000000e+02, v22;
	[tilespmem:$0x3A0] =	vst v58  }
0xd7: {  	vm11 =	vlt.s32 v13, $0x17F;
	v25 =	vmul.u32 $0x180, v13;
	[tilespmem:$0x4A0] =	vst v56;
	v36 =	vtrunc.f32 v12  }
0xd8: {  	v27 =	vsel vm11, $0x180, v1;
	[tilespmem:$0x5A0] =	vst v7;
	v37 =	vcvt.f32.s32 v36;
	v59 =	vmul.f32 v45, v44  }
0xd9: {  	v61 =	vmul.f32 v45, v10;
	v63 =	vsub.f32 v51, v60;
	v23 =	vsub.f32 $1.000000000e+00, v8;
	[tilespmem:$0x8A0] =	vst v9  }
0xda: {  	v11 =	vmax.f32 v11, $0.0e+00;
	v30 =	vadd.s32 v25, v28;
	[tilespmem:$0x9A0] =	vst v3;
	v45 =	vmul.f32 $5.000000000e-01, v41  }
0xdb: {  	v11 =	vmin.f32 v11, $3.830000000e+02;
	v35 =	vadd.s32 v24, v30;
	v4 =	vadd.s32 v27, v30;
	[tilespmem:$0x2B0] =	vst v30  }
0xdc: {  	v40 =	vcvt.s32.f32 v37;
	vm13 =	vlt.s32 v37, $0x17F;
	[tilespmem:$0x6A0] =	vst v59;
	v34 =	vtrunc.f32 v11  }
0xdd: {  	v9 =	vmul.u32 $0x180, v37;
	v2 =	vsub.f32 $1.000000000e+00, v63;
	[tilespmem:$0x7A0] =	vst v61;
	v17 =	vcvt.f32.s32 v34  }
0xde: {  	v3 =	vmul.f32 v23, v63;
	v39 =	vmul.f32 v63, v8;
	[tilespmem:$0x3B0] =	vst v35;
	v42 =	vadd.s32 v24, v4  }
0xdf: {  	[tilespmem:$0x4B0] =	vst v4;
	v51 =	vsel vm13, $0x180, v1;
	v33 =	vmul.f32 v2, v23;
	v38 =	vcvt.s32.f32 v17  }
0xe0: {  	v44 =	vsub.f32 v12, v40;
	[tilespmem:$0x5B0] =	vst v42;
	v2 =	vmul.f32 v2, v8;
	v8 =	vmul.f32 $3.830000000e+02, v45  }
0xe1: {  	[tilespmem:$0x8B0] =	vst v3;
	vm12 =	vlt.s32 v17, $0x17F;
	v5 =	vsub.f32 v11, v38;
	v11 =	vmul.f32 $3.830000000e+02, v43  }
0xe2: {  	v48 =	vadd.s32 v17, v0;
	v47 =	vsel vm12, $0x1, v1;
	[tilespmem:$0x7B0] =	vst v2;
	v2 =	vsub.f32 $1.000000000e+00, v44  }
0xe3: {  	[tilespmem:$0x9B0] =	vst v39;
	v3 =	vadd.s32 v9, v48;
	v8 =	vmax.f32 v8, $0.0e+00;
	v11 =	vmax.f32 v11, $0.0e+00  }
0xe4: {  	[tilespmem:$0x6B0] =	vst v33;
	v8 =	vmin.f32 v8, $3.830000000e+02;
	v46 =	vsub.f32 $1.000000000e+00, v5;
	v49 =	vmin.f32 v11, $3.830000000e+02  }
0xe5: {  	v50 =	vadd.s32 v47, v3;
	[tilespmem:$0x2C0] =	vst v3;
	v53 =	vtrunc.f32 v8;
	v11 =	vtrunc.f32 v49  }
0xe6: {  	v3 =	vadd.s32 v51, v3;
	[tilespmem:$0x3C0] =	vst v50;
	v54 =	vmul.f32 v2, v46;
	v2 =	vmul.f32 v2, v5  }
0xe7: {  	[tilespmem:$0x4C0] =	vst v3;
	v52 =	vcvt.f32.s32 v11;
	v11 =	vcvt.f32.s32 v53  }
0xe8: {  	v3 =	vadd.s32 v47, v3;
	v6 =	vmul.f32 v46, v44;
	[tilespmem:$0x7C0] =	vst v2;
	v2 =	vmul.f32 v44, v5  }
0xe9: {  	[tilespmem:$0x5C0] =	vst v3;
	v55 =	vcvt.s32.f32 v52;
	v3 =	vcvt.s32.f32 v11  }
0xea: {  	[tilespmem:$0x6C0] =	vst v54;
	v56 =	vmul.u32 $0x180, v11;
	vm14 =	vlt.s32 v52, $0x17F;
	v58 =	vadd.s32 v52, v0  }
0xeb: {  	[tilespmem:$0x8C0] =	vst v6;
	vm15 =	vlt.s32 v11, $0x17F;
	v9 =	vsub.f32 v49, v55;
	v3 =	vsub.f32 v8, v3  }
0xec: {  	[tilespmem:$0x9C0] =	vst v2;
	v2 =	vsel vm14, $0x1, v1;
	v60 =	vsel vm15, $0x180, v1;
	v4 =	vadd.s32 v56, v58  }
0xed: {  	[tilespmem:$0x2D0] =	vst v4;
	v61 =	vadd.s32 v2, v4;
	v57 =	vsub.f32 $1.000000000e+00, v9;
	v59 =	vsub.f32 $1.000000000e+00, v3  }
0xee: {  	s5 =	sadd.s32 $0x3, s16;
	v4 =	vadd.s32 v60, v4;
	[tilespmem:$0x3D0] =	vst v61  }
0xef: {  	p2 =	sge.u32 s5, s9;
	[tilespmem:$0x4D0] =	vst v4;
	v2 =	vadd.s32 v2, v4;
	v62 =	vmul.f32 v59, v57  }
0xf0: {  	s5 =	smul.u32 @!p2 $0x60, s5;
	[tilespmem:$0x5D0] =	vst v2;
	v2 =	vmul.f32 v59, v9  }
0xf1: {  	v63 =	vmul.f32 v57, v3;
	[tilespmem:$0x6D0] =	vst v62  }
0xf2: {  	s5 =	sadd.s32 @!p2 s8, s5;
	[tilespmem:$0x7D0] =	vst v2;
	v2 =	vmul.f32 v3, v9  }
0xf3: {  	s5 =	sshrl.u32 @!p2 s5, $0x3;
	[tilespmem:$0x8D0] =	vst v63  }
0xf4: {  	s30 =	simm.s32 @!p2 $0x0;
	s7 =	simm.s32 @!p2 $0x80;
	s12 =	sadd.s32 @!p2 s2, s5;
	[tilespmem:$0x9D0] =	vst v2  }
0xf5: {  	[tilespmem:s7], [sflag:$0x2] =	stream.linear.gather @!p2 [hbm4b:s12+s30], $0x60, $0x38;
	[tilespmem:$0x1EA00] =	vst v63  }
0xf6: {  	s5 =	sadd.s32 @!p2 s6, s5;
	s7 =	simm.s32 @!p2 $0x180  }
0xf7: {  	[tilespmem:s7], [sflag:$0x2] =	stream.linear.gather @!p2 [hbm4b:s5+s30], $0x60, $0x38;
	[tilespmem:$0x1EA00] =	vst v63  }
0xf8: {  	s12 =	simm.s32 $0x280;
	s30 =	simm.s32 $0x3A00  }
0xf9: {  	[tilespmem:s30], [sflag:$0x4] =	stream.indirect.gather [hbm4b:s4+s24], $0x80, s12, s24, $0xb8;
	[tilespmem:$0x1EA00] =	vst v63  }
0xfa: {  	s12 =	simm.s32 $0x380;
	s30 =	simm.s32 $0x9A00  }
0xfb: {  	[tilespmem:s30], [sflag:$0x4] =	stream.indirect.gather [hbm4b:s4+s24], $0x80, s12, s24, $0xb8;
	[tilespmem:$0x1EA00] =	vst v63  }
0xfc: {  	s12 =	simm.s32 $0x480;
	s30 =	simm.s32 $0xFA00  }
0xfd: {  	[tilespmem:s30], [sflag:$0x4] =	stream.indirect.gather [hbm4b:s4+s24], $0x80, s12, s24, $0xb8;
	[tilespmem:$0x1EA00] =	vst v63  }
0xfe: {  	s12 =	simm.s32 $0x580;
	s30 =	simm.s32 $0x15A00  }
0xff: {  	[tilespmem:s30], [sflag:$0x4] =	stream.indirect.gather [hbm4b:s4+s24], $0x80, s12, s24, $0xb8;
	[tilespmem:$0x1EA00] =	vst v63  }
.LBB2_4:
0x100: {  	p4 =	sge.u32 s16, s9  }
.Ltmp5:
0x101: {  	_ = 	snop;
	(pc) =	sbr.rel @p4 .LBB2_8-.Ltmp5, $2  }
0x102: {  	_ =	sdelay $0x2  }
0x103: {  	p2 =	sgt.u32 @!p1 s14, $0x1C  }
0x104: {  	_ =	swait.ge [sflag:s19], $0x3000  }
0x105: {  	[sflag:s19] =	ssyncset.done $0x0  }
0x106: {  	[sflag:s19] =	ssyncadd.s32 $0xFFFFD000  }
0x107: {  	_ =	swait.ge [sflag:s19], $0x3000  }
0x108: {  	[sflag:s19] =	ssyncset.done $0x0  }
0x109: {  	[sflag:s19] =	ssyncadd.s32 $0xFFFFD000  }
0x10a: {  	_ =	swait.ge [sflag:s19], $0x3000  }
0x10b: {  	[sflag:s19] =	ssyncset.done $0x0  }
0x10c: {  	[sflag:s19] =	ssyncadd.s32 $0xFFFFD000  }
0x10d: {  	_ =	swait.ge [sflag:s19], $0x3000  }
0x10e: {  	p4 =	seq.s32 s14, $0x0;
	[sflag:s19] =	ssyncset.done $0x0  }
0x10f: {  	s5 =	simm.s32 @!p4 $0x5;
	[sflag:s19] =	ssyncadd.s32 $0xFFFFD000  }
0x110: {  	_ =	swait.ge @!p4 [sflag:s5], $0x3000  }
0x111: {  	[sflag:s5] =	ssyncset.done @!p4 $0x0  }
0x112: {  	s30 =	simm.s32 $0x0;
	s12 =	simm.s32 $0x0;
	[sflag:s5] =	ssyncadd.s32 @!p4 $0xFFFFD000  }
.LBB2_6:
0x113: {  	s5 =	sshra.s32 s12, $0x2  }
0x114: {  	v6 =	vld [tilespmem:s5+$0xA00]  }
0x115: {  	v7 =	vld [tilespmem:s5+$0x6A00]  }
0x116: {  	v8 =	vld [tilespmem:s5+$0xCA00]  }
0x117: {  	v9 =	vld [tilespmem:s5+$0x12A00]  }
0x118: {  	v10 =	vld [tilespmem:s5+$0xA10]  }
0x119: {  	v11 =	vld [tilespmem:s5+$0x6A10]  }
0x11a: {  	v12 =	vld [tilespmem:s5+$0xCA10]  }
0x11b: {  	v13 =	vld [tilespmem:s5+$0x12A10]  }
0x11c: {  	v2 =	vmov s30;
	v14 =	vld [tilespmem:s5+$0xA20]  }
0x11d: {  	v2 =	vand.u32 $0xFFFFFFFC, v2;
	v15 =	vld [tilespmem:s5+$0x6A20]  }
0x11e: {  	v16 =	vld [tilespmem:s5+$0xCA20];
	v2 =	vbroadcast v2, $0x0  }
0x11f: {  	v17 =	vld [tilespmem:s5+$0x12A20]  }
0x120: {  	v18 =	vld [tilespmem:s5+$0xA30]  }
0x121: {  	v19 =	vld [tilespmem:s5+$0x6A30]  }
0x122: {  	v20 =	vld [tilespmem:s5+$0xCA30]  }
0x123: {  	v29 =	vld [tilespmem:s5+$0x12A30]  }
0x124: {  	v3 =	vld.idx.msk [tilespmem:v2+s25+$0x0], $0xffff  }
0x125: {  	v4 =	vld.idx.msk [tilespmem:v2+s26+$0x0], $0xffff  }
0x126: {  	v31 =	vld [tilespmem:s5+$0xA40]  }
0x127: {  	v5 =	vld.idx.msk [tilespmem:v2+s28+$0x0], $0xffff  }
0x128: {  	v21 =	vld [tilespmem:s5+$0x6A40]  }
0x129: {  	v2 =	vld.idx.msk [tilespmem:v2+s29+$0x0], $0xffff  }
0x12a: {  	v34 =	vld [tilespmem:s5+$0xA50];
	v6 =	vmul.f32 v6, v3;
	v7 =	vmul.f32 v7, v4  }
0x12b: {  	v38 =	vld [tilespmem:s5+$0x6A50];
	v10 =	vmul.f32 v10, v3;
	v11 =	vmul.f32 v11, v4  }
0x12c: {  	v41 =	vld [tilespmem:s5+$0xCA40];
	v8 =	vmul.f32 v8, v5;
	v30 =	vmul.f32 v12, v5  }
0x12d: {  	v44 =	vld [tilespmem:s5+$0xCA50];
	v14 =	vmul.f32 v14, v3;
	v15 =	vmul.f32 v15, v4  }
0x12e: {  	v46 =	vld [tilespmem:s5+$0x12A40];
	v32 =	vmul.f32 v9, v2;
	v35 =	vmul.f32 v13, v2  }
0x12f: {  	v48 =	vld [tilespmem:s5+$0x12A50];
	v37 =	vmul.f32 v16, v5;
	v39 =	vmul.f32 v18, v3  }
0x130: {  	s7 =	sadd.s32 $0x1, s30;
	v57 =	vld [tilespmem:s5+$0xA80];
	v40 =	vmul.f32 v19, v4;
	v43 =	vmul.f32 v17, v2  }
0x131: {  	v51 =	vmov s7;
	v58 =	vld [tilespmem:s5+$0x6A80];
	v45 =	vmul.f32 v20, v5;
	v12 =	vmul.f32 v31, v3  }
0x132: {  	v59 =	vld [tilespmem:s5+$0xCA80];
	v53 =	vand.u32 $0xFFFFFFFD, v51;
	v47 =	vmul.f32 v21, v4;
	v3 =	vmul.f32 v34, v3  }
0x133: {  	v60 =	vld [tilespmem:s5+$0x12A80];
	v4 =	vmul.f32 v38, v4;
	v6 =	vadd.f32 v7, v6;
	v10 =	vadd.f32 v11, v10  }
0x134: {  	v61 =	vld [tilespmem:s5+$0xA90];
	v50 =	vmul.f32 v41, v5;
	v36 =	vadd.f32 v15, v14;
	v49 =	vadd.f32 v47, v12  }
0x135: {  	v62 =	vld [tilespmem:s5+$0x6A90];
	v52 =	vmul.f32 v44, v5;
	v3 =	vadd.f32 v4, v3;
	v6 =	vadd.f32 v8, v6  }
0x136: {  	v63 =	vld [tilespmem:s5+$0xCA90];
	v55 =	vmul.f32 v46, v2;
	v33 =	vadd.f32 v30, v10;
	v42 =	vadd.f32 v37, v36  }
0x137: {  	v24 =	vld [tilespmem:s5+$0x12A90];
	v5 =	vbroadcast v53, $0x0;
	v8 =	vadd.f32 v40, v39;
	v6 =	vadd.f32 v32, v6  }
0x138: {  	v25 =	vld [tilespmem:s5+$0xAA0];
	v7 =	vmul.f32 v29, v2;
	v54 =	vadd.f32 v50, v49;
	v9 =	vadd.f32 v35, v33  }
0x139: {  	v26 =	vld [tilespmem:s5+$0x6AA0];
	v2 =	vmul.f32 v48, v2;
	v3 =	vadd.f32 v52, v3;
	v11 =	vadd.f32 v43, v42;
	[tilespmem:s5+$0x18A00] =	vst v6  }
0x13a: {  	v27 =	vld [tilespmem:s5+$0xCAA0];
	v8 =	vadd.f32 v45, v8;
	v56 =	vadd.f32 v55, v54;
	[tilespmem:s5+$0x18A10] =	vst v9  }
0x13b: {  	v28 =	vld [tilespmem:s5+$0x12AA0];
	v2 =	vadd.f32 v2, v3;
	[tilespmem:s5+$0x18A20] =	vst v11  }
0x13c: {  	v22 =	vld [tilespmem:s5+$0xBC0];
	v7 =	vadd.f32 v7, v8;
	[tilespmem:s5+$0x18A40] =	vst v56  }
0x13d: {  	v31 =	vld [tilespmem:s5+$0xCAB0];
	[tilespmem:s5+$0x18A50] =	vst v2  }
0x13e: {  	v34 =	vld [tilespmem:s5+$0xAC0];
	[tilespmem:s5+$0x18A30] =	vst v7  }
0x13f: {  	v2 =	vld.idx.msk [tilespmem:v5+s25+$0x0], $0xffff  }
0x140: {  	v3 =	vld.idx.msk [tilespmem:v5+s26+$0x0], $0xffff  }
0x141: {  	v4 =	vld.idx.msk [tilespmem:v5+s28+$0x0], $0xffff  }
0x142: {  	v38 =	vld [tilespmem:s5+$0xAD0]  }
0x143: {  	v5 =	vld.idx.msk [tilespmem:v5+s29+$0x0], $0xffff  }
0x144: {  	v29 =	vld [tilespmem:s5+$0xAB0];
	v6 =	vmul.f32 v57, v2  }
0x145: {  	v30 =	vld [tilespmem:s5+$0x6AB0];
	v7 =	vmul.f32 v58, v3;
	v10 =	vmul.f32 v61, v2  }
0x146: {  	v48 =	vld [tilespmem:s5+$0xCAD0];
	v11 =	vmul.f32 v62, v3;
	v8 =	vmul.f32 v59, v4  }
0x147: {  	v35 =	vld [tilespmem:s5+$0x6AC0];
	v33 =	vmul.f32 v63, v4;
	v14 =	vmul.f32 v25, v2  }
0x148: {  	v42 =	vld [tilespmem:s5+$0x6AD0];
	v15 =	vmul.f32 v26, v3;
	v36 =	vmul.f32 v60, v5  }
0x149: {  	v50 =	vld [tilespmem:s5+$0x12AC0];
	v39 =	vmul.f32 v24, v5;
	v41 =	vmul.f32 v27, v4  }
0x14a: {  	s7 =	sadd.s32 $0x2, s30;
	v45 =	vld [tilespmem:s5+$0xCAC0];
	v43 =	vmul.f32 v29, v2;
	v44 =	vmul.f32 v30, v3  }
0x14b: {  	v52 =	vld [tilespmem:s5+$0x12AD0];
	v55 =	vmov s7;
	v47 =	vmul.f32 v28, v5;
	v12 =	vmul.f32 v34, v2  }
0x14c: {  	v32 =	vld [tilespmem:s5+$0x12AB0];
	v56 =	vand.u32 $0xFFFFFFFE, v55;
	v51 =	vmul.f32 v35, v3;
	v2 =	vmul.f32 v38, v2  }
0x14d: {  	v3 =	vmul.f32 v42, v3;
	v60 =	vld [tilespmem:s5+$0xB00];
	v6 =	vadd.f32 v7, v6;
	v10 =	vadd.f32 v11, v10  }
0x14e: {  	v49 =	vmul.f32 v31, v4;
	v61 =	vld [tilespmem:s5+$0x6B00];
	v40 =	vadd.f32 v15, v14;
	v53 =	vadd.f32 v51, v12  }
0x14f: {  	v54 =	vmul.f32 v45, v4;
	v62 =	vld [tilespmem:s5+$0xCB00];
	v2 =	vadd.f32 v3, v2;
	v6 =	vadd.f32 v8, v6  }
0x150: {  	v58 =	vmul.f32 v50, v5;
	v63 =	vld [tilespmem:s5+$0x12B00];
	v37 =	vadd.f32 v33, v10;
	v46 =	vadd.f32 v41, v40  }
0x151: {  	v24 =	vld [tilespmem:s5+$0xB10];
	v3 =	vmul.f32 v48, v4;
	v8 =	vadd.f32 v44, v43;
	v6 =	vadd.f32 v36, v6  }
0x152: {  	v25 =	vld [tilespmem:s5+$0x6B10];
	v4 =	vbroadcast v56, $0x0;
	v57 =	vadd.f32 v54, v53;
	v9 =	vadd.f32 v39, v37  }
0x153: {  	v26 =	vld [tilespmem:s5+$0xCB10];
	v2 =	vadd.f32 v3, v2;
	v3 =	vmul.f32 v52, v5;
	v11 =	vadd.f32 v47, v46;
	[tilespmem:s5+$0x18A80] =	vst v6  }
0x154: {  	v27 =	vld [tilespmem:s5+$0x12B10];
	v7 =	vmul.f32 v32, v5;
	v8 =	vadd.f32 v49, v8;
	v59 =	vadd.f32 v58, v57;
	[tilespmem:s5+$0x18A90] =	vst v9  }
0x155: {  	v28 =	vld [tilespmem:s5+$0xB20];
	v2 =	vadd.f32 v3, v2;
	[tilespmem:s5+$0x18AA0] =	vst v11  }
0x156: {  	v29 =	vld [tilespmem:s5+$0x6B20];
	v7 =	vadd.f32 v7, v8;
	[tilespmem:s5+$0x18AC0] =	vst v59  }
0x157: {  	v30 =	vld [tilespmem:s5+$0xCB20];
	[tilespmem:s5+$0x18AD0] =	vst v2  }
0x158: {  	v31 =	vld [tilespmem:s5+$0x12B20];
	[tilespmem:s5+$0x18AB0] =	vst v7  }
0x159: {  	v2 =	vld.idx.msk [tilespmem:v4+s25+$0x0], $0xffff  }
0x15a: {  	v3 =	vld.idx.msk [tilespmem:v4+s26+$0x0], $0xffff  }
0x15b: {  	v5 =	vld.idx.msk [tilespmem:v4+s28+$0x0], $0xffff  }
0x15c: {  	v4 =	vld.idx.msk [tilespmem:v4+s29+$0x0], $0xffff  }
0x15d: {  	v34 =	vld [tilespmem:s5+$0xCB30]  }
0x15e: {  	v32 =	vld [tilespmem:s5+$0xB30];
	v6 =	vmul.f32 v60, v2  }
0x15f: {  	v33 =	vld [tilespmem:s5+$0x6B30];
	v7 =	vmul.f32 v61, v3;
	v10 =	vmul.f32 v24, v2  }
0x160: {  	v37 =	vld [tilespmem:s5+$0xB40];
	v11 =	vmul.f32 v25, v3;
	v36 =	vmul.f32 v62, v5  }
0x161: {  	v39 =	vld [tilespmem:s5+$0x6B40];
	v38 =	vmul.f32 v26, v5;
	v40 =	vmul.f32 v63, v4  }
0x162: {  	v42 =	vld [tilespmem:s5+$0xB50];
	v41 =	vmul.f32 v27, v4;
	v43 =	vmul.f32 v28, v2  }
0x163: {  	v45 =	vld [tilespmem:s5+$0x6B50];
	v44 =	vmul.f32 v29, v3;
	v46 =	vmul.f32 v32, v2  }
0x164: {  	v35 =	vld [tilespmem:s5+$0x12B30];
	v47 =	vmul.f32 v33, v3;
	v50 =	vmul.f32 v30, v5  }
0x165: {  	v51 =	vld [tilespmem:s5+$0xCB50];
	v52 =	vmul.f32 v31, v4;
	v53 =	vmul.f32 v34, v5  }
0x166: {  	v48 =	vld [tilespmem:s5+$0xCB40];
	v8 =	vmul.f32 v37, v2;
	v55 =	vmul.f32 v39, v3  }
0x167: {  	v56 =	vld [tilespmem:s5+$0x12B50];
	v2 =	vmul.f32 v42, v2;
	v6 =	vadd.f32 v7, v6;
	v10 =	vadd.f32 v11, v10  }
0x168: {  	v54 =	vld [tilespmem:s5+$0x12B40];
	v3 =	vmul.f32 v45, v3;
	v49 =	vadd.f32 v44, v43;
	v7 =	vadd.f32 v47, v46  }
0x169: {  	v57 =	vmul.f32 v35, v4;
	v63 =	vld [tilespmem:s5+$0xB80];
	v8 =	vadd.f32 v55, v8;
	v6 =	vadd.f32 v36, v6  }
0x16a: {  	v24 =	vld [tilespmem:s5+$0x6B80];
	v2 =	vadd.f32 v3, v2;
	v3 =	vmul.f32 v51, v5;
	v10 =	vadd.f32 v38, v10  }
0x16b: {  	v58 =	vmul.f32 v48, v5;
	v25 =	vld [tilespmem:s5+$0xCB80];
	v7 =	vadd.f32 v53, v7;
	v6 =	vadd.f32 v40, v6  }
0x16c: {  	v26 =	vld [tilespmem:s5+$0x12B80];
	v2 =	vadd.f32 v3, v2;
	v3 =	vmul.f32 v56, v4;
	v9 =	vadd.f32 v41, v10  }
0x16d: {  	s7 =	sadd.s32 $0x3, s30;
	v61 =	vmul.f32 v54, v4;
	v27 =	vld [tilespmem:s5+$0xB90];
	v10 =	vadd.f32 v50, v49;
	v59 =	vadd.f32 v57, v7;
	[tilespmem:s5+$0x18B00] =	vst v6  }
0x16e: {  	v62 =	vmov s7;
	v28 =	vld [tilespmem:s5+$0x6B90];
	v60 =	vadd.f32 v58, v8;
	v2 =	vadd.f32 v3, v2;
	[tilespmem:s5+$0x18B10] =	vst v9  }
0x16f: {  	v29 =	vld [tilespmem:s5+$0xCB90];
	v10 =	vadd.f32 v52, v10;
	[tilespmem:s5+$0x18B30] =	vst v59  }
0x170: {  	v30 =	vld [tilespmem:s5+$0x12B90];
	v6 =	vadd.f32 v61, v60;
	[tilespmem:s5+$0x18B50] =	vst v2  }
0x171: {  	v31 =	vld [tilespmem:s5+$0xBA0];
	[tilespmem:s5+$0x18B20] =	vst v10  }
0x172: {  	v32 =	vld [tilespmem:s5+$0x6BA0];
	[tilespmem:s5+$0x18B40] =	vst v6  }
0x173: {  	v2 =	vld.idx.msk [tilespmem:v62+s25+$0x0], $0xffff  }
0x174: {  	v3 =	vld.idx.msk [tilespmem:v62+s26+$0x0], $0xffff  }
0x175: {  	v5 =	vld.idx.msk [tilespmem:v62+s28+$0x0], $0xffff  }
0x176: {  	v4 =	vld.idx.msk [tilespmem:v62+s29+$0x0], $0xffff  }
0x177: {  	v33 =	vld [tilespmem:s5+$0xCBA0]  }
0x178: {  	v35 =	vld [tilespmem:s5+$0xBB0]  }
0x179: {  	v36 =	vld [tilespmem:s5+$0x6BB0];
	v6 =	vmul.f32 v63, v2;
	v7 =	vmul.f32 v24, v3  }
0x17a: {  	v37 =	vld [tilespmem:s5+$0xCBB0];
	v10 =	vmul.f32 v27, v2;
	v11 =	vmul.f32 v28, v3  }
0x17b: {  	v41 =	vld [tilespmem:s5+$0x6BC0];
	v39 =	vmul.f32 v25, v5;
	v40 =	vmul.f32 v26, v4  }
0x17c: {  	v44 =	vld [tilespmem:s5+$0xBD0];
	v42 =	vmul.f32 v29, v5;
	v43 =	vmul.f32 v30, v4  }
0x17d: {  	v47 =	vld [tilespmem:s5+$0x6BD0];
	v45 =	vmul.f32 v31, v2;
	v46 =	vmul.f32 v32, v3  }
0x17e: {  	v34 =	vld [tilespmem:s5+$0x12BA0];
	v48 =	vmul.f32 v35, v2;
	v49 =	vmul.f32 v36, v3  }
0x17f: {  	v50 =	vld [tilespmem:s5+$0xCBC0];
	v51 =	vmul.f32 v33, v5;
	v53 =	vmul.f32 v37, v5  }
0x180: {  	v38 =	vld [tilespmem:s5+$0x12BB0];
	v55 =	vmul.f32 v22, v2;
	v9 =	vmul.f32 v41, v3  }
0x181: {  	v52 =	vld [tilespmem:s5+$0xCBD0];
	v2 =	vmul.f32 v44, v2;
	v6 =	vadd.f32 v7, v6;
	v10 =	vadd.f32 v11, v10  }
0x182: {  	v54 =	vld [tilespmem:s5+$0x12BC0];
	v3 =	vmul.f32 v47, v3;
	v7 =	vadd.f32 v46, v45;
	v11 =	vadd.f32 v49, v48  }
0x183: {  	v56 =	vld [tilespmem:s5+$0x12BD0];
	v57 =	vmul.f32 v34, v4;
	v8 =	vadd.f32 v9, v55;
	v6 =	vadd.f32 v39, v6  }
0x184: {  	v58 =	vmul.f32 v50, v5;
	v2 =	vadd.f32 v3, v2;
	v10 =	vadd.f32 v42, v10  }
0x185: {  	v59 =	vmul.f32 v38, v4;
	v7 =	vadd.f32 v51, v7;
	v6 =	vadd.f32 v40, v6  }
0x186: {  	v3 =	vmul.f32 v52, v5;
	v11 =	vadd.f32 v53, v11;
	v10 =	vadd.f32 v43, v10  }
0x187: {  	p4 =	sne.s32 s12, $0xB800;
	v62 =	vmul.f32 v54, v4;
	v61 =	vadd.f32 v58, v8;
	v60 =	vadd.f32 v57, v7;
	[tilespmem:s5+$0x18B80] =	vst v6  }
.Ltmp6:
0x188: {  	v2 =	vadd.f32 v3, v2;
	v3 =	vmul.f32 v56, v4;
	v5 =	vadd.f32 v59, v11;
	[tilespmem:s5+$0x18B90] =	vst v10;
	(pc) =	sbr.rel @p4 .LBB2_6-.Ltmp6, $4  }
0x189: {  	v63 =	vadd.f32 v62, v61;
	[tilespmem:s5+$0x18BA0] =	vst v60  }
0x18a: {  	v2 =	vadd.f32 v3, v2;
	[tilespmem:s5+$0x18BB0] =	vst v5  }
0x18b: {  	[tilespmem:s5+$0x18BC0] =	vst v63  }
0x18c: {  	s12 =	sadd.s32 $0x800, s12;
	s30 =	sadd.s32 $0x4, s30;
	[tilespmem:s5+$0x18BD0] =	vst v2  }
0x18d: {  	p4 =	por p1, !p2  }
0x18e: {  	s5 =	simm.s32 @!p4 $0x18A00  }
0x18f: {  	[hbm4b:s18+s3] =	stream.linear.scatter @!p4 [tilespmem:s5], [sflag:$0x8], $0x2800, $0x38;
	[tilespmem:$0x1EA00] =	vst v63  }
0x190: {  	s5 =	smul.u32 @p4 $0xC0, s14;
	_ =	swait.ge @!p4 [sflag:s31], $0x2800  }
0x191: {  	s7 =	rddreg @p4 [dreg:$0x3]  }
0x192: {  	s5 =	sadd.s32 @p4 s7, s5  }
0x193: {  	s7 =	rddreg @p4 [dreg:$0x4];
	s5 =	sshll.u32 @p4 s5, $0x7  }
0x194: {  	s5 =	sadd.s32 @p4 s7, s5  }
0x195: {  	[sflag:s31] =	ssyncset.done @!p4 $0x0;
	s5 =	sshrl.u32 @p4 s5, $0x3  }
0x196: {  	[sflag:s31] =	ssyncadd.s32 @!p4 $0xFFFFD800;
	s7 =	simm.s32 @p4 $0x18A00;
	s5 =	sadd.s32 @p4 s10, s5  }
0x197: {  	[hbm4b:s5+s3] =	stream.linear.scatter @p4 [tilespmem:s7], [sflag:$0x5], $0x3000, $0x38;
	[tilespmem:$0x1EA00] =	vst v63  }
.LBB2_8:
.Ltmp7:
0x198: {  	(pc) =	sbr.rel @p3 .LBB2_14-.Ltmp7, $1  }
0x199: {  	_ =	sdelay $0x3  }
0x19a: {  	p3 =	sge.u32 s16, s17  }
.Ltmp8:
0x19b: {  	_ = 	snop;
	(pc) =	sbr.rel @p3 .LBB2_11-.Ltmp8, $1  }
0x19c: {  	_ =	sdelay $0x3  }
0x19d: {  	_ =	swait.ge [sflag:s23], $0x60  }
0x19e: {  	[sflag:s23] =	ssyncset.done $0x0  }
0x19f: {  	[sflag:s23] =	ssyncadd.s32 $0xFFFFFFA0  }
0x1a0: {  	_ =	swait.ge [sflag:s23], $0x60  }
0x1a1: {  	[sflag:s23] =	ssyncset.done $0x0  }
0x1a2: {  	[sflag:s23] =	ssyncadd.s32 $0xFFFFFFA0  }
0x1a3: {  	v2 =	vld [tilespmem:$0x0]  }
0x1a4: {  	v3 =	vld [tilespmem:$0x100]  }
0x1a5: {  	v6 =	vld [tilespmem:$0x10]  }
0x1a6: {  	v9 =	vld [tilespmem:$0x110]  }
0x1a7: {  	v10 =	vld [tilespmem:$0x20]  }
0x1a8: {  	v13 =	vld [tilespmem:$0x120]  }
0x1a9: {  	v21 =	vld [tilespmem:$0x130];
	_ =	sdelay $0x1  }
0x1aa: {  	v2 =	vadd.f32 $1.000000000e+00, v2;
	v3 =	vadd.f32 $1.000000000e+00, v3  }
0x1ab: {  	v6 =	vadd.f32 $1.000000000e+00, v6;
	v9 =	vadd.f32 $1.000000000e+00, v9  }
0x1ac: {  	v10 =	vadd.f32 $1.000000000e+00, v10;
	v13 =	vadd.f32 $1.000000000e+00, v13;
	v2 =	vmul.f32 $5.000000000e-01, v2  }
0x1ad: {  	v21 =	vadd.f32 $1.000000000e+00, v21;
	v3 =	vmul.f32 $5.000000000e-01, v3;
	v6 =	vmul.f32 $5.000000000e-01, v6  }
0x1ae: {  	v9 =	vmul.f32 $5.000000000e-01, v9;
	v10 =	vmul.f32 $5.000000000e-01, v10  }
0x1af: {  	v13 =	vmul.f32 $5.000000000e-01, v13;
	v43 =	vmul.f32 $5.000000000e-01, v21  }
0x1b0: {  	v2 =	vmul.f32 $3.830000000e+02, v2;
	v3 =	vmul.f32 $3.830000000e+02, v3  }
0x1b1: {  	v28 =	vmul.f32 $3.830000000e+02, v6;
	v9 =	vmul.f32 $3.830000000e+02, v9  }
0x1b2: {  	v53 =	vld [tilespmem:$0x140];
	v10 =	vmul.f32 $3.830000000e+02, v10;
	v13 =	vmul.f32 $3.830000000e+02, v13  }
0x1b3: {  	v47 =	vmul.f32 $3.830000000e+02, v43;
	v2 =	vmax.f32 v2, $0.0e+00;
	v3 =	vmax.f32 v3, $0.0e+00  }
0x1b4: {  	v32 =	vld [tilespmem:$0x30];
	v9 =	vmax.f32 v9, $0.0e+00;
	v10 =	vmax.f32 v10, $0.0e+00;
	v2 =	vmin.f32 v2, $3.830000000e+02  }
0x1b5: {  	v3 =	vmin.f32 v3, $3.830000000e+02;
	v9 =	vmin.f32 v9, $3.830000000e+02;
	v4 =	vtrunc.f32 v2  }
0x1b6: {  	v10 =	vmin.f32 v10, $3.830000000e+02;
	v5 =	vtrunc.f32 v3;
	v16 =	vtrunc.f32 v9  }
0x1b7: {  	v62 =	vadd.f32 $1.000000000e+00, v53;
	v18 =	vtrunc.f32 v10;
	v4 =	vcvt.f32.s32 v4  }
0x1b8: {  	v13 =	vmax.f32 v13, $0.0e+00;
	v5 =	vcvt.f32.s32 v5;
	v16 =	vcvt.f32.s32 v16  }
0x1b9: {  	v31 =	vcvt.f32.s32 v18;
	v18 =	vadd.f32 $1.000000000e+00, v32;
	v7 =	vcvt.s32.f32 v4  }
0x1ba: {  	v8 =	vcvt.s32.f32 v5;
	vm0 =	vlt.s32 v4, $0x17F;
	v11 =	vmul.u32 $0x180, v5  }
0x1bb: {  	v4 =	vadd.s32 v4, v0;
	vm5 =	vlt.s32 v5, $0x17F;
	v5 =	vmax.f32 v28, $0.0e+00  }
0x1bc: {  	v30 =	vcvt.s32.f32 v16;
	v20 =	vcvt.s32.f32 v31;
	vm7 =	vlt.s32 v16, $0x17F  }
0x1bd: {  	v16 =	vmul.u32 $0x180, v16;
	v18 =	vmul.f32 $5.000000000e-01, v18;
	vm8 =	vlt.s32 v31, $0x17F  }
0x1be: {  	v12 =	vsel vm0, $0x1, v1;
	v29 =	vsel vm5, $0x180, v1;
	v5 =	vmin.f32 v5, $3.830000000e+02  }
0x1bf: {  	v36 =	vsel vm7, $0x180, v1;
	v48 =	vsel vm8, $0x1, v1;
	v2 =	vsub.f32 v2, v7  }
0x1c0: {  	v3 =	vsub.f32 v3, v8;
	v4 =	vadd.s32 v11, v4;
	v15 =	vtrunc.f32 v5  }
0x1c1: {  	v9 =	vsub.f32 v9, v30;
	v10 =	vsub.f32 v10, v20;
	v42 =	vmul.f32 $3.830000000e+02, v18  }
0x1c2: {  	v11 =	vadd.s32 v12, v4;
	v6 =	vadd.s32 v29, v4;
	v15 =	vcvt.f32.s32 v15  }
0x1c3: {  	v7 =	vsub.f32 $1.000000000e+00, v2;
	v8 =	vsub.f32 $1.000000000e+00, v3;
	v12 =	vadd.s32 v12, v6  }
0x1c4: {  	v35 =	vsub.f32 $1.000000000e+00, v9;
	v44 =	vsub.f32 $1.000000000e+00, v10;
	v46 =	vmax.f32 v42, $0.0e+00  }
0x1c5: {  	v17 =	vcvt.s32.f32 v15;
	vm6 =	vlt.s32 v15, $0x17F;
	v14 =	vmul.f32 v8, v7  }
0x1c6: {  	[tilespmem:$0x200] =	vst v4;
	v15 =	vadd.s32 v15, v0;
	v8 =	vmul.f32 v8, v2;
	v7 =	vmul.f32 v7, v3  }
0x1c7: {  	[tilespmem:$0x300] =	vst v11;
	v2 =	vmul.f32 v3, v2;
	v3 =	vmin.f32 v13, $3.830000000e+02;
	v22 =	vsel vm6, $0x1, v1  }
0x1c8: {  	v29 =	vld [tilespmem:$0x50];
	[tilespmem:$0x400] =	vst v6;
	v15 =	vadd.s32 v16, v15;
	v13 =	vadd.s32 v31, v0;
	v5 =	vsub.f32 v5, v17  }
0x1c9: {  	v32 =	vld [tilespmem:$0x150];
	[tilespmem:$0x500] =	vst v12;
	v19 =	vtrunc.f32 v3;
	v37 =	vadd.s32 v22, v15;
	v4 =	vadd.s32 v36, v15  }
0x1ca: {  	v17 =	vmax.f32 v47, $0.0e+00;
	v19 =	vcvt.f32.s32 v19;
	v41 =	vadd.s32 v22, v4;
	[tilespmem:$0x600] =	vst v14  }
0x1cb: {  	v50 =	vld [tilespmem:$0x40];
	[tilespmem:$0x700] =	vst v8;
	v8 =	vmin.f32 v46, $3.830000000e+02;
	v51 =	vmin.f32 v17, $3.830000000e+02;
	v14 =	vmul.f32 $5.000000000e-01, v62  }
0x1cc: {  	[tilespmem:$0x210] =	vst v15;
	v33 =	vsub.f32 $1.000000000e+00, v5;
	v39 =	vmul.f32 v35, v5;
	v5 =	vmul.f32 v9, v5  }
0x1cd: {  	[tilespmem:$0x800] =	vst v7;
	v16 =	vadd.f32 $1.000000000e+00, v29;
	v49 =	vtrunc.f32 v8;
	v55 =	vtrunc.f32 v51  }
0x1ce: {  	[tilespmem:$0x510] =	vst v41;
	v41 =	vadd.f32 $1.000000000e+00, v32;
	v34 =	vcvt.s32.f32 v19;
	vm9 =	vlt.s32 v19, $0x17F  }
0x1cf: {  	[tilespmem:$0x900] =	vst v2;
	v2 =	vmul.u32 $0x180, v19;
	v52 =	vcvt.f32.s32 v49;
	v26 =	vmul.f32 $3.830000000e+02, v14  }
0x1d0: {  	[tilespmem:$0x310] =	vst v37;
	v19 =	vadd.f32 $1.000000000e+00, v50;
	v43 =	vmul.f32 $5.000000000e-01, v16;
	v38 =	vmul.f32 v35, v33  }
0x1d1: {  	[tilespmem:$0x410] =	vst v4;
	v40 =	vmul.f32 v33, v9;
	v54 =	vsel vm9, $0x180, v1;
	v3 =	vsub.f32 v3, v34  }
0x1d2: {  	[tilespmem:$0x710] =	vst v39;
	v2 =	vadd.s32 v2, v13;
	v13 =	vcvt.f32.s32 v55;
	v57 =	vcvt.s32.f32 v52  }
0x1d3: {  	[tilespmem:$0x910] =	vst v5;
	v22 =	vmul.f32 $5.000000000e-01, v19;
	vm10 =	vlt.s32 v52, $0x17F;
	v28 =	vadd.s32 v52, v0  }
0x1d4: {  	v31 =	vmax.f32 v26, $0.0e+00;
	v56 =	vadd.s32 v54, v2;
	v58 =	vadd.s32 v48, v2;
	[tilespmem:$0x610] =	vst v38  }
0x1d5: {  	[tilespmem:$0x810] =	vst v40;
	v24 =	vsel vm10, $0x1, v1;
	v12 =	vmin.f32 v31, $3.830000000e+02;
	v45 =	vsub.f32 $1.000000000e+00, v3  }
0x1d6: {  	[tilespmem:$0x220] =	vst v2;
	v7 =	vadd.s32 v48, v56;
	v60 =	vcvt.s32.f32 v13;
	v9 =	vmul.f32 v44, v3  }
0x1d7: {  	v8 =	vsub.f32 v8, v57;
	v3 =	vmul.f32 v3, v10;
	v11 =	vmul.f32 $3.830000000e+02, v22;
	[tilespmem:$0x320] =	vst v58  }
0x1d8: {  	vm11 =	vlt.s32 v13, $0x17F;
	v25 =	vmul.u32 $0x180, v13;
	[tilespmem:$0x420] =	vst v56;
	v36 =	vtrunc.f32 v12  }
0x1d9: {  	v27 =	vsel vm11, $0x180, v1;
	[tilespmem:$0x520] =	vst v7;
	v37 =	vcvt.f32.s32 v36;
	v59 =	vmul.f32 v45, v44  }
0x1da: {  	v61 =	vmul.f32 v45, v10;
	v63 =	vsub.f32 v51, v60;
	v23 =	vsub.f32 $1.000000000e+00, v8;
	[tilespmem:$0x820] =	vst v9  }
0x1db: {  	v11 =	vmax.f32 v11, $0.0e+00;
	v30 =	vadd.s32 v25, v28;
	[tilespmem:$0x920] =	vst v3;
	v45 =	vmul.f32 $5.000000000e-01, v41  }
0x1dc: {  	v11 =	vmin.f32 v11, $3.830000000e+02;
	v35 =	vadd.s32 v24, v30;
	v4 =	vadd.s32 v27, v30;
	[tilespmem:$0x230] =	vst v30  }
0x1dd: {  	v40 =	vcvt.s32.f32 v37;
	vm13 =	vlt.s32 v37, $0x17F;
	[tilespmem:$0x620] =	vst v59;
	v34 =	vtrunc.f32 v11  }
0x1de: {  	v9 =	vmul.u32 $0x180, v37;
	v2 =	vsub.f32 $1.000000000e+00, v63;
	[tilespmem:$0x720] =	vst v61;
	v17 =	vcvt.f32.s32 v34  }
0x1df: {  	v3 =	vmul.f32 v23, v63;
	v39 =	vmul.f32 v63, v8;
	[tilespmem:$0x330] =	vst v35;
	v42 =	vadd.s32 v24, v4  }
0x1e0: {  	[tilespmem:$0x430] =	vst v4;
	v51 =	vsel vm13, $0x180, v1;
	v33 =	vmul.f32 v2, v23;
	v38 =	vcvt.s32.f32 v17  }
0x1e1: {  	v44 =	vsub.f32 v12, v40;
	[tilespmem:$0x530] =	vst v42;
	v2 =	vmul.f32 v2, v8;
	v8 =	vmul.f32 $3.830000000e+02, v45  }
0x1e2: {  	[tilespmem:$0x830] =	vst v3;
	vm12 =	vlt.s32 v17, $0x17F;
	v5 =	vsub.f32 v11, v38;
	v11 =	vmul.f32 $3.830000000e+02, v43  }
0x1e3: {  	v48 =	vadd.s32 v17, v0;
	v47 =	vsel vm12, $0x1, v1;
	[tilespmem:$0x730] =	vst v2;
	v2 =	vsub.f32 $1.000000000e+00, v44  }
0x1e4: {  	[tilespmem:$0x930] =	vst v39;
	v3 =	vadd.s32 v9, v48;
	v8 =	vmax.f32 v8, $0.0e+00;
	v11 =	vmax.f32 v11, $0.0e+00  }
0x1e5: {  	[tilespmem:$0x630] =	vst v33;
	v8 =	vmin.f32 v8, $3.830000000e+02;
	v46 =	vsub.f32 $1.000000000e+00, v5;
	v49 =	vmin.f32 v11, $3.830000000e+02  }
0x1e6: {  	v50 =	vadd.s32 v47, v3;
	[tilespmem:$0x240] =	vst v3;
	v53 =	vtrunc.f32 v8;
	v11 =	vtrunc.f32 v49  }
0x1e7: {  	v3 =	vadd.s32 v51, v3;
	[tilespmem:$0x340] =	vst v50;
	v54 =	vmul.f32 v2, v46;
	v2 =	vmul.f32 v2, v5  }
0x1e8: {  	[tilespmem:$0x440] =	vst v3;
	v52 =	vcvt.f32.s32 v11;
	v11 =	vcvt.f32.s32 v53  }
0x1e9: {  	v3 =	vadd.s32 v47, v3;
	v6 =	vmul.f32 v46, v44;
	[tilespmem:$0x740] =	vst v2;
	v2 =	vmul.f32 v44, v5  }
0x1ea: {  	[tilespmem:$0x540] =	vst v3;
	v55 =	vcvt.s32.f32 v52;
	v3 =	vcvt.s32.f32 v11  }
0x1eb: {  	[tilespmem:$0x640] =	vst v54;
	v56 =	vmul.u32 $0x180, v11;
	vm14 =	vlt.s32 v52, $0x17F;
	v58 =	vadd.s32 v52, v0  }
0x1ec: {  	[tilespmem:$0x840] =	vst v6;
	vm15 =	vlt.s32 v11, $0x17F;
	v9 =	vsub.f32 v49, v55;
	v3 =	vsub.f32 v8, v3  }
0x1ed: {  	[tilespmem:$0x940] =	vst v2;
	v2 =	vsel vm14, $0x1, v1;
	v60 =	vsel vm15, $0x180, v1;
	v4 =	vadd.s32 v56, v58  }
0x1ee: {  	[tilespmem:$0x250] =	vst v4;
	v61 =	vadd.s32 v2, v4;
	v57 =	vsub.f32 $1.000000000e+00, v9;
	v59 =	vsub.f32 $1.000000000e+00, v3  }
0x1ef: {  	s5 =	sadd.s32 $0x4, s16;
	v4 =	vadd.s32 v60, v4;
	[tilespmem:$0x350] =	vst v61  }
0x1f0: {  	p3 =	sge.u32 s5, s9;
	[tilespmem:$0x450] =	vst v4;
	v2 =	vadd.s32 v2, v4;
	v62 =	vmul.f32 v59, v57  }
0x1f1: {  	s5 =	smul.u32 @!p3 $0x60, s5;
	[tilespmem:$0x550] =	vst v2;
	v2 =	vmul.f32 v59, v9  }
0x1f2: {  	v63 =	vmul.f32 v57, v3;
	[tilespmem:$0x650] =	vst v62  }
0x1f3: {  	s5 =	sadd.s32 @!p3 s8, s5;
	[tilespmem:$0x750] =	vst v2;
	v2 =	vmul.f32 v3, v9  }
0x1f4: {  	s5 =	sshrl.u32 @!p3 s5, $0x3;
	[tilespmem:$0x850] =	vst v63  }
0x1f5: {  	s12 =	simm.s32 @!p3 $0x0;
	s7 =	sadd.s32 @!p3 s2, s5;
	[tilespmem:$0x950] =	vst v2  }
0x1f6: {  	[tilespmem:s12], [sflag:$0x1] =	stream.linear.gather @!p3 [hbm4b:s7+s12], $0x60, $0x38;
	[tilespmem:$0x1EA00] =	vst v63  }
0x1f7: {  	s5 =	sadd.s32 @!p3 s6, s5;
	s7 =	simm.s32 @!p3 $0x100  }
0x1f8: {  	[tilespmem:s7], [sflag:$0x1] =	stream.linear.gather @!p3 [hbm4b:s5+s12], $0x60, $0x38;
	[tilespmem:$0x1EA00] =	vst v63  }
0x1f9: {  	s7 =	simm.s32 $0x200;
	s12 =	simm.s32 $0xA00  }
0x1fa: {  	[tilespmem:s12], [sflag:$0x3] =	stream.indirect.gather [hbm4b:s4+s24], $0x80, s7, s24, $0xb8;
	[tilespmem:$0x1EA00] =	vst v63  }
0x1fb: {  	s16 =	simm.s32 $0x300;
	s30 =	simm.s32 $0x6A00  }
0x1fc: {  	[tilespmem:s30], [sflag:$0x3] =	stream.indirect.gather [hbm4b:s4+s24], $0x80, s16, s24, $0xb8;
	[tilespmem:$0x1EA00] =	vst v63  }
0x1fd: {  	s7 =	simm.s32 $0x400;
	s12 =	simm.s32 $0xCA00  }
0x1fe: {  	[tilespmem:s12], [sflag:$0x3] =	stream.indirect.gather [hbm4b:s4+s24], $0x80, s7, s24, $0xb8;
	[tilespmem:$0x1EA00] =	vst v63  }
0x1ff: {  	s16 =	simm.s32 $0x500;
	s30 =	simm.s32 $0x12A00  }
0x200: {  	[tilespmem:s30], [sflag:$0x3] =	stream.indirect.gather [hbm4b:s4+s24], $0x80, s16, s24, $0xb8;
	[tilespmem:$0x1EA00] =	vst v63  }
.LBB2_11:
0x201: {  	_ =	swait.ge [sflag:s0], $0x3000  }
0x202: {  	[sflag:s0] =	ssyncset.done $0x0  }
0x203: {  	[sflag:s0] =	ssyncadd.s32 $0xFFFFD000  }
0x204: {  	_ =	swait.ge [sflag:s0], $0x3000  }
0x205: {  	[sflag:s0] =	ssyncset.done $0x0  }
0x206: {  	[sflag:s0] =	ssyncadd.s32 $0xFFFFD000  }
0x207: {  	_ =	swait.ge [sflag:s0], $0x3000  }
0x208: {  	[sflag:s0] =	ssyncset.done $0x0  }
0x209: {  	[sflag:s0] =	ssyncadd.s32 $0xFFFFD000  }
0x20a: {  	_ =	swait.ge [sflag:s0], $0x3000  }
0x20b: {  	p3 =	seq.s32 s14, $0x0;
	[sflag:s0] =	ssyncset.done $0x0  }
0x20c: {  	s5 =	simm.s32 @!p3 $0x6;
	[sflag:s0] =	ssyncadd.s32 $0xFFFFD000  }
0x20d: {  	_ =	swait.ge @!p3 [sflag:s5], $0x3000  }
0x20e: {  	[sflag:s5] =	ssyncset.done @!p3 $0x0  }
0x20f: {  	s16 =	simm.s32 $0x0;
	s12 =	simm.s32 $0x0;
	[sflag:s5] =	ssyncadd.s32 @!p3 $0xFFFFD000  }
.LBB2_12:
0x210: {  	s5 =	sshra.s32 s12, $0x2  }
0x211: {  	v6 =	vld [tilespmem:s5+$0x3A00]  }
0x212: {  	v7 =	vld [tilespmem:s5+$0x9A00]  }
0x213: {  	v8 =	vld [tilespmem:s5+$0xFA00]  }
0x214: {  	v9 =	vld [tilespmem:s5+$0x15A00]  }
0x215: {  	v10 =	vld [tilespmem:s5+$0x3A10]  }
0x216: {  	v11 =	vld [tilespmem:s5+$0x9A10]  }
0x217: {  	v12 =	vld [tilespmem:s5+$0xFA10]  }
0x218: {  	v13 =	vld [tilespmem:s5+$0x15A10]  }
0x219: {  	v2 =	vmov s16;
	v14 =	vld [tilespmem:s5+$0x3A20]  }
0x21a: {  	v2 =	vand.u32 $0xFFFFFFFC, v2;
	v15 =	vld [tilespmem:s5+$0x9A20]  }
0x21b: {  	v16 =	vld [tilespmem:s5+$0xFA20];
	v2 =	vbroadcast v2, $0x0  }
0x21c: {  	v17 =	vld [tilespmem:s5+$0x15A20]  }
0x21d: {  	v18 =	vld [tilespmem:s5+$0x3A30]  }
0x21e: {  	v19 =	vld [tilespmem:s5+$0x9A30]  }
0x21f: {  	v20 =	vld [tilespmem:s5+$0xFA30]  }
0x220: {  	v29 =	vld [tilespmem:s5+$0x15A30]  }
0x221: {  	v3 =	vld.idx.msk [tilespmem:v2+s1+$0x0], $0xffff  }
0x222: {  	v4 =	vld.idx.msk [tilespmem:v2+s22+$0x0], $0xffff  }
0x223: {  	v31 =	vld [tilespmem:s5+$0x3A40]  }
0x224: {  	v5 =	vld.idx.msk [tilespmem:v2+s20+$0x0], $0xffff  }
0x225: {  	v21 =	vld [tilespmem:s5+$0x9A40]  }
0x226: {  	v2 =	vld.idx.msk [tilespmem:v2+s11+$0x0], $0xffff  }
0x227: {  	v34 =	vld [tilespmem:s5+$0x3A50];
	v6 =	vmul.f32 v6, v3;
	v7 =	vmul.f32 v7, v4  }
0x228: {  	v38 =	vld [tilespmem:s5+$0x9A50];
	v10 =	vmul.f32 v10, v3;
	v11 =	vmul.f32 v11, v4  }
0x229: {  	v41 =	vld [tilespmem:s5+$0xFA40];
	v8 =	vmul.f32 v8, v5;
	v30 =	vmul.f32 v12, v5  }
0x22a: {  	v44 =	vld [tilespmem:s5+$0xFA50];
	v14 =	vmul.f32 v14, v3;
	v15 =	vmul.f32 v15, v4  }
0x22b: {  	v46 =	vld [tilespmem:s5+$0x15A40];
	v32 =	vmul.f32 v9, v2;
	v35 =	vmul.f32 v13, v2  }
0x22c: {  	v48 =	vld [tilespmem:s5+$0x15A50];
	v37 =	vmul.f32 v16, v5;
	v39 =	vmul.f32 v18, v3  }
0x22d: {  	s7 =	sadd.s32 $0x1, s16;
	v57 =	vld [tilespmem:s5+$0x3A80];
	v40 =	vmul.f32 v19, v4;
	v43 =	vmul.f32 v17, v2  }
0x22e: {  	v51 =	vmov s7;
	v58 =	vld [tilespmem:s5+$0x9A80];
	v45 =	vmul.f32 v20, v5;
	v12 =	vmul.f32 v31, v3  }
0x22f: {  	v59 =	vld [tilespmem:s5+$0xFA80];
	v53 =	vand.u32 $0xFFFFFFFD, v51;
	v47 =	vmul.f32 v21, v4;
	v3 =	vmul.f32 v34, v3  }
0x230: {  	v60 =	vld [tilespmem:s5+$0x15A80];
	v4 =	vmul.f32 v38, v4;
	v6 =	vadd.f32 v7, v6;
	v10 =	vadd.f32 v11, v10  }
0x231: {  	v61 =	vld [tilespmem:s5+$0x3A90];
	v50 =	vmul.f32 v41, v5;
	v36 =	vadd.f32 v15, v14;
	v49 =	vadd.f32 v47, v12  }
0x232: {  	v62 =	vld [tilespmem:s5+$0x9A90];
	v52 =	vmul.f32 v44, v5;
	v3 =	vadd.f32 v4, v3;
	v6 =	vadd.f32 v8, v6  }
0x233: {  	v63 =	vld [tilespmem:s5+$0xFA90];
	v55 =	vmul.f32 v46, v2;
	v33 =	vadd.f32 v30, v10;
	v42 =	vadd.f32 v37, v36  }
0x234: {  	v24 =	vld [tilespmem:s5+$0x15A90];
	v5 =	vbroadcast v53, $0x0;
	v8 =	vadd.f32 v40, v39;
	v6 =	vadd.f32 v32, v6  }
0x235: {  	v25 =	vld [tilespmem:s5+$0x3AA0];
	v7 =	vmul.f32 v29, v2;
	v54 =	vadd.f32 v50, v49;
	v9 =	vadd.f32 v35, v33  }
0x236: {  	v26 =	vld [tilespmem:s5+$0x9AA0];
	v2 =	vmul.f32 v48, v2;
	v3 =	vadd.f32 v52, v3;
	v11 =	vadd.f32 v43, v42;
	[tilespmem:s5+$0x1BA00] =	vst v6  }
0x237: {  	v27 =	vld [tilespmem:s5+$0xFAA0];
	v8 =	vadd.f32 v45, v8;
	v56 =	vadd.f32 v55, v54;
	[tilespmem:s5+$0x1BA10] =	vst v9  }
0x238: {  	v28 =	vld [tilespmem:s5+$0x15AA0];
	v2 =	vadd.f32 v2, v3;
	[tilespmem:s5+$0x1BA20] =	vst v11  }
0x239: {  	v22 =	vld [tilespmem:s5+$0x3BC0];
	v7 =	vadd.f32 v7, v8;
	[tilespmem:s5+$0x1BA40] =	vst v56  }
0x23a: {  	v31 =	vld [tilespmem:s5+$0xFAB0];
	[tilespmem:s5+$0x1BA50] =	vst v2  }
0x23b: {  	v34 =	vld [tilespmem:s5+$0x3AC0];
	[tilespmem:s5+$0x1BA30] =	vst v7  }
0x23c: {  	v2 =	vld.idx.msk [tilespmem:v5+s1+$0x0], $0xffff  }
0x23d: {  	v3 =	vld.idx.msk [tilespmem:v5+s22+$0x0], $0xffff  }
0x23e: {  	v4 =	vld.idx.msk [tilespmem:v5+s20+$0x0], $0xffff  }
0x23f: {  	v38 =	vld [tilespmem:s5+$0x3AD0]  }
0x240: {  	v5 =	vld.idx.msk [tilespmem:v5+s11+$0x0], $0xffff  }
0x241: {  	v29 =	vld [tilespmem:s5+$0x3AB0];
	v6 =	vmul.f32 v57, v2  }
0x242: {  	v30 =	vld [tilespmem:s5+$0x9AB0];
	v7 =	vmul.f32 v58, v3;
	v10 =	vmul.f32 v61, v2  }
0x243: {  	v48 =	vld [tilespmem:s5+$0xFAD0];
	v11 =	vmul.f32 v62, v3;
	v8 =	vmul.f32 v59, v4  }
0x244: {  	v35 =	vld [tilespmem:s5+$0x9AC0];
	v33 =	vmul.f32 v63, v4;
	v14 =	vmul.f32 v25, v2  }
0x245: {  	v42 =	vld [tilespmem:s5+$0x9AD0];
	v15 =	vmul.f32 v26, v3;
	v36 =	vmul.f32 v60, v5  }
0x246: {  	v50 =	vld [tilespmem:s5+$0x15AC0];
	v39 =	vmul.f32 v24, v5;
	v41 =	vmul.f32 v27, v4  }
0x247: {  	s30 =	sadd.s32 $0x2, s16;
	v45 =	vld [tilespmem:s5+$0xFAC0];
	v43 =	vmul.f32 v29, v2;
	v44 =	vmul.f32 v30, v3  }
0x248: {  	v52 =	vld [tilespmem:s5+$0x15AD0];
	v55 =	vmov s30;
	v47 =	vmul.f32 v28, v5;
	v12 =	vmul.f32 v34, v2  }
0x249: {  	v32 =	vld [tilespmem:s5+$0x15AB0];
	v56 =	vand.u32 $0xFFFFFFFE, v55;
	v51 =	vmul.f32 v35, v3;
	v2 =	vmul.f32 v38, v2  }
0x24a: {  	v3 =	vmul.f32 v42, v3;
	v60 =	vld [tilespmem:s5+$0x3B00];
	v6 =	vadd.f32 v7, v6;
	v10 =	vadd.f32 v11, v10  }
0x24b: {  	v49 =	vmul.f32 v31, v4;
	v61 =	vld [tilespmem:s5+$0x9B00];
	v40 =	vadd.f32 v15, v14;
	v53 =	vadd.f32 v51, v12  }
0x24c: {  	v54 =	vmul.f32 v45, v4;
	v62 =	vld [tilespmem:s5+$0xFB00];
	v2 =	vadd.f32 v3, v2;
	v6 =	vadd.f32 v8, v6  }
0x24d: {  	v58 =	vmul.f32 v50, v5;
	v63 =	vld [tilespmem:s5+$0x15B00];
	v37 =	vadd.f32 v33, v10;
	v46 =	vadd.f32 v41, v40  }
0x24e: {  	v24 =	vld [tilespmem:s5+$0x3B10];
	v3 =	vmul.f32 v48, v4;
	v8 =	vadd.f32 v44, v43;
	v6 =	vadd.f32 v36, v6  }
0x24f: {  	v25 =	vld [tilespmem:s5+$0x9B10];
	v4 =	vbroadcast v56, $0x0;
	v57 =	vadd.f32 v54, v53;
	v9 =	vadd.f32 v39, v37  }
0x250: {  	v26 =	vld [tilespmem:s5+$0xFB10];
	v2 =	vadd.f32 v3, v2;
	v3 =	vmul.f32 v52, v5;
	v11 =	vadd.f32 v47, v46;
	[tilespmem:s5+$0x1BA80] =	vst v6  }
0x251: {  	v27 =	vld [tilespmem:s5+$0x15B10];
	v7 =	vmul.f32 v32, v5;
	v8 =	vadd.f32 v49, v8;
	v59 =	vadd.f32 v58, v57;
	[tilespmem:s5+$0x1BA90] =	vst v9  }
0x252: {  	v28 =	vld [tilespmem:s5+$0x3B20];
	v2 =	vadd.f32 v3, v2;
	[tilespmem:s5+$0x1BAA0] =	vst v11  }
0x253: {  	v29 =	vld [tilespmem:s5+$0x9B20];
	v7 =	vadd.f32 v7, v8;
	[tilespmem:s5+$0x1BAC0] =	vst v59  }
0x254: {  	v30 =	vld [tilespmem:s5+$0xFB20];
	[tilespmem:s5+$0x1BAD0] =	vst v2  }
0x255: {  	v31 =	vld [tilespmem:s5+$0x15B20];
	[tilespmem:s5+$0x1BAB0] =	vst v7  }
0x256: {  	v2 =	vld.idx.msk [tilespmem:v4+s1+$0x0], $0xffff  }
0x257: {  	v3 =	vld.idx.msk [tilespmem:v4+s22+$0x0], $0xffff  }
0x258: {  	v5 =	vld.idx.msk [tilespmem:v4+s20+$0x0], $0xffff  }
0x259: {  	v4 =	vld.idx.msk [tilespmem:v4+s11+$0x0], $0xffff  }
0x25a: {  	v34 =	vld [tilespmem:s5+$0xFB30]  }
0x25b: {  	v32 =	vld [tilespmem:s5+$0x3B30];
	v6 =	vmul.f32 v60, v2  }
0x25c: {  	v33 =	vld [tilespmem:s5+$0x9B30];
	v7 =	vmul.f32 v61, v3;
	v10 =	vmul.f32 v24, v2  }
0x25d: {  	v37 =	vld [tilespmem:s5+$0x3B40];
	v11 =	vmul.f32 v25, v3;
	v36 =	vmul.f32 v62, v5  }
0x25e: {  	v39 =	vld [tilespmem:s5+$0x9B40];
	v38 =	vmul.f32 v26, v5;
	v40 =	vmul.f32 v63, v4  }
0x25f: {  	v42 =	vld [tilespmem:s5+$0x3B50];
	v41 =	vmul.f32 v27, v4;
	v43 =	vmul.f32 v28, v2  }
0x260: {  	v45 =	vld [tilespmem:s5+$0x9B50];
	v44 =	vmul.f32 v29, v3;
	v46 =	vmul.f32 v32, v2  }
0x261: {  	v35 =	vld [tilespmem:s5+$0x15B30];
	v47 =	vmul.f32 v33, v3;
	v50 =	vmul.f32 v30, v5  }
0x262: {  	v51 =	vld [tilespmem:s5+$0xFB50];
	v52 =	vmul.f32 v31, v4;
	v53 =	vmul.f32 v34, v5  }
0x263: {  	v48 =	vld [tilespmem:s5+$0xFB40];
	v8 =	vmul.f32 v37, v2;
	v55 =	vmul.f32 v39, v3  }
0x264: {  	v56 =	vld [tilespmem:s5+$0x15B50];
	v2 =	vmul.f32 v42, v2;
	v6 =	vadd.f32 v7, v6;
	v10 =	vadd.f32 v11, v10  }
0x265: {  	v54 =	vld [tilespmem:s5+$0x15B40];
	v3 =	vmul.f32 v45, v3;
	v49 =	vadd.f32 v44, v43;
	v7 =	vadd.f32 v47, v46  }
0x266: {  	v57 =	vmul.f32 v35, v4;
	v63 =	vld [tilespmem:s5+$0x3B80];
	v8 =	vadd.f32 v55, v8;
	v6 =	vadd.f32 v36, v6  }
0x267: {  	v24 =	vld [tilespmem:s5+$0x9B80];
	v2 =	vadd.f32 v3, v2;
	v3 =	vmul.f32 v51, v5;
	v10 =	vadd.f32 v38, v10  }
0x268: {  	v58 =	vmul.f32 v48, v5;
	v25 =	vld [tilespmem:s5+$0xFB80];
	v7 =	vadd.f32 v53, v7;
	v6 =	vadd.f32 v40, v6  }
0x269: {  	v26 =	vld [tilespmem:s5+$0x15B80];
	v2 =	vadd.f32 v3, v2;
	v3 =	vmul.f32 v56, v4;
	v9 =	vadd.f32 v41, v10  }
0x26a: {  	s30 =	sadd.s32 $0x3, s16;
	v61 =	vmul.f32 v54, v4;
	v27 =	vld [tilespmem:s5+$0x3B90];
	v10 =	vadd.f32 v50, v49;
	v59 =	vadd.f32 v57, v7;
	[tilespmem:s5+$0x1BB00] =	vst v6  }
0x26b: {  	v62 =	vmov s30;
	v28 =	vld [tilespmem:s5+$0x9B90];
	v60 =	vadd.f32 v58, v8;
	v2 =	vadd.f32 v3, v2;
	[tilespmem:s5+$0x1BB10] =	vst v9  }
0x26c: {  	v29 =	vld [tilespmem:s5+$0xFB90];
	v10 =	vadd.f32 v52, v10;
	[tilespmem:s5+$0x1BB30] =	vst v59  }
0x26d: {  	v30 =	vld [tilespmem:s5+$0x15B90];
	v6 =	vadd.f32 v61, v60;
	[tilespmem:s5+$0x1BB50] =	vst v2  }
0x26e: {  	v31 =	vld [tilespmem:s5+$0x3BA0];
	[tilespmem:s5+$0x1BB20] =	vst v10  }
0x26f: {  	v32 =	vld [tilespmem:s5+$0x9BA0];
	[tilespmem:s5+$0x1BB40] =	vst v6  }
0x270: {  	v2 =	vld.idx.msk [tilespmem:v62+s1+$0x0], $0xffff  }
0x271: {  	v3 =	vld.idx.msk [tilespmem:v62+s22+$0x0], $0xffff  }
0x272: {  	v5 =	vld.idx.msk [tilespmem:v62+s20+$0x0], $0xffff  }
0x273: {  	v4 =	vld.idx.msk [tilespmem:v62+s11+$0x0], $0xffff  }
0x274: {  	v33 =	vld [tilespmem:s5+$0xFBA0]  }
0x275: {  	v35 =	vld [tilespmem:s5+$0x3BB0]  }
0x276: {  	v36 =	vld [tilespmem:s5+$0x9BB0];
	v6 =	vmul.f32 v63, v2;
	v7 =	vmul.f32 v24, v3  }
0x277: {  	v37 =	vld [tilespmem:s5+$0xFBB0];
	v10 =	vmul.f32 v27, v2;
	v11 =	vmul.f32 v28, v3  }
0x278: {  	v41 =	vld [tilespmem:s5+$0x9BC0];
	v39 =	vmul.f32 v25, v5;
	v40 =	vmul.f32 v26, v4  }
0x279: {  	v44 =	vld [tilespmem:s5+$0x3BD0];
	v42 =	vmul.f32 v29, v5;
	v43 =	vmul.f32 v30, v4  }
0x27a: {  	v47 =	vld [tilespmem:s5+$0x9BD0];
	v45 =	vmul.f32 v31, v2;
	v46 =	vmul.f32 v32, v3  }
0x27b: {  	v34 =	vld [tilespmem:s5+$0x15BA0];
	v48 =	vmul.f32 v35, v2;
	v49 =	vmul.f32 v36, v3  }
0x27c: {  	v50 =	vld [tilespmem:s5+$0xFBC0];
	v51 =	vmul.f32 v33, v5;
	v53 =	vmul.f32 v37, v5  }
0x27d: {  	v38 =	vld [tilespmem:s5+$0x15BB0];
	v55 =	vmul.f32 v22, v2;
	v9 =	vmul.f32 v41, v3  }
0x27e: {  	v52 =	vld [tilespmem:s5+$0xFBD0];
	v2 =	vmul.f32 v44, v2;
	v6 =	vadd.f32 v7, v6;
	v10 =	vadd.f32 v11, v10  }
0x27f: {  	v54 =	vld [tilespmem:s5+$0x15BC0];
	v3 =	vmul.f32 v47, v3;
	v7 =	vadd.f32 v46, v45;
	v11 =	vadd.f32 v49, v48  }
0x280: {  	v56 =	vld [tilespmem:s5+$0x15BD0];
	v57 =	vmul.f32 v34, v4;
	v8 =	vadd.f32 v9, v55;
	v6 =	vadd.f32 v39, v6  }
0x281: {  	v58 =	vmul.f32 v50, v5;
	v2 =	vadd.f32 v3, v2;
	v10 =	vadd.f32 v42, v10  }
0x282: {  	v59 =	vmul.f32 v38, v4;
	v7 =	vadd.f32 v51, v7;
	v6 =	vadd.f32 v40, v6  }
0x283: {  	v3 =	vmul.f32 v52, v5;
	v11 =	vadd.f32 v53, v11;
	v10 =	vadd.f32 v43, v10  }
0x284: {  	p3 =	sne.s32 s12, $0xB800;
	v62 =	vmul.f32 v54, v4;
	v61 =	vadd.f32 v58, v8;
	v60 =	vadd.f32 v57, v7;
	[tilespmem:s5+$0x1BB80] =	vst v6  }
.Ltmp9:
0x285: {  	v2 =	vadd.f32 v3, v2;
	v3 =	vmul.f32 v56, v4;
	v5 =	vadd.f32 v59, v11;
	[tilespmem:s5+$0x1BB90] =	vst v10;
	(pc) =	sbr.rel @p3 .LBB2_12-.Ltmp9, $4  }
0x286: {  	v63 =	vadd.f32 v62, v61;
	[tilespmem:s5+$0x1BBA0] =	vst v60  }
0x287: {  	v2 =	vadd.f32 v3, v2;
	[tilespmem:s5+$0x1BBB0] =	vst v5  }
0x288: {  	[tilespmem:s5+$0x1BBC0] =	vst v63  }
0x289: {  	s12 =	sadd.s32 $0x800, s12;
	s16 =	sadd.s32 $0x4, s16;
	[tilespmem:s5+$0x1BBD0] =	vst v2  }
0x28a: {  	p2 =	por p1, !p2  }
0x28b: {  	s5 =	simm.s32 @!p2 $0x1BA00  }
0x28c: {  	[hbm4b:s18+s3] =	stream.linear.scatter @!p2 [tilespmem:s5], [sflag:$0x7], $0x2800, $0x38;
	[tilespmem:$0x1EA00] =	vst v63  }
0x28d: {  	s5 =	smul.u32 @p2 $0x60, s15;
	_ =	swait.ge @!p2 [sflag:s13], $0x2800  }
0x28e: {  	s7 =	rddreg @p2 [dreg:$0x3]  }
0x28f: {  	s5 =	sadd.s32 @p2 s7, s5  }
.Ltmp10:
0x290: {  	s7 =	rddreg @p2 [dreg:$0x4];
	s5 =	sshll.u32 @p2 s5, $0x7;
	(pc) =	sbr.rel .LBB2_14-.Ltmp10, $4  }
0x291: {  	s5 =	sadd.s32 @p2 s7, s5  }
0x292: {  	[sflag:s13] =	ssyncset.done @!p2 $0x0;
	s5 =	sshrl.u32 @p2 s5, $0x3  }
0x293: {  	[sflag:s13] =	ssyncadd.s32 @!p2 $0xFFFFD800;
	s7 =	simm.s32 @p2 $0x1BA00;
	s5 =	sadd.s32 @p2 s10, s5  }
0x294: {  	[hbm4b:s5+s3] =	stream.linear.scatter @p2 [tilespmem:s7], [sflag:$0x6], $0x3000, $0x38;
	[tilespmem:$0x1EA00] =	vst v63  }
.LBB2_16:
0x295: {  	_ =	sfence.sel $0x180000  }
0x296: {  	[bflag:$0x0] =	sbarrier.arrive $0xFFFF  }
0x297: {  	_ =	strace $0x9000004A  }
0x298: {  	s0 =	stileid.u32;
	[bflag:$0x2] =	sbarrier.arrive $0xFFFF  }
0x299: {  	p0 =	sne.s32 s0, $0x0;
	s0 =	rddreg [dreg:$0x2]  }
0x29a: {  	s0 =	sadd.s32 @!p0 $0x100000, s0  }
0x29b: {  	[sflag:s0] =	ssyncadd.tile.s32 @!p0 $0x1;
	_ =	shalt  }
.Lfunc_end2:
_tile_overlayer_lowered:
.L_overlay_start_2:
0x29c: {  	(tag) =	ssettag $0x2  }
0x29d: {  	s0 =	rddreg [dreg:$0x0];
	s2 =	stileid.u32  }
0x29e: {  	s1 =	rddreg [dreg:$0x1];
	p0 =	sne.s32 s2, $0x0  }
0x29f: {  	s3 =	rddreg [dreg:$0x2];
	[bflag:$0x3] =	sbarrier.arrive $0xFFFF;
	s2 =	simm.s32 @!p0 $0x1C07  }
0x2a0: {  	[timem:s3], [sflag:s2] =	dma.local @!p0 [hbm:s0], s1  }
0x2a1: {  	s0 =	simm.s32 @!p0 $0x7  }
0x2a2: {  	_ =	swait.ge @!p0 [sflag:s0], s1  }
0x2a3: {  	s1 =	ssub.s32 @!p0 $0x0, s1;
	[sflag:s0] =	ssyncset.done @!p0 $0x0  }
0x2a4: {  	[sflag:s0] =	ssyncadd.s32 @!p0 s1  }
0x2a5: {  	[bflag:$0x3] =	sbarrier.arrive $0xFFFF  }
0x2a6: {  	_ =	shalt  }

// kernel: sparse-core-data-format-call.cloned.1.call-start
scs
called_computation_lowered:
.L_overlay_start_0:
0x0: {  	s2 =	sld [smem:$0x3FD9]  }
0x1: {  	s3 =	sld [smem:$0x3FFE];
	_ =	sdelay $0x1  }
0x2: {  	s1 =	srdreg.scid  }
0x3: {  	s0 =	sand.u32 $0x1, s1  }
0x4: {  	s18 =	sshll.u32 s0, $0xA;
	s2 =	sadd.s32 s3, s2  }
0x5: {  	s2 =	sadd.s32 s2, s18  }
0x6: {  	[smem:$0x3FC6] =	sst s2  }
0x7: {  	_ = 	snop  }
0x8: {  	s2 =	sld [smem:$0x3FC9];
	(tm) =	ssettm $0x1  }
0x9: {  	s19 =	sld [smem:$0x3FFB];
	_ =	sdelay $0x3  }
0xa: {  	_ =	strace s19  }
0xb: {  	s3 =	sld [smem:$0x3FFC];
	_ =	sdelay $0x3  }
0xc: {  	_ =	strace s3  }
0xd: {  	s3 =	sld [smem:$0x3FFD];
	_ =	sdelay $0x3  }
0xe: {  	_ =	strace s3  }
0xf: {  	_ =	strace $0x8FFFFFFF  }
0x10: {  	s20 =	sld [smem:$0x3FDB];
	_ =	sdelay $0x1  }
0x11: {  	s4 =	simm.s32 $_scs_section_size  }
0x12: {  	s5 =	simm.s32 $_size__tile_overlayer_lowered;
	s6 =	simm.s32 $_tile_overlayer_lowered  }
0x13: {  	s23 =	simm.s32 $0x1BFF;
	s22 =	sshll.u32 s6, $0x1;
	s3 =	sadd.s32 s4, s20  }
0x14: {  	s7 =	simm.s32 $0x0;
	s21 =	sshll.u32 s5, $0x1;
	s5 =	sadd.s32 s22, s3  }
0x15: {  	[timem:s7], [sflag:s23] =	dma.local [hbm:s5], s21  }
0x16: {  	_ =	swait.ge [sflag:s23], s21  }
0x17: {  	s4 =	ssub.s32 $0x0, s21;
	[sflag:s23] =	ssyncset.done $0x0  }
0x18: {  	[sflag:s23] =	ssyncadd.s32 s4;
	_ =	sdelay $0x1  }
0x19: {  	s24 =	simm.s32 $0x1B8B  }
0x1a: {  	_ =	swait.ge [sflag:s24], $0x1  }
0x1b: {  	[sflag:s24] =	ssyncset.done $0x0  }
0x1c: {  	s26 =	simm.s32 $0x1B8E;
	s25 =	sld [smem:$0x3FFE];
	[sflag:s24] =	ssyncadd.s32 $0xFFFFFFFF  }
0x1d: {  	s27 =	simm.s32 $execute0_lowered;
	[smem:$0x3FD2] =	sst s26  }
0x1e: {  	s5 =	sshll.u32 s27, $0x1;
	_ =	strace $0x80000046;
	[dreg:$0x1] =	wrdreg $0xFFFFFFFF  }
0x1f: {  	s28 =	simm.s32 $_size_execute0_lowered;
	s3 =	sadd.s32 s3, s5;
	[dreg:$0x0] =	wrdreg $0x0  }
0x20: {  	s5 =	sshll.u32 s28, $0x1;
	[dreg:$0x2] =	wrdreg s3  }
0x21: {  	[dreg:$0x3] =	wrdreg s5  }
0x22: {  	[dreg:$0x4] =	wrdreg $0xC0  }
0x23: {  	_ =	task [dreg:s7], $0x5FFFF  }
0x24: {  	[dreg:$0x1] =	wrdreg $0xFFFFFFFF  }
0x25: {  	[dreg:$0x0] =	wrdreg $0x60  }
0x26: {  	[dreg:$0x2] =	wrdreg s2  }
0x27: {  	[dreg:$0x3] =	wrdreg s25  }
0x28: {  	[dreg:$0x4] =	wrdreg $0x9  }
0x29: {  	_ =	task.clear_ibuf [dreg:s7], $0x5FFFF;
	_ =	strace $0x90000046  }
0x2a: {  	s29 =	simm.s32 $0x9;
	_ =	strace $0x80000048  }
0x2b: {  	_ =	swait.ge [sflag:s29], $0x1  }
0x2c: {  	[sflag:s29] =	ssyncadd.s32 $0xFFFFFFFF  }
0x2d: {  	_ =	strace $0x90000048  }
0x2e: {  	_ =	sfence  }
0x2f: {  	s30 =	sld [smem:$0x0];
	_ =	sdelay $0x2  }
0x30: {  	s31 =	sshll.u32 s1, $0xD;
	s1 =	sshrl.u32 s1, $0x2  }
0x31: {  	s3 =	sand.u32 $0x4000, s31;
	s1 =	sadd.s32 s1, s30  }
0x32: {  	s0 =	sor.u32 s3, s0;
	s1 =	sshll.u32 s1, $0x11  }
0x33: {  	s0 =	sor.u32 s1, s0  }
0x34: {  	s0 =	sadd.s32 $0x8F2B, s0  }
0x35: {  	[sflag:s0] =	ssyncadd.remote.s32 $0x1  }
0x36: {  	_ =	sfence.sel $0xFFFF  }
0x37: {  	[dreg:$0x0] =	wrdreg $0xFFFFFFFF;
	(pc) =	sbr.abs _section_cstart, $3  }
0x38: {  	[dreg:$0x1] =	wrdreg $0xFFFFFFFF  }
0x39: {  	_ =	task.clear_ibuf [dreg:s7], $0x2FFFF;
	_ =	strace $0x9FFFFFFF  }
0x3a: {  	(tm) =	ssettm $0x7FFFFFFF  }
0x3b: {  	_ =	shalt  }
tec
execute0_lowered:
.L_overlay_start_1:
0x0: {  	(tag) =	ssettag $0x1  }
0x1: {  	s2 =	rddreg [dreg:$0x0]  }
0x2: {  	s1 =	rddreg [dreg:$0x1]  }
0x3: {  	s0 =	rddreg [dreg:$0x2];
	s4 =	srdreg.scid  }
0x4: {  	_ =	strace $0x80000047;
	s7 =	simm.s32 $0x2;
	s16 =	simm.s32 $0x0  }
0x5: {  	p0 =	por $0x0, $0x0;
	s14 =	simm.s32 $0x0;
	s13 =	simm.s32 $0x0  }
0x6: {  	s15 =	simm.s32 $0x0;
	s9 =	simm.s32 $0x0;
	s11 =	simm.s32 $0x0  }
.Ltmp0:
0x7: {  	s3 =	sadd.s32 $0x200, s1;
	s4 =	sshll.u32 s4, $0x4;
	(pc) =	sbr.rel .LBB1_1-.Ltmp0, $4  }
0x8: {  	s1 =	stileid.u32;
	s5 =	sand.u32 $0x10, s4;
	s4 =	simm.s32 $0x1  }
0x9: {  	s8 =	simm.s32 $0x0;
	s6 =	sor.u32 s1, s5;
	[sflag:s4] =	ssyncpa.u1 $0x0  }
0xa: {  	s5 =	sand.u32 $0x3, s1;
	s6 =	sshrl.u32 s6, $0x2;
	[sflag:s7] =	ssyncpa.u1 $0x0  }
0xb: {  	s7 =	simm.s32 $0x24000;
	s12 =	smov.u32 s5;
	s10 =	smov.u32 s6  }
.LBB1_3:
0xc: {  	p1 =	seq.s32 s8, $0x0  }
0xd: {  	p2 =	seq.s32 @!p1 s8, $0x91  }
0xe: {  	p1 =	por p1, p2  }
.Ltmp1:
0xf: {  	_ = 	snop;
	(pc) =	sbr.rel @!p1 .LBB1_4-.Ltmp1, $1  }
0x10: {  	_ =	sdelay $0x3  }
.LBB1_7:
0x11: {  	s17 =	sadd.s32 $0x80, s9  }
0x12: {  	s13 =	sadd.s32 $0x8, s10;
	s18 =	smov.u32 s10;
	p2 =	sgt.s32 s17, $0x17F  }
0x13: {  	s18 =	smov.u32 @p2 s13  }
0x14: {  	s19 =	smov.u32 s11;
	s13 =	sadd.s32 $0x80, s11;
	p3 =	sgt.s32 s18, $0x17F  }
0x15: {  	s19 =	smov.u32 @p3 s13  }
0x16: {  	s20 =	smov.u32 s12;
	s13 =	sadd.s32 $0x4, s12;
	p4 =	sgt.s32 s19, $0x5F  }
0x17: {  	p1 =	slt.u32 s8, $0x2;
	s20 =	smov.u32 @p4 s13  }
0x18: {  	s8 =	sadd.s32 $0x1, s8;
	s17 =	simm.s32 @p2 $0x0;
	p2 =	sgt.s32 s20, $0x3  }
0x19: {  	s16 =	smov.u32 s9;
	s20 =	smov.u32 @p2 s5;
	p2 =	sne.s32 s8, $0x92  }
.Ltmp2:
0x1a: {  	s14 =	smov.u32 s10;
	s21 =	simm.s32 @!p1 $0x2;
	(pc) =	sbr.rel @!p2 .LBB1_8-.Ltmp2, $4  }
0x1b: {  	s15 =	smov.u32 s12;
	p0 =	por !p0, !p0;
	_ =	swait.ge @!p1 [sflag:s21], $0x4000  }
0x1c: {  	[sflag:s21] =	ssyncset.done @!p1 $0x0;
	s9 =	smov.u32 s17;
	s18 =	smov.u32 @p3 s6  }
0x1d: {  	[sflag:s21] =	ssyncadd.s32 @!p1 $0xFFFFC000;
	s10 =	smov.u32 s18;
	s19 =	simm.s32 @p4 $0x0  }
0x1e: {  	s13 =	smov.u32 s11;
	s11 =	smov.u32 s19;
	s12 =	smov.u32 s20  }
.LBB1_1:
0x1f: {  	p1 =	sgt.u32 s8, $0x8F  }
.Ltmp3:
0x20: {  	_ = 	snop;
	(pc) =	sbr.rel @p1 .LBB1_3-.Ltmp3, $1  }
0x21: {  	_ =	sdelay $0x3  }
0x22: {  	s17 =	sshrl.u32 s10, $0x3  }
0x23: {  	s18 =	sshll.u32 s9, $0x3;
	s17 =	smul.u32 $0xC00, s17  }
0x24: {  	s19 =	sshll.u32 s10, $0x7;
	s18 =	sand.u32 $0xFFFFFC00, s18  }
0x25: {  	s24 =	sand.u32 $0x380, s19;
	s17 =	sadd.s32 s17, s18  }
0x26: {  	s25 =	sand.u32 $0x7F, s9;
	s17 =	sor.u32 s24, s17  }
0x27: {  	p1 =	sgt.s32 s12, $0x3;
	s20 =	smov.u32 s12;
	s18 =	sor.u32 s25, s17  }
0x28: {  	s21 =	sshra.s32 s12, $0x1F;
	s22 =	sxor.u32 $0xFFFFFFFF, s8;
	s19 =	smulhi.u32 $0xAAAAAAAB, s18  }
0x29: {  	s28 =	sshra.s32 s11, $0x1F;
	s20 =	simm.s32 @!p1 $0x3;
	s21 =	sand.u32 s21, s12  }
0x2a: {  	s23 =	sshra.s32 s10, $0x1F;
	s20 =	ssub.s32 s20, s21;
	s19 =	sshrl.u32 s19, $0x8  }
0x2b: {  	s31 =	sshra.s32 s9, $0x1F;
	s27 =	sadd.s32 $0xFFFFFFFD, s20;
	s19 =	smul.u32 $0x180, s19  }
0x2c: {  	s26 =	sshll.u32 s22, $0xE;
	s22 =	sand.u32 s28, s11;
	p1 =	sgt.s32 s27, $0x0  }
0x2d: {  	s17 =	smulhi.u32 $0xAAAAAAAB, s17;
	s18 =	ssub.s32 s18, s19;
	s19 =	ssub.s32 $0x4, s20  }
0x2e: {  	s20 =	smov.u32 s11;
	s19 =	simm.s32 @p1 $0x0;
	p1 =	sgt.s32 s11, $0xFFFFFFE0  }
0x2f: {  	s23 =	sand.u32 s23, s10;
	s17 =	sshrl.u32 s17, $0x8;
	s20 =	simm.s32 @!p1 $0xFFFFFFE0  }
0x30: {  	p1 =	sgt.s32 s10, $0x17F;
	s20 =	ssub.s32 s20, s22;
	s22 =	smov.u32 s10  }
0x31: {  	s29 =	smulhi.u32 $0xAAAAAB, s17;
	s24 =	sadd.s32 $0x20, s20;
	s22 =	simm.s32 @!p1 $0x17F  }
0x32: {  	s20 =	ssub.s32 $0x60, s20;
	p1 =	sgt.s32 s24, $0x7F;
	s22 =	ssub.s32 s22, s23  }
0x33: {  	s23 =	smul.u32 $0x180, s29;
	s20 =	simm.s32 @p1 $0x0;
	s30 =	sadd.s32 $0xFFFFFE81, s22  }
0x34: {  	s19 =	smul.u32 s19, s20;
	p1 =	sgt.s32 s30, $0x0;
	s20 =	ssub.s32 $0x180, s22  }
0x35: {  	s22 =	smov.u32 s9;
	s20 =	simm.s32 @p1 $0x0;
	p1 =	sgt.s32 s9, $0x100  }
0x36: {  	s27 =	smul.u32 $0x4800, s11;
	s24 =	sand.u32 s31, s9;
	s22 =	simm.s32 @!p1 $0x100  }
0x37: {  	s17 =	ssub.s32 s17, s23;
	s19 =	smul.u32 s20, s19;
	s25 =	ssub.s32 s22, s24  }
0x38: {  	s20 =	sand.u32 $0x4000, s26;
	s26 =	smul.u32 $0x1B0000, s12;
	s22 =	sadd.s32 $0xFFFFFF00, s25  }
0x39: {  	s17 =	smul.u32 $0x30, s17;
	s21 =	ssub.s32 $0x180, s25;
	p1 =	sgt.s32 s22, $0x7F  }
.Ltmp4:
0x3a: {  	s23 =	sadd.s32 s2, s26;
	s21 =	simm.s32 @p1 $0x0;
	(pc) =	sbr.rel .LBB1_3-.Ltmp4, $4  }
0x3b: {  	s29 =	sand.u32 $0x7, s18;
	s28 =	sadd.s32 s27, s23;
	s19 =	smul.u32 s21, s19  }
0x3c: {  	s18 =	sshrl.u32 s18, $0x3;
	s30 =	sshll.u32 s29, $0x12;
	s17 =	sadd.s32 s17, s28  }
0x3d: {  	s31 =	sor.u32 $0x80, s30;
	s17 =	sadd.s32 s18, s17;
	s19 =	sand.u32 $0x3FFFFFFF, s19  }
0x3e: {  	[tilespmem:s20], [sflag:$0x1] =	stream.strided.gather [hbm4b:s17+s31], s19, s7, s31, $0x38;
	[tilespmem:$0x10100] =	vst v63  }
.LBB1_4:
0x3f: {  	p1 =	sgt.s32 s15, $0x3;
	s17 =	smov.u32 s15;
	s18 =	sshra.s32 s15, $0x1F  }
0x40: {  	s19 =	smov.u32 s13;
	s20 =	sshra.s32 s13, $0x1F;
	s25 =	sshra.s32 s14, $0x1F  }
0x41: {  	s17 =	simm.s32 @!p1 $0x3;
	s18 =	sand.u32 s18, s15;
	p1 =	sgt.s32 s13, $0xFFFFFFE0  }
0x42: {  	s23 =	sand.u32 s20, s13;
	s17 =	ssub.s32 s17, s18;
	s19 =	simm.s32 @!p1 $0xFFFFFFE0  }
0x43: {  	s27 =	sshra.s32 s16, $0x1F;
	s24 =	sadd.s32 $0xFFFFFFFD, s17;
	s18 =	ssub.s32 s19, s23  }
0x44: {  	s17 =	ssub.s32 $0x4, s17;
	p1 =	sgt.s32 s24, $0x0;
	s19 =	sadd.s32 $0x20, s18  }
0x45: {  	s18 =	ssub.s32 $0x60, s18;
	s17 =	simm.s32 @p1 $0x0;
	p1 =	sgt.s32 s19, $0x7F  }
0x46: {  	s19 =	smov.u32 s14;
	s18 =	simm.s32 @p1 $0x0;
	p1 =	sgt.s32 s14, $0x17F  }
0x47: {  	s26 =	sand.u32 s25, s14;
	s17 =	smul.u32 s17, s18;
	s19 =	simm.s32 @!p1 $0x17F  }
0x48: {  	p1 =	sgt.s32 s16, $0x100;
	s18 =	ssub.s32 s19, s26;
	s19 =	smov.u32 s16  }
0x49: {  	s20 =	sand.u32 s27, s16;
	s21 =	sadd.s32 $0xFFFFFE81, s18;
	s19 =	simm.s32 @!p1 $0x100  }
0x4a: {  	s18 =	ssub.s32 $0x180, s18;
	p1 =	sgt.s32 s21, $0x0;
	s19 =	ssub.s32 s19, s20  }
0x4b: {  	s18 =	simm.s32 @p1 $0x0;
	s20 =	sadd.s32 $0xFFFFFF00, s19  }
0x4c: {  	s17 =	smul.u32 s18, s17;
	p1 =	sgt.s32 s20, $0x7F;
	s18 =	ssub.s32 $0x180, s19  }
0x4d: {  	s18 =	simm.s32 @p1 $0x0  }
0x4e: {  	s17 =	smul.u32 s18, s17;
	_ =	sdelay $0x1  }
0x4f: {  	s18 =	simm.s32 $0x1;
	s17 =	sand.u32 $0x3FFFFFFF, s17  }
0x50: {  	s18 =	simm.s32 @!p0 $0x0;
	_ =	swait.ge [sflag:s4], s17  }
0x51: {  	s28 =	sshll.u32 s18, $0xE;
	s17 =	ssub.s32 $0x0, s17;
	[sflag:s4] =	ssyncset.done $0x0  }
0x52: {  	s29 =	sor.u32 $0x40, s28;
	[sflag:s4] =	ssyncadd.s32 s17  }
0x53: {  	s30 =	smul.u32 $0x10200, s18;
	v0 =	vld [tilespmem:s29+$0x30]  }
0x54: {  	v1 =	vld [tilespmem:s29+$0xFFFFFFD0]  }
0x55: {  	s17 =	sshrl.u32 s30, $0x2;
	v5 =	vld [tilespmem:s29+$0xFFFFFFE0]  }
0x56: {  	s18 =	sor.u32 $0x8000, s17;
	v6 =	vld [tilespmem:s29+$0xFFFFFFF0]  }
0x57: {  	s31 =	sand.u32 $0x1, s8;
	v4 =	vld [tilespmem:s29+$0x0];
	s19 =	sadd.s32 $0x0, s18  }
0x58: {  	s17 =	smul.u32 $0x10200, s31;
	v2 =	vld [tilespmem:s29+$0x10];
	[tilespmem:s19+$0x3870 ss:$0x81] =	vst.msk $0xffff, v0  }
0x59: {  	v3 =	vld [tilespmem:s29+$0x20];
	[tilespmem:s19+$0x810 ss:$0x81] =	vst.msk $0xffff, v1  }
0x5a: {  	s20 =	sadd.s32 $0x80, s29;
	s17 =	sshrl.u32 s17, $0x2;
	v0 =	vld [tilespmem:s29+$0xFFFFFFC0];
	[tilespmem:s19+$0x1020 ss:$0x81] =	vst.msk $0xffff, v5  }
0x5b: {  	s22 =	simm.s32 $0x8;
	s21 =	simm.s32 $0x4;
	s17 =	sor.u32 $0x8000, s17;
	v1 =	vld [tilespmem:s20+$0x30];
	[tilespmem:s19+$0x1830 ss:$0x81] =	vst.msk $0xffff, v6  }
.LBB1_5:
0x5c: {  	p1 =	sne.s32 s22, $0x1FC;
	v5 =	vld [tilespmem:s20+$0xFFFFFFD0];
	[tilespmem:s19+$0x2040 ss:$0x81] =	vst.msk $0xffff, v4  }
0x5d: {  	v6 =	vld [tilespmem:s20+$0xFFFFFFE0];
	[tilespmem:s19+$0x2850 ss:$0x81] =	vst.msk $0xffff, v2  }
0x5e: {  	s23 =	sshra.s32 s21, $0x2;
	s21 =	smov.u32 s22;
	v7 =	vld [tilespmem:s20+$0xFFFFFFF0];
	[tilespmem:s19+$0x3060 ss:$0x81] =	vst.msk $0xffff, v3  }
.Ltmp5:
0x5f: {  	v4 =	vld [tilespmem:s20+$0x0];
	[tilespmem:s19+$0x0 ss:$0x81] =	vst.msk $0xffff, v0;
	s19 =	sadd.s32 s23, s18;
	(pc) =	sbr.rel @p1 .LBB1_5-.Ltmp5, $4  }
0x60: {  	v2 =	vld [tilespmem:s20+$0x10];
	[tilespmem:s19+$0x3870 ss:$0x81] =	vst.msk $0xffff, v1  }
0x61: {  	[tilespmem:s19+$0x810 ss:$0x81] =	vst.msk $0xffff, v5;
	v3 =	vld [tilespmem:s20+$0x20]  }
0x62: {  	v0 =	vld [tilespmem:s20+$0xFFFFFFC0];
	[tilespmem:s19+$0x1020 ss:$0x81] =	vst.msk $0xffff, v6;
	s20 =	sadd.s32 $0x80, s20  }
0x63: {  	s22 =	sadd.s32 $0x4, s22;
	v1 =	vld [tilespmem:s20+$0x30];
	[tilespmem:s19+$0x1830 ss:$0x81] =	vst.msk $0xffff, v7  }
0x64: {  	s16 =	sshll.u32 s16, $0x7;
	s22 =	sshll.u32 s13, $0x3;
	v5 =	vld [tilespmem:s20+$0xFFFFFFD0];
	[tilespmem:s19+$0x2040 ss:$0x81] =	vst.msk $0xffff, v4  }
0x65: {  	v58 =	vld [tilespmem:s20+$0xFFFFFFE0];
	s23 =	sand.u32 $0xFFFFFC00, s16;
	s22 =	sand.u32 $0xFFFFFC00, s22;
	[tilespmem:s19+$0x2850 ss:$0x81] =	vst.msk $0xffff, v2  }
0x66: {  	s21 =	sshra.s32 s21, $0x2;
	v59 =	vld [tilespmem:s20+$0xFFFFFFF0];
	s16 =	sand.u32 $0x380, s16;
	s22 =	sadd.s32 s22, s23;
	[tilespmem:s19+$0x3060 ss:$0x81] =	vst.msk $0xffff, v3  }
0x67: {  	v60 =	vld [tilespmem:s20+$0x0];
	s18 =	sadd.s32 s21, s18;
	s16 =	sor.u32 s16, s22;
	[tilespmem:s19+$0x0 ss:$0x81] =	vst.msk $0xffff, v0  }
0x68: {  	v61 =	vld [tilespmem:s20+$0x10];
	s15 =	smul.u32 $0x240000, s15;
	s16 =	sshrl.u32 s16, $0x7;
	[tilespmem:s18+$0x3870 ss:$0x81] =	vst.msk $0xffff, v1  }
0x69: {  	v62 =	vld [tilespmem:s20+$0x20];
	s27 =	smulhi.u32 $0xAAAAAB, s16;
	[tilespmem:s18+$0x810 ss:$0x81] =	vst.msk $0xffff, v5  }
0x6a: {  	v63 =	vld [tilespmem:s20+$0xFFFFFFC0];
	s14 =	smul.u32 $0x1800, s14;
	[tilespmem:s18+$0x1020 ss:$0x81] =	vst.msk $0xffff, v58  }
0x6b: {  	[tilespmem:s18+$0x1830 ss:$0x81] =	vst.msk $0xffff, v59;
	s19 =	smul.u32 $0x180, s27  }
.Ltmp6:
0x6c: {  	s28 =	sshrl.u32 s13, $0x3;
	s15 =	sadd.s32 s3, s15;
	[tilespmem:s18+$0x2040 ss:$0x81] =	vst.msk $0xffff, v60;
	(pc) =	sbr.rel .LBB1_7-.Ltmp6, $4  }
0x6d: {  	s29 =	sand.u32 $0xF, s28;
	s14 =	sadd.s32 s14, s15;
	[tilespmem:s18+$0x2850 ss:$0x81] =	vst.msk $0xffff, v61;
	s16 =	ssub.s32 s16, s19  }
0x6e: {  	s14 =	sadd.s32 s29, s14;
	[tilespmem:s18+$0x3060 ss:$0x81] =	vst.msk $0xffff, v62;
	s30 =	sshll.u32 s16, $0x4  }
0x6f: {  	s31 =	sand.u32 $0x7, s13;
	[tilespmem:s18+$0x0 ss:$0x81] =	vst.msk $0xffff, v63;
	s14 =	sadd.s32 s30, s14  }
0x70: {  	[hbm4b:s14+s31] =	stream.linear.scatter [tilespmem:s17], [sflag:$0x2], $0x4000, $0x20;
	[tilespmem:$0x10100] =	vst v63  }
.LBB1_8:
0x71: {  	_ =	sfence.sel $0x180000  }
0x72: {  	s2 =	simm.s32 $0x1;
	[bflag:$0x0] =	sbarrier.arrive $0xFFFF  }
0x73: {  	s31 =	simm.s32 $0x2;
	[sflag:s2] =	ssyncpa.u1 $0x1  }
0x74: {  	[sflag:s31] =	ssyncpa.u1 $0x1  }
0x75: {  	p0 =	sne.s32 s1, $0x0;
	_ =	strace $0x90000047  }
0x76: {  	s0 =	sadd.s32 @!p0 $0x100000, s0;
	[bflag:$0x2] =	sbarrier.arrive $0xFFFF  }
0x77: {  	[sflag:s0] =	ssyncadd.tile.s32 @!p0 $0x1;
	_ =	shalt  }
.Lfunc_end1:
_tile_overlayer_lowered:
.L_overlay_start_2:
0x78: {  	(tag) =	ssettag $0x2  }
0x79: {  	s0 =	rddreg [dreg:$0x0];
	s2 =	stileid.u32  }
0x7a: {  	s1 =	rddreg [dreg:$0x1];
	p0 =	sne.s32 s2, $0x0  }
0x7b: {  	s3 =	rddreg [dreg:$0x2];
	[bflag:$0x3] =	sbarrier.arrive $0xFFFF;
	s2 =	simm.s32 @!p0 $0x1C01  }
0x7c: {  	[timem:s3], [sflag:s2] =	dma.local @!p0 [hbm:s0], s1  }
0x7d: {  	s0 =	simm.s32 @!p0 $0x1  }
0x7e: {  	_ =	swait.ge @!p0 [sflag:s0], s1  }
0x7f: {  	s1 =	ssub.s32 @!p0 $0x0, s1;
	[sflag:s0] =	ssyncset.done @!p0 $0x0  }
0x80: {  	[sflag:s0] =	ssyncadd.s32 @!p0 s1  }
0x81: {  	[bflag:$0x3] =	sbarrier.arrive $0xFFFF  }
0x82: {  	_ =	shalt  }

</sc_bundles>
